<compile_context>
chip_gen: v7x
topology: tpu7x:2x2x1
jax: 0.10.2.dev20260603
libtpu: 0.0.44.dev20260713+nightly
codegen_flags: <defaults>
</compile_context>

<pallas_src>
import functools

import jax
import jax.numpy as jnp
from jax import lax
from jax.experimental import pallas as pl
from jax.experimental.pallas import tpu as pltpu
from jax.experimental.pallas import tpu_sc as plsc

E = 320000
T = 1280000
H = 128
INT = 64

NCORES = 2
NSUB = 16
RANGE = 16384
NRANGES = 20
NPASS = NRANGES // NCORES
TPT = T // NSUB
BS = 4000
NBLK = TPT // BS
K = 320
CAP = 4800
ROWS_PER_TILE = RANGE // NSUB


def _silu(v):
    return v * (1.0 / (1.0 + jnp.exp(-v)))


_BE = 4000
_NEB = E // _BE


def _k1_body(x_r, rbf_r, wji_r, bji_r, wkj_r, bkj_r, wr12_r, wdown_r,
             xji_o, xkd_o):
    xb = x_r[...]
    dot = functools.partial(jnp.dot, preferred_element_type=jnp.float32)
    xji = _silu(dot(xb, wji_r[...]) + bji_r[...])
    xkj = _silu(dot(xb, wkj_r[...]) + bkj_r[...])
    rh = dot(rbf_r[...], wr12_r[...])
    xkd_o[...] = _silu(dot(xkj * rh, wdown_r[...]))
    xji_o[...] = xji


def _k1(x, rbf, w_ji, b_ji, w_kj, b_kj, w_rbf12, w_down):
    full = lambda s: pl.BlockSpec(s, lambda i: (0, 0))
    return pl.pallas_call(
        _k1_body,
        grid=(_NEB,),
        in_specs=[
            pl.BlockSpec((_BE, H), lambda i: (i, 0)),
            pl.BlockSpec((_BE, 6), lambda i: (i, 0)),
            full((H, H)), full((1, H)), full((H, H)), full((1, H)),
            full((6, H)), full((H, INT)),
        ],
        out_specs=[
            pl.BlockSpec((_BE, H), lambda i: (i, 0)),
            pl.BlockSpec((_BE, INT), lambda i: (i, 0)),
        ],
        out_shape=[
            jax.ShapeDtypeStruct((E, H), jnp.float32),
            jax.ShapeDtypeStruct((E, INT), jnp.float32),
        ],
    )(x, rbf, w_ji, b_ji, w_kj, b_kj, w_rbf12, w_down)


_BT = 32000
_NTB = T // _BT


def _k2_body(sbft_r, w_r, out_r):
    out_r[...] = lax.dot_general(
        sbft_r[...], w_r[...], dimension_numbers=(((0,), (0,)), ((), ())),
        preferred_element_type=jnp.float32).astype(jnp.bfloat16)


def _k2(sbf_t, w_sbf12):
    return pl.pallas_call(
        _k2_body,
        grid=(_NTB,),
        in_specs=[
            pl.BlockSpec((42, _BT), lambda i: (0, i)),
            pl.BlockSpec((42, INT), lambda i: (0, 0)),
        ],
        out_specs=pl.BlockSpec((_BT, INT), lambda i: (i, 0)),
        out_shape=jax.ShapeDtypeStruct((T, INT), jnp.bfloat16),
    )(sbf_t, w_sbf12)


def _k3_body(sbfh, idx_kj, idx_ji, xkd, out,
             ji_blkA, kj_blkA, ji_blkB, kj_blkB, t_list, kj_list, ji_list,
             t_idx, kj_idx, ji_idx, sbf_buf, xkj_buf, zbuf, acc,
             sem1, sem2, sja, ska, sjb, skb):
    c = lax.axis_index("c")
    s = lax.axis_index("s")
    iota16 = lax.iota(jnp.int32, 16)
    zero16 = jnp.zeros((16,), jnp.float32)

    def zb(i, _):
        for q in range(INT // 16):
            zbuf[i, pl.ds(q * 16, 16)] = zero16
        return 0
    lax.fori_loop(0, zbuf.shape[0], zb, 0)

    def process_chunk(ci, _):
        def cpidx(i, _):
            sl_d = pl.ds(i * 16, 16)
            sl_s = pl.ds(ci * K + i * 16, 16)
            t_idx[sl_d] = t_list[sl_s]
            kj_idx[sl_d] = kj_list[sl_s]
            ji_idx[sl_d] = ji_list[sl_s]
            return 0
        lax.fori_loop(0, K // 16, cpidx, 0, unroll=4)
        cp1 = pltpu.async_copy(
            sbfh.at[plsc.Indices(t_idx, ignored_value=-1)], sbf_buf, sem1)
        cp2 = pltpu.async_copy(
            xkd.at[plsc.Indices(kj_idx, ignored_value=-1)], xkj_buf, sem2)
        cp1.wait()
        cp2.wait()

        mask_hi = jnp.full((16,), -65536, jnp.int32)

        def mul(r, _):
            for q in range(INT // 32):
                w = plsc.bitcast(sbf_buf[r, pl.ds(q * 32, 32)], jnp.int32)
                lo = plsc.bitcast(w << 16, jnp.float32)
                hi = plsc.bitcast(w & mask_hi, jnp.float32)
                sl0 = pl.ds(q * 32, 16)
                sl1 = pl.ds(q * 32 + 16, 16)
                xkj_buf[r, sl0] = xkj_buf[r, sl0] * lo
                xkj_buf[r, sl1] = xkj_buf[r, sl1] * hi
            return 0
        lax.fori_loop(0, K, mul, 0, unroll=4)
        pltpu.sync_copy(
            xkj_buf, acc.at[plsc.Indices(ji_idx, ignored_value=-1)],
            add=True)
        return 0

    tile_t0 = s * TPT

    def fire_idx(b, jb, kb, sj, sk):
        blk0 = tile_t0 + b * BS
        pltpu.async_copy(idx_ji.at[pl.ds(blk0, BS)], jb, sj)
        pltpu.async_copy(idx_kj.at[pl.ds(blk0, BS)], kb, sk)

    def wait_idx(jb, kb, sj, sk):
        pltpu.make_async_copy(idx_ji.at[pl.ds(0, BS)], jb, sj).wait()
        pltpu.make_async_copy(idx_kj.at[pl.ds(0, BS)], kb, sk).wait()

    def pass_body(p, _):
        base = (p * NCORES + c) * RANGE

        def zc(i, _):
            pltpu.sync_copy(
                zbuf, acc.at[pl.ds(s * ROWS_PER_TILE + i * zbuf.shape[0],
                                   zbuf.shape[0])])
            return 0
        lax.fori_loop(0, ROWS_PER_TILE // zbuf.shape[0], zc, 0)
        plsc.subcore_barrier()

        def do_block(b, blk_ji, blk_kj, cnt):
            blk0 = tile_t0 + b * BS

            def comp(v, cntv):
                ji = blk_ji[pl.ds(v * 16, 16)]
                kj = blk_kj[pl.ds(v * 16, 16)]
                rel = ji - base
                m = (rel >= 0) & (rel < RANGE)
                mi = jnp.where(m, 1, 0).astype(jnp.int32)
                pos = cntv + plsc.cumsum(mi) - 1
                tv = blk0 + v * 16 + iota16
                plsc.store_scatter(t_list, [pos], tv, mask=m)
                plsc.store_scatter(kj_list, [pos], kj, mask=m)
                plsc.store_scatter(ji_list, [pos], rel, mask=m)
                return cntv + plsc.all_reduce_population_count(m)
            cntv = lax.fori_loop(0, BS // 16, comp,
                                 jnp.full((16,), cnt, jnp.int32), unroll=2)
            cnt = jnp.max(cntv)

            nfull = cnt // K
            lax.fori_loop(0, nfull, process_chunk, 0)

            def shift(i, _):
                sl_d = pl.ds(i * 16, 16)
                sl_s = pl.ds(nfull * K + i * 16, 16)
                tv = t_list[sl_s]
                kv = kj_list[sl_s]
                jv = ji_list[sl_s]
                t_list[sl_d] = tv
                kj_list[sl_d] = kv
                ji_list[sl_d] = jv
                return 0
            lax.fori_loop(0, K // 16, shift, 0, unroll=4)
            return cnt - nfull * K

        fire_idx(0, ji_blkA, kj_blkA, sja, ska)

        def pair_body(j, cnt):
            b0 = 2 * j
            wait_idx(ji_blkA, kj_blkA, sja, ska)
            fire_idx(b0 + 1, ji_blkB, kj_blkB, sjb, skb)
            cnt = do_block(b0, ji_blkA, kj_blkA, cnt)
            wait_idx(ji_blkB, kj_blkB, sjb, skb)

            @pl.when(b0 + 2 < NBLK)
            def _():
                fire_idx(b0 + 2, ji_blkA, kj_blkA, sja, ska)
            cnt = do_block(b0 + 1, ji_blkB, kj_blkB, cnt)
            return cnt
        cnt = lax.fori_loop(0, NBLK // 2, pair_body, jnp.int32(0))

        nch = (cnt + (K - 1)) // K
        pend = nch * K
        start = (cnt // 16) * 16
        negs = jnp.full((16,), -1, jnp.int32)

        def padb(i, _):
            posp = start + i * 16 + iota16
            mp_ = (posp >= cnt) & (posp < pend)
            plsc.store_scatter(t_list, [posp], negs, mask=mp_)
            plsc.store_scatter(kj_list, [posp], negs, mask=mp_)
            plsc.store_scatter(ji_list, [posp], negs, mask=mp_)
            return 0
        lax.fori_loop(0, (pend - start + 15) // 16, padb, 0)
        lax.fori_loop(0, nch, process_chunk, 0)

        plsc.subcore_barrier()
        pltpu.sync_copy(
            acc.at[pl.ds(s * ROWS_PER_TILE, ROWS_PER_TILE)],
            out.at[pl.ds(base + s * ROWS_PER_TILE, ROWS_PER_TILE)])
        plsc.subcore_barrier()
        return 0

    lax.fori_loop(0, NPASS, pass_body, 0)


def _k3(sbfh, idx_kj, idx_ji, xkd):
    mesh = plsc.VectorSubcoreMesh(
        core_axis_name="c", subcore_axis_name="s",
        num_cores=NCORES, num_subcores=NSUB)
    kern = pl.kernel(
        _k3_body,
        out_type=jax.ShapeDtypeStruct((NRANGES * RANGE, INT), jnp.float32),
        mesh=mesh,
        compiler_params=pltpu.CompilerParams(
            needs_layout_passes=False, use_tc_tiling_on_sc=False),
        scratch_types=[
            pltpu.VMEM((BS,), jnp.int32),
            pltpu.VMEM((BS,), jnp.int32),
            pltpu.VMEM((BS,), jnp.int32),
            pltpu.VMEM((BS,), jnp.int32),
            pltpu.VMEM((CAP,), jnp.int32),
            pltpu.VMEM((CAP,), jnp.int32),
            pltpu.VMEM((CAP,), jnp.int32),
            pltpu.VMEM((K,), jnp.int32),
            pltpu.VMEM((K,), jnp.int32),
            pltpu.VMEM((K,), jnp.int32),
            pltpu.VMEM((K, INT), jnp.bfloat16),
            pltpu.VMEM((K, INT), jnp.float32),
            pltpu.VMEM((16, INT), jnp.float32),
            pltpu.VMEM_SHARED((RANGE, INT), jnp.float32),
            pltpu.SemaphoreType.DMA,
            pltpu.SemaphoreType.DMA,
            pltpu.SemaphoreType.DMA,
            pltpu.SemaphoreType.DMA,
            pltpu.SemaphoreType.DMA,
            pltpu.SemaphoreType.DMA,
        ],
    )
    return kern(sbfh, idx_kj, idx_ji, xkd)


def _k4_body(seg_r, xji_r, x_r, wup_r,
             bw1_r, bb1_r, bw2_r, bb2_r, wl_r, bl_r,
             aw1_r, ab1_r, aw2_r, ab2_r, cw1_r, cb1_r, cw2_r, cb2_r,
             out_r):
    dot = functools.partial(jnp.dot, preferred_element_type=jnp.float32)
    h = xji_r[...] + _silu(dot(seg_r[...], wup_r[...]))
    h = h + _silu(dot(_silu(dot(h, bw1_r[...]) + bb1_r[...]), bw2_r[...])
                  + bb2_r[...])
    h = _silu(dot(h, wl_r[...]) + bl_r[...]) + x_r[...]
    h = h + _silu(dot(_silu(dot(h, aw1_r[...]) + ab1_r[...]), aw2_r[...])
                  + ab2_r[...])
    h = h + _silu(dot(_silu(dot(h, cw1_r[...]) + cb1_r[...]), cw2_r[...])
                  + cb2_r[...])
    out_r[...] = h


def _k4(seg_ext, xji, x, w_up, bs0_W1, bs0_b1, bs0_W2, bs0_b2,
        w_lin, b_lin, as0_W1, as0_b1, as0_W2, as0_b2,
        as1_W1, as1_b1, as1_W2, as1_b2):
    full = lambda s: pl.BlockSpec(s, lambda i: (0, 0))
    wspec = full((H, H))
    bspec = full((1, H))
    return pl.pallas_call(
        _k4_body,
        grid=(_NEB,),
        in_specs=[
            pl.BlockSpec((_BE, INT), lambda i: (i, 0)),
            pl.BlockSpec((_BE, H), lambda i: (i, 0)),
            pl.BlockSpec((_BE, H), lambda i: (i, 0)),
            full((INT, H)),
            wspec, bspec, wspec, bspec, wspec, bspec,
            wspec, bspec, wspec, bspec, wspec, bspec, wspec, bspec,
        ],
        out_specs=pl.BlockSpec((_BE, H), lambda i: (i, 0)),
        out_shape=jax.ShapeDtypeStruct((E, H), jnp.float32),
    )(seg_ext, xji, x, w_up, bs0_W1, bs0_b1, bs0_W2, bs0_b2,
      w_lin, b_lin, as0_W1, as0_b1, as0_W2, as0_b2,
      as1_W1, as1_b1, as1_W2, as1_b2)


def kernel(x, rbf, sbf, idx_kj, idx_ji, W_rbf1, W_rbf2, W_sbf1, W_sbf2,
           W_kj, b_kj, W_ji, b_ji, W_down, W_up, bs0_W1, bs0_b1, bs0_W2,
           bs0_b2, W_lin, b_lin, as0_W1, as0_b1, as0_W2, as0_b2,
           as1_W1, as1_b1, as1_W2, as1_b2):
    idx_kj = idx_kj.astype(jnp.int32)
    idx_ji = idx_ji.astype(jnp.int32)
    w_rbf12 = W_rbf1 @ W_rbf2
    w_sbf12 = W_sbf1 @ W_sbf2
    order = []
    for g in (0, 32):
        for i in range(16):
            order += [g + i, g + 16 + i]
    w_sbf12 = w_sbf12[:, jnp.array(order)]
    r2 = lambda b: b.reshape(1, -1)

    xji, xkd = _k1(x, rbf, W_ji, r2(b_ji), W_kj, r2(b_kj), w_rbf12, W_down)
    sbfh = _k2(sbf.T, w_sbf12)
    seg_ext = _k3(sbfh, idx_kj, idx_ji, xkd)
    return _k4(seg_ext, xji, x, W_up, bs0_W1, r2(bs0_b1), bs0_W2, r2(bs0_b2),
               W_lin, r2(b_lin), as0_W1, r2(as0_b1), as0_W2, r2(as0_b2),
               as1_W1, r2(as1_b1), as1_W2, r2(as1_b2))

# --- scband reference (transcript-rebuilt; emitter-appended) ---
"""Pipeline reference for scband-interaction-ppblock-57707180589100 (READ-ONLY COPY).

The authoritative reference and input builder live on the scoring server;
editing this copy changes nothing except your own understanding.
"""

import jax, jax.numpy as jnp
import numpy as np

E = 320000
T = 1280000
H = 128
INT = 64
BAS = 8
NR = 6
NS = 7
SR = NS * NR


def _w(key, shape):
    return (jax.random.normal(key, shape, dtype=jnp.float32) * (1.0 / np.sqrt(shape[0]))).astype(jnp.float32)


def setup_inputs(seed: int = 0) -> dict:
    key = jax.random.key(seed)
    ks = jax.random.split(key, 40)
    inp = {}
    inp["x"] = jax.random.normal(ks[0], (E, H), dtype=jnp.float32)
    inp["rbf"] = jax.random.uniform(ks[1], (E, NR), dtype=jnp.float32)
    inp["sbf"] = jax.random.uniform(ks[2], (T, SR), dtype=jnp.float32)
    inp["idx_kj"] = jax.random.randint(ks[3], (T,), 0, E, dtype=jnp.int64) if jax.config.jax_enable_x64 else jax.random.randint(ks[3], (T,), 0, E, dtype=jnp.int32)
    inp["idx_ji"] = jax.random.randint(ks[4], (T,), 0, E, dtype=jnp.int64) if jax.config.jax_enable_x64 else jax.random.randint(ks[4], (T,), 0, E, dtype=jnp.int32)
    inp["W_rbf1"] = _w(ks[5], (NR, BAS))
    inp["W_rbf2"] = _w(ks[6], (BAS, H))
    inp["W_sbf1"] = _w(ks[7], (SR, BAS))
    inp["W_sbf2"] = _w(ks[8], (BAS, INT))
    inp["W_kj"] = _w(ks[9], (H, H))
    inp["b_kj"] = jnp.zeros((H,), dtype=jnp.float32)
    inp["W_ji"] = _w(ks[10], (H, H))
    inp["b_ji"] = jnp.zeros((H,), dtype=jnp.float32)
    inp["W_down"] = _w(ks[11], (H, INT))
    inp["W_up"] = _w(ks[12], (INT, H))
    inp["bs0_W1"] = _w(ks[13], (H, H))
    inp["bs0_b1"] = jnp.zeros((H,), dtype=jnp.float32)
    inp["bs0_W2"] = _w(ks[14], (H, H))
    inp["bs0_b2"] = jnp.zeros((H,), dtype=jnp.float32)
    inp["W_lin"] = _w(ks[15], (H, H))
    inp["b_lin"] = jnp.zeros((H,), dtype=jnp.float32)
    inp["as0_W1"] = _w(ks[16], (H, H))
    inp["as0_b1"] = jnp.zeros((H,), dtype=jnp.float32)
    inp["as0_W2"] = _w(ks[17], (H, H))
    inp["as0_b2"] = jnp.zeros((H,), dtype=jnp.float32)
    inp["as1_W1"] = _w(ks[18], (H, H))
    inp["as1_b1"] = jnp.zeros((H,), dtype=jnp.float32)
    inp["as1_W2"] = _w(ks[19], (H, H))
    inp["as1_b2"] = jnp.zeros((H,), dtype=jnp.float32)
    return inp


def reference(x, rbf, sbf, idx_kj, idx_ji, W_rbf1, W_rbf2, W_sbf1, W_sbf2, W_kj, b_kj, W_ji, b_ji, W_down, W_up, bs0_W1, bs0_b1, bs0_W2, bs0_b2, W_lin, b_lin, as0_W1, as0_b1, as0_W2, as0_b2, as1_W1, as1_b1, as1_W2, as1_b2):
    act = jax.nn.silu
    x_ji = act(x @ W_ji + b_ji)
    x_kj = act(x @ W_kj + b_kj)
    rbf_h = (rbf @ W_rbf1) @ W_rbf2
    x_kj = x_kj * rbf_h
    x_kj = act(x_kj @ W_down)
    sbf_h = (sbf @ W_sbf1) @ W_sbf2
    x_kj = jnp.take(x_kj, idx_kj, axis=0) * sbf_h
    x_kj = jax.ops.segment_sum(x_kj, idx_ji, num_segments=x.shape[0])
    x_kj = act(x_kj @ W_up)
    h = x_ji + x_kj
    # residual layers before skip (num_before_skip=1)
    h = h + act(act(h @ bs0_W1 + bs0_b1) @ bs0_W2 + bs0_b2)
    h = act(h @ W_lin + b_lin) + x
    # residual layers after skip (num_after_skip=2)
    h = h + act(act(h @ as0_W1 + as0_b1) @ as0_W2 + as0_b2)
    h = h + act(act(h @ as1_W1 + as1_b1) @ as1_W2 + as1_b2)
    return h

if __name__ == "__main__":
    import jax
    _d = setup_inputs()
    print(jax.jit(kernel)(*tuple(_d.values())))

</pallas_src>

<mosaic_0001>
#map = affine_map<(d0, d1) -> (0, 0)>
#map1 = affine_map<(d0, d1) -> (0)>
module attributes {stable_mosaic.version = 14 : i64} {
  func.func @_k3_body(%arg0: i32, %arg1: i32, %arg2: memref<1280000x64xbf16, #tpu.memory_space<hbm>>, %arg3: memref<1280000xi32, #tpu.memory_space<hbm>>, %arg4: memref<1280000xi32, #tpu.memory_space<hbm>>, %arg5: memref<320000x64xf32, #tpu.memory_space<hbm>>, %arg6: memref<327680x64xf32, #tpu.memory_space<hbm>>, %arg7: memref<4000xi32, #tpu.memory_space<vmem>>, %arg8: memref<4000xi32, #tpu.memory_space<vmem>>, %arg9: memref<4000xi32, #tpu.memory_space<vmem>>, %arg10: memref<4000xi32, #tpu.memory_space<vmem>>, %arg11: memref<4800xi32, #tpu.memory_space<vmem>>, %arg12: memref<4800xi32, #tpu.memory_space<vmem>>, %arg13: memref<4800xi32, #tpu.memory_space<vmem>>, %arg14: memref<320xi32, #tpu.memory_space<vmem>>, %arg15: memref<320xi32, #tpu.memory_space<vmem>>, %arg16: memref<320xi32, #tpu.memory_space<vmem>>, %arg17: memref<320x64xbf16, #tpu.memory_space<vmem>>, %arg18: memref<320x64xf32, #tpu.memory_space<vmem>>, %arg19: memref<16x64xf32, #tpu.memory_space<vmem>>, %arg20: memref<16384x64xf32, #tpu.memory_space<vmem_shared>>, %arg21: memref<!tpu.dma_semaphore, #tpu.memory_space<semaphore_mem>>, %arg22: memref<!tpu.dma_semaphore, #tpu.memory_space<semaphore_mem>>, %arg23: memref<!tpu.dma_semaphore, #tpu.memory_space<semaphore_mem>>, %arg24: memref<!tpu.dma_semaphore, #tpu.memory_space<semaphore_mem>>, %arg25: memref<!tpu.dma_semaphore, #tpu.memory_space<semaphore_mem>>, %arg26: memref<!tpu.dma_semaphore, #tpu.memory_space<semaphore_mem>>) attributes {dimension_semantics = [#tpu.dimension_semantics<core_parallel>, #tpu.dimension_semantics<subcore_parallel>], iteration_bounds = array<i64: 2, 16>, scalar_prefetch = 0 : i64, scratch_operands = 20 : i64, tpu.core_type = #tpu.core_type<sc_vector_subcore>, window_params = [{transform_indices = #map}, {transform_indices = #map1}, {transform_indices = #map1}, {transform_indices = #map}, {transform_indices = #map}]} {
    %iota3A = tpu.iota {dimensions = array<i32: 0>} : vector<16xi32>
    %broadcast_in_dim3A = arith.constant 0.000000e+00 : f32
    %broadcast_in_dim3A_0 = vector.broadcast %broadcast_in_dim3A : f32 to vector<16xf32>
    %scan3A = arith.constant 0 : i32
    %scan3A_1 = arith.constant 0 : i32
    %scan3A_2 = arith.constant 16 : i32
    %scan3A_3 = arith.addi %scan3A_1, %scan3A_2 : i32
    %scan3A_4 = arith.constant 1 : i32
    %scan3A_5 = scf.for %scan3A_15 = %scan3A_1 to %scan3A_3 step %scan3A_4 iter_args(%scan3A_16 = %scan3A) -> (i32)  : i32 {
      %swap3A = arith.index_cast %scan3A_15 : i32 to index
      %swap3A_17 = arith.constant 0 : index
      %swap3A_18 = tpu.vector_load %arg19[%swap3A, %swap3A_17] {strides = array<i32>} : memref<16x64xf32, #tpu.memory_space<vmem>>, vector<16xf32>,
      tpu.vector_store %arg19[%swap3A, %swap3A_17], %broadcast_in_dim3A_0 {strides = array<i32>} : memref<16x64xf32, #tpu.memory_space<vmem>>, vector<16xf32>,
      %swap3A_19 = arith.index_cast %scan3A_15 : i32 to index
      %swap3A_20 = arith.constant 16 : index
      %swap3A_21 = tpu.vector_load %arg19[%swap3A_19, %swap3A_20] {strides = array<i32>} : memref<16x64xf32, #tpu.memory_space<vmem>>, vector<16xf32>,
      tpu.vector_store %arg19[%swap3A_19, %swap3A_20], %broadcast_in_dim3A_0 {strides = array<i32>} : memref<16x64xf32, #tpu.memory_space<vmem>>, vector<16xf32>,
      %swap3A_22 = arith.index_cast %scan3A_15 : i32 to index
      %swap3A_23 = arith.constant 32 : index
      %swap3A_24 = tpu.vector_load %arg19[%swap3A_22, %swap3A_23] {strides = array<i32>} : memref<16x64xf32, #tpu.memory_space<vmem>>, vector<16xf32>,
      tpu.vector_store %arg19[%swap3A_22, %swap3A_23], %broadcast_in_dim3A_0 {strides = array<i32>} : memref<16x64xf32, #tpu.memory_space<vmem>>, vector<16xf32>,
      %swap3A_25 = arith.index_cast %scan3A_15 : i32 to index
      %swap3A_26 = arith.constant 48 : index
      %swap3A_27 = tpu.vector_load %arg19[%swap3A_25, %swap3A_26] {strides = array<i32>} : memref<16x64xf32, #tpu.memory_space<vmem>>, vector<16xf32>,
      tpu.vector_store %arg19[%swap3A_25, %swap3A_26], %broadcast_in_dim3A_0 {strides = array<i32>} : memref<16x64xf32, #tpu.memory_space<vmem>>, vector<16xf32>,
      %scan3A_28 = arith.constant 0 : i32
      scf.yield %scan3A_28 : i32
    }
    %scan3A_6 = arith.constant 16 : i32
    %mul3A = arith.constant 80000 : i32
    %mul3A_7 = arith.muli %arg1, %mul3A : i32
    %scan3A_8 = arith.constant 0 : i32
    %scan3A_9 = arith.constant 0 : i32
    %scan3A_10 = arith.constant 10 : i32
    %scan3A_11 = arith.addi %scan3A_9, %scan3A_10 : i32
    %scan3A_12 = arith.constant 1 : i32
    %scan3A_13 = scf.for %scan3A_15 = %scan3A_9 to %scan3A_11 step %scan3A_12 iter_args(%scan3A_16 = %scan3A_8) -> (i32)  : i32 {
      %mul3A_17 = arith.constant 2 : i32
      %mul3A_18 = arith.muli %scan3A_15, %mul3A_17 : i32
      %add3A = arith.addi %mul3A_18, %arg0 : i32
      %mul3A_19 = arith.constant 16384 : i32
      %mul3A_20 = arith.muli %add3A, %mul3A_19 : i32
      %scan3A_21 = arith.constant 0 : i32
      %scan3A_22 = arith.constant 0 : i32
      %scan3A_23 = arith.constant 64 : i32
      %scan3A_24 = arith.addi %scan3A_22, %scan3A_23 : i32
      %scan3A_25 = arith.constant 1 : i32
      %scan3A_26 = scf.for %scan3A_146 = %scan3A_22 to %scan3A_24 step %scan3A_25 iter_args(%scan3A_147 = %scan3A_21) -> (i32)  : i32 {
        %mul3A_148 = arith.constant 1024 : i32
        %mul3A_149 = arith.muli %arg1, %mul3A_148 : i32
        %mul3A_150 = arith.constant 16 : i32
        %mul3A_151 = arith.muli %scan3A_146, %mul3A_150 : i32
        %add3A_152 = arith.addi %mul3A_149, %mul3A_151 : i32
        "tpu.region"() ({
          %run_scoped3A = tpu.sem_alloc : memref<!tpu.dma_semaphore, #tpu.memory_space<semaphore_mem>>
          %dma_start3A_154 = arith.constant 0 : i32
          %dma_start3A_155 = tpu.memref_slice %arg20[%add3A_152, %dma_start3A_154] : memref<16384x64xf32, #tpu.memory_space<vmem_shared>> -> memref<16x64xf32, #tpu.memory_space<vmem_shared>>
          %dma_start3A_156 = arith.constant 0 : i32
          %dma_start3A_157 = tpu.memref_slice %arg20[%add3A_152, %dma_start3A_156] : memref<16384x64xf32, #tpu.memory_space<vmem_shared>> -> memref<16x64xf32, #tpu.memory_space<vmem_shared>>
          tpu.enqueue_dma source(%arg19 : memref<16x64xf32, #tpu.memory_space<vmem>>) target(%dma_start3A_157 : memref<16x64xf32, #tpu.memory_space<vmem_shared>>) target_semaphore(%run_scoped3A : memref<!tpu.dma_semaphore, #tpu.memory_space<semaphore_mem>>)
          %dma_wait3A = arith.constant 0 : i32
          %dma_wait3A_158 = tpu.memref_slice %arg20[%add3A_152, %dma_wait3A] : memref<16384x64xf32, #tpu.memory_space<vmem_shared>> -> memref<16x64xf32, #tpu.memory_space<vmem_shared>>
          %dma_wait3A_159 = arith.constant 0 : i32
          %dma_wait3A_160 = tpu.memref_slice %arg20[%add3A_152, %dma_wait3A_159] : memref<16384x64xf32, #tpu.memory_space<vmem_shared>> -> memref<16x64xf32, #tpu.memory_space<vmem_shared>>
          tpu.wait_dma2 semaphore(%run_scoped3A : memref<!tpu.dma_semaphore, #tpu.memory_space<semaphore_mem>>) src(%arg19 : memref<16x64xf32, #tpu.memory_space<vmem>>) dst(%dma_wait3A_160 : memref<16x64xf32, #tpu.memory_space<vmem_shared>>)
          tpu.yield
        }) : () -> ()
        %scan3A_153 = arith.constant 0 : i32
        scf.yield %scan3A_153 : i32
      }
      %scan3A_27 = arith.constant 64 : i32
      %barrier3A = arith.constant 0 : index
      tpu.barrier barrier_id(%barrier3A)
      %add3A_28 = arith.constant 0 : i32
      %add3A_29 = arith.addi %mul3A_7, %add3A_28 : i32
      %dma_start3A = tpu.memref_slice %arg4[%add3A_29] : memref<1280000xi32, #tpu.memory_space<hbm>> -> memref<4000xi32, #tpu.memory_space<hbm>>
      %dma_start3A_30 = tpu.memref_slice %arg4[%add3A_29] : memref<1280000xi32, #tpu.memory_space<hbm>> -> memref<4000xi32, #tpu.memory_space<hbm>>
      tpu.enqueue_dma source(%dma_start3A_30 : memref<4000xi32, #tpu.memory_space<hbm>>) target(%arg7 : memref<4000xi32, #tpu.memory_space<vmem>>) target_semaphore(%arg23 : memref<!tpu.dma_semaphore, #tpu.memory_space<semaphore_mem>>)
      %dma_start3A_31 = tpu.memref_slice %arg3[%add3A_29] : memref<1280000xi32, #tpu.memory_space<hbm>> -> memref<4000xi32, #tpu.memory_space<hbm>>
      %dma_start3A_32 = tpu.memref_slice %arg3[%add3A_29] : memref<1280000xi32, #tpu.memory_space<hbm>> -> memref<4000xi32, #tpu.memory_space<hbm>>
      tpu.enqueue_dma source(%dma_start3A_32 : memref<4000xi32, #tpu.memory_space<hbm>>) target(%arg8 : memref<4000xi32, #tpu.memory_space<vmem>>) target_semaphore(%arg24 : memref<!tpu.dma_semaphore, #tpu.memory_space<semaphore_mem>>)
      %scan3A_33 = arith.constant 0 : i32
      %scan3A_34 = arith.constant 0 : i32
      %scan3A_35 = arith.constant 10 : i32
      %scan3A_36 = arith.addi %scan3A_34, %scan3A_35 : i32
      %scan3A_37 = arith.constant 1 : i32
      %scan3A_38 = scf.for %scan3A_146 = %scan3A_34 to %scan3A_36 step %scan3A_37 iter_args(%scan3A_147 = %scan3A_33) -> (i32)  : i32 {
        %mul3A_148 = arith.constant 2 : i32
        %mul3A_149 = arith.muli %mul3A_148, %scan3A_146 : i32
        %dma_wait3A = arith.constant 0 : i32
        %dma_wait3A_150 = tpu.memref_slice %arg4[%dma_wait3A] : memref<1280000xi32, #tpu.memory_space<hbm>> -> memref<4000xi32, #tpu.memory_space<hbm>>
        %dma_wait3A_151 = arith.constant 0 : i32
        %dma_wait3A_152 = tpu.memref_slice %arg4[%dma_wait3A_151] : memref<1280000xi32, #tpu.memory_space<hbm>> -> memref<4000xi32, #tpu.memory_space<hbm>>
        tpu.wait_dma2 semaphore(%arg23 : memref<!tpu.dma_semaphore, #tpu.memory_space<semaphore_mem>>) src(%dma_wait3A_152 : memref<4000xi32, #tpu.memory_space<hbm>>) dst(%arg7 : memref<4000xi32, #tpu.memory_space<vmem>>)
        %dma_wait3A_153 = arith.constant 0 : i32
        %dma_wait3A_154 = tpu.memref_slice %arg3[%dma_wait3A_153] : memref<1280000xi32, #tpu.memory_space<hbm>> -> memref<4000xi32, #tpu.memory_space<hbm>>
        %dma_wait3A_155 = arith.constant 0 : i32
        %dma_wait3A_156 = tpu.memref_slice %arg3[%dma_wait3A_155] : memref<1280000xi32, #tpu.memory_space<hbm>> -> memref<4000xi32, #tpu.memory_space<hbm>>
        tpu.wait_dma2 semaphore(%arg24 : memref<!tpu.dma_semaphore, #tpu.memory_space<semaphore_mem>>) src(%dma_wait3A_156 : memref<4000xi32, #tpu.memory_space<hbm>>) dst(%arg8 : memref<4000xi32, #tpu.memory_space<vmem>>)
        %add3A_157 = arith.constant 1 : i32
        %add3A_158 = arith.addi %mul3A_149, %add3A_157 : i32
        %mul3A_159 = arith.constant 4000 : i32
        %mul3A_160 = arith.muli %add3A_158, %mul3A_159 : i32
        %add3A_161 = arith.addi %mul3A_7, %mul3A_160 : i32
        %dma_start3A_162 = tpu.memref_slice %arg4[%add3A_161] : memref<1280000xi32, #tpu.memory_space<hbm>> -> memref<4000xi32, #tpu.memory_space<hbm>>
        %dma_start3A_163 = tpu.memref_slice %arg4[%add3A_161] : memref<1280000xi32, #tpu.memory_space<hbm>> -> memref<4000xi32, #tpu.memory_space<hbm>>
        tpu.enqueue_dma source(%dma_start3A_163 : memref<4000xi32, #tpu.memory_space<hbm>>) target(%arg9 : memref<4000xi32, #tpu.memory_space<vmem>>) target_semaphore(%arg25 : memref<!tpu.dma_semaphore, #tpu.memory_space<semaphore_mem>>)
        %dma_start3A_164 = tpu.memref_slice %arg3[%add3A_161] : memref<1280000xi32, #tpu.memory_space<hbm>> -> memref<4000xi32, #tpu.memory_space<hbm>>
        %dma_start3A_165 = tpu.memref_slice %arg3[%add3A_161] : memref<1280000xi32, #tpu.memory_space<hbm>> -> memref<4000xi32, #tpu.memory_space<hbm>>
        tpu.enqueue_dma source(%dma_start3A_165 : memref<4000xi32, #tpu.memory_space<hbm>>) target(%arg10 : memref<4000xi32, #tpu.memory_space<vmem>>) target_semaphore(%arg26 : memref<!tpu.dma_semaphore, #tpu.memory_space<semaphore_mem>>)
        %mul3A_166 = arith.constant 4000 : i32
        %mul3A_167 = arith.muli %mul3A_149, %mul3A_166 : i32
        %add3A_168 = arith.addi %mul3A_7, %mul3A_167 : i32
        %broadcast_in_dim3A_169 = vector.broadcast %scan3A_147 : i32 to vector<16xi32>
        %scan3A_170 = arith.constant 0 : i32
        %scan3A_171 = arith.constant 250 : i32
        %scan3A_172 = arith.addi %scan3A_170, %scan3A_171 : i32
        %scan3A_173 = arith.constant 2 : i32
        %scan3A_174 = scf.for %scan3A_307 = %scan3A_170 to %scan3A_172 step %scan3A_173 iter_args(%scan3A_308 = %broadcast_in_dim3A_169) -> (vector<16xi32>)  : i32 {
          %mul3A_309 = arith.constant 16 : i32
          %mul3A_310 = arith.muli %scan3A_307, %mul3A_309 : i32
          %get3A = arith.index_cast %mul3A_310 : i32 to index
          %get3A_311 = tpu.vector_load %arg7[%get3A] {strides = array<i32>} : memref<4000xi32, #tpu.memory_space<vmem>>, vector<16xi32>,
          %mul3A_312 = arith.constant 16 : i32
          %mul3A_313 = arith.muli %scan3A_307, %mul3A_312 : i32
          %get3A_314 = arith.index_cast %mul3A_313 : i32 to index
          %get3A_315 = tpu.vector_load %arg8[%get3A_314] {strides = array<i32>} : memref<4000xi32, #tpu.memory_space<vmem>>, vector<16xi32>,
          %sub3A_316 = vector.broadcast %mul3A_20 : i32 to vector<16xi32>
          %sub3A_317 = arith.subi %get3A_311, %sub3A_316 : vector<16xi32>
          %ge3A = arith.constant 0 : i32
          %ge3A_318 = vector.broadcast %ge3A : i32 to vector<16xi32>
          %ge3A_319 = arith.cmpi sge, %sub3A_317, %ge3A_318 : vector<16xi32>
          %lt3A_320 = arith.constant 16384 : i32
          %lt3A_321 = vector.broadcast %lt3A_320 : i32 to vector<16xi32>
          %lt3A_322 = arith.cmpi slt, %sub3A_317, %lt3A_321 : vector<16xi32>
          %and3A_323 = arith.andi %ge3A_319, %lt3A_322 : vector<16xi1>
          %jit3A_324 = arith.constant 1 : i32
          %jit3A_325 = arith.constant 0 : i32
          %broadcast_in_dim3A_326 = vector.broadcast %jit3A_324 : i32 to vector<16xi32>
          %broadcast_in_dim3A_327 = vector.broadcast %jit3A_325 : i32 to vector<16xi32>
          %select_n3A_328 = arith.select %and3A_323, %broadcast_in_dim3A_326, %broadcast_in_dim3A_327 : vector<16xi1>, vector<16xi32>
          %broadcast_in_dim3A_329 = arith.constant true
          %broadcast_in_dim3A_330 = vector.broadcast %broadcast_in_dim3A_329 : i1 to vector<16xi1>
          %masked_cumsum3A = tpu.scan <sum>, %select_n3A_328 masked %broadcast_in_dim3A_330 : vector<16xi32>, vector<16xi1> -> vector<16xi32>
          %add3A_331 = arith.addi %scan3A_308, %masked_cumsum3A : vector<16xi32>
          %sub3A_332 = arith.constant 1 : i32
          %sub3A_333 = vector.broadcast %sub3A_332 : i32 to vector<16xi32>
          %sub3A_334 = arith.subi %add3A_331, %sub3A_333 : vector<16xi32>
          %mul3A_335 = arith.constant 16 : i32
          %mul3A_336 = arith.muli %scan3A_307, %mul3A_335 : i32
          %add3A_337 = arith.addi %add3A_168, %mul3A_336 : i32
          %add3A_338 = vector.broadcast %add3A_337 : i32 to vector<16xi32>
          %add3A_339 = arith.addi %add3A_338, %iota3A : vector<16xi32>
          tpu.vector_store_idx %arg11[%sub3A_334], %add3A_339 masked %and3A_323 : memref<4800xi32, #tpu.memory_space<vmem>>[vector<16xi32>], vector<16xi32>, vector<16xi1>
          tpu.vector_store_idx %arg12[%sub3A_334], %get3A_315 masked %and3A_323 : memref<4800xi32, #tpu.memory_space<vmem>>[vector<16xi32>], vector<16xi32>, vector<16xi1>
          tpu.vector_store_idx %arg13[%sub3A_334], %sub3A_317 masked %and3A_323 : memref<4800xi32, #tpu.memory_space<vmem>>[vector<16xi32>], vector<16xi32>, vector<16xi1>
          %all_reduce_population_count3A = tpu.all_reduce %and3A_323 {dim = 0 : i64, kind = #tpu.reduction_kind<sum>} : vector<16xi1> -> vector<16xi32>
          %add3A_340 = arith.addi %scan3A_308, %all_reduce_population_count3A : vector<16xi32>
          %scan3A_341 = arith.constant 1 : i32
          %scan3A_342 = arith.addi %scan3A_307, %scan3A_341 : i32
          %mul3A_343 = arith.constant 16 : i32
          %mul3A_344 = arith.muli %scan3A_342, %mul3A_343 : i32
          %get3A_345 = arith.index_cast %mul3A_344 : i32 to index
          %get3A_346 = tpu.vector_load %arg7[%get3A_345] {strides = array<i32>} : memref<4000xi32, #tpu.memory_space<vmem>>, vector<16xi32>,
          %mul3A_347 = arith.constant 16 : i32
          %mul3A_348 = arith.muli %scan3A_342, %mul3A_347 : i32
          %get3A_349 = arith.index_cast %mul3A_348 : i32 to index
          %get3A_350 = tpu.vector_load %arg8[%get3A_349] {strides = array<i32>} : memref<4000xi32, #tpu.memory_space<vmem>>, vector<16xi32>,
          %sub3A_351 = vector.broadcast %mul3A_20 : i32 to vector<16xi32>
          %sub3A_352 = arith.subi %get3A_346, %sub3A_351 : vector<16xi32>
          %ge3A_353 = arith.constant 0 : i32
          %ge3A_354 = vector.broadcast %ge3A_353 : i32 to vector<16xi32>
          %ge3A_355 = arith.cmpi sge, %sub3A_352, %ge3A_354 : vector<16xi32>
          %lt3A_356 = arith.constant 16384 : i32
          %lt3A_357 = vector.broadcast %lt3A_356 : i32 to vector<16xi32>
          %lt3A_358 = arith.cmpi slt, %sub3A_352, %lt3A_357 : vector<16xi32>
          %and3A_359 = arith.andi %ge3A_355, %lt3A_358 : vector<16xi1>
          %jit3A_360 = arith.constant 1 : i32
          %jit3A_361 = arith.constant 0 : i32
          %broadcast_in_dim3A_362 = vector.broadcast %jit3A_360 : i32 to vector<16xi32>
          %broadcast_in_dim3A_363 = vector.broadcast %jit3A_361 : i32 to vector<16xi32>
          %select_n3A_364 = arith.select %and3A_359, %broadcast_in_dim3A_362, %broadcast_in_dim3A_363 : vector<16xi1>, vector<16xi32>
          %broadcast_in_dim3A_365 = arith.constant true
          %broadcast_in_dim3A_366 = vector.broadcast %broadcast_in_dim3A_365 : i1 to vector<16xi1>
          %masked_cumsum3A_367 = tpu.scan <sum>, %select_n3A_364 masked %broadcast_in_dim3A_366 : vector<16xi32>, vector<16xi1> -> vector<16xi32>
          %add3A_368 = arith.addi %add3A_340, %masked_cumsum3A_367 : vector<16xi32>
          %sub3A_369 = arith.constant 1 : i32
          %sub3A_370 = vector.broadcast %sub3A_369 : i32 to vector<16xi32>
          %sub3A_371 = arith.subi %add3A_368, %sub3A_370 : vector<16xi32>
          %mul3A_372 = arith.constant 16 : i32
          %mul3A_373 = arith.muli %scan3A_342, %mul3A_372 : i32
          %add3A_374 = arith.addi %add3A_168, %mul3A_373 : i32
          %add3A_375 = vector.broadcast %add3A_374 : i32 to vector<16xi32>
          %add3A_376 = arith.addi %add3A_375, %iota3A : vector<16xi32>
          tpu.vector_store_idx %arg11[%sub3A_371], %add3A_376 masked %and3A_359 : memref<4800xi32, #tpu.memory_space<vmem>>[vector<16xi32>], vector<16xi32>, vector<16xi1>
          tpu.vector_store_idx %arg12[%sub3A_371], %get3A_350 masked %and3A_359 : memref<4800xi32, #tpu.memory_space<vmem>>[vector<16xi32>], vector<16xi32>, vector<16xi1>
          tpu.vector_store_idx %arg13[%sub3A_371], %sub3A_352 masked %and3A_359 : memref<4800xi32, #tpu.memory_space<vmem>>[vector<16xi32>], vector<16xi32>, vector<16xi1>
          %all_reduce_population_count3A_377 = tpu.all_reduce %and3A_359 {dim = 0 : i64, kind = #tpu.reduction_kind<sum>} : vector<16xi1> -> vector<16xi32>
          %add3A_378 = arith.addi %add3A_340, %all_reduce_population_count3A_377 : vector<16xi32>
          scf.yield %add3A_378 : vector<16xi32>
        }
        %scan3A_175 = arith.constant 250 : i32
        %reduce_max3A = arith.constant true
        %reduce_max3A_176 = vector.broadcast %reduce_max3A : i1 to vector<16xi1>
        %reduce_max3A_177 = arith.constant -2147483648 : i32
        %reduce_max3A_178 = vector.broadcast %reduce_max3A_177 : i32 to vector<16xi32>
        %reduce_max3A_179 = arith.xori %scan3A_174, %reduce_max3A_178 : vector<16xi32>
        %reduce_max3A_180 = tpu.scan <max>, %reduce_max3A_179 masked %reduce_max3A_176 : vector<16xi32>, vector<16xi1> -> vector<16xi32>
        %reduce_max3A_181 = arith.xori %reduce_max3A_180, %reduce_max3A_178 : vector<16xi32>
        %reduce_max3A_182 = vector.extract %reduce_max3A_181[15] : i32 from vector<16xi32>
        %jit3A_183 = arith.constant 320 : i32
        %div3A_184 = arith.divsi %reduce_max3A_182, %jit3A_183 : i32
        %sign3A_185 = arith.constant 0 : i32
        %sign3A_186 = arith.cmpi sgt, %reduce_max3A_182, %sign3A_185 : i32
        %sign3A_187 = arith.extui %sign3A_186 : i1 to i32
        %sign3A_188 = arith.constant 0 : i32
        %sign3A_189 = arith.cmpi slt, %reduce_max3A_182, %sign3A_188 : i32
        %sign3A_190 = arith.extui %sign3A_189 : i1 to i32
        %sign3A_191 = arith.subi %sign3A_187, %sign3A_190 : i32
        %sign3A_192 = arith.constant 0 : i32
        %sign3A_193 = arith.cmpi sgt, %jit3A_183, %sign3A_192 : i32
        %sign3A_194 = arith.extui %sign3A_193 : i1 to i32
        %sign3A_195 = arith.constant 0 : i32
        %sign3A_196 = arith.cmpi slt, %jit3A_183, %sign3A_195 : i32
        %sign3A_197 = arith.extui %sign3A_196 : i1 to i32
        %sign3A_198 = arith.subi %sign3A_194, %sign3A_197 : i32
        %ne3A_199 = arith.cmpi ne, %sign3A_191, %sign3A_198 : i32
        %rem3A_200 = arith.remsi %reduce_max3A_182, %jit3A_183 : i32
        %ne3A_201 = arith.constant 0 : i32
        %ne3A_202 = arith.cmpi ne, %rem3A_200, %ne3A_201 : i32
        %and3A_203 = arith.andi %ne3A_199, %ne3A_202 : i1
        %sub3A_204 = arith.constant 1 : i32
        %sub3A_205 = arith.subi %div3A_184, %sub3A_204 : i32
        %select_n3A_206 = arith.select %and3A_203, %sub3A_205, %div3A_184 : i32
        %while3A_207 = arith.constant 0 : i32
        %while3A_208 = arith.constant 0 : i32
        %while3A_209 = arith.subi %select_n3A_206, %while3A_207 : i32
        %while3A_210 = arith.addi %while3A_207, %while3A_209 : i32
        %while3A_211 = arith.constant 1 : i32
        %while3A_212 = arith.divsi %while3A_209, %while3A_211 : i32
        %while3A_213 = arith.muli %while3A_212, %while3A_211 : i32
        %while3A_214 = arith.addi %while3A_207, %while3A_213 : i32
        %while3A_215 = arith.constant 1 : i32
        %while3A_216 = scf.for %while3A_307 = %while3A_207 to %while3A_214 step %while3A_215 iter_args(%while3A_308 = %while3A_208) -> (i32)  : i32 {
          %scan3A_309 = arith.constant 0 : i32
          %scan3A_310 = arith.constant 0 : i32
          %scan3A_311 = arith.constant 20 : i32
          %scan3A_312 = arith.addi %scan3A_310, %scan3A_311 : i32
          %scan3A_313 = arith.constant 4 : i32
          %scan3A_314 = scf.for %scan3A_340 = %scan3A_310 to %scan3A_312 step %scan3A_313 iter_args(%scan3A_341 = %scan3A_309) -> (i32)  : i32 {
            %mul3A_342 = arith.constant 16 : i32
            %mul3A_343 = arith.muli %scan3A_340, %mul3A_342 : i32
            %mul3A_344 = arith.constant 320 : i32
            %mul3A_345 = arith.muli %while3A_307, %mul3A_344 : i32
            %mul3A_346 = arith.constant 16 : i32
            %mul3A_347 = arith.muli %scan3A_340, %mul3A_346 : i32
            %add3A_348 = arith.addi %mul3A_345, %mul3A_347 : i32
            %get3A = arith.index_cast %add3A_348 : i32 to index
            %get3A_349 = tpu.vector_load %arg11[%get3A] {strides = array<i32>} : memref<4800xi32, #tpu.memory_space<vmem>>, vector<16xi32>,
            %swap3A = arith.index_cast %mul3A_343 : i32 to index
            %swap3A_350 = tpu.vector_load %arg14[%swap3A] {strides = array<i32>} : memref<320xi32, #tpu.memory_space<vmem>>, vector<16xi32>,
            tpu.vector_store %arg14[%swap3A], %get3A_349 {strides = array<i32>} : memref<320xi32, #tpu.memory_space<vmem>>, vector<16xi32>,
            %get3A_351 = arith.index_cast %add3A_348 : i32 to index
            %get3A_352 = tpu.vector_load %arg12[%get3A_351] {strides = array<i32>} : memref<4800xi32, #tpu.memory_space<vmem>>, vector<16xi32>,
            %swap3A_353 = arith.index_cast %mul3A_343 : i32 to index
            %swap3A_354 = tpu.vector_load %arg15[%swap3A_353] {strides = array<i32>} : memref<320xi32, #tpu.memory_space<vmem>>, vector<16xi32>,
            tpu.vector_store %arg15[%swap3A_353], %get3A_352 {strides = array<i32>} : memref<320xi32, #tpu.memory_space<vmem>>, vector<16xi32>,
            %get3A_355 = arith.index_cast %add3A_348 : i32 to index
            %get3A_356 = tpu.vector_load %arg13[%get3A_355] {strides = array<i32>} : memref<4800xi32, #tpu.memory_space<vmem>>, vector<16xi32>,
            %swap3A_357 = arith.index_cast %mul3A_343 : i32 to index
            %swap3A_358 = tpu.vector_load %arg16[%swap3A_357] {strides = array<i32>} : memref<320xi32, #tpu.memory_space<vmem>>, vector<16xi32>,
            tpu.vector_store %arg16[%swap3A_357], %get3A_356 {strides = array<i32>} : memref<320xi32, #tpu.memory_space<vmem>>, vector<16xi32>,
            %scan3A_359 = arith.constant 0 : i32
            %scan3A_360 = arith.constant 1 : i32
            %scan3A_361 = arith.addi %scan3A_340, %scan3A_360 : i32
            %mul3A_362 = arith.constant 16 : i32
            %mul3A_363 = arith.muli %scan3A_361, %mul3A_362 : i32
            %mul3A_364 = arith.constant 320 : i32
            %mul3A_365 = arith.muli %while3A_307, %mul3A_364 : i32
            %mul3A_366 = arith.constant 16 : i32
            %mul3A_367 = arith.muli %scan3A_361, %mul3A_366 : i32
            %add3A_368 = arith.addi %mul3A_365, %mul3A_367 : i32
            %get3A_369 = arith.index_cast %add3A_368 : i32 to index
            %get3A_370 = tpu.vector_load %arg11[%get3A_369] {strides = array<i32>} : memref<4800xi32, #tpu.memory_space<vmem>>, vector<16xi32>,
            %swap3A_371 = arith.index_cast %mul3A_363 : i32 to index
            %swap3A_372 = tpu.vector_load %arg14[%swap3A_371] {strides = array<i32>} : memref<320xi32, #tpu.memory_space<vmem>>, vector<16xi32>,
            tpu.vector_store %arg14[%swap3A_371], %get3A_370 {strides = array<i32>} : memref<320xi32, #tpu.memory_space<vmem>>, vector<16xi32>,
            %get3A_373 = arith.index_cast %add3A_368 : i32 to index
            %get3A_374 = tpu.vector_load %arg12[%get3A_373] {strides = array<i32>} : memref<4800xi32, #tpu.memory_space<vmem>>, vector<16xi32>,
            %swap3A_375 = arith.index_cast %mul3A_363 : i32 to index
            %swap3A_376 = tpu.vector_load %arg15[%swap3A_375] {strides = array<i32>} : memref<320xi32, #tpu.memory_space<vmem>>, vector<16xi32>,
            tpu.vector_store %arg15[%swap3A_375], %get3A_374 {strides = array<i32>} : memref<320xi32, #tpu.memory_space<vmem>>, vector<16xi32>,
            %get3A_377 = arith.index_cast %add3A_368 : i32 to index
            %get3A_378 = tpu.vector_load %arg13[%get3A_377] {strides = array<i32>} : memref<4800xi32, #tpu.memory_space<vmem>>, vector<16xi32>,
            %swap3A_379 = arith.index_cast %mul3A_363 : i32 to index
            %swap3A_380 = tpu.vector_load %arg16[%swap3A_379] {strides = array<i32>} : memref<320xi32, #tpu.memory_space<vmem>>, vector<16xi32>,
            tpu.vector_store %arg16[%swap3A_379], %get3A_378 {strides = array<i32>} : memref<320xi32, #tpu.memory_space<vmem>>, vector<16xi32>,
            %scan3A_381 = arith.constant 0 : i32
            %scan3A_382 = arith.constant 2 : i32
            %scan3A_383 = arith.addi %scan3A_340, %scan3A_382 : i32
            %mul3A_384 = arith.constant 16 : i32
            %mul3A_385 = arith.muli %scan3A_383, %mul3A_384 : i32
            %mul3A_386 = arith.constant 320 : i32
            %mul3A_387 = arith.muli %while3A_307, %mul3A_386 : i32
            %mul3A_388 = arith.constant 16 : i32
            %mul3A_389 = arith.muli %scan3A_383, %mul3A_388 : i32
            %add3A_390 = arith.addi %mul3A_387, %mul3A_389 : i32
            %get3A_391 = arith.index_cast %add3A_390 : i32 to index
            %get3A_392 = tpu.vector_load %arg11[%get3A_391] {strides = array<i32>} : memref<4800xi32, #tpu.memory_space<vmem>>, vector<16xi32>,
            %swap3A_393 = arith.index_cast %mul3A_385 : i32 to index
            %swap3A_394 = tpu.vector_load %arg14[%swap3A_393] {strides = array<i32>} : memref<320xi32, #tpu.memory_space<vmem>>, vector<16xi32>,
            tpu.vector_store %arg14[%swap3A_393], %get3A_392 {strides = array<i32>} : memref<320xi32, #tpu.memory_space<vmem>>, vector<16xi32>,
            %get3A_395 = arith.index_cast %add3A_390 : i32 to index
            %get3A_396 = tpu.vector_load %arg12[%get3A_395] {strides = array<i32>} : memref<4800xi32, #tpu.memory_space<vmem>>, vector<16xi32>,
            %swap3A_397 = arith.index_cast %mul3A_385 : i32 to index
            %swap3A_398 = tpu.vector_load %arg15[%swap3A_397] {strides = array<i32>} : memref<320xi32, #tpu.memory_space<vmem>>, vector<16xi32>,
            tpu.vector_store %arg15[%swap3A_397], %get3A_396 {strides = array<i32>} : memref<320xi32, #tpu.memory_space<vmem>>, vector<16xi32>,
            %get3A_399 = arith.index_cast %add3A_390 : i32 to index
            %get3A_400 = tpu.vector_load %arg13[%get3A_399] {strides = array<i32>} : memref<4800xi32, #tpu.memory_space<vmem>>, vector<16xi32>,
            %swap3A_401 = arith.index_cast %mul3A_385 : i32 to index
            %swap3A_402 = tpu.vector_load %arg16[%swap3A_401] {strides = array<i32>} : memref<320xi32, #tpu.memory_space<vmem>>, vector<16xi32>,
            tpu.vector_store %arg16[%swap3A_401], %get3A_400 {strides = array<i32>} : memref<320xi32, #tpu.memory_space<vmem>>, vector<16xi32>,
            %scan3A_403 = arith.constant 0 : i32
            %scan3A_404 = arith.constant 3 : i32
            %scan3A_405 = arith.addi %scan3A_340, %scan3A_404 : i32
            %mul3A_406 = arith.constant 16 : i32
            %mul3A_407 = arith.muli %scan3A_405, %mul3A_406 : i32
            %mul3A_408 = arith.constant 320 : i32
            %mul3A_409 = arith.muli %while3A_307, %mul3A_408 : i32
            %mul3A_410 = arith.constant 16 : i32
            %mul3A_411 = arith.muli %scan3A_405, %mul3A_410 : i32
            %add3A_412 = arith.addi %mul3A_409, %mul3A_411 : i32
            %get3A_413 = arith.index_cast %add3A_412 : i32 to index
            %get3A_414 = tpu.vector_load %arg11[%get3A_413] {strides = array<i32>} : memref<4800xi32, #tpu.memory_space<vmem>>, vector<16xi32>,
            %swap3A_415 = arith.index_cast %mul3A_407 : i32 to index
            %swap3A_416 = tpu.vector_load %arg14[%swap3A_415] {strides = array<i32>} : memref<320xi32, #tpu.memory_space<vmem>>, vector<16xi32>,
            tpu.vector_store %arg14[%swap3A_415], %get3A_414 {strides = array<i32>} : memref<320xi32, #tpu.memory_space<vmem>>, vector<16xi32>,
            %get3A_417 = arith.index_cast %add3A_412 : i32 to index
            %get3A_418 = tpu.vector_load %arg12[%get3A_417] {strides = array<i32>} : memref<4800xi32, #tpu.memory_space<vmem>>, vector<16xi32>,
            %swap3A_419 = arith.index_cast %mul3A_407 : i32 to index
            %swap3A_420 = tpu.vector_load %arg15[%swap3A_419] {strides = array<i32>} : memref<320xi32, #tpu.memory_space<vmem>>, vector<16xi32>,
            tpu.vector_store %arg15[%swap3A_419], %get3A_418 {strides = array<i32>} : memref<320xi32, #tpu.memory_space<vmem>>, vector<16xi32>,
            %get3A_421 = arith.index_cast %add3A_412 : i32 to index
            %get3A_422 = tpu.vector_load %arg13[%get3A_421] {strides = array<i32>} : memref<4800xi32, #tpu.memory_space<vmem>>, vector<16xi32>,
            %swap3A_423 = arith.index_cast %mul3A_407 : i32 to index
            %swap3A_424 = tpu.vector_load %arg16[%swap3A_423] {strides = array<i32>} : memref<320xi32, #tpu.memory_space<vmem>>, vector<16xi32>,
            tpu.vector_store %arg16[%swap3A_423], %get3A_422 {strides = array<i32>} : memref<320xi32, #tpu.memory_space<vmem>>, vector<16xi32>,
            %scan3A_425 = arith.constant 0 : i32
            scf.yield %scan3A_425 : i32
          }
          %scan3A_315 = arith.constant 20 : i32
          %dma_start3A_316 = arith.constant 0 : i32
          %dma_start3A_317 = arith.constant 0 : i32
          %dma_start3A_318 = tpu.memref_slice %arg2[%dma_start3A_316, %dma_start3A_317] : memref<1280000x64xbf16, #tpu.memory_space<hbm>> -> memref<1280000x64xbf16, #tpu.memory_space<hbm>>
          %dma_start3A_319 = arith.constant -1 : i32
          tpu.enqueue_indirect_dma source(%dma_start3A_318 : memref<1280000x64xbf16, #tpu.memory_space<hbm>>) target(%arg17 : memref<320x64xbf16, #tpu.memory_space<vmem>>) offsets(%arg14 : memref<320xi32, #tpu.memory_space<vmem>>) offset_filter(%dma_start3A_319) semaphore(%arg21 : memref<!tpu.dma_semaphore, #tpu.memory_space<semaphore_mem>>)
          %dma_start3A_320 = arith.constant 0 : i32
          %dma_start3A_321 = arith.constant 0 : i32
          %dma_start3A_322 = tpu.memref_slice %arg5[%dma_start3A_320, %dma_start3A_321] : memref<320000x64xf32, #tpu.memory_space<hbm>> -> memref<320000x64xf32, #tpu.memory_space<hbm>>
          %dma_start3A_323 = arith.constant -1 : i32
          tpu.enqueue_indirect_dma source(%dma_start3A_322 : memref<320000x64xf32, #tpu.memory_space<hbm>>) target(%arg18 : memref<320x64xf32, #tpu.memory_space<vmem>>) offsets(%arg15 : memref<320xi32, #tpu.memory_space<vmem>>) offset_filter(%dma_start3A_323) semaphore(%arg22 : memref<!tpu.dma_semaphore, #tpu.memory_space<semaphore_mem>>)
          %dma_wait3A_324 = arith.constant 0 : i32
          %dma_wait3A_325 = arith.constant 0 : i32
          %dma_wait3A_326 = tpu.memref_slice %arg2[%dma_wait3A_324, %dma_wait3A_325] : memref<1280000x64xbf16, #tpu.memory_space<hbm>> -> memref<1280000x64xbf16, #tpu.memory_space<hbm>>
          tpu.wait_indirect_dma semaphore(%arg21 : memref<!tpu.dma_semaphore, #tpu.memory_space<semaphore_mem>>) src(%dma_wait3A_326 : memref<1280000x64xbf16, #tpu.memory_space<hbm>>) dst(%arg17 : memref<320x64xbf16, #tpu.memory_space<vmem>>)
          %dma_wait3A_327 = arith.constant 0 : i32
          %dma_wait3A_328 = arith.constant 0 : i32
          %dma_wait3A_329 = tpu.memref_slice %arg5[%dma_wait3A_327, %dma_wait3A_328] : memref<320000x64xf32, #tpu.memory_space<hbm>> -> memref<320000x64xf32, #tpu.memory_space<hbm>>
          tpu.wait_indirect_dma semaphore(%arg22 : memref<!tpu.dma_semaphore, #tpu.memory_space<semaphore_mem>>) src(%dma_wait3A_329 : memref<320000x64xf32, #tpu.memory_space<hbm>>) dst(%arg18 : memref<320x64xf32, #tpu.memory_space<vmem>>)
          %broadcast_in_dim3A_330 = arith.constant -65536 : i32
          %broadcast_in_dim3A_331 = vector.broadcast %broadcast_in_dim3A_330 : i32 to vector<16xi32>
          %scan3A_332 = arith.constant 0 : i32
          %scan3A_333 = arith.constant 0 : i32
          %scan3A_334 = arith.constant 320 : i32
          %scan3A_335 = arith.addi %scan3A_333, %scan3A_334 : i32
          %scan3A_336 = arith.constant 4 : i32
          %scan3A_337 = scf.for %scan3A_340 = %scan3A_333 to %scan3A_335 step %scan3A_336 iter_args(%scan3A_341 = %scan3A_332) -> (i32)  : i32 {
            %get3A = arith.index_cast %scan3A_340 : i32 to index
            %get3A_342 = arith.constant 0 : index
            %get3A_343 = tpu.vector_load %arg17[%get3A, %get3A_342] {strides = array<i32>} : memref<320x64xbf16, #tpu.memory_space<vmem>>, vector<32xbf16>,
            %bitcast3A = vector.bitcast %get3A_343 : vector<32xbf16> to vector<16xi32>
            %shift_left3A = arith.constant 16 : i32
            %shift_left3A_344 = vector.broadcast %shift_left3A : i32 to vector<16xi32>
            %shift_left3A_345 = arith.shli %bitcast3A, %shift_left3A_344 : vector<16xi32>
            %bitcast3A_346 = vector.bitcast %shift_left3A_345 : vector<16xi32> to vector<16xf32>
            %and3A_347 = arith.andi %bitcast3A, %broadcast_in_dim3A_331 : vector<16xi32>
            %bitcast3A_348 = vector.bitcast %and3A_347 : vector<16xi32> to vector<16xf32>
            %get3A_349 = arith.index_cast %scan3A_340 : i32 to index
            %get3A_350 = arith.constant 0 : index
            %get3A_351 = tpu.vector_load %arg18[%get3A_349, %get3A_350] {strides = array<i32>} : memref<320x64xf32, #tpu.memory_space<vmem>>, vector<16xf32>,
            %mul3A_352 = arith.mulf %get3A_351, %bitcast3A_346 : vector<16xf32>
            %swap3A = arith.index_cast %scan3A_340 : i32 to index
            %swap3A_353 = arith.constant 0 : index
            %swap3A_354 = tpu.vector_load %arg18[%swap3A, %swap3A_353] {strides = array<i32>} : memref<320x64xf32, #tpu.memory_space<vmem>>, vector<16xf32>,
            tpu.vector_store %arg18[%swap3A, %swap3A_353], %mul3A_352 {strides = array<i32>} : memref<320x64xf32, #tpu.memory_space<vmem>>, vector<16xf32>,
            %get3A_355 = arith.index_cast %scan3A_340 : i32 to index
            %get3A_356 = arith.constant 16 : index
            %get3A_357 = tpu.vector_load %arg18[%get3A_355, %get3A_356] {strides = array<i32>} : memref<320x64xf32, #tpu.memory_space<vmem>>, vector<16xf32>,
            %mul3A_358 = arith.mulf %get3A_357, %bitcast3A_348 : vector<16xf32>
            %swap3A_359 = arith.index_cast %scan3A_340 : i32 to index
            %swap3A_360 = arith.constant 16 : index
            %swap3A_361 = tpu.vector_load %arg18[%swap3A_359, %swap3A_360] {strides = array<i32>} : memref<320x64xf32, #tpu.memory_space<vmem>>, vector<16xf32>,
            tpu.vector_store %arg18[%swap3A_359, %swap3A_360], %mul3A_358 {strides = array<i32>} : memref<320x64xf32, #tpu.memory_space<vmem>>, vector<16xf32>,
            %get3A_362 = arith.index_cast %scan3A_340 : i32 to index
            %get3A_363 = arith.constant 32 : index
            %get3A_364 = tpu.vector_load %arg17[%get3A_362, %get3A_363] {strides = array<i32>} : memref<320x64xbf16, #tpu.memory_space<vmem>>, vector<32xbf16>,
            %bitcast3A_365 = vector.bitcast %get3A_364 : vector<32xbf16> to vector<16xi32>
            %shift_left3A_366 = arith.constant 16 : i32
            %shift_left3A_367 = vector.broadcast %shift_left3A_366 : i32 to vector<16xi32>
            %shift_left3A_368 = arith.shli %bitcast3A_365, %shift_left3A_367 : vector<16xi32>
            %bitcast3A_369 = vector.bitcast %shift_left3A_368 : vector<16xi32> to vector<16xf32>
            %and3A_370 = arith.andi %bitcast3A_365, %broadcast_in_dim3A_331 : vector<16xi32>
            %bitcast3A_371 = vector.bitcast %and3A_370 : vector<16xi32> to vector<16xf32>
            %get3A_372 = arith.index_cast %scan3A_340 : i32 to index
            %get3A_373 = arith.constant 32 : index
            %get3A_374 = tpu.vector_load %arg18[%get3A_372, %get3A_373] {strides = array<i32>} : memref<320x64xf32, #tpu.memory_space<vmem>>, vector<16xf32>,
            %mul3A_375 = arith.mulf %get3A_374, %bitcast3A_369 : vector<16xf32>
            %swap3A_376 = arith.index_cast %scan3A_340 : i32 to index
            %swap3A_377 = arith.constant 32 : index
            %swap3A_378 = tpu.vector_load %arg18[%swap3A_376, %swap3A_377] {strides = array<i32>} : memref<320x64xf32, #tpu.memory_space<vmem>>, vector<16xf32>,
            tpu.vector_store %arg18[%swap3A_376, %swap3A_377], %mul3A_375 {strides = array<i32>} : memref<320x64xf32, #tpu.memory_space<vmem>>, vector<16xf32>,
            %get3A_379 = arith.index_cast %scan3A_340 : i32 to index
            %get3A_380 = arith.constant 48 : index
            %get3A_381 = tpu.vector_load %arg18[%get3A_379, %get3A_380] {strides = array<i32>} : memref<320x64xf32, #tpu.memory_space<vmem>>, vector<16xf32>,
            %mul3A_382 = arith.mulf %get3A_381, %bitcast3A_371 : vector<16xf32>
            %swap3A_383 = arith.index_cast %scan3A_340 : i32 to index
            %swap3A_384 = arith.constant 48 : index
            %swap3A_385 = tpu.vector_load %arg18[%swap3A_383, %swap3A_384] {strides = array<i32>} : memref<320x64xf32, #tpu.memory_space<vmem>>, vector<16xf32>,
            tpu.vector_store %arg18[%swap3A_383, %swap3A_384], %mul3A_382 {strides = array<i32>} : memref<320x64xf32, #tpu.memory_space<vmem>>, vector<16xf32>,
            %scan3A_386 = arith.constant 0 : i32
            %scan3A_387 = arith.constant 1 : i32
            %scan3A_388 = arith.addi %scan3A_340, %scan3A_387 : i32
            %get3A_389 = arith.index_cast %scan3A_388 : i32 to index
            %get3A_390 = arith.constant 0 : index
            %get3A_391 = tpu.vector_load %arg17[%get3A_389, %get3A_390] {strides = array<i32>} : memref<320x64xbf16, #tpu.memory_space<vmem>>, vector<32xbf16>,
            %bitcast3A_392 = vector.bitcast %get3A_391 : vector<32xbf16> to vector<16xi32>
            %shift_left3A_393 = arith.constant 16 : i32
            %shift_left3A_394 = vector.broadcast %shift_left3A_393 : i32 to vector<16xi32>
            %shift_left3A_395 = arith.shli %bitcast3A_392, %shift_left3A_394 : vector<16xi32>
            %bitcast3A_396 = vector.bitcast %shift_left3A_395 : vector<16xi32> to vector<16xf32>
            %and3A_397 = arith.andi %bitcast3A_392, %broadcast_in_dim3A_331 : vector<16xi32>
            %bitcast3A_398 = vector.bitcast %and3A_397 : vector<16xi32> to vector<16xf32>
            %get3A_399 = arith.index_cast %scan3A_388 : i32 to index
            %get3A_400 = arith.constant 0 : index
            %get3A_401 = tpu.vector_load %arg18[%get3A_399, %get3A_400] {strides = array<i32>} : memref<320x64xf32, #tpu.memory_space<vmem>>, vector<16xf32>,
            %mul3A_402 = arith.mulf %get3A_401, %bitcast3A_396 : vector<16xf32>
            %swap3A_403 = arith.index_cast %scan3A_388 : i32 to index
            %swap3A_404 = arith.constant 0 : index
            %swap3A_405 = tpu.vector_load %arg18[%swap3A_403, %swap3A_404] {strides = array<i32>} : memref<320x64xf32, #tpu.memory_space<vmem>>, vector<16xf32>,
            tpu.vector_store %arg18[%swap3A_403, %swap3A_404], %mul3A_402 {strides = array<i32>} : memref<320x64xf32, #tpu.memory_space<vmem>>, vector<16xf32>,
            %get3A_406 = arith.index_cast %scan3A_388 : i32 to index
            %get3A_407 = arith.constant 16 : index
            %get3A_408 = tpu.vector_load %arg18[%get3A_406, %get3A_407] {strides = array<i32>} : memref<320x64xf32, #tpu.memory_space<vmem>>, vector<16xf32>,
            %mul3A_409 = arith.mulf %get3A_408, %bitcast3A_398 : vector<16xf32>
            %swap3A_410 = arith.index_cast %scan3A_388 : i32 to index
            %swap3A_411 = arith.constant 16 : index
            %swap3A_412 = tpu.vector_load %arg18[%swap3A_410, %swap3A_411] {strides = array<i32>} : memref<320x64xf32, #tpu.memory_space<vmem>>, vector<16xf32>,
            tpu.vector_store %arg18[%swap3A_410, %swap3A_411], %mul3A_409 {strides = array<i32>} : memref<320x64xf32, #tpu.memory_space<vmem>>, vector<16xf32>,
            %get3A_413 = arith.index_cast %scan3A_388 : i32 to index
            %get3A_414 = arith.constant 32 : index
            %get3A_415 = tpu.vector_load %arg17[%get3A_413, %get3A_414] {strides = array<i32>} : memref<320x64xbf16, #tpu.memory_space<vmem>>, vector<32xbf16>,
            %bitcast3A_416 = vector.bitcast %get3A_415 : vector<32xbf16> to vector<16xi32>
            %shift_left3A_417 = arith.constant 16 : i32
            %shift_left3A_418 = vector.broadcast %shift_left3A_417 : i32 to vector<16xi32>
            %shift_left3A_419 = arith.shli %bitcast3A_416, %shift_left3A_418 : vector<16xi32>
            %bitcast3A_420 = vector.bitcast %shift_left3A_419 : vector<16xi32> to vector<16xf32>
            %and3A_421 = arith.andi %bitcast3A_416, %broadcast_in_dim3A_331 : vector<16xi32>
            %bitcast3A_422 = vector.bitcast %and3A_421 : vector<16xi32> to vector<16xf32>
            %get3A_423 = arith.index_cast %scan3A_388 : i32 to index
            %get3A_424 = arith.constant 32 : index
            %get3A_425 = tpu.vector_load %arg18[%get3A_423, %get3A_424] {strides = array<i32>} : memref<320x64xf32, #tpu.memory_space<vmem>>, vector<16xf32>,
            %mul3A_426 = arith.mulf %get3A_425, %bitcast3A_420 : vector<16xf32>
            %swap3A_427 = arith.index_cast %scan3A_388 : i32 to index
            %swap3A_428 = arith.constant 32 : index
            %swap3A_429 = tpu.vector_load %arg18[%swap3A_427, %swap3A_428] {strides = array<i32>} : memref<320x64xf32, #tpu.memory_space<vmem>>, vector<16xf32>,
            tpu.vector_store %arg18[%swap3A_427, %swap3A_428], %mul3A_426 {strides = array<i32>} : memref<320x64xf32, #tpu.memory_space<vmem>>, vector<16xf32>,
            %get3A_430 = arith.index_cast %scan3A_388 : i32 to index
            %get3A_431 = arith.constant 48 : index
            %get3A_432 = tpu.vector_load %arg18[%get3A_430, %get3A_431] {strides = array<i32>} : memref<320x64xf32, #tpu.memory_space<vmem>>, vector<16xf32>,
            %mul3A_433 = arith.mulf %get3A_432, %bitcast3A_422 : vector<16xf32>
            %swap3A_434 = arith.index_cast %scan3A_388 : i32 to index
            %swap3A_435 = arith.constant 48 : index
            %swap3A_436 = tpu.vector_load %arg18[%swap3A_434, %swap3A_435] {strides = array<i32>} : memref<320x64xf32, #tpu.memory_space<vmem>>, vector<16xf32>,
            tpu.vector_store %arg18[%swap3A_434, %swap3A_435], %mul3A_433 {strides = array<i32>} : memref<320x64xf32, #tpu.memory_space<vmem>>, vector<16xf32>,
            %scan3A_437 = arith.constant 0 : i32
            %scan3A_438 = arith.constant 2 : i32
            %scan3A_439 = arith.addi %scan3A_340, %scan3A_438 : i32
            %get3A_440 = arith.index_cast %scan3A_439 : i32 to index
            %get3A_441 = arith.constant 0 : index
            %get3A_442 = tpu.vector_load %arg17[%get3A_440, %get3A_441] {strides = array<i32>} : memref<320x64xbf16, #tpu.memory_space<vmem>>, vector<32xbf16>,
            %bitcast3A_443 = vector.bitcast %get3A_442 : vector<32xbf16> to vector<16xi32>
            %shift_left3A_444 = arith.constant 16 : i32
            %shift_left3A_445 = vector.broadcast %shift_left3A_444 : i32 to vector<16xi32>
            %shift_left3A_446 = arith.shli %bitcast3A_443, %shift_left3A_445 : vector<16xi32>
            %bitcast3A_447 = vector.bitcast %shift_left3A_446 : vector<16xi32> to vector<16xf32>
            %and3A_448 = arith.andi %bitcast3A_443, %broadcast_in_dim3A_331 : vector<16xi32>
            %bitcast3A_449 = vector.bitcast %and3A_448 : vector<16xi32> to vector<16xf32>
            %get3A_450 = arith.index_cast %scan3A_439 : i32 to index
            %get3A_451 = arith.constant 0 : index
            %get3A_452 = tpu.vector_load %arg18[%get3A_450, %get3A_451] {strides = array<i32>} : memref<320x64xf32, #tpu.memory_space<vmem>>, vector<16xf32>,
            %mul3A_453 = arith.mulf %get3A_452, %bitcast3A_447 : vector<16xf32>
            %swap3A_454 = arith.index_cast %scan3A_439 : i32 to index
            %swap3A_455 = arith.constant 0 : index
            %swap3A_456 = tpu.vector_load %arg18[%swap3A_454, %swap3A_455] {strides = array<i32>} : memref<320x64xf32, #tpu.memory_space<vmem>>, vector<16xf32>,
            tpu.vector_store %arg18[%swap3A_454, %swap3A_455], %mul3A_453 {strides = array<i32>} : memref<320x64xf32, #tpu.memory_space<vmem>>, vector<16xf32>,
            %get3A_457 = arith.index_cast %scan3A_439 : i32 to index
            %get3A_458 = arith.constant 16 : index
            %get3A_459 = tpu.vector_load %arg18[%get3A_457, %get3A_458] {strides = array<i32>} : memref<320x64xf32, #tpu.memory_space<vmem>>, vector<16xf32>,
            %mul3A_460 = arith.mulf %get3A_459, %bitcast3A_449 : vector<16xf32>
            %swap3A_461 = arith.index_cast %scan3A_439 : i32 to index
            %swap3A_462 = arith.constant 16 : index
            %swap3A_463 = tpu.vector_load %arg18[%swap3A_461, %swap3A_462] {strides = array<i32>} : memref<320x64xf32, #tpu.memory_space<vmem>>, vector<16xf32>,
            tpu.vector_store %arg18[%swap3A_461, %swap3A_462], %mul3A_460 {strides = array<i32>} : memref<320x64xf32, #tpu.memory_space<vmem>>, vector<16xf32>,
            %get3A_464 = arith.index_cast %scan3A_439 : i32 to index
            %get3A_465 = arith.constant 32 : index
            %get3A_466 = tpu.vector_load %arg17[%get3A_464, %get3A_465] {strides = array<i32>} : memref<320x64xbf16, #tpu.memory_space<vmem>>, vector<32xbf16>,
            %bitcast3A_467 = vector.bitcast %get3A_466 : vector<32xbf16> to vector<16xi32>
            %shift_left3A_468 = arith.constant 16 : i32
            %shift_left3A_469 = vector.broadcast %shift_left3A_468 : i32 to vector<16xi32>
            %shift_left3A_470 = arith.shli %bitcast3A_467, %shift_left3A_469 : vector<16xi32>
            %bitcast3A_471 = vector.bitcast %shift_left3A_470 : vector<16xi32> to vector<16xf32>
            %and3A_472 = arith.andi %bitcast3A_467, %broadcast_in_dim3A_331 : vector<16xi32>
            %bitcast3A_473 = vector.bitcast %and3A_472 : vector<16xi32> to vector<16xf32>
            %get3A_474 = arith.index_cast %scan3A_439 : i32 to index
            %get3A_475 = arith.constant 32 : index
            %get3A_476 = tpu.vector_load %arg18[%get3A_474, %get3A_475] {strides = array<i32>} : memref<320x64xf32, #tpu.memory_space<vmem>>, vector<16xf32>,
            %mul3A_477 = arith.mulf %get3A_476, %bitcast3A_471 : vector<16xf32>
            %swap3A_478 = arith.index_cast %scan3A_439 : i32 to index
            %swap3A_479 = arith.constant 32 : index
            %swap3A_480 = tpu.vector_load %arg18[%swap3A_478, %swap3A_479] {strides = array<i32>} : memref<320x64xf32, #tpu.memory_space<vmem>>, vector<16xf32>,
            tpu.vector_store %arg18[%swap3A_478, %swap3A_479], %mul3A_477 {strides = array<i32>} : memref<320x64xf32, #tpu.memory_space<vmem>>, vector<16xf32>,
            %get3A_481 = arith.index_cast %scan3A_439 : i32 to index
            %get3A_482 = arith.constant 48 : index
            %get3A_483 = tpu.vector_load %arg18[%get3A_481, %get3A_482] {strides = array<i32>} : memref<320x64xf32, #tpu.memory_space<vmem>>, vector<16xf32>,
            %mul3A_484 = arith.mulf %get3A_483, %bitcast3A_473 : vector<16xf32>
            %swap3A_485 = arith.index_cast %scan3A_439 : i32 to index
            %swap3A_486 = arith.constant 48 : index
            %swap3A_487 = tpu.vector_load %arg18[%swap3A_485, %swap3A_486] {strides = array<i32>} : memref<320x64xf32, #tpu.memory_space<vmem>>, vector<16xf32>,
            tpu.vector_store %arg18[%swap3A_485, %swap3A_486], %mul3A_484 {strides = array<i32>} : memref<320x64xf32, #tpu.memory_space<vmem>>, vector<16xf32>,
            %scan3A_488 = arith.constant 0 : i32
            %scan3A_489 = arith.constant 3 : i32
            %scan3A_490 = arith.addi %scan3A_340, %scan3A_489 : i32
            %get3A_491 = arith.index_cast %scan3A_490 : i32 to index
            %get3A_492 = arith.constant 0 : index
            %get3A_493 = tpu.vector_load %arg17[%get3A_491, %get3A_492] {strides = array<i32>} : memref<320x64xbf16, #tpu.memory_space<vmem>>, vector<32xbf16>,
            %bitcast3A_494 = vector.bitcast %get3A_493 : vector<32xbf16> to vector<16xi32>
            %shift_left3A_495 = arith.constant 16 : i32
            %shift_left3A_496 = vector.broadcast %shift_left3A_495 : i32 to vector<16xi32>
            %shift_left3A_497 = arith.shli %bitcast3A_494, %shift_left3A_496 : vector<16xi32>
            %bitcast3A_498 = vector.bitcast %shift_left3A_497 : vector<16xi32> to vector<16xf32>
            %and3A_499 = arith.andi %bitcast3A_494, %broadcast_in_dim3A_331 : vector<16xi32>
            %bitcast3A_500 = vector.bitcast %and3A_499 : vector<16xi32> to vector<16xf32>
            %get3A_501 = arith.index_cast %scan3A_490 : i32 to index
            %get3A_502 = arith.constant 0 : index
            %get3A_503 = tpu.vector_load %arg18[%get3A_501, %get3A_502] {strides = array<i32>} : memref<320x64xf32, #tpu.memory_space<vmem>>, vector<16xf32>,
            %mul3A_504 = arith.mulf %get3A_503, %bitcast3A_498 : vector<16xf32>
            %swap3A_505 = arith.index_cast %scan3A_490 : i32 to index
            %swap3A_506 = arith.constant 0 : index
            %swap3A_507 = tpu.vector_load %arg18[%swap3A_505, %swap3A_506] {strides = array<i32>} : memref<320x64xf32, #tpu.memory_space<vmem>>, vector<16xf32>,
            tpu.vector_store %arg18[%swap3A_505, %swap3A_506], %mul3A_504 {strides = array<i32>} : memref<320x64xf32, #tpu.memory_space<vmem>>, vector<16xf32>,
            %get3A_508 = arith.index_cast %scan3A_490 : i32 to index
            %get3A_509 = arith.constant 16 : index
            %get3A_510 = tpu.vector_load %arg18[%get3A_508, %get3A_509] {strides = array<i32>} : memref<320x64xf32, #tpu.memory_space<vmem>>, vector<16xf32>,
            %mul3A_511 = arith.mulf %get3A_510, %bitcast3A_500 : vector<16xf32>
            %swap3A_512 = arith.index_cast %scan3A_490 : i32 to index
            %swap3A_513 = arith.constant 16 : index
            %swap3A_514 = tpu.vector_load %arg18[%swap3A_512, %swap3A_513] {strides = array<i32>} : memref<320x64xf32, #tpu.memory_space<vmem>>, vector<16xf32>,
            tpu.vector_store %arg18[%swap3A_512, %swap3A_513], %mul3A_511 {strides = array<i32>} : memref<320x64xf32, #tpu.memory_space<vmem>>, vector<16xf32>,
            %get3A_515 = arith.index_cast %scan3A_490 : i32 to index
            %get3A_516 = arith.constant 32 : index
            %get3A_517 = tpu.vector_load %arg17[%get3A_515, %get3A_516] {strides = array<i32>} : memref<320x64xbf16, #tpu.memory_space<vmem>>, vector<32xbf16>,
            %bitcast3A_518 = vector.bitcast %get3A_517 : vector<32xbf16> to vector<16xi32>
            %shift_left3A_519 = arith.constant 16 : i32
            %shift_left3A_520 = vector.broadcast %shift_left3A_519 : i32 to vector<16xi32>
            %shift_left3A_521 = arith.shli %bitcast3A_518, %shift_left3A_520 : vector<16xi32>
            %bitcast3A_522 = vector.bitcast %shift_left3A_521 : vector<16xi32> to vector<16xf32>
            %and3A_523 = arith.andi %bitcast3A_518, %broadcast_in_dim3A_331 : vector<16xi32>
            %bitcast3A_524 = vector.bitcast %and3A_523 : vector<16xi32> to vector<16xf32>
            %get3A_525 = arith.index_cast %scan3A_490 : i32 to index
            %get3A_526 = arith.constant 32 : index
            %get3A_527 = tpu.vector_load %arg18[%get3A_525, %get3A_526] {strides = array<i32>} : memref<320x64xf32, #tpu.memory_space<vmem>>, vector<16xf32>,
            %mul3A_528 = arith.mulf %get3A_527, %bitcast3A_522 : vector<16xf32>
            %swap3A_529 = arith.index_cast %scan3A_490 : i32 to index
            %swap3A_530 = arith.constant 32 : index
            %swap3A_531 = tpu.vector_load %arg18[%swap3A_529, %swap3A_530] {strides = array<i32>} : memref<320x64xf32, #tpu.memory_space<vmem>>, vector<16xf32>,
            tpu.vector_store %arg18[%swap3A_529, %swap3A_530], %mul3A_528 {strides = array<i32>} : memref<320x64xf32, #tpu.memory_space<vmem>>, vector<16xf32>,
            %get3A_532 = arith.index_cast %scan3A_490 : i32 to index
            %get3A_533 = arith.constant 48 : index
            %get3A_534 = tpu.vector_load %arg18[%get3A_532, %get3A_533] {strides = array<i32>} : memref<320x64xf32, #tpu.memory_space<vmem>>, vector<16xf32>,
            %mul3A_535 = arith.mulf %get3A_534, %bitcast3A_524 : vector<16xf32>
            %swap3A_536 = arith.index_cast %scan3A_490 : i32 to index
            %swap3A_537 = arith.constant 48 : index
            %swap3A_538 = tpu.vector_load %arg18[%swap3A_536, %swap3A_537] {strides = array<i32>} : memref<320x64xf32, #tpu.memory_space<vmem>>, vector<16xf32>,
            tpu.vector_store %arg18[%swap3A_536, %swap3A_537], %mul3A_535 {strides = array<i32>} : memref<320x64xf32, #tpu.memory_space<vmem>>, vector<16xf32>,
            %scan3A_539 = arith.constant 0 : i32
            scf.yield %scan3A_539 : i32
          }
          %scan3A_338 = arith.constant 320 : i32
          "tpu.region"() ({
            %run_scoped3A = tpu.sem_alloc : memref<!tpu.dma_semaphore, #tpu.memory_space<semaphore_mem>>
            %dma_start3A_340 = arith.constant 0 : i32
            %dma_start3A_341 = arith.constant 0 : i32
            %dma_start3A_342 = tpu.memref_slice %arg20[%dma_start3A_340, %dma_start3A_341] : memref<16384x64xf32, #tpu.memory_space<vmem_shared>> -> memref<16384x64xf32, #tpu.memory_space<vmem_shared>>
            %dma_start3A_343 = arith.constant -1 : i32
            tpu.enqueue_indirect_dma source(%arg18 : memref<320x64xf32, #tpu.memory_space<vmem>>) target(%dma_start3A_342 : memref<16384x64xf32, #tpu.memory_space<vmem_shared>>) offsets(%arg16 : memref<320xi32, #tpu.memory_space<vmem>>) offset_filter(%dma_start3A_343) semaphore(%run_scoped3A : memref<!tpu.dma_semaphore, #tpu.memory_space<semaphore_mem>>) {add = true}
            %dma_wait3A_344 = arith.constant 0 : i32
            %dma_wait3A_345 = arith.constant 0 : i32
            %dma_wait3A_346 = tpu.memref_slice %arg20[%dma_wait3A_344, %dma_wait3A_345] : memref<16384x64xf32, #tpu.memory_space<vmem_shared>> -> memref<16384x64xf32, #tpu.memory_space<vmem_shared>>
            tpu.wait_indirect_dma semaphore(%run_scoped3A : memref<!tpu.dma_semaphore, #tpu.memory_space<semaphore_mem>>) src(%arg18 : memref<320x64xf32, #tpu.memory_space<vmem>>) dst(%dma_wait3A_346 : memref<16384x64xf32, #tpu.memory_space<vmem_shared>>)
            tpu.yield
          }) : () -> ()
          %while3A_339 = arith.constant 0 : i32
          scf.yield %while3A_339 : i32
        }
        %while3A_217 = arith.constant 1 : i32
        %while3A_218 = scf.for %while3A_307 = %while3A_214 to %while3A_210 step %while3A_217 iter_args(%while3A_308 = %while3A_216) -> (i32)  : i32 {
          %scan3A_309 = arith.constant 0 : i32
          %scan3A_310 = arith.constant 0 : i32
          %scan3A_311 = arith.constant 20 : i32
          %scan3A_312 = arith.addi %scan3A_310, %scan3A_311 : i32
          %scan3A_313 = arith.constant 4 : i32
          %scan3A_314 = scf.for %scan3A_340 = %scan3A_310 to %scan3A_312 step %scan3A_313 iter_args(%scan3A_341 = %scan3A_309) -> (i32)  : i32 {
            %mul3A_342 = arith.constant 16 : i32
            %mul3A_343 = arith.muli %scan3A_340, %mul3A_342 : i32
            %mul3A_344 = arith.constant 320 : i32
            %mul3A_345 = arith.muli %while3A_307, %mul3A_344 : i32
            %mul3A_346 = arith.constant 16 : i32
            %mul3A_347 = arith.muli %scan3A_340, %mul3A_346 : i32
            %add3A_348 = arith.addi %mul3A_345, %mul3A_347 : i32
            %get3A = arith.index_cast %add3A_348 : i32 to index
            %get3A_349 = tpu.vector_load %arg11[%get3A] {strides = array<i32>} : memref<4800xi32, #tpu.memory_space<vmem>>, vector<16xi32>,
            %swap3A = arith.index_cast %mul3A_343 : i32 to index
            %swap3A_350 = tpu.vector_load %arg14[%swap3A] {strides = array<i32>} : memref<320xi32, #tpu.memory_space<vmem>>, vector<16xi32>,
            tpu.vector_store %arg14[%swap3A], %get3A_349 {strides = array<i32>} : memref<320xi32, #tpu.memory_space<vmem>>, vector<16xi32>,
            %get3A_351 = arith.index_cast %add3A_348 : i32 to index
            %get3A_352 = tpu.vector_load %arg12[%get3A_351] {strides = array<i32>} : memref<4800xi32, #tpu.memory_space<vmem>>, vector<16xi32>,
            %swap3A_353 = arith.index_cast %mul3A_343 : i32 to index
            %swap3A_354 = tpu.vector_load %arg15[%swap3A_353] {strides = array<i32>} : memref<320xi32, #tpu.memory_space<vmem>>, vector<16xi32>,
            tpu.vector_store %arg15[%swap3A_353], %get3A_352 {strides = array<i32>} : memref<320xi32, #tpu.memory_space<vmem>>, vector<16xi32>,
            %get3A_355 = arith.index_cast %add3A_348 : i32 to index
            %get3A_356 = tpu.vector_load %arg13[%get3A_355] {strides = array<i32>} : memref<4800xi32, #tpu.memory_space<vmem>>, vector<16xi32>,
            %swap3A_357 = arith.index_cast %mul3A_343 : i32 to index
            %swap3A_358 = tpu.vector_load %arg16[%swap3A_357] {strides = array<i32>} : memref<320xi32, #tpu.memory_space<vmem>>, vector<16xi32>,
            tpu.vector_store %arg16[%swap3A_357], %get3A_356 {strides = array<i32>} : memref<320xi32, #tpu.memory_space<vmem>>, vector<16xi32>,
            %scan3A_359 = arith.constant 0 : i32
            %scan3A_360 = arith.constant 1 : i32
            %scan3A_361 = arith.addi %scan3A_340, %scan3A_360 : i32
            %mul3A_362 = arith.constant 16 : i32
            %mul3A_363 = arith.muli %scan3A_361, %mul3A_362 : i32
            %mul3A_364 = arith.constant 320 : i32
            %mul3A_365 = arith.muli %while3A_307, %mul3A_364 : i32
            %mul3A_366 = arith.constant 16 : i32
            %mul3A_367 = arith.muli %scan3A_361, %mul3A_366 : i32
            %add3A_368 = arith.addi %mul3A_365, %mul3A_367 : i32
            %get3A_369 = arith.index_cast %add3A_368 : i32 to index
            %get3A_370 = tpu.vector_load %arg11[%get3A_369] {strides = array<i32>} : memref<4800xi32, #tpu.memory_space<vmem>>, vector<16xi32>,
            %swap3A_371 = arith.index_cast %mul3A_363 : i32 to index
            %swap3A_372 = tpu.vector_load %arg14[%swap3A_371] {strides = array<i32>} : memref<320xi32, #tpu.memory_space<vmem>>, vector<16xi32>,
            tpu.vector_store %arg14[%swap3A_371], %get3A_370 {strides = array<i32>} : memref<320xi32, #tpu.memory_space<vmem>>, vector<16xi32>,
            %get3A_373 = arith.index_cast %add3A_368 : i32 to index
            %get3A_374 = tpu.vector_load %arg12[%get3A_373] {strides = array<i32>} : memref<4800xi32, #tpu.memory_space<vmem>>, vector<16xi32>,
            %swap3A_375 = arith.index_cast %mul3A_363 : i32 to index
            %swap3A_376 = tpu.vector_load %arg15[%swap3A_375] {strides = array<i32>} : memref<320xi32, #tpu.memory_space<vmem>>, vector<16xi32>,
            tpu.vector_store %arg15[%swap3A_375], %get3A_374 {strides = array<i32>} : memref<320xi32, #tpu.memory_space<vmem>>, vector<16xi32>,
            %get3A_377 = arith.index_cast %add3A_368 : i32 to index
            %get3A_378 = tpu.vector_load %arg13[%get3A_377] {strides = array<i32>} : memref<4800xi32, #tpu.memory_space<vmem>>, vector<16xi32>,
            %swap3A_379 = arith.index_cast %mul3A_363 : i32 to index
            %swap3A_380 = tpu.vector_load %arg16[%swap3A_379] {strides = array<i32>} : memref<320xi32, #tpu.memory_space<vmem>>, vector<16xi32>,
            tpu.vector_store %arg16[%swap3A_379], %get3A_378 {strides = array<i32>} : memref<320xi32, #tpu.memory_space<vmem>>, vector<16xi32>,
            %scan3A_381 = arith.constant 0 : i32
            %scan3A_382 = arith.constant 2 : i32
            %scan3A_383 = arith.addi %scan3A_340, %scan3A_382 : i32
            %mul3A_384 = arith.constant 16 : i32
            %mul3A_385 = arith.muli %scan3A_383, %mul3A_384 : i32
            %mul3A_386 = arith.constant 320 : i32
            %mul3A_387 = arith.muli %while3A_307, %mul3A_386 : i32
            %mul3A_388 = arith.constant 16 : i32
            %mul3A_389 = arith.muli %scan3A_383, %mul3A_388 : i32
            %add3A_390 = arith.addi %mul3A_387, %mul3A_389 : i32
            %get3A_391 = arith.index_cast %add3A_390 : i32 to index
            %get3A_392 = tpu.vector_load %arg11[%get3A_391] {strides = array<i32>} : memref<4800xi32, #tpu.memory_space<vmem>>, vector<16xi32>,
            %swap3A_393 = arith.index_cast %mul3A_385 : i32 to index
            %swap3A_394 = tpu.vector_load %arg14[%swap3A_393] {strides = array<i32>} : memref<320xi32, #tpu.memory_space<vmem>>, vector<16xi32>,
            tpu.vector_store %arg14[%swap3A_393], %get3A_392 {strides = array<i32>} : memref<320xi32, #tpu.memory_space<vmem>>, vector<16xi32>,
            %get3A_395 = arith.index_cast %add3A_390 : i32 to index
            %get3A_396 = tpu.vector_load %arg12[%get3A_395] {strides = array<i32>} : memref<4800xi32, #tpu.memory_space<vmem>>, vector<16xi32>,
            %swap3A_397 = arith.index_cast %mul3A_385 : i32 to index
            %swap3A_398 = tpu.vector_load %arg15[%swap3A_397] {strides = array<i32>} : memref<320xi32, #tpu.memory_space<vmem>>, vector<16xi32>,
            tpu.vector_store %arg15[%swap3A_397], %get3A_396 {strides = array<i32>} : memref<320xi32, #tpu.memory_space<vmem>>, vector<16xi32>,
            %get3A_399 = arith.index_cast %add3A_390 : i32 to index
            %get3A_400 = tpu.vector_load %arg13[%get3A_399] {strides = array<i32>} : memref<4800xi32, #tpu.memory_space<vmem>>, vector<16xi32>,
            %swap3A_401 = arith.index_cast %mul3A_385 : i32 to index
            %swap3A_402 = tpu.vector_load %arg16[%swap3A_401] {strides = array<i32>} : memref<320xi32, #tpu.memory_space<vmem>>, vector<16xi32>,
            tpu.vector_store %arg16[%swap3A_401], %get3A_400 {strides = array<i32>} : memref<320xi32, #tpu.memory_space<vmem>>, vector<16xi32>,
            %scan3A_403 = arith.constant 0 : i32
            %scan3A_404 = arith.constant 3 : i32
            %scan3A_405 = arith.addi %scan3A_340, %scan3A_404 : i32
            %mul3A_406 = arith.constant 16 : i32
            %mul3A_407 = arith.muli %scan3A_405, %mul3A_406 : i32
            %mul3A_408 = arith.constant 320 : i32
            %mul3A_409 = arith.muli %while3A_307, %mul3A_408 : i32
            %mul3A_410 = arith.constant 16 : i32
            %mul3A_411 = arith.muli %scan3A_405, %mul3A_410 : i32
            %add3A_412 = arith.addi %mul3A_409, %mul3A_411 : i32
            %get3A_413 = arith.index_cast %add3A_412 : i32 to index
            %get3A_414 = tpu.vector_load %arg11[%get3A_413] {strides = array<i32>} : memref<4800xi32, #tpu.memory_space<vmem>>, vector<16xi32>,
            %swap3A_415 = arith.index_cast %mul3A_407 : i32 to index
            %swap3A_416 = tpu.vector_load %arg14[%swap3A_415] {strides = array<i32>} : memref<320xi32, #tpu.memory_space<vmem>>, vector<16xi32>,
            tpu.vector_store %arg14[%swap3A_415], %get3A_414 {strides = array<i32>} : memref<320xi32, #tpu.memory_space<vmem>>, vector<16xi32>,
            %get3A_417 = arith.index_cast %add3A_412 : i32 to index
            %get3A_418 = tpu.vector_load %arg12[%get3A_417] {strides = array<i32>} : memref<4800xi32, #tpu.memory_space<vmem>>, vector<16xi32>,
            %swap3A_419 = arith.index_cast %mul3A_407 : i32 to index
            %swap3A_420 = tpu.vector_load %arg15[%swap3A_419] {strides = array<i32>} : memref<320xi32, #tpu.memory_space<vmem>>, vector<16xi32>,
            tpu.vector_store %arg15[%swap3A_419], %get3A_418 {strides = array<i32>} : memref<320xi32, #tpu.memory_space<vmem>>, vector<16xi32>,
            %get3A_421 = arith.index_cast %add3A_412 : i32 to index
            %get3A_422 = tpu.vector_load %arg13[%get3A_421] {strides = array<i32>} : memref<4800xi32, #tpu.memory_space<vmem>>, vector<16xi32>,
            %swap3A_423 = arith.index_cast %mul3A_407 : i32 to index
            %swap3A_424 = tpu.vector_load %arg16[%swap3A_423] {strides = array<i32>} : memref<320xi32, #tpu.memory_space<vmem>>, vector<16xi32>,
            tpu.vector_store %arg16[%swap3A_423], %get3A_422 {strides = array<i32>} : memref<320xi32, #tpu.memory_space<vmem>>, vector<16xi32>,
            %scan3A_425 = arith.constant 0 : i32
            scf.yield %scan3A_425 : i32
          }
          %scan3A_315 = arith.constant 20 : i32
          %dma_start3A_316 = arith.constant 0 : i32
          %dma_start3A_317 = arith.constant 0 : i32
          %dma_start3A_318 = tpu.memref_slice %arg2[%dma_start3A_316, %dma_start3A_317] : memref<1280000x64xbf16, #tpu.memory_space<hbm>> -> memref<1280000x64xbf16, #tpu.memory_space<hbm>>
          %dma_start3A_319 = arith.constant -1 : i32
          tpu.enqueue_indirect_dma source(%dma_start3A_318 : memref<1280000x64xbf16, #tpu.memory_space<hbm>>) target(%arg17 : memref<320x64xbf16, #tpu.memory_space<vmem>>) offsets(%arg14 : memref<320xi32, #tpu.memory_space<vmem>>) offset_filter(%dma_start3A_319) semaphore(%arg21 : memref<!tpu.dma_semaphore, #tpu.memory_space<semaphore_mem>>)
          %dma_start3A_320 = arith.constant 0 : i32
          %dma_start3A_321 = arith.constant 0 : i32
          %dma_start3A_322 = tpu.memref_slice %arg5[%dma_start3A_320, %dma_start3A_321] : memref<320000x64xf32, #tpu.memory_space<hbm>> -> memref<320000x64xf32, #tpu.memory_space<hbm>>
          %dma_start3A_323 = arith.constant -1 : i32
          tpu.enqueue_indirect_dma source(%dma_start3A_322 : memref<320000x64xf32, #tpu.memory_space<hbm>>) target(%arg18 : memref<320x64xf32, #tpu.memory_space<vmem>>) offsets(%arg15 : memref<320xi32, #tpu.memory_space<vmem>>) offset_filter(%dma_start3A_323) semaphore(%arg22 : memref<!tpu.dma_semaphore, #tpu.memory_space<semaphore_mem>>)
          %dma_wait3A_324 = arith.constant 0 : i32
          %dma_wait3A_325 = arith.constant 0 : i32
          %dma_wait3A_326 = tpu.memref_slice %arg2[%dma_wait3A_324, %dma_wait3A_325] : memref<1280000x64xbf16, #tpu.memory_space<hbm>> -> memref<1280000x64xbf16, #tpu.memory_space<hbm>>
          tpu.wait_indirect_dma semaphore(%arg21 : memref<!tpu.dma_semaphore, #tpu.memory_space<semaphore_mem>>) src(%dma_wait3A_326 : memref<1280000x64xbf16, #tpu.memory_space<hbm>>) dst(%arg17 : memref<320x64xbf16, #tpu.memory_space<vmem>>)
          %dma_wait3A_327 = arith.constant 0 : i32
          %dma_wait3A_328 = arith.constant 0 : i32
          %dma_wait3A_329 = tpu.memref_slice %arg5[%dma_wait3A_327, %dma_wait3A_328] : memref<320000x64xf32, #tpu.memory_space<hbm>> -> memref<320000x64xf32, #tpu.memory_space<hbm>>
          tpu.wait_indirect_dma semaphore(%arg22 : memref<!tpu.dma_semaphore, #tpu.memory_space<semaphore_mem>>) src(%dma_wait3A_329 : memref<320000x64xf32, #tpu.memory_space<hbm>>) dst(%arg18 : memref<320x64xf32, #tpu.memory_space<vmem>>)
          %broadcast_in_dim3A_330 = arith.constant -65536 : i32
          %broadcast_in_dim3A_331 = vector.broadcast %broadcast_in_dim3A_330 : i32 to vector<16xi32>
          %scan3A_332 = arith.constant 0 : i32
          %scan3A_333 = arith.constant 0 : i32
          %scan3A_334 = arith.constant 320 : i32
          %scan3A_335 = arith.addi %scan3A_333, %scan3A_334 : i32
          %scan3A_336 = arith.constant 4 : i32
          %scan3A_337 = scf.for %scan3A_340 = %scan3A_333 to %scan3A_335 step %scan3A_336 iter_args(%scan3A_341 = %scan3A_332) -> (i32)  : i32 {
            %get3A = arith.index_cast %scan3A_340 : i32 to index
            %get3A_342 = arith.constant 0 : index
            %get3A_343 = tpu.vector_load %arg17[%get3A, %get3A_342] {strides = array<i32>} : memref<320x64xbf16, #tpu.memory_space<vmem>>, vector<32xbf16>,
            %bitcast3A = vector.bitcast %get3A_343 : vector<32xbf16> to vector<16xi32>
            %shift_left3A = arith.constant 16 : i32
            %shift_left3A_344 = vector.broadcast %shift_left3A : i32 to vector<16xi32>
            %shift_left3A_345 = arith.shli %bitcast3A, %shift_left3A_344 : vector<16xi32>
            %bitcast3A_346 = vector.bitcast %shift_left3A_345 : vector<16xi32> to vector<16xf32>
            %and3A_347 = arith.andi %bitcast3A, %broadcast_in_dim3A_331 : vector<16xi32>
            %bitcast3A_348 = vector.bitcast %and3A_347 : vector<16xi32> to vector<16xf32>
            %get3A_349 = arith.index_cast %scan3A_340 : i32 to index
            %get3A_350 = arith.constant 0 : index
            %get3A_351 = tpu.vector_load %arg18[%get3A_349, %get3A_350] {strides = array<i32>} : memref<320x64xf32, #tpu.memory_space<vmem>>, vector<16xf32>,
            %mul3A_352 = arith.mulf %get3A_351, %bitcast3A_346 : vector<16xf32>
            %swap3A = arith.index_cast %scan3A_340 : i32 to index
            %swap3A_353 = arith.constant 0 : index
            %swap3A_354 = tpu.vector_load %arg18[%swap3A, %swap3A_353] {strides = array<i32>} : memref<320x64xf32, #tpu.memory_space<vmem>>, vector<16xf32>,
            tpu.vector_store %arg18[%swap3A, %swap3A_353], %mul3A_352 {strides = array<i32>} : memref<320x64xf32, #tpu.memory_space<vmem>>, vector<16xf32>,
            %get3A_355 = arith.index_cast %scan3A_340 : i32 to index
            %get3A_356 = arith.constant 16 : index
            %get3A_357 = tpu.vector_load %arg18[%get3A_355, %get3A_356] {strides = array<i32>} : memref<320x64xf32, #tpu.memory_space<vmem>>, vector<16xf32>,
            %mul3A_358 = arith.mulf %get3A_357, %bitcast3A_348 : vector<16xf32>
            %swap3A_359 = arith.index_cast %scan3A_340 : i32 to index
            %swap3A_360 = arith.constant 16 : index
            %swap3A_361 = tpu.vector_load %arg18[%swap3A_359, %swap3A_360] {strides = array<i32>} : memref<320x64xf32, #tpu.memory_space<vmem>>, vector<16xf32>,
            tpu.vector_store %arg18[%swap3A_359, %swap3A_360], %mul3A_358 {strides = array<i32>} : memref<320x64xf32, #tpu.memory_space<vmem>>, vector<16xf32>,
            %get3A_362 = arith.index_cast %scan3A_340 : i32 to index
            %get3A_363 = arith.constant 32 : index
            %get3A_364 = tpu.vector_load %arg17[%get3A_362, %get3A_363] {strides = array<i32>} : memref<320x64xbf16, #tpu.memory_space<vmem>>, vector<32xbf16>,
            %bitcast3A_365 = vector.bitcast %get3A_364 : vector<32xbf16> to vector<16xi32>
            %shift_left3A_366 = arith.constant 16 : i32
            %shift_left3A_367 = vector.broadcast %shift_left3A_366 : i32 to vector<16xi32>
            %shift_left3A_368 = arith.shli %bitcast3A_365, %shift_left3A_367 : vector<16xi32>
            %bitcast3A_369 = vector.bitcast %shift_left3A_368 : vector<16xi32> to vector<16xf32>
            %and3A_370 = arith.andi %bitcast3A_365, %broadcast_in_dim3A_331 : vector<16xi32>
            %bitcast3A_371 = vector.bitcast %and3A_370 : vector<16xi32> to vector<16xf32>
            %get3A_372 = arith.index_cast %scan3A_340 : i32 to index
            %get3A_373 = arith.constant 32 : index
            %get3A_374 = tpu.vector_load %arg18[%get3A_372, %get3A_373] {strides = array<i32>} : memref<320x64xf32, #tpu.memory_space<vmem>>, vector<16xf32>,
            %mul3A_375 = arith.mulf %get3A_374, %bitcast3A_369 : vector<16xf32>
            %swap3A_376 = arith.index_cast %scan3A_340 : i32 to index
            %swap3A_377 = arith.constant 32 : index
            %swap3A_378 = tpu.vector_load %arg18[%swap3A_376, %swap3A_377] {strides = array<i32>} : memref<320x64xf32, #tpu.memory_space<vmem>>, vector<16xf32>,
            tpu.vector_store %arg18[%swap3A_376, %swap3A_377], %mul3A_375 {strides = array<i32>} : memref<320x64xf32, #tpu.memory_space<vmem>>, vector<16xf32>,
            %get3A_379 = arith.index_cast %scan3A_340 : i32 to index
            %get3A_380 = arith.constant 48 : index
            %get3A_381 = tpu.vector_load %arg18[%get3A_379, %get3A_380] {strides = array<i32>} : memref<320x64xf32, #tpu.memory_space<vmem>>, vector<16xf32>,
            %mul3A_382 = arith.mulf %get3A_381, %bitcast3A_371 : vector<16xf32>
            %swap3A_383 = arith.index_cast %scan3A_340 : i32 to index
            %swap3A_384 = arith.constant 48 : index
            %swap3A_385 = tpu.vector_load %arg18[%swap3A_383, %swap3A_384] {strides = array<i32>} : memref<320x64xf32, #tpu.memory_space<vmem>>, vector<16xf32>,
            tpu.vector_store %arg18[%swap3A_383, %swap3A_384], %mul3A_382 {strides = array<i32>} : memref<320x64xf32, #tpu.memory_space<vmem>>, vector<16xf32>,
            %scan3A_386 = arith.constant 0 : i32
            %scan3A_387 = arith.constant 1 : i32
            %scan3A_388 = arith.addi %scan3A_340, %scan3A_387 : i32
            %get3A_389 = arith.index_cast %scan3A_388 : i32 to index
            %get3A_390 = arith.constant 0 : index
            %get3A_391 = tpu.vector_load %arg17[%get3A_389, %get3A_390] {strides = array<i32>} : memref<320x64xbf16, #tpu.memory_space<vmem>>, vector<32xbf16>,
            %bitcast3A_392 = vector.bitcast %get3A_391 : vector<32xbf16> to vector<16xi32>
            %shift_left3A_393 = arith.constant 16 : i32
            %shift_left3A_394 = vector.broadcast %shift_left3A_393 : i32 to vector<16xi32>
            %shift_left3A_395 = arith.shli %bitcast3A_392, %shift_left3A_394 : vector<16xi32>
            %bitcast3A_396 = vector.bitcast %shift_left3A_395 : vector<16xi32> to vector<16xf32>
            %and3A_397 = arith.andi %bitcast3A_392, %broadcast_in_dim3A_331 : vector<16xi32>
            %bitcast3A_398 = vector.bitcast %and3A_397 : vector<16xi32> to vector<16xf32>
            %get3A_399 = arith.index_cast %scan3A_388 : i32 to index
            %get3A_400 = arith.constant 0 : index
            %get3A_401 = tpu.vector_load %arg18[%get3A_399, %get3A_400] {strides = array<i32>} : memref<320x64xf32, #tpu.memory_space<vmem>>, vector<16xf32>,
            %mul3A_402 = arith.mulf %get3A_401, %bitcast3A_396 : vector<16xf32>
            %swap3A_403 = arith.index_cast %scan3A_388 : i32 to index
            %swap3A_404 = arith.constant 0 : index
            %swap3A_405 = tpu.vector_load %arg18[%swap3A_403, %swap3A_404] {strides = array<i32>} : memref<320x64xf32, #tpu.memory_space<vmem>>, vector<16xf32>,
            tpu.vector_store %arg18[%swap3A_403, %swap3A_404], %mul3A_402 {strides = array<i32>} : memref<320x64xf32, #tpu.memory_space<vmem>>, vector<16xf32>,
            %get3A_406 = arith.index_cast %scan3A_388 : i32 to index
            %get3A_407 = arith.constant 16 : index
            %get3A_408 = tpu.vector_load %arg18[%get3A_406, %get3A_407] {strides = array<i32>} : memref<320x64xf32, #tpu.memory_space<vmem>>, vector<16xf32>,
            %mul3A_409 = arith.mulf %get3A_408, %bitcast3A_398 : vector<16xf32>
            %swap3A_410 = arith.index_cast %scan3A_388 : i32 to index
            %swap3A_411 = arith.constant 16 : index
            %swap3A_412 = tpu.vector_load %arg18[%swap3A_410, %swap3A_411] {strides = array<i32>} : memref<320x64xf32, #tpu.memory_space<vmem>>, vector<16xf32>,
            tpu.vector_store %arg18[%swap3A_410, %swap3A_411], %mul3A_409 {strides = array<i32>} : memref<320x64xf32, #tpu.memory_space<vmem>>, vector<16xf32>,
            %get3A_413 = arith.index_cast %scan3A_388 : i32 to index
            %get3A_414 = arith.constant 32 : index
            %get3A_415 = tpu.vector_load %arg17[%get3A_413, %get3A_414] {strides = array<i32>} : memref<320x64xbf16, #tpu.memory_space<vmem>>, vector<32xbf16>,
            %bitcast3A_416 = vector.bitcast %get3A_415 : vector<32xbf16> to vector<16xi32>
            %shift_left3A_417 = arith.constant 16 : i32
            %shift_left3A_418 = vector.broadcast %shift_left3A_417 : i32 to vector<16xi32>
            %shift_left3A_419 = arith.shli %bitcast3A_416, %shift_left3A_418 : vector<16xi32>
            %bitcast3A_420 = vector.bitcast %shift_left3A_419 : vector<16xi32> to vector<16xf32>
            %and3A_421 = arith.andi %bitcast3A_416, %broadcast_in_dim3A_331 : vector<16xi32>
            %bitcast3A_422 = vector.bitcast %and3A_421 : vector<16xi32> to vector<16xf32>
            %get3A_423 = arith.index_cast %scan3A_388 : i32 to index
            %get3A_424 = arith.constant 32 : index
            %get3A_425 = tpu.vector_load %arg18[%get3A_423, %get3A_424] {strides = array<i32>} : memref<320x64xf32, #tpu.memory_space<vmem>>, vector<16xf32>,
            %mul3A_426 = arith.mulf %get3A_425, %bitcast3A_420 : vector<16xf32>
            %swap3A_427 = arith.index_cast %scan3A_388 : i32 to index
            %swap3A_428 = arith.constant 32 : index
            %swap3A_429 = tpu.vector_load %arg18[%swap3A_427, %swap3A_428] {strides = array<i32>} : memref<320x64xf32, #tpu.memory_space<vmem>>, vector<16xf32>,
            tpu.vector_store %arg18[%swap3A_427, %swap3A_428], %mul3A_426 {strides = array<i32>} : memref<320x64xf32, #tpu.memory_space<vmem>>, vector<16xf32>,
            %get3A_430 = arith.index_cast %scan3A_388 : i32 to index
            %get3A_431 = arith.constant 48 : index
            %get3A_432 = tpu.vector_load %arg18[%get3A_430, %get3A_431] {strides = array<i32>} : memref<320x64xf32, #tpu.memory_space<vmem>>, vector<16xf32>,
            %mul3A_433 = arith.mulf %get3A_432, %bitcast3A_422 : vector<16xf32>
            %swap3A_434 = arith.index_cast %scan3A_388 : i32 to index
            %swap3A_435 = arith.constant 48 : index
            %swap3A_436 = tpu.vector_load %arg18[%swap3A_434, %swap3A_435] {strides = array<i32>} : memref<320x64xf32, #tpu.memory_space<vmem>>, vector<16xf32>,
            tpu.vector_store %arg18[%swap3A_434, %swap3A_435], %mul3A_433 {strides = array<i32>} : memref<320x64xf32, #tpu.memory_space<vmem>>, vector<16xf32>,
            %scan3A_437 = arith.constant 0 : i32
            %scan3A_438 = arith.constant 2 : i32
            %scan3A_439 = arith.addi %scan3A_340, %scan3A_438 : i32
            %get3A_440 = arith.index_cast %scan3A_439 : i32 to index
            %get3A_441 = arith.constant 0 : index
            %get3A_442 = tpu.vector_load %arg17[%get3A_440, %get3A_441] {strides = array<i32>} : memref<320x64xbf16, #tpu.memory_space<vmem>>, vector<32xbf16>,
            %bitcast3A_443 = vector.bitcast %get3A_442 : vector<32xbf16> to vector<16xi32>
            %shift_left3A_444 = arith.constant 16 : i32
            %shift_left3A_445 = vector.broadcast %shift_left3A_444 : i32 to vector<16xi32>
            %shift_left3A_446 = arith.shli %bitcast3A_443, %shift_left3A_445 : vector<16xi32>
            %bitcast3A_447 = vector.bitcast %shift_left3A_446 : vector<16xi32> to vector<16xf32>
            %and3A_448 = arith.andi %bitcast3A_443, %broadcast_in_dim3A_331 : vector<16xi32>
            %bitcast3A_449 = vector.bitcast %and3A_448 : vector<16xi32> to vector<16xf32>
            %get3A_450 = arith.index_cast %scan3A_439 : i32 to index
            %get3A_451 = arith.constant 0 : index
            %get3A_452 = tpu.vector_load %arg18[%get3A_450, %get3A_451] {strides = array<i32>} : memref<320x64xf32, #tpu.memory_space<vmem>>, vector<16xf32>,
            %mul3A_453 = arith.mulf %get3A_452, %bitcast3A_447 : vector<16xf32>
            %swap3A_454 = arith.index_cast %scan3A_439 : i32 to index
            %swap3A_455 = arith.constant 0 : index
            %swap3A_456 = tpu.vector_load %arg18[%swap3A_454, %swap3A_455] {strides = array<i32>} : memref<320x64xf32, #tpu.memory_space<vmem>>, vector<16xf32>,
            tpu.vector_store %arg18[%swap3A_454, %swap3A_455], %mul3A_453 {strides = array<i32>} : memref<320x64xf32, #tpu.memory_space<vmem>>, vector<16xf32>,
            %get3A_457 = arith.index_cast %scan3A_439 : i32 to index
            %get3A_458 = arith.constant 16 : index
            %get3A_459 = tpu.vector_load %arg18[%get3A_457, %get3A_458] {strides = array<i32>} : memref<320x64xf32, #tpu.memory_space<vmem>>, vector<16xf32>,
            %mul3A_460 = arith.mulf %get3A_459, %bitcast3A_449 : vector<16xf32>
            %swap3A_461 = arith.index_cast %scan3A_439 : i32 to index
            %swap3A_462 = arith.constant 16 : index
            %swap3A_463 = tpu.vector_load %arg18[%swap3A_461, %swap3A_462] {strides = array<i32>} : memref<320x64xf32, #tpu.memory_space<vmem>>, vector<16xf32>,
            tpu.vector_store %arg18[%swap3A_461, %swap3A_462], %mul3A_460 {strides = array<i32>} : memref<320x64xf32, #tpu.memory_space<vmem>>, vector<16xf32>,
            %get3A_464 = arith.index_cast %scan3A_439 : i32 to index
            %get3A_465 = arith.constant 32 : index
            %get3A_466 = tpu.vector_load %arg17[%get3A_464, %get3A_465] {strides = array<i32>} : memref<320x64xbf16, #tpu.memory_space<vmem>>, vector<32xbf16>,
            %bitcast3A_467 = vector.bitcast %get3A_466 : vector<32xbf16> to vector<16xi32>
            %shift_left3A_468 = arith.constant 16 : i32
            %shift_left3A_469 = vector.broadcast %shift_left3A_468 : i32 to vector<16xi32>
            %shift_left3A_470 = arith.shli %bitcast3A_467, %shift_left3A_469 : vector<16xi32>
            %bitcast3A_471 = vector.bitcast %shift_left3A_470 : vector<16xi32> to vector<16xf32>
            %and3A_472 = arith.andi %bitcast3A_467, %broadcast_in_dim3A_331 : vector<16xi32>
            %bitcast3A_473 = vector.bitcast %and3A_472 : vector<16xi32> to vector<16xf32>
            %get3A_474 = arith.index_cast %scan3A_439 : i32 to index
            %get3A_475 = arith.constant 32 : index
            %get3A_476 = tpu.vector_load %arg18[%get3A_474, %get3A_475] {strides = array<i32>} : memref<320x64xf32, #tpu.memory_space<vmem>>, vector<16xf32>,
            %mul3A_477 = arith.mulf %get3A_476, %bitcast3A_471 : vector<16xf32>
            %swap3A_478 = arith.index_cast %scan3A_439 : i32 to index
            %swap3A_479 = arith.constant 32 : index
            %swap3A_480 = tpu.vector_load %arg18[%swap3A_478, %swap3A_479] {strides = array<i32>} : memref<320x64xf32, #tpu.memory_space<vmem>>, vector<16xf32>,
            tpu.vector_store %arg18[%swap3A_478, %swap3A_479], %mul3A_477 {strides = array<i32>} : memref<320x64xf32, #tpu.memory_space<vmem>>, vector<16xf32>,
            %get3A_481 = arith.index_cast %scan3A_439 : i32 to index
            %get3A_482 = arith.constant 48 : index
            %get3A_483 = tpu.vector_load %arg18[%get3A_481, %get3A_482] {strides = array<i32>} : memref<320x64xf32, #tpu.memory_space<vmem>>, vector<16xf32>,
            %mul3A_484 = arith.mulf %get3A_483, %bitcast3A_473 : vector<16xf32>
            %swap3A_485 = arith.index_cast %scan3A_439 : i32 to index
            %swap3A_486 = arith.constant 48 : index
            %swap3A_487 = tpu.vector_load %arg18[%swap3A_485, %swap3A_486] {strides = array<i32>} : memref<320x64xf32, #tpu.memory_space<vmem>>, vector<16xf32>,
            tpu.vector_store %arg18[%swap3A_485, %swap3A_486], %mul3A_484 {strides = array<i32>} : memref<320x64xf32, #tpu.memory_space<vmem>>, vector<16xf32>,
            %scan3A_488 = arith.constant 0 : i32
            %scan3A_489 = arith.constant 3 : i32
            %scan3A_490 = arith.addi %scan3A_340, %scan3A_489 : i32
            %get3A_491 = arith.index_cast %scan3A_490 : i32 to index
            %get3A_492 = arith.constant 0 : index
            %get3A_493 = tpu.vector_load %arg17[%get3A_491, %get3A_492] {strides = array<i32>} : memref<320x64xbf16, #tpu.memory_space<vmem>>, vector<32xbf16>,
            %bitcast3A_494 = vector.bitcast %get3A_493 : vector<32xbf16> to vector<16xi32>
            %shift_left3A_495 = arith.constant 16 : i32
            %shift_left3A_496 = vector.broadcast %shift_left3A_495 : i32 to vector<16xi32>
            %shift_left3A_497 = arith.shli %bitcast3A_494, %shift_left3A_496 : vector<16xi32>
            %bitcast3A_498 = vector.bitcast %shift_left3A_497 : vector<16xi32> to vector<16xf32>
            %and3A_499 = arith.andi %bitcast3A_494, %broadcast_in_dim3A_331 : vector<16xi32>
            %bitcast3A_500 = vector.bitcast %and3A_499 : vector<16xi32> to vector<16xf32>
            %get3A_501 = arith.index_cast %scan3A_490 : i32 to index
            %get3A_502 = arith.constant 0 : index
            %get3A_503 = tpu.vector_load %arg18[%get3A_501, %get3A_502] {strides = array<i32>} : memref<320x64xf32, #tpu.memory_space<vmem>>, vector<16xf32>,
            %mul3A_504 = arith.mulf %get3A_503, %bitcast3A_498 : vector<16xf32>
            %swap3A_505 = arith.index_cast %scan3A_490 : i32 to index
            %swap3A_506 = arith.constant 0 : index
            %swap3A_507 = tpu.vector_load %arg18[%swap3A_505, %swap3A_506] {strides = array<i32>} : memref<320x64xf32, #tpu.memory_space<vmem>>, vector<16xf32>,
            tpu.vector_store %arg18[%swap3A_505, %swap3A_506], %mul3A_504 {strides = array<i32>} : memref<320x64xf32, #tpu.memory_space<vmem>>, vector<16xf32>,
            %get3A_508 = arith.index_cast %scan3A_490 : i32 to index
            %get3A_509 = arith.constant 16 : index
            %get3A_510 = tpu.vector_load %arg18[%get3A_508, %get3A_509] {strides = array<i32>} : memref<320x64xf32, #tpu.memory_space<vmem>>, vector<16xf32>,
            %mul3A_511 = arith.mulf %get3A_510, %bitcast3A_500 : vector<16xf32>
            %swap3A_512 = arith.index_cast %scan3A_490 : i32 to index
            %swap3A_513 = arith.constant 16 : index
            %swap3A_514 = tpu.vector_load %arg18[%swap3A_512, %swap3A_513] {strides = array<i32>} : memref<320x64xf32, #tpu.memory_space<vmem>>, vector<16xf32>,
            tpu.vector_store %arg18[%swap3A_512, %swap3A_513], %mul3A_511 {strides = array<i32>} : memref<320x64xf32, #tpu.memory_space<vmem>>, vector<16xf32>,
            %get3A_515 = arith.index_cast %scan3A_490 : i32 to index
            %get3A_516 = arith.constant 32 : index
            %get3A_517 = tpu.vector_load %arg17[%get3A_515, %get3A_516] {strides = array<i32>} : memref<320x64xbf16, #tpu.memory_space<vmem>>, vector<32xbf16>,
            %bitcast3A_518 = vector.bitcast %get3A_517 : vector<32xbf16> to vector<16xi32>
            %shift_left3A_519 = arith.constant 16 : i32
            %shift_left3A_520 = vector.broadcast %shift_left3A_519 : i32 to vector<16xi32>
            %shift_left3A_521 = arith.shli %bitcast3A_518, %shift_left3A_520 : vector<16xi32>
            %bitcast3A_522 = vector.bitcast %shift_left3A_521 : vector<16xi32> to vector<16xf32>
            %and3A_523 = arith.andi %bitcast3A_518, %broadcast_in_dim3A_331 : vector<16xi32>
            %bitcast3A_524 = vector.bitcast %and3A_523 : vector<16xi32> to vector<16xf32>
            %get3A_525 = arith.index_cast %scan3A_490 : i32 to index
            %get3A_526 = arith.constant 32 : index
            %get3A_527 = tpu.vector_load %arg18[%get3A_525, %get3A_526] {strides = array<i32>} : memref<320x64xf32, #tpu.memory_space<vmem>>, vector<16xf32>,
            %mul3A_528 = arith.mulf %get3A_527, %bitcast3A_522 : vector<16xf32>
            %swap3A_529 = arith.index_cast %scan3A_490 : i32 to index
            %swap3A_530 = arith.constant 32 : index
            %swap3A_531 = tpu.vector_load %arg18[%swap3A_529, %swap3A_530] {strides = array<i32>} : memref<320x64xf32, #tpu.memory_space<vmem>>, vector<16xf32>,
            tpu.vector_store %arg18[%swap3A_529, %swap3A_530], %mul3A_528 {strides = array<i32>} : memref<320x64xf32, #tpu.memory_space<vmem>>, vector<16xf32>,
            %get3A_532 = arith.index_cast %scan3A_490 : i32 to index
            %get3A_533 = arith.constant 48 : index
            %get3A_534 = tpu.vector_load %arg18[%get3A_532, %get3A_533] {strides = array<i32>} : memref<320x64xf32, #tpu.memory_space<vmem>>, vector<16xf32>,
            %mul3A_535 = arith.mulf %get3A_534, %bitcast3A_524 : vector<16xf32>
            %swap3A_536 = arith.index_cast %scan3A_490 : i32 to index
            %swap3A_537 = arith.constant 48 : index
            %swap3A_538 = tpu.vector_load %arg18[%swap3A_536, %swap3A_537] {strides = array<i32>} : memref<320x64xf32, #tpu.memory_space<vmem>>, vector<16xf32>,
            tpu.vector_store %arg18[%swap3A_536, %swap3A_537], %mul3A_535 {strides = array<i32>} : memref<320x64xf32, #tpu.memory_space<vmem>>, vector<16xf32>,
            %scan3A_539 = arith.constant 0 : i32
            scf.yield %scan3A_539 : i32
          }
          %scan3A_338 = arith.constant 320 : i32
          "tpu.region"() ({
            %run_scoped3A = tpu.sem_alloc : memref<!tpu.dma_semaphore, #tpu.memory_space<semaphore_mem>>
            %dma_start3A_340 = arith.constant 0 : i32
            %dma_start3A_341 = arith.constant 0 : i32
            %dma_start3A_342 = tpu.memref_slice %arg20[%dma_start3A_340, %dma_start3A_341] : memref<16384x64xf32, #tpu.memory_space<vmem_shared>> -> memref<16384x64xf32, #tpu.memory_space<vmem_shared>>
            %dma_start3A_343 = arith.constant -1 : i32
            tpu.enqueue_indirect_dma source(%arg18 : memref<320x64xf32, #tpu.memory_space<vmem>>) target(%dma_start3A_342 : memref<16384x64xf32, #tpu.memory_space<vmem_shared>>) offsets(%arg16 : memref<320xi32, #tpu.memory_space<vmem>>) offset_filter(%dma_start3A_343) semaphore(%run_scoped3A : memref<!tpu.dma_semaphore, #tpu.memory_space<semaphore_mem>>) {add = true}
            %dma_wait3A_344 = arith.constant 0 : i32
            %dma_wait3A_345 = arith.constant 0 : i32
            %dma_wait3A_346 = tpu.memref_slice %arg20[%dma_wait3A_344, %dma_wait3A_345] : memref<16384x64xf32, #tpu.memory_space<vmem_shared>> -> memref<16384x64xf32, #tpu.memory_space<vmem_shared>>
            tpu.wait_indirect_dma semaphore(%run_scoped3A : memref<!tpu.dma_semaphore, #tpu.memory_space<semaphore_mem>>) src(%arg18 : memref<320x64xf32, #tpu.memory_space<vmem>>) dst(%dma_wait3A_346 : memref<16384x64xf32, #tpu.memory_space<vmem_shared>>)
            tpu.yield
          }) : () -> ()
          %while3A_339 = arith.constant 0 : i32
          scf.yield %while3A_339 : i32
        }
        %scan3A_219 = arith.constant 0 : i32
        %scan3A_220 = arith.constant 0 : i32
        %scan3A_221 = arith.constant 20 : i32
        %scan3A_222 = arith.addi %scan3A_220, %scan3A_221 : i32
        %scan3A_223 = arith.constant 4 : i32
        %scan3A_224 = scf.for %scan3A_307 = %scan3A_220 to %scan3A_222 step %scan3A_223 iter_args(%scan3A_308 = %scan3A_219) -> (i32)  : i32 {
          %mul3A_309 = arith.constant 16 : i32
          %mul3A_310 = arith.muli %scan3A_307, %mul3A_309 : i32
          %mul3A_311 = arith.constant 320 : i32
          %mul3A_312 = arith.muli %select_n3A_206, %mul3A_311 : i32
          %mul3A_313 = arith.constant 16 : i32
          %mul3A_314 = arith.muli %scan3A_307, %mul3A_313 : i32
          %add3A_315 = arith.addi %mul3A_312, %mul3A_314 : i32
          %get3A = arith.index_cast %add3A_315 : i32 to index
          %get3A_316 = tpu.vector_load %arg11[%get3A] {strides = array<i32>} : memref<4800xi32, #tpu.memory_space<vmem>>, vector<16xi32>,
          %get3A_317 = arith.index_cast %add3A_315 : i32 to index
          %get3A_318 = tpu.vector_load %arg12[%get3A_317] {strides = array<i32>} : memref<4800xi32, #tpu.memory_space<vmem>>, vector<16xi32>,
          %get3A_319 = arith.index_cast %add3A_315 : i32 to index
          %get3A_320 = tpu.vector_load %arg13[%get3A_319] {strides = array<i32>} : memref<4800xi32, #tpu.memory_space<vmem>>, vector<16xi32>,
          %swap3A = arith.index_cast %mul3A_310 : i32 to index
          %swap3A_321 = tpu.vector_load %arg11[%swap3A] {strides = array<i32>} : memref<4800xi32, #tpu.memory_space<vmem>>, vector<16xi32>,
          tpu.vector_store %arg11[%swap3A], %get3A_316 {strides = array<i32>} : memref<4800xi32, #tpu.memory_space<vmem>>, vector<16xi32>,
          %swap3A_322 = arith.index_cast %mul3A_310 : i32 to index
          %swap3A_323 = tpu.vector_load %arg12[%swap3A_322] {strides = array<i32>} : memref<4800xi32, #tpu.memory_space<vmem>>, vector<16xi32>,
          tpu.vector_store %arg12[%swap3A_322], %get3A_318 {strides = array<i32>} : memref<4800xi32, #tpu.memory_space<vmem>>, vector<16xi32>,
          %swap3A_324 = arith.index_cast %mul3A_310 : i32 to index
          %swap3A_325 = tpu.vector_load %arg13[%swap3A_324] {strides = array<i32>} : memref<4800xi32, #tpu.memory_space<vmem>>, vector<16xi32>,
          tpu.vector_store %arg13[%swap3A_324], %get3A_320 {strides = array<i32>} : memref<4800xi32, #tpu.memory_space<vmem>>, vector<16xi32>,
          %scan3A_326 = arith.constant 0 : i32
          %scan3A_327 = arith.constant 1 : i32
          %scan3A_328 = arith.addi %scan3A_307, %scan3A_327 : i32
          %mul3A_329 = arith.constant 16 : i32
          %mul3A_330 = arith.muli %scan3A_328, %mul3A_329 : i32
          %mul3A_331 = arith.constant 320 : i32
          %mul3A_332 = arith.muli %select_n3A_206, %mul3A_331 : i32
          %mul3A_333 = arith.constant 16 : i32
          %mul3A_334 = arith.muli %scan3A_328, %mul3A_333 : i32
          %add3A_335 = arith.addi %mul3A_332, %mul3A_334 : i32
          %get3A_336 = arith.index_cast %add3A_335 : i32 to index
          %get3A_337 = tpu.vector_load %arg11[%get3A_336] {strides = array<i32>} : memref<4800xi32, #tpu.memory_space<vmem>>, vector<16xi32>,
          %get3A_338 = arith.index_cast %add3A_335 : i32 to index
          %get3A_339 = tpu.vector_load %arg12[%get3A_338] {strides = array<i32>} : memref<4800xi32, #tpu.memory_space<vmem>>, vector<16xi32>,
          %get3A_340 = arith.index_cast %add3A_335 : i32 to index
          %get3A_341 = tpu.vector_load %arg13[%get3A_340] {strides = array<i32>} : memref<4800xi32, #tpu.memory_space<vmem>>, vector<16xi32>,
          %swap3A_342 = arith.index_cast %mul3A_330 : i32 to index
          %swap3A_343 = tpu.vector_load %arg11[%swap3A_342] {strides = array<i32>} : memref<4800xi32, #tpu.memory_space<vmem>>, vector<16xi32>,
          tpu.vector_store %arg11[%swap3A_342], %get3A_337 {strides = array<i32>} : memref<4800xi32, #tpu.memory_space<vmem>>, vector<16xi32>,
          %swap3A_344 = arith.index_cast %mul3A_330 : i32 to index
          %swap3A_345 = tpu.vector_load %arg12[%swap3A_344] {strides = array<i32>} : memref<4800xi32, #tpu.memory_space<vmem>>, vector<16xi32>,
          tpu.vector_store %arg12[%swap3A_344], %get3A_339 {strides = array<i32>} : memref<4800xi32, #tpu.memory_space<vmem>>, vector<16xi32>,
          %swap3A_346 = arith.index_cast %mul3A_330 : i32 to index
          %swap3A_347 = tpu.vector_load %arg13[%swap3A_346] {strides = array<i32>} : memref<4800xi32, #tpu.memory_space<vmem>>, vector<16xi32>,
          tpu.vector_store %arg13[%swap3A_346], %get3A_341 {strides = array<i32>} : memref<4800xi32, #tpu.memory_space<vmem>>, vector<16xi32>,
          %scan3A_348 = arith.constant 0 : i32
          %scan3A_349 = arith.constant 2 : i32
          %scan3A_350 = arith.addi %scan3A_307, %scan3A_349 : i32
          %mul3A_351 = arith.constant 16 : i32
          %mul3A_352 = arith.muli %scan3A_350, %mul3A_351 : i32
          %mul3A_353 = arith.constant 320 : i32
          %mul3A_354 = arith.muli %select_n3A_206, %mul3A_353 : i32
          %mul3A_355 = arith.constant 16 : i32
          %mul3A_356 = arith.muli %scan3A_350, %mul3A_355 : i32
          %add3A_357 = arith.addi %mul3A_354, %mul3A_356 : i32
          %get3A_358 = arith.index_cast %add3A_357 : i32 to index
          %get3A_359 = tpu.vector_load %arg11[%get3A_358] {strides = array<i32>} : memref<4800xi32, #tpu.memory_space<vmem>>, vector<16xi32>,
          %get3A_360 = arith.index_cast %add3A_357 : i32 to index
          %get3A_361 = tpu.vector_load %arg12[%get3A_360] {strides = array<i32>} : memref<4800xi32, #tpu.memory_space<vmem>>, vector<16xi32>,
          %get3A_362 = arith.index_cast %add3A_357 : i32 to index
          %get3A_363 = tpu.vector_load %arg13[%get3A_362] {strides = array<i32>} : memref<4800xi32, #tpu.memory_space<vmem>>, vector<16xi32>,
          %swap3A_364 = arith.index_cast %mul3A_352 : i32 to index
          %swap3A_365 = tpu.vector_load %arg11[%swap3A_364] {strides = array<i32>} : memref<4800xi32, #tpu.memory_space<vmem>>, vector<16xi32>,
          tpu.vector_store %arg11[%swap3A_364], %get3A_359 {strides = array<i32>} : memref<4800xi32, #tpu.memory_space<vmem>>, vector<16xi32>,
          %swap3A_366 = arith.index_cast %mul3A_352 : i32 to index
          %swap3A_367 = tpu.vector_load %arg12[%swap3A_366] {strides = array<i32>} : memref<4800xi32, #tpu.memory_space<vmem>>, vector<16xi32>,
          tpu.vector_store %arg12[%swap3A_366], %get3A_361 {strides = array<i32>} : memref<4800xi32, #tpu.memory_space<vmem>>, vector<16xi32>,
          %swap3A_368 = arith.index_cast %mul3A_352 : i32 to index
          %swap3A_369 = tpu.vector_load %arg13[%swap3A_368] {strides = array<i32>} : memref<4800xi32, #tpu.memory_space<vmem>>, vector<16xi32>,
          tpu.vector_store %arg13[%swap3A_368], %get3A_363 {strides = array<i32>} : memref<4800xi32, #tpu.memory_space<vmem>>, vector<16xi32>,
          %scan3A_370 = arith.constant 0 : i32
          %scan3A_371 = arith.constant 3 : i32
          %scan3A_372 = arith.addi %scan3A_307, %scan3A_371 : i32
          %mul3A_373 = arith.constant 16 : i32
          %mul3A_374 = arith.muli %scan3A_372, %mul3A_373 : i32
          %mul3A_375 = arith.constant 320 : i32
          %mul3A_376 = arith.muli %select_n3A_206, %mul3A_375 : i32
          %mul3A_377 = arith.constant 16 : i32
          %mul3A_378 = arith.muli %scan3A_372, %mul3A_377 : i32
          %add3A_379 = arith.addi %mul3A_376, %mul3A_378 : i32
          %get3A_380 = arith.index_cast %add3A_379 : i32 to index
          %get3A_381 = tpu.vector_load %arg11[%get3A_380] {strides = array<i32>} : memref<4800xi32, #tpu.memory_space<vmem>>, vector<16xi32>,
          %get3A_382 = arith.index_cast %add3A_379 : i32 to index
          %get3A_383 = tpu.vector_load %arg12[%get3A_382] {strides = array<i32>} : memref<4800xi32, #tpu.memory_space<vmem>>, vector<16xi32>,
          %get3A_384 = arith.index_cast %add3A_379 : i32 to index
          %get3A_385 = tpu.vector_load %arg13[%get3A_384] {strides = array<i32>} : memref<4800xi32, #tpu.memory_space<vmem>>, vector<16xi32>,
          %swap3A_386 = arith.index_cast %mul3A_374 : i32 to index
          %swap3A_387 = tpu.vector_load %arg11[%swap3A_386] {strides = array<i32>} : memref<4800xi32, #tpu.memory_space<vmem>>, vector<16xi32>,
          tpu.vector_store %arg11[%swap3A_386], %get3A_381 {strides = array<i32>} : memref<4800xi32, #tpu.memory_space<vmem>>, vector<16xi32>,
          %swap3A_388 = arith.index_cast %mul3A_374 : i32 to index
          %swap3A_389 = tpu.vector_load %arg12[%swap3A_388] {strides = array<i32>} : memref<4800xi32, #tpu.memory_space<vmem>>, vector<16xi32>,
          tpu.vector_store %arg12[%swap3A_388], %get3A_383 {strides = array<i32>} : memref<4800xi32, #tpu.memory_space<vmem>>, vector<16xi32>,
          %swap3A_390 = arith.index_cast %mul3A_374 : i32 to index
          %swap3A_391 = tpu.vector_load %arg13[%swap3A_390] {strides = array<i32>} : memref<4800xi32, #tpu.memory_space<vmem>>, vector<16xi32>,
          tpu.vector_store %arg13[%swap3A_390], %get3A_385 {strides = array<i32>} : memref<4800xi32, #tpu.memory_space<vmem>>, vector<16xi32>,
          %scan3A_392 = arith.constant 0 : i32
          scf.yield %scan3A_392 : i32
        }
        %scan3A_225 = arith.constant 20 : i32
        %mul3A_226 = arith.constant 320 : i32
        %mul3A_227 = arith.muli %select_n3A_206, %mul3A_226 : i32
        %sub3A_228 = arith.subi %reduce_max3A_182, %mul3A_227 : i32
        %dma_wait3A_229 = arith.constant 0 : i32
        %dma_wait3A_230 = tpu.memref_slice %arg4[%dma_wait3A_229] : memref<1280000xi32, #tpu.memory_space<hbm>> -> memref<4000xi32, #tpu.memory_space<hbm>>
        %dma_wait3A_231 = arith.constant 0 : i32
        %dma_wait3A_232 = tpu.memref_slice %arg4[%dma_wait3A_231] : memref<1280000xi32, #tpu.memory_space<hbm>> -> memref<4000xi32, #tpu.memory_space<hbm>>
        tpu.wait_dma2 semaphore(%arg25 : memref<!tpu.dma_semaphore, #tpu.memory_space<semaphore_mem>>) src(%dma_wait3A_232 : memref<4000xi32, #tpu.memory_space<hbm>>) dst(%arg9 : memref<4000xi32, #tpu.memory_space<vmem>>)
        %dma_wait3A_233 = arith.constant 0 : i32
        %dma_wait3A_234 = tpu.memref_slice %arg3[%dma_wait3A_233] : memref<1280000xi32, #tpu.memory_space<hbm>> -> memref<4000xi32, #tpu.memory_space<hbm>>
        %dma_wait3A_235 = arith.constant 0 : i32
        %dma_wait3A_236 = tpu.memref_slice %arg3[%dma_wait3A_235] : memref<1280000xi32, #tpu.memory_space<hbm>> -> memref<4000xi32, #tpu.memory_space<hbm>>
        tpu.wait_dma2 semaphore(%arg26 : memref<!tpu.dma_semaphore, #tpu.memory_space<semaphore_mem>>) src(%dma_wait3A_236 : memref<4000xi32, #tpu.memory_space<hbm>>) dst(%arg10 : memref<4000xi32, #tpu.memory_space<vmem>>)
        %add3A_237 = arith.constant 2 : i32
        %add3A_238 = arith.addi %mul3A_149, %add3A_237 : i32
        %lt3A = arith.constant 20 : i32
        %lt3A_239 = arith.cmpi slt, %add3A_238, %lt3A : i32
        %convert_element_type3A = arith.extui %lt3A_239 : i1 to i32
        %cond3A = arith.constant 0 : i32
        %cond3A_240 = arith.cmpi ne, %convert_element_type3A, %cond3A : i32
        scf.if %cond3A_240 {
          %add3A_307 = arith.constant 2 : i32
          %add3A_308 = arith.addi %mul3A_149, %add3A_307 : i32
          %mul3A_309 = arith.constant 4000 : i32
          %mul3A_310 = arith.muli %add3A_308, %mul3A_309 : i32
          %add3A_311 = arith.addi %mul3A_7, %mul3A_310 : i32
          %dma_start3A_312 = tpu.memref_slice %arg4[%add3A_311] : memref<1280000xi32, #tpu.memory_space<hbm>> -> memref<4000xi32, #tpu.memory_space<hbm>>
          %dma_start3A_313 = tpu.memref_slice %arg4[%add3A_311] : memref<1280000xi32, #tpu.memory_space<hbm>> -> memref<4000xi32, #tpu.memory_space<hbm>>
          tpu.enqueue_dma source(%dma_start3A_313 : memref<4000xi32, #tpu.memory_space<hbm>>) target(%arg7 : memref<4000xi32, #tpu.memory_space<vmem>>) target_semaphore(%arg23 : memref<!tpu.dma_semaphore, #tpu.memory_space<semaphore_mem>>)
          %dma_start3A_314 = tpu.memref_slice %arg3[%add3A_311] : memref<1280000xi32, #tpu.memory_space<hbm>> -> memref<4000xi32, #tpu.memory_space<hbm>>
          %dma_start3A_315 = tpu.memref_slice %arg3[%add3A_311] : memref<1280000xi32, #tpu.memory_space<hbm>> -> memref<4000xi32, #tpu.memory_space<hbm>>
          tpu.enqueue_dma source(%dma_start3A_315 : memref<4000xi32, #tpu.memory_space<hbm>>) target(%arg8 : memref<4000xi32, #tpu.memory_space<vmem>>) target_semaphore(%arg24 : memref<!tpu.dma_semaphore, #tpu.memory_space<semaphore_mem>>)
        } else {
        }
        %add3A_241 = arith.constant 1 : i32
        %add3A_242 = arith.addi %mul3A_149, %add3A_241 : i32
        %mul3A_243 = arith.constant 4000 : i32
        %mul3A_244 = arith.muli %add3A_242, %mul3A_243 : i32
        %add3A_245 = arith.addi %mul3A_7, %mul3A_244 : i32
        %broadcast_in_dim3A_246 = vector.broadcast %sub3A_228 : i32 to vector<16xi32>
        %scan3A_247 = arith.constant 0 : i32
        %scan3A_248 = arith.constant 250 : i32
        %scan3A_249 = arith.addi %scan3A_247, %scan3A_248 : i32
        %scan3A_250 = arith.constant 2 : i32
        %scan3A_251 = scf.for %scan3A_307 = %scan3A_247 to %scan3A_249 step %scan3A_250 iter_args(%scan3A_308 = %broadcast_in_dim3A_246) -> (vector<16xi32>)  : i32 {
          %mul3A_309 = arith.constant 16 : i32
          %mul3A_310 = arith.muli %scan3A_307, %mul3A_309 : i32
          %get3A = arith.index_cast %mul3A_310 : i32 to index
          %get3A_311 = tpu.vector_load %arg9[%get3A] {strides = array<i32>} : memref<4000xi32, #tpu.memory_space<vmem>>, vector<16xi32>,
          %mul3A_312 = arith.constant 16 : i32
          %mul3A_313 = arith.muli %scan3A_307, %mul3A_312 : i32
          %get3A_314 = arith.index_cast %mul3A_313 : i32 to index
          %get3A_315 = tpu.vector_load %arg10[%get3A_314] {strides = array<i32>} : memref<4000xi32, #tpu.memory_space<vmem>>, vector<16xi32>,
          %sub3A_316 = vector.broadcast %mul3A_20 : i32 to vector<16xi32>
          %sub3A_317 = arith.subi %get3A_311, %sub3A_316 : vector<16xi32>
          %ge3A = arith.constant 0 : i32
          %ge3A_318 = vector.broadcast %ge3A : i32 to vector<16xi32>
          %ge3A_319 = arith.cmpi sge, %sub3A_317, %ge3A_318 : vector<16xi32>
          %lt3A_320 = arith.constant 16384 : i32
          %lt3A_321 = vector.broadcast %lt3A_320 : i32 to vector<16xi32>
          %lt3A_322 = arith.cmpi slt, %sub3A_317, %lt3A_321 : vector<16xi32>
          %and3A_323 = arith.andi %ge3A_319, %lt3A_322 : vector<16xi1>
          %jit3A_324 = arith.constant 1 : i32
          %jit3A_325 = arith.constant 0 : i32
          %broadcast_in_dim3A_326 = vector.broadcast %jit3A_324 : i32 to vector<16xi32>
          %broadcast_in_dim3A_327 = vector.broadcast %jit3A_325 : i32 to vector<16xi32>
          %select_n3A_328 = arith.select %and3A_323, %broadcast_in_dim3A_326, %broadcast_in_dim3A_327 : vector<16xi1>, vector<16xi32>
          %broadcast_in_dim3A_329 = arith.constant true
          %broadcast_in_dim3A_330 = vector.broadcast %broadcast_in_dim3A_329 : i1 to vector<16xi1>
          %masked_cumsum3A = tpu.scan <sum>, %select_n3A_328 masked %broadcast_in_dim3A_330 : vector<16xi32>, vector<16xi1> -> vector<16xi32>
          %add3A_331 = arith.addi %scan3A_308, %masked_cumsum3A : vector<16xi32>
          %sub3A_332 = arith.constant 1 : i32
          %sub3A_333 = vector.broadcast %sub3A_332 : i32 to vector<16xi32>
          %sub3A_334 = arith.subi %add3A_331, %sub3A_333 : vector<16xi32>
          %mul3A_335 = arith.constant 16 : i32
          %mul3A_336 = arith.muli %scan3A_307, %mul3A_335 : i32
          %add3A_337 = arith.addi %add3A_245, %mul3A_336 : i32
          %add3A_338 = vector.broadcast %add3A_337 : i32 to vector<16xi32>
          %add3A_339 = arith.addi %add3A_338, %iota3A : vector<16xi32>
          tpu.vector_store_idx %arg11[%sub3A_334], %add3A_339 masked %and3A_323 : memref<4800xi32, #tpu.memory_space<vmem>>[vector<16xi32>], vector<16xi32>, vector<16xi1>
          tpu.vector_store_idx %arg12[%sub3A_334], %get3A_315 masked %and3A_323 : memref<4800xi32, #tpu.memory_space<vmem>>[vector<16xi32>], vector<16xi32>, vector<16xi1>
          tpu.vector_store_idx %arg13[%sub3A_334], %sub3A_317 masked %and3A_323 : memref<4800xi32, #tpu.memory_space<vmem>>[vector<16xi32>], vector<16xi32>, vector<16xi1>
          %all_reduce_population_count3A = tpu.all_reduce %and3A_323 {dim = 0 : i64, kind = #tpu.reduction_kind<sum>} : vector<16xi1> -> vector<16xi32>
          %add3A_340 = arith.addi %scan3A_308, %all_reduce_population_count3A : vector<16xi32>
          %scan3A_341 = arith.constant 1 : i32
          %scan3A_342 = arith.addi %scan3A_307, %scan3A_341 : i32
          %mul3A_343 = arith.constant 16 : i32
          %mul3A_344 = arith.muli %scan3A_342, %mul3A_343 : i32
          %get3A_345 = arith.index_cast %mul3A_344 : i32 to index
          %get3A_346 = tpu.vector_load %arg9[%get3A_345] {strides = array<i32>} : memref<4000xi32, #tpu.memory_space<vmem>>, vector<16xi32>,
          %mul3A_347 = arith.constant 16 : i32
          %mul3A_348 = arith.muli %scan3A_342, %mul3A_347 : i32
          %get3A_349 = arith.index_cast %mul3A_348 : i32 to index
          %get3A_350 = tpu.vector_load %arg10[%get3A_349] {strides = array<i32>} : memref<4000xi32, #tpu.memory_space<vmem>>, vector<16xi32>,
          %sub3A_351 = vector.broadcast %mul3A_20 : i32 to vector<16xi32>
          %sub3A_352 = arith.subi %get3A_346, %sub3A_351 : vector<16xi32>
          %ge3A_353 = arith.constant 0 : i32
          %ge3A_354 = vector.broadcast %ge3A_353 : i32 to vector<16xi32>
          %ge3A_355 = arith.cmpi sge, %sub3A_352, %ge3A_354 : vector<16xi32>
          %lt3A_356 = arith.constant 16384 : i32
          %lt3A_357 = vector.broadcast %lt3A_356 : i32 to vector<16xi32>
          %lt3A_358 = arith.cmpi slt, %sub3A_352, %lt3A_357 : vector<16xi32>
          %and3A_359 = arith.andi %ge3A_355, %lt3A_358 : vector<16xi1>
          %jit3A_360 = arith.constant 1 : i32
          %jit3A_361 = arith.constant 0 : i32
          %broadcast_in_dim3A_362 = vector.broadcast %jit3A_360 : i32 to vector<16xi32>
          %broadcast_in_dim3A_363 = vector.broadcast %jit3A_361 : i32 to vector<16xi32>
          %select_n3A_364 = arith.select %and3A_359, %broadcast_in_dim3A_362, %broadcast_in_dim3A_363 : vector<16xi1>, vector<16xi32>
          %broadcast_in_dim3A_365 = arith.constant true
          %broadcast_in_dim3A_366 = vector.broadcast %broadcast_in_dim3A_365 : i1 to vector<16xi1>
          %masked_cumsum3A_367 = tpu.scan <sum>, %select_n3A_364 masked %broadcast_in_dim3A_366 : vector<16xi32>, vector<16xi1> -> vector<16xi32>
          %add3A_368 = arith.addi %add3A_340, %masked_cumsum3A_367 : vector<16xi32>
          %sub3A_369 = arith.constant 1 : i32
          %sub3A_370 = vector.broadcast %sub3A_369 : i32 to vector<16xi32>
          %sub3A_371 = arith.subi %add3A_368, %sub3A_370 : vector<16xi32>
          %mul3A_372 = arith.constant 16 : i32
          %mul3A_373 = arith.muli %scan3A_342, %mul3A_372 : i32
          %add3A_374 = arith.addi %add3A_245, %mul3A_373 : i32
          %add3A_375 = vector.broadcast %add3A_374 : i32 to vector<16xi32>
          %add3A_376 = arith.addi %add3A_375, %iota3A : vector<16xi32>
          tpu.vector_store_idx %arg11[%sub3A_371], %add3A_376 masked %and3A_359 : memref<4800xi32, #tpu.memory_space<vmem>>[vector<16xi32>], vector<16xi32>, vector<16xi1>
          tpu.vector_store_idx %arg12[%sub3A_371], %get3A_350 masked %and3A_359 : memref<4800xi32, #tpu.memory_space<vmem>>[vector<16xi32>], vector<16xi32>, vector<16xi1>
          tpu.vector_store_idx %arg13[%sub3A_371], %sub3A_352 masked %and3A_359 : memref<4800xi32, #tpu.memory_space<vmem>>[vector<16xi32>], vector<16xi32>, vector<16xi1>
          %all_reduce_population_count3A_377 = tpu.all_reduce %and3A_359 {dim = 0 : i64, kind = #tpu.reduction_kind<sum>} : vector<16xi1> -> vector<16xi32>
          %add3A_378 = arith.addi %add3A_340, %all_reduce_population_count3A_377 : vector<16xi32>
          scf.yield %add3A_378 : vector<16xi32>
        }
        %scan3A_252 = arith.constant 250 : i32
        %reduce_max3A_253 = arith.constant true
        %reduce_max3A_254 = vector.broadcast %reduce_max3A_253 : i1 to vector<16xi1>
        %reduce_max3A_255 = arith.constant -2147483648 : i32
        %reduce_max3A_256 = vector.broadcast %reduce_max3A_255 : i32 to vector<16xi32>
        %reduce_max3A_257 = arith.xori %scan3A_251, %reduce_max3A_256 : vector<16xi32>
        %reduce_max3A_258 = tpu.scan <max>, %reduce_max3A_257 masked %reduce_max3A_254 : vector<16xi32>, vector<16xi1> -> vector<16xi32>
        %reduce_max3A_259 = arith.xori %reduce_max3A_258, %reduce_max3A_256 : vector<16xi32>
        %reduce_max3A_260 = vector.extract %reduce_max3A_259[15] : i32 from vector<16xi32>
        %jit3A_261 = arith.constant 320 : i32
        %div3A_262 = arith.divsi %reduce_max3A_260, %jit3A_261 : i32
        %sign3A_263 = arith.constant 0 : i32
        %sign3A_264 = arith.cmpi sgt, %reduce_max3A_260, %sign3A_263 : i32
        %sign3A_265 = arith.extui %sign3A_264 : i1 to i32
        %sign3A_266 = arith.constant 0 : i32
        %sign3A_267 = arith.cmpi slt, %reduce_max3A_260, %sign3A_266 : i32
        %sign3A_268 = arith.extui %sign3A_267 : i1 to i32
        %sign3A_269 = arith.subi %sign3A_265, %sign3A_268 : i32
        %sign3A_270 = arith.constant 0 : i32
        %sign3A_271 = arith.cmpi sgt, %jit3A_261, %sign3A_270 : i32
        %sign3A_272 = arith.extui %sign3A_271 : i1 to i32
        %sign3A_273 = arith.constant 0 : i32
        %sign3A_274 = arith.cmpi slt, %jit3A_261, %sign3A_273 : i32
        %sign3A_275 = arith.extui %sign3A_274 : i1 to i32
        %sign3A_276 = arith.subi %sign3A_272, %sign3A_275 : i32
        %ne3A_277 = arith.cmpi ne, %sign3A_269, %sign3A_276 : i32
        %rem3A_278 = arith.remsi %reduce_max3A_260, %jit3A_261 : i32
        %ne3A_279 = arith.constant 0 : i32
        %ne3A_280 = arith.cmpi ne, %rem3A_278, %ne3A_279 : i32
        %and3A_281 = arith.andi %ne3A_277, %ne3A_280 : i1
        %sub3A_282 = arith.constant 1 : i32
        %sub3A_283 = arith.subi %div3A_262, %sub3A_282 : i32
        %select_n3A_284 = arith.select %and3A_281, %sub3A_283, %div3A_262 : i32
        %while3A_285 = arith.constant 0 : i32
        %while3A_286 = arith.constant 0 : i32
        %while3A_287 = arith.subi %select_n3A_284, %while3A_285 : i32
        %while3A_288 = arith.addi %while3A_285, %while3A_287 : i32
        %while3A_289 = arith.constant 1 : i32
        %while3A_290 = arith.divsi %while3A_287, %while3A_289 : i32
        %while3A_291 = arith.muli %while3A_290, %while3A_289 : i32
        %while3A_292 = arith.addi %while3A_285, %while3A_291 : i32
        %while3A_293 = arith.constant 1 : i32
        %while3A_294 = scf.for %while3A_307 = %while3A_285 to %while3A_292 step %while3A_293 iter_args(%while3A_308 = %while3A_286) -> (i32)  : i32 {
          %scan3A_309 = arith.constant 0 : i32
          %scan3A_310 = arith.constant 0 : i32
          %scan3A_311 = arith.constant 20 : i32
          %scan3A_312 = arith.addi %scan3A_310, %scan3A_311 : i32
          %scan3A_313 = arith.constant 4 : i32
          %scan3A_314 = scf.for %scan3A_340 = %scan3A_310 to %scan3A_312 step %scan3A_313 iter_args(%scan3A_341 = %scan3A_309) -> (i32)  : i32 {
            %mul3A_342 = arith.constant 16 : i32
            %mul3A_343 = arith.muli %scan3A_340, %mul3A_342 : i32
            %mul3A_344 = arith.constant 320 : i32
            %mul3A_345 = arith.muli %while3A_307, %mul3A_344 : i32
            %mul3A_346 = arith.constant 16 : i32
            %mul3A_347 = arith.muli %scan3A_340, %mul3A_346 : i32
            %add3A_348 = arith.addi %mul3A_345, %mul3A_347 : i32
            %get3A = arith.index_cast %add3A_348 : i32 to index
            %get3A_349 = tpu.vector_load %arg11[%get3A] {strides = array<i32>} : memref<4800xi32, #tpu.memory_space<vmem>>, vector<16xi32>,
            %swap3A = arith.index_cast %mul3A_343 : i32 to index
            %swap3A_350 = tpu.vector_load %arg14[%swap3A] {strides = array<i32>} : memref<320xi32, #tpu.memory_space<vmem>>, vector<16xi32>,
            tpu.vector_store %arg14[%swap3A], %get3A_349 {strides = array<i32>} : memref<320xi32, #tpu.memory_space<vmem>>, vector<16xi32>,
            %get3A_351 = arith.index_cast %add3A_348 : i32 to index
            %get3A_352 = tpu.vector_load %arg12[%get3A_351] {strides = array<i32>} : memref<4800xi32, #tpu.memory_space<vmem>>, vector<16xi32>,
            %swap3A_353 = arith.index_cast %mul3A_343 : i32 to index
            %swap3A_354 = tpu.vector_load %arg15[%swap3A_353] {strides = array<i32>} : memref<320xi32, #tpu.memory_space<vmem>>, vector<16xi32>,
            tpu.vector_store %arg15[%swap3A_353], %get3A_352 {strides = array<i32>} : memref<320xi32, #tpu.memory_space<vmem>>, vector<16xi32>,
            %get3A_355 = arith.index_cast %add3A_348 : i32 to index
            %get3A_356 = tpu.vector_load %arg13[%get3A_355] {strides = array<i32>} : memref<4800xi32, #tpu.memory_space<vmem>>, vector<16xi32>,
            %swap3A_357 = arith.index_cast %mul3A_343 : i32 to index
            %swap3A_358 = tpu.vector_load %arg16[%swap3A_357] {strides = array<i32>} : memref<320xi32, #tpu.memory_space<vmem>>, vector<16xi32>,
            tpu.vector_store %arg16[%swap3A_357], %get3A_356 {strides = array<i32>} : memref<320xi32, #tpu.memory_space<vmem>>, vector<16xi32>,
            %scan3A_359 = arith.constant 0 : i32
            %scan3A_360 = arith.constant 1 : i32
            %scan3A_361 = arith.addi %scan3A_340, %scan3A_360 : i32
            %mul3A_362 = arith.constant 16 : i32
            %mul3A_363 = arith.muli %scan3A_361, %mul3A_362 : i32
            %mul3A_364 = arith.constant 320 : i32
            %mul3A_365 = arith.muli %while3A_307, %mul3A_364 : i32
            %mul3A_366 = arith.constant 16 : i32
            %mul3A_367 = arith.muli %scan3A_361, %mul3A_366 : i32
            %add3A_368 = arith.addi %mul3A_365, %mul3A_367 : i32
            %get3A_369 = arith.index_cast %add3A_368 : i32 to index
            %get3A_370 = tpu.vector_load %arg11[%get3A_369] {strides = array<i32>} : memref<4800xi32, #tpu.memory_space<vmem>>, vector<16xi32>,
            %swap3A_371 = arith.index_cast %mul3A_363 : i32 to index
            %swap3A_372 = tpu.vector_load %arg14[%swap3A_371] {strides = array<i32>} : memref<320xi32, #tpu.memory_space<vmem>>, vector<16xi32>,
            tpu.vector_store %arg14[%swap3A_371], %get3A_370 {strides = array<i32>} : memref<320xi32, #tpu.memory_space<vmem>>, vector<16xi32>,
            %get3A_373 = arith.index_cast %add3A_368 : i32 to index
            %get3A_374 = tpu.vector_load %arg12[%get3A_373] {strides = array<i32>} : memref<4800xi32, #tpu.memory_space<vmem>>, vector<16xi32>,
            %swap3A_375 = arith.index_cast %mul3A_363 : i32 to index
            %swap3A_376 = tpu.vector_load %arg15[%swap3A_375] {strides = array<i32>} : memref<320xi32, #tpu.memory_space<vmem>>, vector<16xi32>,
            tpu.vector_store %arg15[%swap3A_375], %get3A_374 {strides = array<i32>} : memref<320xi32, #tpu.memory_space<vmem>>, vector<16xi32>,
            %get3A_377 = arith.index_cast %add3A_368 : i32 to index
            %get3A_378 = tpu.vector_load %arg13[%get3A_377] {strides = array<i32>} : memref<4800xi32, #tpu.memory_space<vmem>>, vector<16xi32>,
            %swap3A_379 = arith.index_cast %mul3A_363 : i32 to index
            %swap3A_380 = tpu.vector_load %arg16[%swap3A_379] {strides = array<i32>} : memref<320xi32, #tpu.memory_space<vmem>>, vector<16xi32>,
            tpu.vector_store %arg16[%swap3A_379], %get3A_378 {strides = array<i32>} : memref<320xi32, #tpu.memory_space<vmem>>, vector<16xi32>,
            %scan3A_381 = arith.constant 0 : i32
            %scan3A_382 = arith.constant 2 : i32
            %scan3A_383 = arith.addi %scan3A_340, %scan3A_382 : i32
            %mul3A_384 = arith.constant 16 : i32
            %mul3A_385 = arith.muli %scan3A_383, %mul3A_384 : i32
            %mul3A_386 = arith.constant 320 : i32
            %mul3A_387 = arith.muli %while3A_307, %mul3A_386 : i32
            %mul3A_388 = arith.constant 16 : i32
            %mul3A_389 = arith.muli %scan3A_383, %mul3A_388 : i32
            %add3A_390 = arith.addi %mul3A_387, %mul3A_389 : i32
            %get3A_391 = arith.index_cast %add3A_390 : i32 to index
            %get3A_392 = tpu.vector_load %arg11[%get3A_391] {strides = array<i32>} : memref<4800xi32, #tpu.memory_space<vmem>>, vector<16xi32>,
            %swap3A_393 = arith.index_cast %mul3A_385 : i32 to index
            %swap3A_394 = tpu.vector_load %arg14[%swap3A_393] {strides = array<i32>} : memref<320xi32, #tpu.memory_space<vmem>>, vector<16xi32>,
            tpu.vector_store %arg14[%swap3A_393], %get3A_392 {strides = array<i32>} : memref<320xi32, #tpu.memory_space<vmem>>, vector<16xi32>,
            %get3A_395 = arith.index_cast %add3A_390 : i32 to index
            %get3A_396 = tpu.vector_load %arg12[%get3A_395] {strides = array<i32>} : memref<4800xi32, #tpu.memory_space<vmem>>, vector<16xi32>,
            %swap3A_397 = arith.index_cast %mul3A_385 : i32 to index
            %swap3A_398 = tpu.vector_load %arg15[%swap3A_397] {strides = array<i32>} : memref<320xi32, #tpu.memory_space<vmem>>, vector<16xi32>,
            tpu.vector_store %arg15[%swap3A_397], %get3A_396 {strides = array<i32>} : memref<320xi32, #tpu.memory_space<vmem>>, vector<16xi32>,
            %get3A_399 = arith.index_cast %add3A_390 : i32 to index
            %get3A_400 = tpu.vector_load %arg13[%get3A_399] {strides = array<i32>} : memref<4800xi32, #tpu.memory_space<vmem>>, vector<16xi32>,
            %swap3A_401 = arith.index_cast %mul3A_385 : i32 to index
            %swap3A_402 = tpu.vector_load %arg16[%swap3A_401] {strides = array<i32>} : memref<320xi32, #tpu.memory_space<vmem>>, vector<16xi32>,
            tpu.vector_store %arg16[%swap3A_401], %get3A_400 {strides = array<i32>} : memref<320xi32, #tpu.memory_space<vmem>>, vector<16xi32>,
            %scan3A_403 = arith.constant 0 : i32
            %scan3A_404 = arith.constant 3 : i32
            %scan3A_405 = arith.addi %scan3A_340, %scan3A_404 : i32
            %mul3A_406 = arith.constant 16 : i32
            %mul3A_407 = arith.muli %scan3A_405, %mul3A_406 : i32
            %mul3A_408 = arith.constant 320 : i32
            %mul3A_409 = arith.muli %while3A_307, %mul3A_408 : i32
            %mul3A_410 = arith.constant 16 : i32
            %mul3A_411 = arith.muli %scan3A_405, %mul3A_410 : i32
            %add3A_412 = arith.addi %mul3A_409, %mul3A_411 : i32
            %get3A_413 = arith.index_cast %add3A_412 : i32 to index
            %get3A_414 = tpu.vector_load %arg11[%get3A_413] {strides = array<i32>} : memref<4800xi32, #tpu.memory_space<vmem>>, vector<16xi32>,
            %swap3A_415 = arith.index_cast %mul3A_407 : i32 to index
            %swap3A_416 = tpu.vector_load %arg14[%swap3A_415] {strides = array<i32>} : memref<320xi32, #tpu.memory_space<vmem>>, vector<16xi32>,
            tpu.vector_store %arg14[%swap3A_415], %get3A_414 {strides = array<i32>} : memref<320xi32, #tpu.memory_space<vmem>>, vector<16xi32>,
            %get3A_417 = arith.index_cast %add3A_412 : i32 to index
            %get3A_418 = tpu.vector_load %arg12[%get3A_417] {strides = array<i32>} : memref<4800xi32, #tpu.memory_space<vmem>>, vector<16xi32>,
            %swap3A_419 = arith.index_cast %mul3A_407 : i32 to index
            %swap3A_420 = tpu.vector_load %arg15[%swap3A_419] {strides = array<i32>} : memref<320xi32, #tpu.memory_space<vmem>>, vector<16xi32>,
            tpu.vector_store %arg15[%swap3A_419], %get3A_418 {strides = array<i32>} : memref<320xi32, #tpu.memory_space<vmem>>, vector<16xi32>,
            %get3A_421 = arith.index_cast %add3A_412 : i32 to index
            %get3A_422 = tpu.vector_load %arg13[%get3A_421] {strides = array<i32>} : memref<4800xi32, #tpu.memory_space<vmem>>, vector<16xi32>,
            %swap3A_423 = arith.index_cast %mul3A_407 : i32 to index
            %swap3A_424 = tpu.vector_load %arg16[%swap3A_423] {strides = array<i32>} : memref<320xi32, #tpu.memory_space<vmem>>, vector<16xi32>,
            tpu.vector_store %arg16[%swap3A_423], %get3A_422 {strides = array<i32>} : memref<320xi32, #tpu.memory_space<vmem>>, vector<16xi32>,
            %scan3A_425 = arith.constant 0 : i32
            scf.yield %scan3A_425 : i32
          }
          %scan3A_315 = arith.constant 20 : i32
          %dma_start3A_316 = arith.constant 0 : i32
          %dma_start3A_317 = arith.constant 0 : i32
          %dma_start3A_318 = tpu.memref_slice %arg2[%dma_start3A_316, %dma_start3A_317] : memref<1280000x64xbf16, #tpu.memory_space<hbm>> -> memref<1280000x64xbf16, #tpu.memory_space<hbm>>
          %dma_start3A_319 = arith.constant -1 : i32
          tpu.enqueue_indirect_dma source(%dma_start3A_318 : memref<1280000x64xbf16, #tpu.memory_space<hbm>>) target(%arg17 : memref<320x64xbf16, #tpu.memory_space<vmem>>) offsets(%arg14 : memref<320xi32, #tpu.memory_space<vmem>>) offset_filter(%dma_start3A_319) semaphore(%arg21 : memref<!tpu.dma_semaphore, #tpu.memory_space<semaphore_mem>>)
          %dma_start3A_320 = arith.constant 0 : i32
          %dma_start3A_321 = arith.constant 0 : i32
          %dma_start3A_322 = tpu.memref_slice %arg5[%dma_start3A_320, %dma_start3A_321] : memref<320000x64xf32, #tpu.memory_space<hbm>> -> memref<320000x64xf32, #tpu.memory_space<hbm>>
          %dma_start3A_323 = arith.constant -1 : i32
          tpu.enqueue_indirect_dma source(%dma_start3A_322 : memref<320000x64xf32, #tpu.memory_space<hbm>>) target(%arg18 : memref<320x64xf32, #tpu.memory_space<vmem>>) offsets(%arg15 : memref<320xi32, #tpu.memory_space<vmem>>) offset_filter(%dma_start3A_323) semaphore(%arg22 : memref<!tpu.dma_semaphore, #tpu.memory_space<semaphore_mem>>)
          %dma_wait3A_324 = arith.constant 0 : i32
          %dma_wait3A_325 = arith.constant 0 : i32
          %dma_wait3A_326 = tpu.memref_slice %arg2[%dma_wait3A_324, %dma_wait3A_325] : memref<1280000x64xbf16, #tpu.memory_space<hbm>> -> memref<1280000x64xbf16, #tpu.memory_space<hbm>>
          tpu.wait_indirect_dma semaphore(%arg21 : memref<!tpu.dma_semaphore, #tpu.memory_space<semaphore_mem>>) src(%dma_wait3A_326 : memref<1280000x64xbf16, #tpu.memory_space<hbm>>) dst(%arg17 : memref<320x64xbf16, #tpu.memory_space<vmem>>)
          %dma_wait3A_327 = arith.constant 0 : i32
          %dma_wait3A_328 = arith.constant 0 : i32
          %dma_wait3A_329 = tpu.memref_slice %arg5[%dma_wait3A_327, %dma_wait3A_328] : memref<320000x64xf32, #tpu.memory_space<hbm>> -> memref<320000x64xf32, #tpu.memory_space<hbm>>
          tpu.wait_indirect_dma semaphore(%arg22 : memref<!tpu.dma_semaphore, #tpu.memory_space<semaphore_mem>>) src(%dma_wait3A_329 : memref<320000x64xf32, #tpu.memory_space<hbm>>) dst(%arg18 : memref<320x64xf32, #tpu.memory_space<vmem>>)
          %broadcast_in_dim3A_330 = arith.constant -65536 : i32
          %broadcast_in_dim3A_331 = vector.broadcast %broadcast_in_dim3A_330 : i32 to vector<16xi32>
          %scan3A_332 = arith.constant 0 : i32
          %scan3A_333 = arith.constant 0 : i32
          %scan3A_334 = arith.constant 320 : i32
          %scan3A_335 = arith.addi %scan3A_333, %scan3A_334 : i32
          %scan3A_336 = arith.constant 4 : i32
          %scan3A_337 = scf.for %scan3A_340 = %scan3A_333 to %scan3A_335 step %scan3A_336 iter_args(%scan3A_341 = %scan3A_332) -> (i32)  : i32 {
            %get3A = arith.index_cast %scan3A_340 : i32 to index
            %get3A_342 = arith.constant 0 : index
            %get3A_343 = tpu.vector_load %arg17[%get3A, %get3A_342] {strides = array<i32>} : memref<320x64xbf16, #tpu.memory_space<vmem>>, vector<32xbf16>,
            %bitcast3A = vector.bitcast %get3A_343 : vector<32xbf16> to vector<16xi32>
            %shift_left3A = arith.constant 16 : i32
            %shift_left3A_344 = vector.broadcast %shift_left3A : i32 to vector<16xi32>
            %shift_left3A_345 = arith.shli %bitcast3A, %shift_left3A_344 : vector<16xi32>
            %bitcast3A_346 = vector.bitcast %shift_left3A_345 : vector<16xi32> to vector<16xf32>
            %and3A_347 = arith.andi %bitcast3A, %broadcast_in_dim3A_331 : vector<16xi32>
            %bitcast3A_348 = vector.bitcast %and3A_347 : vector<16xi32> to vector<16xf32>
            %get3A_349 = arith.index_cast %scan3A_340 : i32 to index
            %get3A_350 = arith.constant 0 : index
            %get3A_351 = tpu.vector_load %arg18[%get3A_349, %get3A_350] {strides = array<i32>} : memref<320x64xf32, #tpu.memory_space<vmem>>, vector<16xf32>,
            %mul3A_352 = arith.mulf %get3A_351, %bitcast3A_346 : vector<16xf32>
            %swap3A = arith.index_cast %scan3A_340 : i32 to index
            %swap3A_353 = arith.constant 0 : index
            %swap3A_354 = tpu.vector_load %arg18[%swap3A, %swap3A_353] {strides = array<i32>} : memref<320x64xf32, #tpu.memory_space<vmem>>, vector<16xf32>,
            tpu.vector_store %arg18[%swap3A, %swap3A_353], %mul3A_352 {strides = array<i32>} : memref<320x64xf32, #tpu.memory_space<vmem>>, vector<16xf32>,
            %get3A_355 = arith.index_cast %scan3A_340 : i32 to index
            %get3A_356 = arith.constant 16 : index
            %get3A_357 = tpu.vector_load %arg18[%get3A_355, %get3A_356] {strides = array<i32>} : memref<320x64xf32, #tpu.memory_space<vmem>>, vector<16xf32>,
            %mul3A_358 = arith.mulf %get3A_357, %bitcast3A_348 : vector<16xf32>
            %swap3A_359 = arith.index_cast %scan3A_340 : i32 to index
            %swap3A_360 = arith.constant 16 : index
            %swap3A_361 = tpu.vector_load %arg18[%swap3A_359, %swap3A_360] {strides = array<i32>} : memref<320x64xf32, #tpu.memory_space<vmem>>, vector<16xf32>,
            tpu.vector_store %arg18[%swap3A_359, %swap3A_360], %mul3A_358 {strides = array<i32>} : memref<320x64xf32, #tpu.memory_space<vmem>>, vector<16xf32>,
            %get3A_362 = arith.index_cast %scan3A_340 : i32 to index
            %get3A_363 = arith.constant 32 : index
            %get3A_364 = tpu.vector_load %arg17[%get3A_362, %get3A_363] {strides = array<i32>} : memref<320x64xbf16, #tpu.memory_space<vmem>>, vector<32xbf16>,
            %bitcast3A_365 = vector.bitcast %get3A_364 : vector<32xbf16> to vector<16xi32>
            %shift_left3A_366 = arith.constant 16 : i32
            %shift_left3A_367 = vector.broadcast %shift_left3A_366 : i32 to vector<16xi32>
            %shift_left3A_368 = arith.shli %bitcast3A_365, %shift_left3A_367 : vector<16xi32>
            %bitcast3A_369 = vector.bitcast %shift_left3A_368 : vector<16xi32> to vector<16xf32>
            %and3A_370 = arith.andi %bitcast3A_365, %broadcast_in_dim3A_331 : vector<16xi32>
            %bitcast3A_371 = vector.bitcast %and3A_370 : vector<16xi32> to vector<16xf32>
            %get3A_372 = arith.index_cast %scan3A_340 : i32 to index
            %get3A_373 = arith.constant 32 : index
            %get3A_374 = tpu.vector_load %arg18[%get3A_372, %get3A_373] {strides = array<i32>} : memref<320x64xf32, #tpu.memory_space<vmem>>, vector<16xf32>,
            %mul3A_375 = arith.mulf %get3A_374, %bitcast3A_369 : vector<16xf32>
            %swap3A_376 = arith.index_cast %scan3A_340 : i32 to index
            %swap3A_377 = arith.constant 32 : index
            %swap3A_378 = tpu.vector_load %arg18[%swap3A_376, %swap3A_377] {strides = array<i32>} : memref<320x64xf32, #tpu.memory_space<vmem>>, vector<16xf32>,
            tpu.vector_store %arg18[%swap3A_376, %swap3A_377], %mul3A_375 {strides = array<i32>} : memref<320x64xf32, #tpu.memory_space<vmem>>, vector<16xf32>,
            %get3A_379 = arith.index_cast %scan3A_340 : i32 to index
            %get3A_380 = arith.constant 48 : index
            %get3A_381 = tpu.vector_load %arg18[%get3A_379, %get3A_380] {strides = array<i32>} : memref<320x64xf32, #tpu.memory_space<vmem>>, vector<16xf32>,
            %mul3A_382 = arith.mulf %get3A_381, %bitcast3A_371 : vector<16xf32>
            %swap3A_383 = arith.index_cast %scan3A_340 : i32 to index
            %swap3A_384 = arith.constant 48 : index
            %swap3A_385 = tpu.vector_load %arg18[%swap3A_383, %swap3A_384] {strides = array<i32>} : memref<320x64xf32, #tpu.memory_space<vmem>>, vector<16xf32>,
            tpu.vector_store %arg18[%swap3A_383, %swap3A_384], %mul3A_382 {strides = array<i32>} : memref<320x64xf32, #tpu.memory_space<vmem>>, vector<16xf32>,
            %scan3A_386 = arith.constant 0 : i32
            %scan3A_387 = arith.constant 1 : i32
            %scan3A_388 = arith.addi %scan3A_340, %scan3A_387 : i32
            %get3A_389 = arith.index_cast %scan3A_388 : i32 to index
            %get3A_390 = arith.constant 0 : index
            %get3A_391 = tpu.vector_load %arg17[%get3A_389, %get3A_390] {strides = array<i32>} : memref<320x64xbf16, #tpu.memory_space<vmem>>, vector<32xbf16>,
            %bitcast3A_392 = vector.bitcast %get3A_391 : vector<32xbf16> to vector<16xi32>
            %shift_left3A_393 = arith.constant 16 : i32
            %shift_left3A_394 = vector.broadcast %shift_left3A_393 : i32 to vector<16xi32>
            %shift_left3A_395 = arith.shli %bitcast3A_392, %shift_left3A_394 : vector<16xi32>
            %bitcast3A_396 = vector.bitcast %shift_left3A_395 : vector<16xi32> to vector<16xf32>
            %and3A_397 = arith.andi %bitcast3A_392, %broadcast_in_dim3A_331 : vector<16xi32>
            %bitcast3A_398 = vector.bitcast %and3A_397 : vector<16xi32> to vector<16xf32>
            %get3A_399 = arith.index_cast %scan3A_388 : i32 to index
            %get3A_400 = arith.constant 0 : index
            %get3A_401 = tpu.vector_load %arg18[%get3A_399, %get3A_400] {strides = array<i32>} : memref<320x64xf32, #tpu.memory_space<vmem>>, vector<16xf32>,
            %mul3A_402 = arith.mulf %get3A_401, %bitcast3A_396 : vector<16xf32>
            %swap3A_403 = arith.index_cast %scan3A_388 : i32 to index
            %swap3A_404 = arith.constant 0 : index
            %swap3A_405 = tpu.vector_load %arg18[%swap3A_403, %swap3A_404] {strides = array<i32>} : memref<320x64xf32, #tpu.memory_space<vmem>>, vector<16xf32>,
            tpu.vector_store %arg18[%swap3A_403, %swap3A_404], %mul3A_402 {strides = array<i32>} : memref<320x64xf32, #tpu.memory_space<vmem>>, vector<16xf32>,
            %get3A_406 = arith.index_cast %scan3A_388 : i32 to index
            %get3A_407 = arith.constant 16 : index
            %get3A_408 = tpu.vector_load %arg18[%get3A_406, %get3A_407] {strides = array<i32>} : memref<320x64xf32, #tpu.memory_space<vmem>>, vector<16xf32>,
            %mul3A_409 = arith.mulf %get3A_408, %bitcast3A_398 : vector<16xf32>
            %swap3A_410 = arith.index_cast %scan3A_388 : i32 to index
            %swap3A_411 = arith.constant 16 : index
            %swap3A_412 = tpu.vector_load %arg18[%swap3A_410, %swap3A_411] {strides = array<i32>} : memref<320x64xf32, #tpu.memory_space<vmem>>, vector<16xf32>,
            tpu.vector_store %arg18[%swap3A_410, %swap3A_411], %mul3A_409 {strides = array<i32>} : memref<320x64xf32, #tpu.memory_space<vmem>>, vector<16xf32>,
            %get3A_413 = arith.index_cast %scan3A_388 : i32 to index
            %get3A_414 = arith.constant 32 : index
            %get3A_415 = tpu.vector_load %arg17[%get3A_413, %get3A_414] {strides = array<i32>} : memref<320x64xbf16, #tpu.memory_space<vmem>>, vector<32xbf16>,
            %bitcast3A_416 = vector.bitcast %get3A_415 : vector<32xbf16> to vector<16xi32>
            %shift_left3A_417 = arith.constant 16 : i32
            %shift_left3A_418 = vector.broadcast %shift_left3A_417 : i32 to vector<16xi32>
            %shift_left3A_419 = arith.shli %bitcast3A_416, %shift_left3A_418 : vector<16xi32>
            %bitcast3A_420 = vector.bitcast %shift_left3A_419 : vector<16xi32> to vector<16xf32>
            %and3A_421 = arith.andi %bitcast3A_416, %broadcast_in_dim3A_331 : vector<16xi32>
            %bitcast3A_422 = vector.bitcast %and3A_421 : vector<16xi32> to vector<16xf32>
            %get3A_423 = arith.index_cast %scan3A_388 : i32 to index
            %get3A_424 = arith.constant 32 : index
            %get3A_425 = tpu.vector_load %arg18[%get3A_423, %get3A_424] {strides = array<i32>} : memref<320x64xf32, #tpu.memory_space<vmem>>, vector<16xf32>,
            %mul3A_426 = arith.mulf %get3A_425, %bitcast3A_420 : vector<16xf32>
            %swap3A_427 = arith.index_cast %scan3A_388 : i32 to index
            %swap3A_428 = arith.constant 32 : index
            %swap3A_429 = tpu.vector_load %arg18[%swap3A_427, %swap3A_428] {strides = array<i32>} : memref<320x64xf32, #tpu.memory_space<vmem>>, vector<16xf32>,
            tpu.vector_store %arg18[%swap3A_427, %swap3A_428], %mul3A_426 {strides = array<i32>} : memref<320x64xf32, #tpu.memory_space<vmem>>, vector<16xf32>,
            %get3A_430 = arith.index_cast %scan3A_388 : i32 to index
            %get3A_431 = arith.constant 48 : index
            %get3A_432 = tpu.vector_load %arg18[%get3A_430, %get3A_431] {strides = array<i32>} : memref<320x64xf32, #tpu.memory_space<vmem>>, vector<16xf32>,
            %mul3A_433 = arith.mulf %get3A_432, %bitcast3A_422 : vector<16xf32>
            %swap3A_434 = arith.index_cast %scan3A_388 : i32 to index
            %swap3A_435 = arith.constant 48 : index
            %swap3A_436 = tpu.vector_load %arg18[%swap3A_434, %swap3A_435] {strides = array<i32>} : memref<320x64xf32, #tpu.memory_space<vmem>>, vector<16xf32>,
            tpu.vector_store %arg18[%swap3A_434, %swap3A_435], %mul3A_433 {strides = array<i32>} : memref<320x64xf32, #tpu.memory_space<vmem>>, vector<16xf32>,
            %scan3A_437 = arith.constant 0 : i32
            %scan3A_438 = arith.constant 2 : i32
            %scan3A_439 = arith.addi %scan3A_340, %scan3A_438 : i32
            %get3A_440 = arith.index_cast %scan3A_439 : i32 to index
            %get3A_441 = arith.constant 0 : index
            %get3A_442 = tpu.vector_load %arg17[%get3A_440, %get3A_441] {strides = array<i32>} : memref<320x64xbf16, #tpu.memory_space<vmem>>, vector<32xbf16>,
            %bitcast3A_443 = vector.bitcast %get3A_442 : vector<32xbf16> to vector<16xi32>
            %shift_left3A_444 = arith.constant 16 : i32
            %shift_left3A_445 = vector.broadcast %shift_left3A_444 : i32 to vector<16xi32>
            %shift_left3A_446 = arith.shli %bitcast3A_443, %shift_left3A_445 : vector<16xi32>
            %bitcast3A_447 = vector.bitcast %shift_left3A_446 : vector<16xi32> to vector<16xf32>
            %and3A_448 = arith.andi %bitcast3A_443, %broadcast_in_dim3A_331 : vector<16xi32>
            %bitcast3A_449 = vector.bitcast %and3A_448 : vector<16xi32> to vector<16xf32>
            %get3A_450 = arith.index_cast %scan3A_439 : i32 to index
            %get3A_451 = arith.constant 0 : index
            %get3A_452 = tpu.vector_load %arg18[%get3A_450, %get3A_451] {strides = array<i32>} : memref<320x64xf32, #tpu.memory_space<vmem>>, vector<16xf32>,
            %mul3A_453 = arith.mulf %get3A_452, %bitcast3A_447 : vector<16xf32>
            %swap3A_454 = arith.index_cast %scan3A_439 : i32 to index
            %swap3A_455 = arith.constant 0 : index
            %swap3A_456 = tpu.vector_load %arg18[%swap3A_454, %swap3A_455] {strides = array<i32>} : memref<320x64xf32, #tpu.memory_space<vmem>>, vector<16xf32>,
            tpu.vector_store %arg18[%swap3A_454, %swap3A_455], %mul3A_453 {strides = array<i32>} : memref<320x64xf32, #tpu.memory_space<vmem>>, vector<16xf32>,
            %get3A_457 = arith.index_cast %scan3A_439 : i32 to index
            %get3A_458 = arith.constant 16 : index
            %get3A_459 = tpu.vector_load %arg18[%get3A_457, %get3A_458] {strides = array<i32>} : memref<320x64xf32, #tpu.memory_space<vmem>>, vector<16xf32>,
            %mul3A_460 = arith.mulf %get3A_459, %bitcast3A_449 : vector<16xf32>
            %swap3A_461 = arith.index_cast %scan3A_439 : i32 to index
            %swap3A_462 = arith.constant 16 : index
            %swap3A_463 = tpu.vector_load %arg18[%swap3A_461, %swap3A_462] {strides = array<i32>} : memref<320x64xf32, #tpu.memory_space<vmem>>, vector<16xf32>,
            tpu.vector_store %arg18[%swap3A_461, %swap3A_462], %mul3A_460 {strides = array<i32>} : memref<320x64xf32, #tpu.memory_space<vmem>>, vector<16xf32>,
            %get3A_464 = arith.index_cast %scan3A_439 : i32 to index
            %get3A_465 = arith.constant 32 : index
            %get3A_466 = tpu.vector_load %arg17[%get3A_464, %get3A_465] {strides = array<i32>} : memref<320x64xbf16, #tpu.memory_space<vmem>>, vector<32xbf16>,
            %bitcast3A_467 = vector.bitcast %get3A_466 : vector<32xbf16> to vector<16xi32>
            %shift_left3A_468 = arith.constant 16 : i32
            %shift_left3A_469 = vector.broadcast %shift_left3A_468 : i32 to vector<16xi32>
            %shift_left3A_470 = arith.shli %bitcast3A_467, %shift_left3A_469 : vector<16xi32>
            %bitcast3A_471 = vector.bitcast %shift_left3A_470 : vector<16xi32> to vector<16xf32>
            %and3A_472 = arith.andi %bitcast3A_467, %broadcast_in_dim3A_331 : vector<16xi32>
            %bitcast3A_473 = vector.bitcast %and3A_472 : vector<16xi32> to vector<16xf32>
            %get3A_474 = arith.index_cast %scan3A_439 : i32 to index
            %get3A_475 = arith.constant 32 : index
            %get3A_476 = tpu.vector_load %arg18[%get3A_474, %get3A_475] {strides = array<i32>} : memref<320x64xf32, #tpu.memory_space<vmem>>, vector<16xf32>,
            %mul3A_477 = arith.mulf %get3A_476, %bitcast3A_471 : vector<16xf32>
            %swap3A_478 = arith.index_cast %scan3A_439 : i32 to index
            %swap3A_479 = arith.constant 32 : index
            %swap3A_480 = tpu.vector_load %arg18[%swap3A_478, %swap3A_479] {strides = array<i32>} : memref<320x64xf32, #tpu.memory_space<vmem>>, vector<16xf32>,
            tpu.vector_store %arg18[%swap3A_478, %swap3A_479], %mul3A_477 {strides = array<i32>} : memref<320x64xf32, #tpu.memory_space<vmem>>, vector<16xf32>,
            %get3A_481 = arith.index_cast %scan3A_439 : i32 to index
            %get3A_482 = arith.constant 48 : index
            %get3A_483 = tpu.vector_load %arg18[%get3A_481, %get3A_482] {strides = array<i32>} : memref<320x64xf32, #tpu.memory_space<vmem>>, vector<16xf32>,
            %mul3A_484 = arith.mulf %get3A_483, %bitcast3A_473 : vector<16xf32>
            %swap3A_485 = arith.index_cast %scan3A_439 : i32 to index
            %swap3A_486 = arith.constant 48 : index
            %swap3A_487 = tpu.vector_load %arg18[%swap3A_485, %swap3A_486] {strides = array<i32>} : memref<320x64xf32, #tpu.memory_space<vmem>>, vector<16xf32>,
            tpu.vector_store %arg18[%swap3A_485, %swap3A_486], %mul3A_484 {strides = array<i32>} : memref<320x64xf32, #tpu.memory_space<vmem>>, vector<16xf32>,
            %scan3A_488 = arith.constant 0 : i32
            %scan3A_489 = arith.constant 3 : i32
            %scan3A_490 = arith.addi %scan3A_340, %scan3A_489 : i32
            %get3A_491 = arith.index_cast %scan3A_490 : i32 to index
            %get3A_492 = arith.constant 0 : index
            %get3A_493 = tpu.vector_load %arg17[%get3A_491, %get3A_492] {strides = array<i32>} : memref<320x64xbf16, #tpu.memory_space<vmem>>, vector<32xbf16>,
            %bitcast3A_494 = vector.bitcast %get3A_493 : vector<32xbf16> to vector<16xi32>
            %shift_left3A_495 = arith.constant 16 : i32
            %shift_left3A_496 = vector.broadcast %shift_left3A_495 : i32 to vector<16xi32>
            %shift_left3A_497 = arith.shli %bitcast3A_494, %shift_left3A_496 : vector<16xi32>
            %bitcast3A_498 = vector.bitcast %shift_left3A_497 : vector<16xi32> to vector<16xf32>
            %and3A_499 = arith.andi %bitcast3A_494, %broadcast_in_dim3A_331 : vector<16xi32>
            %bitcast3A_500 = vector.bitcast %and3A_499 : vector<16xi32> to vector<16xf32>
            %get3A_501 = arith.index_cast %scan3A_490 : i32 to index
            %get3A_502 = arith.constant 0 : index
            %get3A_503 = tpu.vector_load %arg18[%get3A_501, %get3A_502] {strides = array<i32>} : memref<320x64xf32, #tpu.memory_space<vmem>>, vector<16xf32>,
            %mul3A_504 = arith.mulf %get3A_503, %bitcast3A_498 : vector<16xf32>
            %swap3A_505 = arith.index_cast %scan3A_490 : i32 to index
            %swap3A_506 = arith.constant 0 : index
            %swap3A_507 = tpu.vector_load %arg18[%swap3A_505, %swap3A_506] {strides = array<i32>} : memref<320x64xf32, #tpu.memory_space<vmem>>, vector<16xf32>,
            tpu.vector_store %arg18[%swap3A_505, %swap3A_506], %mul3A_504 {strides = array<i32>} : memref<320x64xf32, #tpu.memory_space<vmem>>, vector<16xf32>,
            %get3A_508 = arith.index_cast %scan3A_490 : i32 to index
            %get3A_509 = arith.constant 16 : index
            %get3A_510 = tpu.vector_load %arg18[%get3A_508, %get3A_509] {strides = array<i32>} : memref<320x64xf32, #tpu.memory_space<vmem>>, vector<16xf32>,
            %mul3A_511 = arith.mulf %get3A_510, %bitcast3A_500 : vector<16xf32>
            %swap3A_512 = arith.index_cast %scan3A_490 : i32 to index
            %swap3A_513 = arith.constant 16 : index
            %swap3A_514 = tpu.vector_load %arg18[%swap3A_512, %swap3A_513] {strides = array<i32>} : memref<320x64xf32, #tpu.memory_space<vmem>>, vector<16xf32>,
            tpu.vector_store %arg18[%swap3A_512, %swap3A_513], %mul3A_511 {strides = array<i32>} : memref<320x64xf32, #tpu.memory_space<vmem>>, vector<16xf32>,
            %get3A_515 = arith.index_cast %scan3A_490 : i32 to index
            %get3A_516 = arith.constant 32 : index
            %get3A_517 = tpu.vector_load %arg17[%get3A_515, %get3A_516] {strides = array<i32>} : memref<320x64xbf16, #tpu.memory_space<vmem>>, vector<32xbf16>,
            %bitcast3A_518 = vector.bitcast %get3A_517 : vector<32xbf16> to vector<16xi32>
            %shift_left3A_519 = arith.constant 16 : i32
            %shift_left3A_520 = vector.broadcast %shift_left3A_519 : i32 to vector<16xi32>
            %shift_left3A_521 = arith.shli %bitcast3A_518, %shift_left3A_520 : vector<16xi32>
            %bitcast3A_522 = vector.bitcast %shift_left3A_521 : vector<16xi32> to vector<16xf32>
            %and3A_523 = arith.andi %bitcast3A_518, %broadcast_in_dim3A_331 : vector<16xi32>
            %bitcast3A_524 = vector.bitcast %and3A_523 : vector<16xi32> to vector<16xf32>
            %get3A_525 = arith.index_cast %scan3A_490 : i32 to index
            %get3A_526 = arith.constant 32 : index
            %get3A_527 = tpu.vector_load %arg18[%get3A_525, %get3A_526] {strides = array<i32>} : memref<320x64xf32, #tpu.memory_space<vmem>>, vector<16xf32>,
            %mul3A_528 = arith.mulf %get3A_527, %bitcast3A_522 : vector<16xf32>
            %swap3A_529 = arith.index_cast %scan3A_490 : i32 to index
            %swap3A_530 = arith.constant 32 : index
            %swap3A_531 = tpu.vector_load %arg18[%swap3A_529, %swap3A_530] {strides = array<i32>} : memref<320x64xf32, #tpu.memory_space<vmem>>, vector<16xf32>,
            tpu.vector_store %arg18[%swap3A_529, %swap3A_530], %mul3A_528 {strides = array<i32>} : memref<320x64xf32, #tpu.memory_space<vmem>>, vector<16xf32>,
            %get3A_532 = arith.index_cast %scan3A_490 : i32 to index
            %get3A_533 = arith.constant 48 : index
            %get3A_534 = tpu.vector_load %arg18[%get3A_532, %get3A_533] {strides = array<i32>} : memref<320x64xf32, #tpu.memory_space<vmem>>, vector<16xf32>,
            %mul3A_535 = arith.mulf %get3A_534, %bitcast3A_524 : vector<16xf32>
            %swap3A_536 = arith.index_cast %scan3A_490 : i32 to index
            %swap3A_537 = arith.constant 48 : index
            %swap3A_538 = tpu.vector_load %arg18[%swap3A_536, %swap3A_537] {strides = array<i32>} : memref<320x64xf32, #tpu.memory_space<vmem>>, vector<16xf32>,
            tpu.vector_store %arg18[%swap3A_536, %swap3A_537], %mul3A_535 {strides = array<i32>} : memref<320x64xf32, #tpu.memory_space<vmem>>, vector<16xf32>,
            %scan3A_539 = arith.constant 0 : i32
            scf.yield %scan3A_539 : i32
          }
          %scan3A_338 = arith.constant 320 : i32
          "tpu.region"() ({
            %run_scoped3A = tpu.sem_alloc : memref<!tpu.dma_semaphore, #tpu.memory_space<semaphore_mem>>
            %dma_start3A_340 = arith.constant 0 : i32
            %dma_start3A_341 = arith.constant 0 : i32
            %dma_start3A_342 = tpu.memref_slice %arg20[%dma_start3A_340, %dma_start3A_341] : memref<16384x64xf32, #tpu.memory_space<vmem_shared>> -> memref<16384x64xf32, #tpu.memory_space<vmem_shared>>
            %dma_start3A_343 = arith.constant -1 : i32
            tpu.enqueue_indirect_dma source(%arg18 : memref<320x64xf32, #tpu.memory_space<vmem>>) target(%dma_start3A_342 : memref<16384x64xf32, #tpu.memory_space<vmem_shared>>) offsets(%arg16 : memref<320xi32, #tpu.memory_space<vmem>>) offset_filter(%dma_start3A_343) semaphore(%run_scoped3A : memref<!tpu.dma_semaphore, #tpu.memory_space<semaphore_mem>>) {add = true}
            %dma_wait3A_344 = arith.constant 0 : i32
            %dma_wait3A_345 = arith.constant 0 : i32
            %dma_wait3A_346 = tpu.memref_slice %arg20[%dma_wait3A_344, %dma_wait3A_345] : memref<16384x64xf32, #tpu.memory_space<vmem_shared>> -> memref<16384x64xf32, #tpu.memory_space<vmem_shared>>
            tpu.wait_indirect_dma semaphore(%run_scoped3A : memref<!tpu.dma_semaphore, #tpu.memory_space<semaphore_mem>>) src(%arg18 : memref<320x64xf32, #tpu.memory_space<vmem>>) dst(%dma_wait3A_346 : memref<16384x64xf32, #tpu.memory_space<vmem_shared>>)
            tpu.yield
          }) : () -> ()
          %while3A_339 = arith.constant 0 : i32
          scf.yield %while3A_339 : i32
        }
        %while3A_295 = arith.constant 1 : i32
        %while3A_296 = scf.for %while3A_307 = %while3A_292 to %while3A_288 step %while3A_295 iter_args(%while3A_308 = %while3A_294) -> (i32)  : i32 {
          %scan3A_309 = arith.constant 0 : i32
          %scan3A_310 = arith.constant 0 : i32
          %scan3A_311 = arith.constant 20 : i32
          %scan3A_312 = arith.addi %scan3A_310, %scan3A_311 : i32
          %scan3A_313 = arith.constant 4 : i32
          %scan3A_314 = scf.for %scan3A_340 = %scan3A_310 to %scan3A_312 step %scan3A_313 iter_args(%scan3A_341 = %scan3A_309) -> (i32)  : i32 {
            %mul3A_342 = arith.constant 16 : i32
            %mul3A_343 = arith.muli %scan3A_340, %mul3A_342 : i32
            %mul3A_344 = arith.constant 320 : i32
            %mul3A_345 = arith.muli %while3A_307, %mul3A_344 : i32
            %mul3A_346 = arith.constant 16 : i32
            %mul3A_347 = arith.muli %scan3A_340, %mul3A_346 : i32
            %add3A_348 = arith.addi %mul3A_345, %mul3A_347 : i32
            %get3A = arith.index_cast %add3A_348 : i32 to index
            %get3A_349 = tpu.vector_load %arg11[%get3A] {strides = array<i32>} : memref<4800xi32, #tpu.memory_space<vmem>>, vector<16xi32>,
            %swap3A = arith.index_cast %mul3A_343 : i32 to index
            %swap3A_350 = tpu.vector_load %arg14[%swap3A] {strides = array<i32>} : memref<320xi32, #tpu.memory_space<vmem>>, vector<16xi32>,
            tpu.vector_store %arg14[%swap3A], %get3A_349 {strides = array<i32>} : memref<320xi32, #tpu.memory_space<vmem>>, vector<16xi32>,
            %get3A_351 = arith.index_cast %add3A_348 : i32 to index
            %get3A_352 = tpu.vector_load %arg12[%get3A_351] {strides = array<i32>} : memref<4800xi32, #tpu.memory_space<vmem>>, vector<16xi32>,
            %swap3A_353 = arith.index_cast %mul3A_343 : i32 to index
            %swap3A_354 = tpu.vector_load %arg15[%swap3A_353] {strides = array<i32>} : memref<320xi32, #tpu.memory_space<vmem>>, vector<16xi32>,
            tpu.vector_store %arg15[%swap3A_353], %get3A_352 {strides = array<i32>} : memref<320xi32, #tpu.memory_space<vmem>>, vector<16xi32>,
            %get3A_355 = arith.index_cast %add3A_348 : i32 to index
            %get3A_356 = tpu.vector_load %arg13[%get3A_355] {strides = array<i32>} : memref<4800xi32, #tpu.memory_space<vmem>>, vector<16xi32>,
            %swap3A_357 = arith.index_cast %mul3A_343 : i32 to index
            %swap3A_358 = tpu.vector_load %arg16[%swap3A_357] {strides = array<i32>} : memref<320xi32, #tpu.memory_space<vmem>>, vector<16xi32>,
            tpu.vector_store %arg16[%swap3A_357], %get3A_356 {strides = array<i32>} : memref<320xi32, #tpu.memory_space<vmem>>, vector<16xi32>,
            %scan3A_359 = arith.constant 0 : i32
            %scan3A_360 = arith.constant 1 : i32
            %scan3A_361 = arith.addi %scan3A_340, %scan3A_360 : i32
            %mul3A_362 = arith.constant 16 : i32
            %mul3A_363 = arith.muli %scan3A_361, %mul3A_362 : i32
            %mul3A_364 = arith.constant 320 : i32
            %mul3A_365 = arith.muli %while3A_307, %mul3A_364 : i32
            %mul3A_366 = arith.constant 16 : i32
            %mul3A_367 = arith.muli %scan3A_361, %mul3A_366 : i32
            %add3A_368 = arith.addi %mul3A_365, %mul3A_367 : i32
            %get3A_369 = arith.index_cast %add3A_368 : i32 to index
            %get3A_370 = tpu.vector_load %arg11[%get3A_369] {strides = array<i32>} : memref<4800xi32, #tpu.memory_space<vmem>>, vector<16xi32>,
            %swap3A_371 = arith.index_cast %mul3A_363 : i32 to index
            %swap3A_372 = tpu.vector_load %arg14[%swap3A_371] {strides = array<i32>} : memref<320xi32, #tpu.memory_space<vmem>>, vector<16xi32>,
            tpu.vector_store %arg14[%swap3A_371], %get3A_370 {strides = array<i32>} : memref<320xi32, #tpu.memory_space<vmem>>, vector<16xi32>,
            %get3A_373 = arith.index_cast %add3A_368 : i32 to index
            %get3A_374 = tpu.vector_load %arg12[%get3A_373] {strides = array<i32>} : memref<4800xi32, #tpu.memory_space<vmem>>, vector<16xi32>,
            %swap3A_375 = arith.index_cast %mul3A_363 : i32 to index
            %swap3A_376 = tpu.vector_load %arg15[%swap3A_375] {strides = array<i32>} : memref<320xi32, #tpu.memory_space<vmem>>, vector<16xi32>,
            tpu.vector_store %arg15[%swap3A_375], %get3A_374 {strides = array<i32>} : memref<320xi32, #tpu.memory_space<vmem>>, vector<16xi32>,
            %get3A_377 = arith.index_cast %add3A_368 : i32 to index
            %get3A_378 = tpu.vector_load %arg13[%get3A_377] {strides = array<i32>} : memref<4800xi32, #tpu.memory_space<vmem>>, vector<16xi32>,
            %swap3A_379 = arith.index_cast %mul3A_363 : i32 to index
            %swap3A_380 = tpu.vector_load %arg16[%swap3A_379] {strides = array<i32>} : memref<320xi32, #tpu.memory_space<vmem>>, vector<16xi32>,
            tpu.vector_store %arg16[%swap3A_379], %get3A_378 {strides = array<i32>} : memref<320xi32, #tpu.memory_space<vmem>>, vector<16xi32>,
            %scan3A_381 = arith.constant 0 : i32
            %scan3A_382 = arith.constant 2 : i32
            %scan3A_383 = arith.addi %scan3A_340, %scan3A_382 : i32
            %mul3A_384 = arith.constant 16 : i32
            %mul3A_385 = arith.muli %scan3A_383, %mul3A_384 : i32
            %mul3A_386 = arith.constant 320 : i32
            %mul3A_387 = arith.muli %while3A_307, %mul3A_386 : i32
            %mul3A_388 = arith.constant 16 : i32
            %mul3A_389 = arith.muli %scan3A_383, %mul3A_388 : i32
            %add3A_390 = arith.addi %mul3A_387, %mul3A_389 : i32
            %get3A_391 = arith.index_cast %add3A_390 : i32 to index
            %get3A_392 = tpu.vector_load %arg11[%get3A_391] {strides = array<i32>} : memref<4800xi32, #tpu.memory_space<vmem>>, vector<16xi32>,
            %swap3A_393 = arith.index_cast %mul3A_385 : i32 to index
            %swap3A_394 = tpu.vector_load %arg14[%swap3A_393] {strides = array<i32>} : memref<320xi32, #tpu.memory_space<vmem>>, vector<16xi32>,
            tpu.vector_store %arg14[%swap3A_393], %get3A_392 {strides = array<i32>} : memref<320xi32, #tpu.memory_space<vmem>>, vector<16xi32>,
            %get3A_395 = arith.index_cast %add3A_390 : i32 to index
            %get3A_396 = tpu.vector_load %arg12[%get3A_395] {strides = array<i32>} : memref<4800xi32, #tpu.memory_space<vmem>>, vector<16xi32>,
            %swap3A_397 = arith.index_cast %mul3A_385 : i32 to index
            %swap3A_398 = tpu.vector_load %arg15[%swap3A_397] {strides = array<i32>} : memref<320xi32, #tpu.memory_space<vmem>>, vector<16xi32>,
            tpu.vector_store %arg15[%swap3A_397], %get3A_396 {strides = array<i32>} : memref<320xi32, #tpu.memory_space<vmem>>, vector<16xi32>,
            %get3A_399 = arith.index_cast %add3A_390 : i32 to index
            %get3A_400 = tpu.vector_load %arg13[%get3A_399] {strides = array<i32>} : memref<4800xi32, #tpu.memory_space<vmem>>, vector<16xi32>,
            %swap3A_401 = arith.index_cast %mul3A_385 : i32 to index
            %swap3A_402 = tpu.vector_load %arg16[%swap3A_401] {strides = array<i32>} : memref<320xi32, #tpu.memory_space<vmem>>, vector<16xi32>,
            tpu.vector_store %arg16[%swap3A_401], %get3A_400 {strides = array<i32>} : memref<320xi32, #tpu.memory_space<vmem>>, vector<16xi32>,
            %scan3A_403 = arith.constant 0 : i32
            %scan3A_404 = arith.constant 3 : i32
            %scan3A_405 = arith.addi %scan3A_340, %scan3A_404 : i32
            %mul3A_406 = arith.constant 16 : i32
            %mul3A_407 = arith.muli %scan3A_405, %mul3A_406 : i32
            %mul3A_408 = arith.constant 320 : i32
            %mul3A_409 = arith.muli %while3A_307, %mul3A_408 : i32
            %mul3A_410 = arith.constant 16 : i32
            %mul3A_411 = arith.muli %scan3A_405, %mul3A_410 : i32
            %add3A_412 = arith.addi %mul3A_409, %mul3A_411 : i32
            %get3A_413 = arith.index_cast %add3A_412 : i32 to index
            %get3A_414 = tpu.vector_load %arg11[%get3A_413] {strides = array<i32>} : memref<4800xi32, #tpu.memory_space<vmem>>, vector<16xi32>,
            %swap3A_415 = arith.index_cast %mul3A_407 : i32 to index
            %swap3A_416 = tpu.vector_load %arg14[%swap3A_415] {strides = array<i32>} : memref<320xi32, #tpu.memory_space<vmem>>, vector<16xi32>,
            tpu.vector_store %arg14[%swap3A_415], %get3A_414 {strides = array<i32>} : memref<320xi32, #tpu.memory_space<vmem>>, vector<16xi32>,
            %get3A_417 = arith.index_cast %add3A_412 : i32 to index
            %get3A_418 = tpu.vector_load %arg12[%get3A_417] {strides = array<i32>} : memref<4800xi32, #tpu.memory_space<vmem>>, vector<16xi32>,
            %swap3A_419 = arith.index_cast %mul3A_407 : i32 to index
            %swap3A_420 = tpu.vector_load %arg15[%swap3A_419] {strides = array<i32>} : memref<320xi32, #tpu.memory_space<vmem>>, vector<16xi32>,
            tpu.vector_store %arg15[%swap3A_419], %get3A_418 {strides = array<i32>} : memref<320xi32, #tpu.memory_space<vmem>>, vector<16xi32>,
            %get3A_421 = arith.index_cast %add3A_412 : i32 to index
            %get3A_422 = tpu.vector_load %arg13[%get3A_421] {strides = array<i32>} : memref<4800xi32, #tpu.memory_space<vmem>>, vector<16xi32>,
            %swap3A_423 = arith.index_cast %mul3A_407 : i32 to index
            %swap3A_424 = tpu.vector_load %arg16[%swap3A_423] {strides = array<i32>} : memref<320xi32, #tpu.memory_space<vmem>>, vector<16xi32>,
            tpu.vector_store %arg16[%swap3A_423], %get3A_422 {strides = array<i32>} : memref<320xi32, #tpu.memory_space<vmem>>, vector<16xi32>,
            %scan3A_425 = arith.constant 0 : i32
            scf.yield %scan3A_425 : i32
          }
          %scan3A_315 = arith.constant 20 : i32
          %dma_start3A_316 = arith.constant 0 : i32
          %dma_start3A_317 = arith.constant 0 : i32
          %dma_start3A_318 = tpu.memref_slice %arg2[%dma_start3A_316, %dma_start3A_317] : memref<1280000x64xbf16, #tpu.memory_space<hbm>> -> memref<1280000x64xbf16, #tpu.memory_space<hbm>>
          %dma_start3A_319 = arith.constant -1 : i32
          tpu.enqueue_indirect_dma source(%dma_start3A_318 : memref<1280000x64xbf16, #tpu.memory_space<hbm>>) target(%arg17 : memref<320x64xbf16, #tpu.memory_space<vmem>>) offsets(%arg14 : memref<320xi32, #tpu.memory_space<vmem>>) offset_filter(%dma_start3A_319) semaphore(%arg21 : memref<!tpu.dma_semaphore, #tpu.memory_space<semaphore_mem>>)
          %dma_start3A_320 = arith.constant 0 : i32
          %dma_start3A_321 = arith.constant 0 : i32
          %dma_start3A_322 = tpu.memref_slice %arg5[%dma_start3A_320, %dma_start3A_321] : memref<320000x64xf32, #tpu.memory_space<hbm>> -> memref<320000x64xf32, #tpu.memory_space<hbm>>
          %dma_start3A_323 = arith.constant -1 : i32
          tpu.enqueue_indirect_dma source(%dma_start3A_322 : memref<320000x64xf32, #tpu.memory_space<hbm>>) target(%arg18 : memref<320x64xf32, #tpu.memory_space<vmem>>) offsets(%arg15 : memref<320xi32, #tpu.memory_space<vmem>>) offset_filter(%dma_start3A_323) semaphore(%arg22 : memref<!tpu.dma_semaphore, #tpu.memory_space<semaphore_mem>>)
          %dma_wait3A_324 = arith.constant 0 : i32
          %dma_wait3A_325 = arith.constant 0 : i32
          %dma_wait3A_326 = tpu.memref_slice %arg2[%dma_wait3A_324, %dma_wait3A_325] : memref<1280000x64xbf16, #tpu.memory_space<hbm>> -> memref<1280000x64xbf16, #tpu.memory_space<hbm>>
          tpu.wait_indirect_dma semaphore(%arg21 : memref<!tpu.dma_semaphore, #tpu.memory_space<semaphore_mem>>) src(%dma_wait3A_326 : memref<1280000x64xbf16, #tpu.memory_space<hbm>>) dst(%arg17 : memref<320x64xbf16, #tpu.memory_space<vmem>>)
          %dma_wait3A_327 = arith.constant 0 : i32
          %dma_wait3A_328 = arith.constant 0 : i32
          %dma_wait3A_329 = tpu.memref_slice %arg5[%dma_wait3A_327, %dma_wait3A_328] : memref<320000x64xf32, #tpu.memory_space<hbm>> -> memref<320000x64xf32, #tpu.memory_space<hbm>>
          tpu.wait_indirect_dma semaphore(%arg22 : memref<!tpu.dma_semaphore, #tpu.memory_space<semaphore_mem>>) src(%dma_wait3A_329 : memref<320000x64xf32, #tpu.memory_space<hbm>>) dst(%arg18 : memref<320x64xf32, #tpu.memory_space<vmem>>)
          %broadcast_in_dim3A_330 = arith.constant -65536 : i32
          %broadcast_in_dim3A_331 = vector.broadcast %broadcast_in_dim3A_330 : i32 to vector<16xi32>
          %scan3A_332 = arith.constant 0 : i32
          %scan3A_333 = arith.constant 0 : i32
          %scan3A_334 = arith.constant 320 : i32
          %scan3A_335 = arith.addi %scan3A_333, %scan3A_334 : i32
          %scan3A_336 = arith.constant 4 : i32
          %scan3A_337 = scf.for %scan3A_340 = %scan3A_333 to %scan3A_335 step %scan3A_336 iter_args(%scan3A_341 = %scan3A_332) -> (i32)  : i32 {
            %get3A = arith.index_cast %scan3A_340 : i32 to index
            %get3A_342 = arith.constant 0 : index
            %get3A_343 = tpu.vector_load %arg17[%get3A, %get3A_342] {strides = array<i32>} : memref<320x64xbf16, #tpu.memory_space<vmem>>, vector<32xbf16>,
            %bitcast3A = vector.bitcast %get3A_343 : vector<32xbf16> to vector<16xi32>
            %shift_left3A = arith.constant 16 : i32
            %shift_left3A_344 = vector.broadcast %shift_left3A : i32 to vector<16xi32>
            %shift_left3A_345 = arith.shli %bitcast3A, %shift_left3A_344 : vector<16xi32>
            %bitcast3A_346 = vector.bitcast %shift_left3A_345 : vector<16xi32> to vector<16xf32>
            %and3A_347 = arith.andi %bitcast3A, %broadcast_in_dim3A_331 : vector<16xi32>
            %bitcast3A_348 = vector.bitcast %and3A_347 : vector<16xi32> to vector<16xf32>
            %get3A_349 = arith.index_cast %scan3A_340 : i32 to index
            %get3A_350 = arith.constant 0 : index
            %get3A_351 = tpu.vector_load %arg18[%get3A_349, %get3A_350] {strides = array<i32>} : memref<320x64xf32, #tpu.memory_space<vmem>>, vector<16xf32>,
            %mul3A_352 = arith.mulf %get3A_351, %bitcast3A_346 : vector<16xf32>
            %swap3A = arith.index_cast %scan3A_340 : i32 to index
            %swap3A_353 = arith.constant 0 : index
            %swap3A_354 = tpu.vector_load %arg18[%swap3A, %swap3A_353] {strides = array<i32>} : memref<320x64xf32, #tpu.memory_space<vmem>>, vector<16xf32>,
            tpu.vector_store %arg18[%swap3A, %swap3A_353], %mul3A_352 {strides = array<i32>} : memref<320x64xf32, #tpu.memory_space<vmem>>, vector<16xf32>,
            %get3A_355 = arith.index_cast %scan3A_340 : i32 to index
            %get3A_356 = arith.constant 16 : index
            %get3A_357 = tpu.vector_load %arg18[%get3A_355, %get3A_356] {strides = array<i32>} : memref<320x64xf32, #tpu.memory_space<vmem>>, vector<16xf32>,
            %mul3A_358 = arith.mulf %get3A_357, %bitcast3A_348 : vector<16xf32>
            %swap3A_359 = arith.index_cast %scan3A_340 : i32 to index
            %swap3A_360 = arith.constant 16 : index
            %swap3A_361 = tpu.vector_load %arg18[%swap3A_359, %swap3A_360] {strides = array<i32>} : memref<320x64xf32, #tpu.memory_space<vmem>>, vector<16xf32>,
            tpu.vector_store %arg18[%swap3A_359, %swap3A_360], %mul3A_358 {strides = array<i32>} : memref<320x64xf32, #tpu.memory_space<vmem>>, vector<16xf32>,
            %get3A_362 = arith.index_cast %scan3A_340 : i32 to index
            %get3A_363 = arith.constant 32 : index
            %get3A_364 = tpu.vector_load %arg17[%get3A_362, %get3A_363] {strides = array<i32>} : memref<320x64xbf16, #tpu.memory_space<vmem>>, vector<32xbf16>,
            %bitcast3A_365 = vector.bitcast %get3A_364 : vector<32xbf16> to vector<16xi32>
            %shift_left3A_366 = arith.constant 16 : i32
            %shift_left3A_367 = vector.broadcast %shift_left3A_366 : i32 to vector<16xi32>
            %shift_left3A_368 = arith.shli %bitcast3A_365, %shift_left3A_367 : vector<16xi32>
            %bitcast3A_369 = vector.bitcast %shift_left3A_368 : vector<16xi32> to vector<16xf32>
            %and3A_370 = arith.andi %bitcast3A_365, %broadcast_in_dim3A_331 : vector<16xi32>
            %bitcast3A_371 = vector.bitcast %and3A_370 : vector<16xi32> to vector<16xf32>
            %get3A_372 = arith.index_cast %scan3A_340 : i32 to index
            %get3A_373 = arith.constant 32 : index
            %get3A_374 = tpu.vector_load %arg18[%get3A_372, %get3A_373] {strides = array<i32>} : memref<320x64xf32, #tpu.memory_space<vmem>>, vector<16xf32>,
            %mul3A_375 = arith.mulf %get3A_374, %bitcast3A_369 : vector<16xf32>
            %swap3A_376 = arith.index_cast %scan3A_340 : i32 to index
            %swap3A_377 = arith.constant 32 : index
            %swap3A_378 = tpu.vector_load %arg18[%swap3A_376, %swap3A_377] {strides = array<i32>} : memref<320x64xf32, #tpu.memory_space<vmem>>, vector<16xf32>,
            tpu.vector_store %arg18[%swap3A_376, %swap3A_377], %mul3A_375 {strides = array<i32>} : memref<320x64xf32, #tpu.memory_space<vmem>>, vector<16xf32>,
            %get3A_379 = arith.index_cast %scan3A_340 : i32 to index
            %get3A_380 = arith.constant 48 : index
            %get3A_381 = tpu.vector_load %arg18[%get3A_379, %get3A_380] {strides = array<i32>} : memref<320x64xf32, #tpu.memory_space<vmem>>, vector<16xf32>,
            %mul3A_382 = arith.mulf %get3A_381, %bitcast3A_371 : vector<16xf32>
            %swap3A_383 = arith.index_cast %scan3A_340 : i32 to index
            %swap3A_384 = arith.constant 48 : index
            %swap3A_385 = tpu.vector_load %arg18[%swap3A_383, %swap3A_384] {strides = array<i32>} : memref<320x64xf32, #tpu.memory_space<vmem>>, vector<16xf32>,
            tpu.vector_store %arg18[%swap3A_383, %swap3A_384], %mul3A_382 {strides = array<i32>} : memref<320x64xf32, #tpu.memory_space<vmem>>, vector<16xf32>,
            %scan3A_386 = arith.constant 0 : i32
            %scan3A_387 = arith.constant 1 : i32
            %scan3A_388 = arith.addi %scan3A_340, %scan3A_387 : i32
            %get3A_389 = arith.index_cast %scan3A_388 : i32 to index
            %get3A_390 = arith.constant 0 : index
            %get3A_391 = tpu.vector_load %arg17[%get3A_389, %get3A_390] {strides = array<i32>} : memref<320x64xbf16, #tpu.memory_space<vmem>>, vector<32xbf16>,
            %bitcast3A_392 = vector.bitcast %get3A_391 : vector<32xbf16> to vector<16xi32>
            %shift_left3A_393 = arith.constant 16 : i32
            %shift_left3A_394 = vector.broadcast %shift_left3A_393 : i32 to vector<16xi32>
            %shift_left3A_395 = arith.shli %bitcast3A_392, %shift_left3A_394 : vector<16xi32>
            %bitcast3A_396 = vector.bitcast %shift_left3A_395 : vector<16xi32> to vector<16xf32>
            %and3A_397 = arith.andi %bitcast3A_392, %broadcast_in_dim3A_331 : vector<16xi32>
            %bitcast3A_398 = vector.bitcast %and3A_397 : vector<16xi32> to vector<16xf32>
            %get3A_399 = arith.index_cast %scan3A_388 : i32 to index
            %get3A_400 = arith.constant 0 : index
            %get3A_401 = tpu.vector_load %arg18[%get3A_399, %get3A_400] {strides = array<i32>} : memref<320x64xf32, #tpu.memory_space<vmem>>, vector<16xf32>,
            %mul3A_402 = arith.mulf %get3A_401, %bitcast3A_396 : vector<16xf32>
            %swap3A_403 = arith.index_cast %scan3A_388 : i32 to index
            %swap3A_404 = arith.constant 0 : index
            %swap3A_405 = tpu.vector_load %arg18[%swap3A_403, %swap3A_404] {strides = array<i32>} : memref<320x64xf32, #tpu.memory_space<vmem>>, vector<16xf32>,
            tpu.vector_store %arg18[%swap3A_403, %swap3A_404], %mul3A_402 {strides = array<i32>} : memref<320x64xf32, #tpu.memory_space<vmem>>, vector<16xf32>,
            %get3A_406 = arith.index_cast %scan3A_388 : i32 to index
            %get3A_407 = arith.constant 16 : index
            %get3A_408 = tpu.vector_load %arg18[%get3A_406, %get3A_407] {strides = array<i32>} : memref<320x64xf32, #tpu.memory_space<vmem>>, vector<16xf32>,
            %mul3A_409 = arith.mulf %get3A_408, %bitcast3A_398 : vector<16xf32>
            %swap3A_410 = arith.index_cast %scan3A_388 : i32 to index
            %swap3A_411 = arith.constant 16 : index
            %swap3A_412 = tpu.vector_load %arg18[%swap3A_410, %swap3A_411] {strides = array<i32>} : memref<320x64xf32, #tpu.memory_space<vmem>>, vector<16xf32>,
            tpu.vector_store %arg18[%swap3A_410, %swap3A_411], %mul3A_409 {strides = array<i32>} : memref<320x64xf32, #tpu.memory_space<vmem>>, vector<16xf32>,
            %get3A_413 = arith.index_cast %scan3A_388 : i32 to index
            %get3A_414 = arith.constant 32 : index
            %get3A_415 = tpu.vector_load %arg17[%get3A_413, %get3A_414] {strides = array<i32>} : memref<320x64xbf16, #tpu.memory_space<vmem>>, vector<32xbf16>,
            %bitcast3A_416 = vector.bitcast %get3A_415 : vector<32xbf16> to vector<16xi32>
            %shift_left3A_417 = arith.constant 16 : i32
            %shift_left3A_418 = vector.broadcast %shift_left3A_417 : i32 to vector<16xi32>
            %shift_left3A_419 = arith.shli %bitcast3A_416, %shift_left3A_418 : vector<16xi32>
            %bitcast3A_420 = vector.bitcast %shift_left3A_419 : vector<16xi32> to vector<16xf32>
            %and3A_421 = arith.andi %bitcast3A_416, %broadcast_in_dim3A_331 : vector<16xi32>
            %bitcast3A_422 = vector.bitcast %and3A_421 : vector<16xi32> to vector<16xf32>
            %get3A_423 = arith.index_cast %scan3A_388 : i32 to index
            %get3A_424 = arith.constant 32 : index
            %get3A_425 = tpu.vector_load %arg18[%get3A_423, %get3A_424] {strides = array<i32>} : memref<320x64xf32, #tpu.memory_space<vmem>>, vector<16xf32>,
            %mul3A_426 = arith.mulf %get3A_425, %bitcast3A_420 : vector<16xf32>
            %swap3A_427 = arith.index_cast %scan3A_388 : i32 to index
            %swap3A_428 = arith.constant 32 : index
            %swap3A_429 = tpu.vector_load %arg18[%swap3A_427, %swap3A_428] {strides = array<i32>} : memref<320x64xf32, #tpu.memory_space<vmem>>, vector<16xf32>,
            tpu.vector_store %arg18[%swap3A_427, %swap3A_428], %mul3A_426 {strides = array<i32>} : memref<320x64xf32, #tpu.memory_space<vmem>>, vector<16xf32>,
            %get3A_430 = arith.index_cast %scan3A_388 : i32 to index
            %get3A_431 = arith.constant 48 : index
            %get3A_432 = tpu.vector_load %arg18[%get3A_430, %get3A_431] {strides = array<i32>} : memref<320x64xf32, #tpu.memory_space<vmem>>, vector<16xf32>,
            %mul3A_433 = arith.mulf %get3A_432, %bitcast3A_422 : vector<16xf32>
            %swap3A_434 = arith.index_cast %scan3A_388 : i32 to index
            %swap3A_435 = arith.constant 48 : index
            %swap3A_436 = tpu.vector_load %arg18[%swap3A_434, %swap3A_435] {strides = array<i32>} : memref<320x64xf32, #tpu.memory_space<vmem>>, vector<16xf32>,
            tpu.vector_store %arg18[%swap3A_434, %swap3A_435], %mul3A_433 {strides = array<i32>} : memref<320x64xf32, #tpu.memory_space<vmem>>, vector<16xf32>,
            %scan3A_437 = arith.constant 0 : i32
            %scan3A_438 = arith.constant 2 : i32
            %scan3A_439 = arith.addi %scan3A_340, %scan3A_438 : i32
            %get3A_440 = arith.index_cast %scan3A_439 : i32 to index
            %get3A_441 = arith.constant 0 : index
            %get3A_442 = tpu.vector_load %arg17[%get3A_440, %get3A_441] {strides = array<i32>} : memref<320x64xbf16, #tpu.memory_space<vmem>>, vector<32xbf16>,
            %bitcast3A_443 = vector.bitcast %get3A_442 : vector<32xbf16> to vector<16xi32>
            %shift_left3A_444 = arith.constant 16 : i32
            %shift_left3A_445 = vector.broadcast %shift_left3A_444 : i32 to vector<16xi32>
            %shift_left3A_446 = arith.shli %bitcast3A_443, %shift_left3A_445 : vector<16xi32>
            %bitcast3A_447 = vector.bitcast %shift_left3A_446 : vector<16xi32> to vector<16xf32>
            %and3A_448 = arith.andi %bitcast3A_443, %broadcast_in_dim3A_331 : vector<16xi32>
            %bitcast3A_449 = vector.bitcast %and3A_448 : vector<16xi32> to vector<16xf32>
            %get3A_450 = arith.index_cast %scan3A_439 : i32 to index
            %get3A_451 = arith.constant 0 : index
            %get3A_452 = tpu.vector_load %arg18[%get3A_450, %get3A_451] {strides = array<i32>} : memref<320x64xf32, #tpu.memory_space<vmem>>, vector<16xf32>,
            %mul3A_453 = arith.mulf %get3A_452, %bitcast3A_447 : vector<16xf32>
            %swap3A_454 = arith.index_cast %scan3A_439 : i32 to index
            %swap3A_455 = arith.constant 0 : index
            %swap3A_456 = tpu.vector_load %arg18[%swap3A_454, %swap3A_455] {strides = array<i32>} : memref<320x64xf32, #tpu.memory_space<vmem>>, vector<16xf32>,
            tpu.vector_store %arg18[%swap3A_454, %swap3A_455], %mul3A_453 {strides = array<i32>} : memref<320x64xf32, #tpu.memory_space<vmem>>, vector<16xf32>,
            %get3A_457 = arith.index_cast %scan3A_439 : i32 to index
            %get3A_458 = arith.constant 16 : index
            %get3A_459 = tpu.vector_load %arg18[%get3A_457, %get3A_458] {strides = array<i32>} : memref<320x64xf32, #tpu.memory_space<vmem>>, vector<16xf32>,
            %mul3A_460 = arith.mulf %get3A_459, %bitcast3A_449 : vector<16xf32>
            %swap3A_461 = arith.index_cast %scan3A_439 : i32 to index
            %swap3A_462 = arith.constant 16 : index
            %swap3A_463 = tpu.vector_load %arg18[%swap3A_461, %swap3A_462] {strides = array<i32>} : memref<320x64xf32, #tpu.memory_space<vmem>>, vector<16xf32>,
            tpu.vector_store %arg18[%swap3A_461, %swap3A_462], %mul3A_460 {strides = array<i32>} : memref<320x64xf32, #tpu.memory_space<vmem>>, vector<16xf32>,
            %get3A_464 = arith.index_cast %scan3A_439 : i32 to index
            %get3A_465 = arith.constant 32 : index
            %get3A_466 = tpu.vector_load %arg17[%get3A_464, %get3A_465] {strides = array<i32>} : memref<320x64xbf16, #tpu.memory_space<vmem>>, vector<32xbf16>,
            %bitcast3A_467 = vector.bitcast %get3A_466 : vector<32xbf16> to vector<16xi32>
            %shift_left3A_468 = arith.constant 16 : i32
            %shift_left3A_469 = vector.broadcast %shift_left3A_468 : i32 to vector<16xi32>
            %shift_left3A_470 = arith.shli %bitcast3A_467, %shift_left3A_469 : vector<16xi32>
            %bitcast3A_471 = vector.bitcast %shift_left3A_470 : vector<16xi32> to vector<16xf32>
            %and3A_472 = arith.andi %bitcast3A_467, %broadcast_in_dim3A_331 : vector<16xi32>
            %bitcast3A_473 = vector.bitcast %and3A_472 : vector<16xi32> to vector<16xf32>
            %get3A_474 = arith.index_cast %scan3A_439 : i32 to index
            %get3A_475 = arith.constant 32 : index
            %get3A_476 = tpu.vector_load %arg18[%get3A_474, %get3A_475] {strides = array<i32>} : memref<320x64xf32, #tpu.memory_space<vmem>>, vector<16xf32>,
            %mul3A_477 = arith.mulf %get3A_476, %bitcast3A_471 : vector<16xf32>
            %swap3A_478 = arith.index_cast %scan3A_439 : i32 to index
            %swap3A_479 = arith.constant 32 : index
            %swap3A_480 = tpu.vector_load %arg18[%swap3A_478, %swap3A_479] {strides = array<i32>} : memref<320x64xf32, #tpu.memory_space<vmem>>, vector<16xf32>,
            tpu.vector_store %arg18[%swap3A_478, %swap3A_479], %mul3A_477 {strides = array<i32>} : memref<320x64xf32, #tpu.memory_space<vmem>>, vector<16xf32>,
            %get3A_481 = arith.index_cast %scan3A_439 : i32 to index
            %get3A_482 = arith.constant 48 : index
            %get3A_483 = tpu.vector_load %arg18[%get3A_481, %get3A_482] {strides = array<i32>} : memref<320x64xf32, #tpu.memory_space<vmem>>, vector<16xf32>,
            %mul3A_484 = arith.mulf %get3A_483, %bitcast3A_473 : vector<16xf32>
            %swap3A_485 = arith.index_cast %scan3A_439 : i32 to index
            %swap3A_486 = arith.constant 48 : index
            %swap3A_487 = tpu.vector_load %arg18[%swap3A_485, %swap3A_486] {strides = array<i32>} : memref<320x64xf32, #tpu.memory_space<vmem>>, vector<16xf32>,
            tpu.vector_store %arg18[%swap3A_485, %swap3A_486], %mul3A_484 {strides = array<i32>} : memref<320x64xf32, #tpu.memory_space<vmem>>, vector<16xf32>,
            %scan3A_488 = arith.constant 0 : i32
            %scan3A_489 = arith.constant 3 : i32
            %scan3A_490 = arith.addi %scan3A_340, %scan3A_489 : i32
            %get3A_491 = arith.index_cast %scan3A_490 : i32 to index
            %get3A_492 = arith.constant 0 : index
            %get3A_493 = tpu.vector_load %arg17[%get3A_491, %get3A_492] {strides = array<i32>} : memref<320x64xbf16, #tpu.memory_space<vmem>>, vector<32xbf16>,
            %bitcast3A_494 = vector.bitcast %get3A_493 : vector<32xbf16> to vector<16xi32>
            %shift_left3A_495 = arith.constant 16 : i32
            %shift_left3A_496 = vector.broadcast %shift_left3A_495 : i32 to vector<16xi32>
            %shift_left3A_497 = arith.shli %bitcast3A_494, %shift_left3A_496 : vector<16xi32>
            %bitcast3A_498 = vector.bitcast %shift_left3A_497 : vector<16xi32> to vector<16xf32>
            %and3A_499 = arith.andi %bitcast3A_494, %broadcast_in_dim3A_331 : vector<16xi32>
            %bitcast3A_500 = vector.bitcast %and3A_499 : vector<16xi32> to vector<16xf32>
            %get3A_501 = arith.index_cast %scan3A_490 : i32 to index
            %get3A_502 = arith.constant 0 : index
            %get3A_503 = tpu.vector_load %arg18[%get3A_501, %get3A_502] {strides = array<i32>} : memref<320x64xf32, #tpu.memory_space<vmem>>, vector<16xf32>,
            %mul3A_504 = arith.mulf %get3A_503, %bitcast3A_498 : vector<16xf32>
            %swap3A_505 = arith.index_cast %scan3A_490 : i32 to index
            %swap3A_506 = arith.constant 0 : index
            %swap3A_507 = tpu.vector_load %arg18[%swap3A_505, %swap3A_506] {strides = array<i32>} : memref<320x64xf32, #tpu.memory_space<vmem>>, vector<16xf32>,
            tpu.vector_store %arg18[%swap3A_505, %swap3A_506], %mul3A_504 {strides = array<i32>} : memref<320x64xf32, #tpu.memory_space<vmem>>, vector<16xf32>,
            %get3A_508 = arith.index_cast %scan3A_490 : i32 to index
            %get3A_509 = arith.constant 16 : index
            %get3A_510 = tpu.vector_load %arg18[%get3A_508, %get3A_509] {strides = array<i32>} : memref<320x64xf32, #tpu.memory_space<vmem>>, vector<16xf32>,
            %mul3A_511 = arith.mulf %get3A_510, %bitcast3A_500 : vector<16xf32>
            %swap3A_512 = arith.index_cast %scan3A_490 : i32 to index
            %swap3A_513 = arith.constant 16 : index
            %swap3A_514 = tpu.vector_load %arg18[%swap3A_512, %swap3A_513] {strides = array<i32>} : memref<320x64xf32, #tpu.memory_space<vmem>>, vector<16xf32>,
            tpu.vector_store %arg18[%swap3A_512, %swap3A_513], %mul3A_511 {strides = array<i32>} : memref<320x64xf32, #tpu.memory_space<vmem>>, vector<16xf32>,
            %get3A_515 = arith.index_cast %scan3A_490 : i32 to index
            %get3A_516 = arith.constant 32 : index
            %get3A_517 = tpu.vector_load %arg17[%get3A_515, %get3A_516] {strides = array<i32>} : memref<320x64xbf16, #tpu.memory_space<vmem>>, vector<32xbf16>,
            %bitcast3A_518 = vector.bitcast %get3A_517 : vector<32xbf16> to vector<16xi32>
            %shift_left3A_519 = arith.constant 16 : i32
            %shift_left3A_520 = vector.broadcast %shift_left3A_519 : i32 to vector<16xi32>
            %shift_left3A_521 = arith.shli %bitcast3A_518, %shift_left3A_520 : vector<16xi32>
            %bitcast3A_522 = vector.bitcast %shift_left3A_521 : vector<16xi32> to vector<16xf32>
            %and3A_523 = arith.andi %bitcast3A_518, %broadcast_in_dim3A_331 : vector<16xi32>
            %bitcast3A_524 = vector.bitcast %and3A_523 : vector<16xi32> to vector<16xf32>
            %get3A_525 = arith.index_cast %scan3A_490 : i32 to index
            %get3A_526 = arith.constant 32 : index
            %get3A_527 = tpu.vector_load %arg18[%get3A_525, %get3A_526] {strides = array<i32>} : memref<320x64xf32, #tpu.memory_space<vmem>>, vector<16xf32>,
            %mul3A_528 = arith.mulf %get3A_527, %bitcast3A_522 : vector<16xf32>
            %swap3A_529 = arith.index_cast %scan3A_490 : i32 to index
            %swap3A_530 = arith.constant 32 : index
            %swap3A_531 = tpu.vector_load %arg18[%swap3A_529, %swap3A_530] {strides = array<i32>} : memref<320x64xf32, #tpu.memory_space<vmem>>, vector<16xf32>,
            tpu.vector_store %arg18[%swap3A_529, %swap3A_530], %mul3A_528 {strides = array<i32>} : memref<320x64xf32, #tpu.memory_space<vmem>>, vector<16xf32>,
            %get3A_532 = arith.index_cast %scan3A_490 : i32 to index
            %get3A_533 = arith.constant 48 : index
            %get3A_534 = tpu.vector_load %arg18[%get3A_532, %get3A_533] {strides = array<i32>} : memref<320x64xf32, #tpu.memory_space<vmem>>, vector<16xf32>,
            %mul3A_535 = arith.mulf %get3A_534, %bitcast3A_524 : vector<16xf32>
            %swap3A_536 = arith.index_cast %scan3A_490 : i32 to index
            %swap3A_537 = arith.constant 48 : index
            %swap3A_538 = tpu.vector_load %arg18[%swap3A_536, %swap3A_537] {strides = array<i32>} : memref<320x64xf32, #tpu.memory_space<vmem>>, vector<16xf32>,
            tpu.vector_store %arg18[%swap3A_536, %swap3A_537], %mul3A_535 {strides = array<i32>} : memref<320x64xf32, #tpu.memory_space<vmem>>, vector<16xf32>,
            %scan3A_539 = arith.constant 0 : i32
            scf.yield %scan3A_539 : i32
          }
          %scan3A_338 = arith.constant 320 : i32
          "tpu.region"() ({
            %run_scoped3A = tpu.sem_alloc : memref<!tpu.dma_semaphore, #tpu.memory_space<semaphore_mem>>
            %dma_start3A_340 = arith.constant 0 : i32
            %dma_start3A_341 = arith.constant 0 : i32
            %dma_start3A_342 = tpu.memref_slice %arg20[%dma_start3A_340, %dma_start3A_341] : memref<16384x64xf32, #tpu.memory_space<vmem_shared>> -> memref<16384x64xf32, #tpu.memory_space<vmem_shared>>
            %dma_start3A_343 = arith.constant -1 : i32
            tpu.enqueue_indirect_dma source(%arg18 : memref<320x64xf32, #tpu.memory_space<vmem>>) target(%dma_start3A_342 : memref<16384x64xf32, #tpu.memory_space<vmem_shared>>) offsets(%arg16 : memref<320xi32, #tpu.memory_space<vmem>>) offset_filter(%dma_start3A_343) semaphore(%run_scoped3A : memref<!tpu.dma_semaphore, #tpu.memory_space<semaphore_mem>>) {add = true}
            %dma_wait3A_344 = arith.constant 0 : i32
            %dma_wait3A_345 = arith.constant 0 : i32
            %dma_wait3A_346 = tpu.memref_slice %arg20[%dma_wait3A_344, %dma_wait3A_345] : memref<16384x64xf32, #tpu.memory_space<vmem_shared>> -> memref<16384x64xf32, #tpu.memory_space<vmem_shared>>
            tpu.wait_indirect_dma semaphore(%run_scoped3A : memref<!tpu.dma_semaphore, #tpu.memory_space<semaphore_mem>>) src(%arg18 : memref<320x64xf32, #tpu.memory_space<vmem>>) dst(%dma_wait3A_346 : memref<16384x64xf32, #tpu.memory_space<vmem_shared>>)
            tpu.yield
          }) : () -> ()
          %while3A_339 = arith.constant 0 : i32
          scf.yield %while3A_339 : i32
        }
        %scan3A_297 = arith.constant 0 : i32
        %scan3A_298 = arith.constant 0 : i32
        %scan3A_299 = arith.constant 20 : i32
        %scan3A_300 = arith.addi %scan3A_298, %scan3A_299 : i32
        %scan3A_301 = arith.constant 4 : i32
        %scan3A_302 = scf.for %scan3A_307 = %scan3A_298 to %scan3A_300 step %scan3A_301 iter_args(%scan3A_308 = %scan3A_297) -> (i32)  : i32 {
          %mul3A_309 = arith.constant 16 : i32
          %mul3A_310 = arith.muli %scan3A_307, %mul3A_309 : i32
          %mul3A_311 = arith.constant 320 : i32
          %mul3A_312 = arith.muli %select_n3A_284, %mul3A_311 : i32
          %mul3A_313 = arith.constant 16 : i32
          %mul3A_314 = arith.muli %scan3A_307, %mul3A_313 : i32
          %add3A_315 = arith.addi %mul3A_312, %mul3A_314 : i32
          %get3A = arith.index_cast %add3A_315 : i32 to index
          %get3A_316 = tpu.vector_load %arg11[%get3A] {strides = array<i32>} : memref<4800xi32, #tpu.memory_space<vmem>>, vector<16xi32>,
          %get3A_317 = arith.index_cast %add3A_315 : i32 to index
          %get3A_318 = tpu.vector_load %arg12[%get3A_317] {strides = array<i32>} : memref<4800xi32, #tpu.memory_space<vmem>>, vector<16xi32>,
          %get3A_319 = arith.index_cast %add3A_315 : i32 to index
          %get3A_320 = tpu.vector_load %arg13[%get3A_319] {strides = array<i32>} : memref<4800xi32, #tpu.memory_space<vmem>>, vector<16xi32>,
          %swap3A = arith.index_cast %mul3A_310 : i32 to index
          %swap3A_321 = tpu.vector_load %arg11[%swap3A] {strides = array<i32>} : memref<4800xi32, #tpu.memory_space<vmem>>, vector<16xi32>,
          tpu.vector_store %arg11[%swap3A], %get3A_316 {strides = array<i32>} : memref<4800xi32, #tpu.memory_space<vmem>>, vector<16xi32>,
          %swap3A_322 = arith.index_cast %mul3A_310 : i32 to index
          %swap3A_323 = tpu.vector_load %arg12[%swap3A_322] {strides = array<i32>} : memref<4800xi32, #tpu.memory_space<vmem>>, vector<16xi32>,
          tpu.vector_store %arg12[%swap3A_322], %get3A_318 {strides = array<i32>} : memref<4800xi32, #tpu.memory_space<vmem>>, vector<16xi32>,
          %swap3A_324 = arith.index_cast %mul3A_310 : i32 to index
          %swap3A_325 = tpu.vector_load %arg13[%swap3A_324] {strides = array<i32>} : memref<4800xi32, #tpu.memory_space<vmem>>, vector<16xi32>,
          tpu.vector_store %arg13[%swap3A_324], %get3A_320 {strides = array<i32>} : memref<4800xi32, #tpu.memory_space<vmem>>, vector<16xi32>,
          %scan3A_326 = arith.constant 0 : i32
          %scan3A_327 = arith.constant 1 : i32
          %scan3A_328 = arith.addi %scan3A_307, %scan3A_327 : i32
          %mul3A_329 = arith.constant 16 : i32
          %mul3A_330 = arith.muli %scan3A_328, %mul3A_329 : i32
          %mul3A_331 = arith.constant 320 : i32
          %mul3A_332 = arith.muli %select_n3A_284, %mul3A_331 : i32
          %mul3A_333 = arith.constant 16 : i32
          %mul3A_334 = arith.muli %scan3A_328, %mul3A_333 : i32
          %add3A_335 = arith.addi %mul3A_332, %mul3A_334 : i32
          %get3A_336 = arith.index_cast %add3A_335 : i32 to index
          %get3A_337 = tpu.vector_load %arg11[%get3A_336] {strides = array<i32>} : memref<4800xi32, #tpu.memory_space<vmem>>, vector<16xi32>,
          %get3A_338 = arith.index_cast %add3A_335 : i32 to index
          %get3A_339 = tpu.vector_load %arg12[%get3A_338] {strides = array<i32>} : memref<4800xi32, #tpu.memory_space<vmem>>, vector<16xi32>,
          %get3A_340 = arith.index_cast %add3A_335 : i32 to index
          %get3A_341 = tpu.vector_load %arg13[%get3A_340] {strides = array<i32>} : memref<4800xi32, #tpu.memory_space<vmem>>, vector<16xi32>,
          %swap3A_342 = arith.index_cast %mul3A_330 : i32 to index
          %swap3A_343 = tpu.vector_load %arg11[%swap3A_342] {strides = array<i32>} : memref<4800xi32, #tpu.memory_space<vmem>>, vector<16xi32>,
          tpu.vector_store %arg11[%swap3A_342], %get3A_337 {strides = array<i32>} : memref<4800xi32, #tpu.memory_space<vmem>>, vector<16xi32>,
          %swap3A_344 = arith.index_cast %mul3A_330 : i32 to index
          %swap3A_345 = tpu.vector_load %arg12[%swap3A_344] {strides = array<i32>} : memref<4800xi32, #tpu.memory_space<vmem>>, vector<16xi32>,
          tpu.vector_store %arg12[%swap3A_344], %get3A_339 {strides = array<i32>} : memref<4800xi32, #tpu.memory_space<vmem>>, vector<16xi32>,
          %swap3A_346 = arith.index_cast %mul3A_330 : i32 to index
          %swap3A_347 = tpu.vector_load %arg13[%swap3A_346] {strides = array<i32>} : memref<4800xi32, #tpu.memory_space<vmem>>, vector<16xi32>,
          tpu.vector_store %arg13[%swap3A_346], %get3A_341 {strides = array<i32>} : memref<4800xi32, #tpu.memory_space<vmem>>, vector<16xi32>,
          %scan3A_348 = arith.constant 0 : i32
          %scan3A_349 = arith.constant 2 : i32
          %scan3A_350 = arith.addi %scan3A_307, %scan3A_349 : i32
          %mul3A_351 = arith.constant 16 : i32
          %mul3A_352 = arith.muli %scan3A_350, %mul3A_351 : i32
          %mul3A_353 = arith.constant 320 : i32
          %mul3A_354 = arith.muli %select_n3A_284, %mul3A_353 : i32
          %mul3A_355 = arith.constant 16 : i32
          %mul3A_356 = arith.muli %scan3A_350, %mul3A_355 : i32
          %add3A_357 = arith.addi %mul3A_354, %mul3A_356 : i32
          %get3A_358 = arith.index_cast %add3A_357 : i32 to index
          %get3A_359 = tpu.vector_load %arg11[%get3A_358] {strides = array<i32>} : memref<4800xi32, #tpu.memory_space<vmem>>, vector<16xi32>,
          %get3A_360 = arith.index_cast %add3A_357 : i32 to index
          %get3A_361 = tpu.vector_load %arg12[%get3A_360] {strides = array<i32>} : memref<4800xi32, #tpu.memory_space<vmem>>, vector<16xi32>,
          %get3A_362 = arith.index_cast %add3A_357 : i32 to index
          %get3A_363 = tpu.vector_load %arg13[%get3A_362] {strides = array<i32>} : memref<4800xi32, #tpu.memory_space<vmem>>, vector<16xi32>,
          %swap3A_364 = arith.index_cast %mul3A_352 : i32 to index
          %swap3A_365 = tpu.vector_load %arg11[%swap3A_364] {strides = array<i32>} : memref<4800xi32, #tpu.memory_space<vmem>>, vector<16xi32>,
          tpu.vector_store %arg11[%swap3A_364], %get3A_359 {strides = array<i32>} : memref<4800xi32, #tpu.memory_space<vmem>>, vector<16xi32>,
          %swap3A_366 = arith.index_cast %mul3A_352 : i32 to index
          %swap3A_367 = tpu.vector_load %arg12[%swap3A_366] {strides = array<i32>} : memref<4800xi32, #tpu.memory_space<vmem>>, vector<16xi32>,
          tpu.vector_store %arg12[%swap3A_366], %get3A_361 {strides = array<i32>} : memref<4800xi32, #tpu.memory_space<vmem>>, vector<16xi32>,
          %swap3A_368 = arith.index_cast %mul3A_352 : i32 to index
          %swap3A_369 = tpu.vector_load %arg13[%swap3A_368] {strides = array<i32>} : memref<4800xi32, #tpu.memory_space<vmem>>, vector<16xi32>,
          tpu.vector_store %arg13[%swap3A_368], %get3A_363 {strides = array<i32>} : memref<4800xi32, #tpu.memory_space<vmem>>, vector<16xi32>,
          %scan3A_370 = arith.constant 0 : i32
          %scan3A_371 = arith.constant 3 : i32
          %scan3A_372 = arith.addi %scan3A_307, %scan3A_371 : i32
          %mul3A_373 = arith.constant 16 : i32
          %mul3A_374 = arith.muli %scan3A_372, %mul3A_373 : i32
          %mul3A_375 = arith.constant 320 : i32
          %mul3A_376 = arith.muli %select_n3A_284, %mul3A_375 : i32
          %mul3A_377 = arith.constant 16 : i32
          %mul3A_378 = arith.muli %scan3A_372, %mul3A_377 : i32
          %add3A_379 = arith.addi %mul3A_376, %mul3A_378 : i32
          %get3A_380 = arith.index_cast %add3A_379 : i32 to index
          %get3A_381 = tpu.vector_load %arg11[%get3A_380] {strides = array<i32>} : memref<4800xi32, #tpu.memory_space<vmem>>, vector<16xi32>,
          %get3A_382 = arith.index_cast %add3A_379 : i32 to index
          %get3A_383 = tpu.vector_load %arg12[%get3A_382] {strides = array<i32>} : memref<4800xi32, #tpu.memory_space<vmem>>, vector<16xi32>,
          %get3A_384 = arith.index_cast %add3A_379 : i32 to index
          %get3A_385 = tpu.vector_load %arg13[%get3A_384] {strides = array<i32>} : memref<4800xi32, #tpu.memory_space<vmem>>, vector<16xi32>,
          %swap3A_386 = arith.index_cast %mul3A_374 : i32 to index
          %swap3A_387 = tpu.vector_load %arg11[%swap3A_386] {strides = array<i32>} : memref<4800xi32, #tpu.memory_space<vmem>>, vector<16xi32>,
          tpu.vector_store %arg11[%swap3A_386], %get3A_381 {strides = array<i32>} : memref<4800xi32, #tpu.memory_space<vmem>>, vector<16xi32>,
          %swap3A_388 = arith.index_cast %mul3A_374 : i32 to index
          %swap3A_389 = tpu.vector_load %arg12[%swap3A_388] {strides = array<i32>} : memref<4800xi32, #tpu.memory_space<vmem>>, vector<16xi32>,
          tpu.vector_store %arg12[%swap3A_388], %get3A_383 {strides = array<i32>} : memref<4800xi32, #tpu.memory_space<vmem>>, vector<16xi32>,
          %swap3A_390 = arith.index_cast %mul3A_374 : i32 to index
          %swap3A_391 = tpu.vector_load %arg13[%swap3A_390] {strides = array<i32>} : memref<4800xi32, #tpu.memory_space<vmem>>, vector<16xi32>,
          tpu.vector_store %arg13[%swap3A_390], %get3A_385 {strides = array<i32>} : memref<4800xi32, #tpu.memory_space<vmem>>, vector<16xi32>,
          %scan3A_392 = arith.constant 0 : i32
          scf.yield %scan3A_392 : i32
        }
        %scan3A_303 = arith.constant 20 : i32
        %mul3A_304 = arith.constant 320 : i32
        %mul3A_305 = arith.muli %select_n3A_284, %mul3A_304 : i32
        %sub3A_306 = arith.subi %reduce_max3A_260, %mul3A_305 : i32
        scf.yield %sub3A_306 : i32
      }
      %scan3A_39 = arith.constant 10 : i32
      %add3A_40 = arith.constant 319 : i32
      %add3A_41 = arith.addi %scan3A_38, %add3A_40 : i32
      %jit3A = arith.constant 320 : i32
      %div3A = arith.divsi %add3A_41, %jit3A : i32
      %sign3A = arith.constant 0 : i32
      %sign3A_42 = arith.cmpi sgt, %add3A_41, %sign3A : i32
      %sign3A_43 = arith.extui %sign3A_42 : i1 to i32
      %sign3A_44 = arith.constant 0 : i32
      %sign3A_45 = arith.cmpi slt, %add3A_41, %sign3A_44 : i32
      %sign3A_46 = arith.extui %sign3A_45 : i1 to i32
      %sign3A_47 = arith.subi %sign3A_43, %sign3A_46 : i32
      %sign3A_48 = arith.constant 0 : i32
      %sign3A_49 = arith.cmpi sgt, %jit3A, %sign3A_48 : i32
      %sign3A_50 = arith.extui %sign3A_49 : i1 to i32
      %sign3A_51 = arith.constant 0 : i32
      %sign3A_52 = arith.cmpi slt, %jit3A, %sign3A_51 : i32
      %sign3A_53 = arith.extui %sign3A_52 : i1 to i32
      %sign3A_54 = arith.subi %sign3A_50, %sign3A_53 : i32
      %ne3A = arith.cmpi ne, %sign3A_47, %sign3A_54 : i32
      %rem3A = arith.remsi %add3A_41, %jit3A : i32
      %ne3A_55 = arith.constant 0 : i32
      %ne3A_56 = arith.cmpi ne, %rem3A, %ne3A_55 : i32
      %and3A = arith.andi %ne3A, %ne3A_56 : i1
      %sub3A = arith.constant 1 : i32
      %sub3A_57 = arith.subi %div3A, %sub3A : i32
      %select_n3A = arith.select %and3A, %sub3A_57, %div3A : i32
      %mul3A_58 = arith.constant 320 : i32
      %mul3A_59 = arith.muli %select_n3A, %mul3A_58 : i32
      %jit3A_60 = arith.constant 16 : i32
      %div3A_61 = arith.divsi %scan3A_38, %jit3A_60 : i32
      %sign3A_62 = arith.constant 0 : i32
      %sign3A_63 = arith.cmpi sgt, %scan3A_38, %sign3A_62 : i32
      %sign3A_64 = arith.extui %sign3A_63 : i1 to i32
      %sign3A_65 = arith.constant 0 : i32
      %sign3A_66 = arith.cmpi slt, %scan3A_38, %sign3A_65 : i32
      %sign3A_67 = arith.extui %sign3A_66 : i1 to i32
      %sign3A_68 = arith.subi %sign3A_64, %sign3A_67 : i32
      %sign3A_69 = arith.constant 0 : i32
      %sign3A_70 = arith.cmpi sgt, %jit3A_60, %sign3A_69 : i32
      %sign3A_71 = arith.extui %sign3A_70 : i1 to i32
      %sign3A_72 = arith.constant 0 : i32
      %sign3A_73 = arith.cmpi slt, %jit3A_60, %sign3A_72 : i32
      %sign3A_74 = arith.extui %sign3A_73 : i1 to i32
      %sign3A_75 = arith.subi %sign3A_71, %sign3A_74 : i32
      %ne3A_76 = arith.cmpi ne, %sign3A_68, %sign3A_75 : i32
      %rem3A_77 = arith.remsi %scan3A_38, %jit3A_60 : i32
      %ne3A_78 = arith.constant 0 : i32
      %ne3A_79 = arith.cmpi ne, %rem3A_77, %ne3A_78 : i32
      %and3A_80 = arith.andi %ne3A_76, %ne3A_79 : i1
      %sub3A_81 = arith.constant 1 : i32
      %sub3A_82 = arith.subi %div3A_61, %sub3A_81 : i32
      %select_n3A_83 = arith.select %and3A_80, %sub3A_82, %div3A_61 : i32
      %mul3A_84 = arith.constant 16 : i32
      %mul3A_85 = arith.muli %select_n3A_83, %mul3A_84 : i32
      %broadcast_in_dim3A_86 = arith.constant -1 : i32
      %broadcast_in_dim3A_87 = vector.broadcast %broadcast_in_dim3A_86 : i32 to vector<16xi32>
      %sub3A_88 = arith.subi %mul3A_59, %mul3A_85 : i32
      %add3A_89 = arith.constant 15 : i32
      %add3A_90 = arith.addi %sub3A_88, %add3A_89 : i32
      %jit3A_91 = arith.constant 16 : i32
      %div3A_92 = arith.divsi %add3A_90, %jit3A_91 : i32
      %sign3A_93 = arith.constant 0 : i32
      %sign3A_94 = arith.cmpi sgt, %add3A_90, %sign3A_93 : i32
      %sign3A_95 = arith.extui %sign3A_94 : i1 to i32
      %sign3A_96 = arith.constant 0 : i32
      %sign3A_97 = arith.cmpi slt, %add3A_90, %sign3A_96 : i32
      %sign3A_98 = arith.extui %sign3A_97 : i1 to i32
      %sign3A_99 = arith.subi %sign3A_95, %sign3A_98 : i32
      %sign3A_100 = arith.constant 0 : i32
      %sign3A_101 = arith.cmpi sgt, %jit3A_91, %sign3A_100 : i32
      %sign3A_102 = arith.extui %sign3A_101 : i1 to i32
      %sign3A_103 = arith.constant 0 : i32
      %sign3A_104 = arith.cmpi slt, %jit3A_91, %sign3A_103 : i32
      %sign3A_105 = arith.extui %sign3A_104 : i1 to i32
      %sign3A_106 = arith.subi %sign3A_102, %sign3A_105 : i32
      %ne3A_107 = arith.cmpi ne, %sign3A_99, %sign3A_106 : i32
      %rem3A_108 = arith.remsi %add3A_90, %jit3A_91 : i32
      %ne3A_109 = arith.constant 0 : i32
      %ne3A_110 = arith.cmpi ne, %rem3A_108, %ne3A_109 : i32
      %and3A_111 = arith.andi %ne3A_107, %ne3A_110 : i1
      %sub3A_112 = arith.constant 1 : i32
      %sub3A_113 = arith.subi %div3A_92, %sub3A_112 : i32
      %select_n3A_114 = arith.select %and3A_111, %sub3A_113, %div3A_92 : i32
      %while3A = arith.constant 0 : i32
      %while3A_115 = arith.constant 0 : i32
      %while3A_116 = arith.subi %select_n3A_114, %while3A : i32
      %while3A_117 = arith.addi %while3A, %while3A_116 : i32
      %while3A_118 = arith.constant 1 : i32
      %while3A_119 = arith.divsi %while3A_116, %while3A_118 : i32
      %while3A_120 = arith.muli %while3A_119, %while3A_118 : i32
      %while3A_121 = arith.addi %while3A, %while3A_120 : i32
      %while3A_122 = arith.constant 1 : i32
      %while3A_123 = scf.for %while3A_146 = %while3A to %while3A_121 step %while3A_122 iter_args(%while3A_147 = %while3A_115) -> (i32)  : i32 {
        %mul3A_148 = arith.constant 16 : i32
        %mul3A_149 = arith.muli %while3A_146, %mul3A_148 : i32
        %add3A_150 = arith.addi %mul3A_85, %mul3A_149 : i32
        %add3A_151 = vector.broadcast %add3A_150 : i32 to vector<16xi32>
        %add3A_152 = arith.addi %add3A_151, %iota3A : vector<16xi32>
        %ge3A = vector.broadcast %scan3A_38 : i32 to vector<16xi32>
        %ge3A_153 = arith.cmpi sge, %add3A_152, %ge3A : vector<16xi32>
        %lt3A = vector.broadcast %mul3A_59 : i32 to vector<16xi32>
        %lt3A_154 = arith.cmpi slt, %add3A_152, %lt3A : vector<16xi32>
        %and3A_155 = arith.andi %ge3A_153, %lt3A_154 : vector<16xi1>
        tpu.vector_store_idx %arg11[%add3A_152], %broadcast_in_dim3A_87 masked %and3A_155 : memref<4800xi32, #tpu.memory_space<vmem>>[vector<16xi32>], vector<16xi32>, vector<16xi1>
        tpu.vector_store_idx %arg12[%add3A_152], %broadcast_in_dim3A_87 masked %and3A_155 : memref<4800xi32, #tpu.memory_space<vmem>>[vector<16xi32>], vector<16xi32>, vector<16xi1>
        tpu.vector_store_idx %arg13[%add3A_152], %broadcast_in_dim3A_87 masked %and3A_155 : memref<4800xi32, #tpu.memory_space<vmem>>[vector<16xi32>], vector<16xi32>, vector<16xi1>
        %while3A_156 = arith.constant 0 : i32
        scf.yield %while3A_156 : i32
      }
      %while3A_124 = arith.constant 1 : i32
      %while3A_125 = scf.for %while3A_146 = %while3A_121 to %while3A_117 step %while3A_124 iter_args(%while3A_147 = %while3A_123) -> (i32)  : i32 {
        %mul3A_148 = arith.constant 16 : i32
        %mul3A_149 = arith.muli %while3A_146, %mul3A_148 : i32
        %add3A_150 = arith.addi %mul3A_85, %mul3A_149 : i32
        %add3A_151 = vector.broadcast %add3A_150 : i32 to vector<16xi32>
        %add3A_152 = arith.addi %add3A_151, %iota3A : vector<16xi32>
        %ge3A = vector.broadcast %scan3A_38 : i32 to vector<16xi32>
        %ge3A_153 = arith.cmpi sge, %add3A_152, %ge3A : vector<16xi32>
        %lt3A = vector.broadcast %mul3A_59 : i32 to vector<16xi32>
        %lt3A_154 = arith.cmpi slt, %add3A_152, %lt3A : vector<16xi32>
        %and3A_155 = arith.andi %ge3A_153, %lt3A_154 : vector<16xi1>
        tpu.vector_store_idx %arg11[%add3A_152], %broadcast_in_dim3A_87 masked %and3A_155 : memref<4800xi32, #tpu.memory_space<vmem>>[vector<16xi32>], vector<16xi32>, vector<16xi1>
        tpu.vector_store_idx %arg12[%add3A_152], %broadcast_in_dim3A_87 masked %and3A_155 : memref<4800xi32, #tpu.memory_space<vmem>>[vector<16xi32>], vector<16xi32>, vector<16xi1>
        tpu.vector_store_idx %arg13[%add3A_152], %broadcast_in_dim3A_87 masked %and3A_155 : memref<4800xi32, #tpu.memory_space<vmem>>[vector<16xi32>], vector<16xi32>, vector<16xi1>
        %while3A_156 = arith.constant 0 : i32
        scf.yield %while3A_156 : i32
      }
      %while3A_126 = arith.constant 0 : i32
      %while3A_127 = arith.constant 0 : i32
      %while3A_128 = arith.subi %select_n3A, %while3A_126 : i32
      %while3A_129 = arith.addi %while3A_126, %while3A_128 : i32
      %while3A_130 = arith.constant 1 : i32
      %while3A_131 = arith.divsi %while3A_128, %while3A_130 : i32
      %while3A_132 = arith.muli %while3A_131, %while3A_130 : i32
      %while3A_133 = arith.addi %while3A_126, %while3A_132 : i32
      %while3A_134 = arith.constant 1 : i32
      %while3A_135 = scf.for %while3A_146 = %while3A_126 to %while3A_133 step %while3A_134 iter_args(%while3A_147 = %while3A_127) -> (i32)  : i32 {
        %scan3A_148 = arith.constant 0 : i32
        %scan3A_149 = arith.constant 0 : i32
        %scan3A_150 = arith.constant 20 : i32
        %scan3A_151 = arith.addi %scan3A_149, %scan3A_150 : i32
        %scan3A_152 = arith.constant 4 : i32
        %scan3A_153 = scf.for %scan3A_178 = %scan3A_149 to %scan3A_151 step %scan3A_152 iter_args(%scan3A_179 = %scan3A_148) -> (i32)  : i32 {
          %mul3A_180 = arith.constant 16 : i32
          %mul3A_181 = arith.muli %scan3A_178, %mul3A_180 : i32
          %mul3A_182 = arith.constant 320 : i32
          %mul3A_183 = arith.muli %while3A_146, %mul3A_182 : i32
          %mul3A_184 = arith.constant 16 : i32
          %mul3A_185 = arith.muli %scan3A_178, %mul3A_184 : i32
          %add3A_186 = arith.addi %mul3A_183, %mul3A_185 : i32
          %get3A = arith.index_cast %add3A_186 : i32 to index
          %get3A_187 = tpu.vector_load %arg11[%get3A] {strides = array<i32>} : memref<4800xi32, #tpu.memory_space<vmem>>, vector<16xi32>,
          %swap3A = arith.index_cast %mul3A_181 : i32 to index
          %swap3A_188 = tpu.vector_load %arg14[%swap3A] {strides = array<i32>} : memref<320xi32, #tpu.memory_space<vmem>>, vector<16xi32>,
          tpu.vector_store %arg14[%swap3A], %get3A_187 {strides = array<i32>} : memref<320xi32, #tpu.memory_space<vmem>>, vector<16xi32>,
          %get3A_189 = arith.index_cast %add3A_186 : i32 to index
          %get3A_190 = tpu.vector_load %arg12[%get3A_189] {strides = array<i32>} : memref<4800xi32, #tpu.memory_space<vmem>>, vector<16xi32>,
          %swap3A_191 = arith.index_cast %mul3A_181 : i32 to index
          %swap3A_192 = tpu.vector_load %arg15[%swap3A_191] {strides = array<i32>} : memref<320xi32, #tpu.memory_space<vmem>>, vector<16xi32>,
          tpu.vector_store %arg15[%swap3A_191], %get3A_190 {strides = array<i32>} : memref<320xi32, #tpu.memory_space<vmem>>, vector<16xi32>,
          %get3A_193 = arith.index_cast %add3A_186 : i32 to index
          %get3A_194 = tpu.vector_load %arg13[%get3A_193] {strides = array<i32>} : memref<4800xi32, #tpu.memory_space<vmem>>, vector<16xi32>,
          %swap3A_195 = arith.index_cast %mul3A_181 : i32 to index
          %swap3A_196 = tpu.vector_load %arg16[%swap3A_195] {strides = array<i32>} : memref<320xi32, #tpu.memory_space<vmem>>, vector<16xi32>,
          tpu.vector_store %arg16[%swap3A_195], %get3A_194 {strides = array<i32>} : memref<320xi32, #tpu.memory_space<vmem>>, vector<16xi32>,
          %scan3A_197 = arith.constant 0 : i32
          %scan3A_198 = arith.constant 1 : i32
          %scan3A_199 = arith.addi %scan3A_178, %scan3A_198 : i32
          %mul3A_200 = arith.constant 16 : i32
          %mul3A_201 = arith.muli %scan3A_199, %mul3A_200 : i32
          %mul3A_202 = arith.constant 320 : i32
          %mul3A_203 = arith.muli %while3A_146, %mul3A_202 : i32
          %mul3A_204 = arith.constant 16 : i32
          %mul3A_205 = arith.muli %scan3A_199, %mul3A_204 : i32
          %add3A_206 = arith.addi %mul3A_203, %mul3A_205 : i32
          %get3A_207 = arith.index_cast %add3A_206 : i32 to index
          %get3A_208 = tpu.vector_load %arg11[%get3A_207] {strides = array<i32>} : memref<4800xi32, #tpu.memory_space<vmem>>, vector<16xi32>,
          %swap3A_209 = arith.index_cast %mul3A_201 : i32 to index
          %swap3A_210 = tpu.vector_load %arg14[%swap3A_209] {strides = array<i32>} : memref<320xi32, #tpu.memory_space<vmem>>, vector<16xi32>,
          tpu.vector_store %arg14[%swap3A_209], %get3A_208 {strides = array<i32>} : memref<320xi32, #tpu.memory_space<vmem>>, vector<16xi32>,
          %get3A_211 = arith.index_cast %add3A_206 : i32 to index
          %get3A_212 = tpu.vector_load %arg12[%get3A_211] {strides = array<i32>} : memref<4800xi32, #tpu.memory_space<vmem>>, vector<16xi32>,
          %swap3A_213 = arith.index_cast %mul3A_201 : i32 to index
          %swap3A_214 = tpu.vector_load %arg15[%swap3A_213] {strides = array<i32>} : memref<320xi32, #tpu.memory_space<vmem>>, vector<16xi32>,
          tpu.vector_store %arg15[%swap3A_213], %get3A_212 {strides = array<i32>} : memref<320xi32, #tpu.memory_space<vmem>>, vector<16xi32>,
          %get3A_215 = arith.index_cast %add3A_206 : i32 to index
          %get3A_216 = tpu.vector_load %arg13[%get3A_215] {strides = array<i32>} : memref<4800xi32, #tpu.memory_space<vmem>>, vector<16xi32>,
          %swap3A_217 = arith.index_cast %mul3A_201 : i32 to index
          %swap3A_218 = tpu.vector_load %arg16[%swap3A_217] {strides = array<i32>} : memref<320xi32, #tpu.memory_space<vmem>>, vector<16xi32>,
          tpu.vector_store %arg16[%swap3A_217], %get3A_216 {strides = array<i32>} : memref<320xi32, #tpu.memory_space<vmem>>, vector<16xi32>,
          %scan3A_219 = arith.constant 0 : i32
          %scan3A_220 = arith.constant 2 : i32
          %scan3A_221 = arith.addi %scan3A_178, %scan3A_220 : i32
          %mul3A_222 = arith.constant 16 : i32
          %mul3A_223 = arith.muli %scan3A_221, %mul3A_222 : i32
          %mul3A_224 = arith.constant 320 : i32
          %mul3A_225 = arith.muli %while3A_146, %mul3A_224 : i32
          %mul3A_226 = arith.constant 16 : i32
          %mul3A_227 = arith.muli %scan3A_221, %mul3A_226 : i32
          %add3A_228 = arith.addi %mul3A_225, %mul3A_227 : i32
          %get3A_229 = arith.index_cast %add3A_228 : i32 to index
          %get3A_230 = tpu.vector_load %arg11[%get3A_229] {strides = array<i32>} : memref<4800xi32, #tpu.memory_space<vmem>>, vector<16xi32>,
          %swap3A_231 = arith.index_cast %mul3A_223 : i32 to index
          %swap3A_232 = tpu.vector_load %arg14[%swap3A_231] {strides = array<i32>} : memref<320xi32, #tpu.memory_space<vmem>>, vector<16xi32>,
          tpu.vector_store %arg14[%swap3A_231], %get3A_230 {strides = array<i32>} : memref<320xi32, #tpu.memory_space<vmem>>, vector<16xi32>,
          %get3A_233 = arith.index_cast %add3A_228 : i32 to index
          %get3A_234 = tpu.vector_load %arg12[%get3A_233] {strides = array<i32>} : memref<4800xi32, #tpu.memory_space<vmem>>, vector<16xi32>,
          %swap3A_235 = arith.index_cast %mul3A_223 : i32 to index
          %swap3A_236 = tpu.vector_load %arg15[%swap3A_235] {strides = array<i32>} : memref<320xi32, #tpu.memory_space<vmem>>, vector<16xi32>,
          tpu.vector_store %arg15[%swap3A_235], %get3A_234 {strides = array<i32>} : memref<320xi32, #tpu.memory_space<vmem>>, vector<16xi32>,
          %get3A_237 = arith.index_cast %add3A_228 : i32 to index
          %get3A_238 = tpu.vector_load %arg13[%get3A_237] {strides = array<i32>} : memref<4800xi32, #tpu.memory_space<vmem>>, vector<16xi32>,
          %swap3A_239 = arith.index_cast %mul3A_223 : i32 to index
          %swap3A_240 = tpu.vector_load %arg16[%swap3A_239] {strides = array<i32>} : memref<320xi32, #tpu.memory_space<vmem>>, vector<16xi32>,
          tpu.vector_store %arg16[%swap3A_239], %get3A_238 {strides = array<i32>} : memref<320xi32, #tpu.memory_space<vmem>>, vector<16xi32>,
          %scan3A_241 = arith.constant 0 : i32
          %scan3A_242 = arith.constant 3 : i32
          %scan3A_243 = arith.addi %scan3A_178, %scan3A_242 : i32
          %mul3A_244 = arith.constant 16 : i32
          %mul3A_245 = arith.muli %scan3A_243, %mul3A_244 : i32
          %mul3A_246 = arith.constant 320 : i32
          %mul3A_247 = arith.muli %while3A_146, %mul3A_246 : i32
          %mul3A_248 = arith.constant 16 : i32
          %mul3A_249 = arith.muli %scan3A_243, %mul3A_248 : i32
          %add3A_250 = arith.addi %mul3A_247, %mul3A_249 : i32
          %get3A_251 = arith.index_cast %add3A_250 : i32 to index
          %get3A_252 = tpu.vector_load %arg11[%get3A_251] {strides = array<i32>} : memref<4800xi32, #tpu.memory_space<vmem>>, vector<16xi32>,
          %swap3A_253 = arith.index_cast %mul3A_245 : i32 to index
          %swap3A_254 = tpu.vector_load %arg14[%swap3A_253] {strides = array<i32>} : memref<320xi32, #tpu.memory_space<vmem>>, vector<16xi32>,
          tpu.vector_store %arg14[%swap3A_253], %get3A_252 {strides = array<i32>} : memref<320xi32, #tpu.memory_space<vmem>>, vector<16xi32>,
          %get3A_255 = arith.index_cast %add3A_250 : i32 to index
          %get3A_256 = tpu.vector_load %arg12[%get3A_255] {strides = array<i32>} : memref<4800xi32, #tpu.memory_space<vmem>>, vector<16xi32>,
          %swap3A_257 = arith.index_cast %mul3A_245 : i32 to index
          %swap3A_258 = tpu.vector_load %arg15[%swap3A_257] {strides = array<i32>} : memref<320xi32, #tpu.memory_space<vmem>>, vector<16xi32>,
          tpu.vector_store %arg15[%swap3A_257], %get3A_256 {strides = array<i32>} : memref<320xi32, #tpu.memory_space<vmem>>, vector<16xi32>,
          %get3A_259 = arith.index_cast %add3A_250 : i32 to index
          %get3A_260 = tpu.vector_load %arg13[%get3A_259] {strides = array<i32>} : memref<4800xi32, #tpu.memory_space<vmem>>, vector<16xi32>,
          %swap3A_261 = arith.index_cast %mul3A_245 : i32 to index
          %swap3A_262 = tpu.vector_load %arg16[%swap3A_261] {strides = array<i32>} : memref<320xi32, #tpu.memory_space<vmem>>, vector<16xi32>,
          tpu.vector_store %arg16[%swap3A_261], %get3A_260 {strides = array<i32>} : memref<320xi32, #tpu.memory_space<vmem>>, vector<16xi32>,
          %scan3A_263 = arith.constant 0 : i32
          scf.yield %scan3A_263 : i32
        }
        %scan3A_154 = arith.constant 20 : i32
        %dma_start3A_155 = arith.constant 0 : i32
        %dma_start3A_156 = arith.constant 0 : i32
        %dma_start3A_157 = tpu.memref_slice %arg2[%dma_start3A_155, %dma_start3A_156] : memref<1280000x64xbf16, #tpu.memory_space<hbm>> -> memref<1280000x64xbf16, #tpu.memory_space<hbm>>
        %dma_start3A_158 = arith.constant -1 : i32
        tpu.enqueue_indirect_dma source(%dma_start3A_157 : memref<1280000x64xbf16, #tpu.memory_space<hbm>>) target(%arg17 : memref<320x64xbf16, #tpu.memory_space<vmem>>) offsets(%arg14 : memref<320xi32, #tpu.memory_space<vmem>>) offset_filter(%dma_start3A_158) semaphore(%arg21 : memref<!tpu.dma_semaphore, #tpu.memory_space<semaphore_mem>>)
        %dma_start3A_159 = arith.constant 0 : i32
        %dma_start3A_160 = arith.constant 0 : i32
        %dma_start3A_161 = tpu.memref_slice %arg5[%dma_start3A_159, %dma_start3A_160] : memref<320000x64xf32, #tpu.memory_space<hbm>> -> memref<320000x64xf32, #tpu.memory_space<hbm>>
        %dma_start3A_162 = arith.constant -1 : i32
        tpu.enqueue_indirect_dma source(%dma_start3A_161 : memref<320000x64xf32, #tpu.memory_space<hbm>>) target(%arg18 : memref<320x64xf32, #tpu.memory_space<vmem>>) offsets(%arg15 : memref<320xi32, #tpu.memory_space<vmem>>) offset_filter(%dma_start3A_162) semaphore(%arg22 : memref<!tpu.dma_semaphore, #tpu.memory_space<semaphore_mem>>)
        %dma_wait3A = arith.constant 0 : i32
        %dma_wait3A_163 = arith.constant 0 : i32
        %dma_wait3A_164 = tpu.memref_slice %arg2[%dma_wait3A, %dma_wait3A_163] : memref<1280000x64xbf16, #tpu.memory_space<hbm>> -> memref<1280000x64xbf16, #tpu.memory_space<hbm>>
        tpu.wait_indirect_dma semaphore(%arg21 : memref<!tpu.dma_semaphore, #tpu.memory_space<semaphore_mem>>) src(%dma_wait3A_164 : memref<1280000x64xbf16, #tpu.memory_space<hbm>>) dst(%arg17 : memref<320x64xbf16, #tpu.memory_space<vmem>>)
        %dma_wait3A_165 = arith.constant 0 : i32
        %dma_wait3A_166 = arith.constant 0 : i32
        %dma_wait3A_167 = tpu.memref_slice %arg5[%dma_wait3A_165, %dma_wait3A_166] : memref<320000x64xf32, #tpu.memory_space<hbm>> -> memref<320000x64xf32, #tpu.memory_space<hbm>>
        tpu.wait_indirect_dma semaphore(%arg22 : memref<!tpu.dma_semaphore, #tpu.memory_space<semaphore_mem>>) src(%dma_wait3A_167 : memref<320000x64xf32, #tpu.memory_space<hbm>>) dst(%arg18 : memref<320x64xf32, #tpu.memory_space<vmem>>)
        %broadcast_in_dim3A_168 = arith.constant -65536 : i32
        %broadcast_in_dim3A_169 = vector.broadcast %broadcast_in_dim3A_168 : i32 to vector<16xi32>
        %scan3A_170 = arith.constant 0 : i32
        %scan3A_171 = arith.constant 0 : i32
        %scan3A_172 = arith.constant 320 : i32
        %scan3A_173 = arith.addi %scan3A_171, %scan3A_172 : i32
        %scan3A_174 = arith.constant 4 : i32
        %scan3A_175 = scf.for %scan3A_178 = %scan3A_171 to %scan3A_173 step %scan3A_174 iter_args(%scan3A_179 = %scan3A_170) -> (i32)  : i32 {
          %get3A = arith.index_cast %scan3A_178 : i32 to index
          %get3A_180 = arith.constant 0 : index
          %get3A_181 = tpu.vector_load %arg17[%get3A, %get3A_180] {strides = array<i32>} : memref<320x64xbf16, #tpu.memory_space<vmem>>, vector<32xbf16>,
          %bitcast3A = vector.bitcast %get3A_181 : vector<32xbf16> to vector<16xi32>
          %shift_left3A = arith.constant 16 : i32
          %shift_left3A_182 = vector.broadcast %shift_left3A : i32 to vector<16xi32>
          %shift_left3A_183 = arith.shli %bitcast3A, %shift_left3A_182 : vector<16xi32>
          %bitcast3A_184 = vector.bitcast %shift_left3A_183 : vector<16xi32> to vector<16xf32>
          %and3A_185 = arith.andi %bitcast3A, %broadcast_in_dim3A_169 : vector<16xi32>
          %bitcast3A_186 = vector.bitcast %and3A_185 : vector<16xi32> to vector<16xf32>
          %get3A_187 = arith.index_cast %scan3A_178 : i32 to index
          %get3A_188 = arith.constant 0 : index
          %get3A_189 = tpu.vector_load %arg18[%get3A_187, %get3A_188] {strides = array<i32>} : memref<320x64xf32, #tpu.memory_space<vmem>>, vector<16xf32>,
          %mul3A_190 = arith.mulf %get3A_189, %bitcast3A_184 : vector<16xf32>
          %swap3A = arith.index_cast %scan3A_178 : i32 to index
          %swap3A_191 = arith.constant 0 : index
          %swap3A_192 = tpu.vector_load %arg18[%swap3A, %swap3A_191] {strides = array<i32>} : memref<320x64xf32, #tpu.memory_space<vmem>>, vector<16xf32>,
          tpu.vector_store %arg18[%swap3A, %swap3A_191], %mul3A_190 {strides = array<i32>} : memref<320x64xf32, #tpu.memory_space<vmem>>, vector<16xf32>,
          %get3A_193 = arith.index_cast %scan3A_178 : i32 to index
          %get3A_194 = arith.constant 16 : index
          %get3A_195 = tpu.vector_load %arg18[%get3A_193, %get3A_194] {strides = array<i32>} : memref<320x64xf32, #tpu.memory_space<vmem>>, vector<16xf32>,
          %mul3A_196 = arith.mulf %get3A_195, %bitcast3A_186 : vector<16xf32>
          %swap3A_197 = arith.index_cast %scan3A_178 : i32 to index
          %swap3A_198 = arith.constant 16 : index
          %swap3A_199 = tpu.vector_load %arg18[%swap3A_197, %swap3A_198] {strides = array<i32>} : memref<320x64xf32, #tpu.memory_space<vmem>>, vector<16xf32>,
          tpu.vector_store %arg18[%swap3A_197, %swap3A_198], %mul3A_196 {strides = array<i32>} : memref<320x64xf32, #tpu.memory_space<vmem>>, vector<16xf32>,
          %get3A_200 = arith.index_cast %scan3A_178 : i32 to index
          %get3A_201 = arith.constant 32 : index
          %get3A_202 = tpu.vector_load %arg17[%get3A_200, %get3A_201] {strides = array<i32>} : memref<320x64xbf16, #tpu.memory_space<vmem>>, vector<32xbf16>,
          %bitcast3A_203 = vector.bitcast %get3A_202 : vector<32xbf16> to vector<16xi32>
          %shift_left3A_204 = arith.constant 16 : i32
          %shift_left3A_205 = vector.broadcast %shift_left3A_204 : i32 to vector<16xi32>
          %shift_left3A_206 = arith.shli %bitcast3A_203, %shift_left3A_205 : vector<16xi32>
          %bitcast3A_207 = vector.bitcast %shift_left3A_206 : vector<16xi32> to vector<16xf32>
          %and3A_208 = arith.andi %bitcast3A_203, %broadcast_in_dim3A_169 : vector<16xi32>
          %bitcast3A_209 = vector.bitcast %and3A_208 : vector<16xi32> to vector<16xf32>
          %get3A_210 = arith.index_cast %scan3A_178 : i32 to index
          %get3A_211 = arith.constant 32 : index
          %get3A_212 = tpu.vector_load %arg18[%get3A_210, %get3A_211] {strides = array<i32>} : memref<320x64xf32, #tpu.memory_space<vmem>>, vector<16xf32>,
          %mul3A_213 = arith.mulf %get3A_212, %bitcast3A_207 : vector<16xf32>
          %swap3A_214 = arith.index_cast %scan3A_178 : i32 to index
          %swap3A_215 = arith.constant 32 : index
          %swap3A_216 = tpu.vector_load %arg18[%swap3A_214, %swap3A_215] {strides = array<i32>} : memref<320x64xf32, #tpu.memory_space<vmem>>, vector<16xf32>,
          tpu.vector_store %arg18[%swap3A_214, %swap3A_215], %mul3A_213 {strides = array<i32>} : memref<320x64xf32, #tpu.memory_space<vmem>>, vector<16xf32>,
          %get3A_217 = arith.index_cast %scan3A_178 : i32 to index
          %get3A_218 = arith.constant 48 : index
          %get3A_219 = tpu.vector_load %arg18[%get3A_217, %get3A_218] {strides = array<i32>} : memref<320x64xf32, #tpu.memory_space<vmem>>, vector<16xf32>,
          %mul3A_220 = arith.mulf %get3A_219, %bitcast3A_209 : vector<16xf32>
          %swap3A_221 = arith.index_cast %scan3A_178 : i32 to index
          %swap3A_222 = arith.constant 48 : index
          %swap3A_223 = tpu.vector_load %arg18[%swap3A_221, %swap3A_222] {strides = array<i32>} : memref<320x64xf32, #tpu.memory_space<vmem>>, vector<16xf32>,
          tpu.vector_store %arg18[%swap3A_221, %swap3A_222], %mul3A_220 {strides = array<i32>} : memref<320x64xf32, #tpu.memory_space<vmem>>, vector<16xf32>,
          %scan3A_224 = arith.constant 0 : i32
          %scan3A_225 = arith.constant 1 : i32
          %scan3A_226 = arith.addi %scan3A_178, %scan3A_225 : i32
          %get3A_227 = arith.index_cast %scan3A_226 : i32 to index
          %get3A_228 = arith.constant 0 : index
          %get3A_229 = tpu.vector_load %arg17[%get3A_227, %get3A_228] {strides = array<i32>} : memref<320x64xbf16, #tpu.memory_space<vmem>>, vector<32xbf16>,
          %bitcast3A_230 = vector.bitcast %get3A_229 : vector<32xbf16> to vector<16xi32>
          %shift_left3A_231 = arith.constant 16 : i32
          %shift_left3A_232 = vector.broadcast %shift_left3A_231 : i32 to vector<16xi32>
          %shift_left3A_233 = arith.shli %bitcast3A_230, %shift_left3A_232 : vector<16xi32>
          %bitcast3A_234 = vector.bitcast %shift_left3A_233 : vector<16xi32> to vector<16xf32>
          %and3A_235 = arith.andi %bitcast3A_230, %broadcast_in_dim3A_169 : vector<16xi32>
          %bitcast3A_236 = vector.bitcast %and3A_235 : vector<16xi32> to vector<16xf32>
          %get3A_237 = arith.index_cast %scan3A_226 : i32 to index
          %get3A_238 = arith.constant 0 : index
          %get3A_239 = tpu.vector_load %arg18[%get3A_237, %get3A_238] {strides = array<i32>} : memref<320x64xf32, #tpu.memory_space<vmem>>, vector<16xf32>,
          %mul3A_240 = arith.mulf %get3A_239, %bitcast3A_234 : vector<16xf32>
          %swap3A_241 = arith.index_cast %scan3A_226 : i32 to index
          %swap3A_242 = arith.constant 0 : index
          %swap3A_243 = tpu.vector_load %arg18[%swap3A_241, %swap3A_242] {strides = array<i32>} : memref<320x64xf32, #tpu.memory_space<vmem>>, vector<16xf32>,
          tpu.vector_store %arg18[%swap3A_241, %swap3A_242], %mul3A_240 {strides = array<i32>} : memref<320x64xf32, #tpu.memory_space<vmem>>, vector<16xf32>,
          %get3A_244 = arith.index_cast %scan3A_226 : i32 to index
          %get3A_245 = arith.constant 16 : index
          %get3A_246 = tpu.vector_load %arg18[%get3A_244, %get3A_245] {strides = array<i32>} : memref<320x64xf32, #tpu.memory_space<vmem>>, vector<16xf32>,
          %mul3A_247 = arith.mulf %get3A_246, %bitcast3A_236 : vector<16xf32>
          %swap3A_248 = arith.index_cast %scan3A_226 : i32 to index
          %swap3A_249 = arith.constant 16 : index
          %swap3A_250 = tpu.vector_load %arg18[%swap3A_248, %swap3A_249] {strides = array<i32>} : memref<320x64xf32, #tpu.memory_space<vmem>>, vector<16xf32>,
          tpu.vector_store %arg18[%swap3A_248, %swap3A_249], %mul3A_247 {strides = array<i32>} : memref<320x64xf32, #tpu.memory_space<vmem>>, vector<16xf32>,
          %get3A_251 = arith.index_cast %scan3A_226 : i32 to index
          %get3A_252 = arith.constant 32 : index
          %get3A_253 = tpu.vector_load %arg17[%get3A_251, %get3A_252] {strides = array<i32>} : memref<320x64xbf16, #tpu.memory_space<vmem>>, vector<32xbf16>,
          %bitcast3A_254 = vector.bitcast %get3A_253 : vector<32xbf16> to vector<16xi32>
          %shift_left3A_255 = arith.constant 16 : i32
          %shift_left3A_256 = vector.broadcast %shift_left3A_255 : i32 to vector<16xi32>
          %shift_left3A_257 = arith.shli %bitcast3A_254, %shift_left3A_256 : vector<16xi32>
          %bitcast3A_258 = vector.bitcast %shift_left3A_257 : vector<16xi32> to vector<16xf32>
          %and3A_259 = arith.andi %bitcast3A_254, %broadcast_in_dim3A_169 : vector<16xi32>
          %bitcast3A_260 = vector.bitcast %and3A_259 : vector<16xi32> to vector<16xf32>
          %get3A_261 = arith.index_cast %scan3A_226 : i32 to index
          %get3A_262 = arith.constant 32 : index
          %get3A_263 = tpu.vector_load %arg18[%get3A_261, %get3A_262] {strides = array<i32>} : memref<320x64xf32, #tpu.memory_space<vmem>>, vector<16xf32>,
          %mul3A_264 = arith.mulf %get3A_263, %bitcast3A_258 : vector<16xf32>
          %swap3A_265 = arith.index_cast %scan3A_226 : i32 to index
          %swap3A_266 = arith.constant 32 : index
          %swap3A_267 = tpu.vector_load %arg18[%swap3A_265, %swap3A_266] {strides = array<i32>} : memref<320x64xf32, #tpu.memory_space<vmem>>, vector<16xf32>,
          tpu.vector_store %arg18[%swap3A_265, %swap3A_266], %mul3A_264 {strides = array<i32>} : memref<320x64xf32, #tpu.memory_space<vmem>>, vector<16xf32>,
          %get3A_268 = arith.index_cast %scan3A_226 : i32 to index
          %get3A_269 = arith.constant 48 : index
          %get3A_270 = tpu.vector_load %arg18[%get3A_268, %get3A_269] {strides = array<i32>} : memref<320x64xf32, #tpu.memory_space<vmem>>, vector<16xf32>,
          %mul3A_271 = arith.mulf %get3A_270, %bitcast3A_260 : vector<16xf32>
          %swap3A_272 = arith.index_cast %scan3A_226 : i32 to index
          %swap3A_273 = arith.constant 48 : index
          %swap3A_274 = tpu.vector_load %arg18[%swap3A_272, %swap3A_273] {strides = array<i32>} : memref<320x64xf32, #tpu.memory_space<vmem>>, vector<16xf32>,
          tpu.vector_store %arg18[%swap3A_272, %swap3A_273], %mul3A_271 {strides = array<i32>} : memref<320x64xf32, #tpu.memory_space<vmem>>, vector<16xf32>,
          %scan3A_275 = arith.constant 0 : i32
          %scan3A_276 = arith.constant 2 : i32
          %scan3A_277 = arith.addi %scan3A_178, %scan3A_276 : i32
          %get3A_278 = arith.index_cast %scan3A_277 : i32 to index
          %get3A_279 = arith.constant 0 : index
          %get3A_280 = tpu.vector_load %arg17[%get3A_278, %get3A_279] {strides = array<i32>} : memref<320x64xbf16, #tpu.memory_space<vmem>>, vector<32xbf16>,
          %bitcast3A_281 = vector.bitcast %get3A_280 : vector<32xbf16> to vector<16xi32>
          %shift_left3A_282 = arith.constant 16 : i32
          %shift_left3A_283 = vector.broadcast %shift_left3A_282 : i32 to vector<16xi32>
          %shift_left3A_284 = arith.shli %bitcast3A_281, %shift_left3A_283 : vector<16xi32>
          %bitcast3A_285 = vector.bitcast %shift_left3A_284 : vector<16xi32> to vector<16xf32>
          %and3A_286 = arith.andi %bitcast3A_281, %broadcast_in_dim3A_169 : vector<16xi32>
          %bitcast3A_287 = vector.bitcast %and3A_286 : vector<16xi32> to vector<16xf32>
          %get3A_288 = arith.index_cast %scan3A_277 : i32 to index
          %get3A_289 = arith.constant 0 : index
          %get3A_290 = tpu.vector_load %arg18[%get3A_288, %get3A_289] {strides = array<i32>} : memref<320x64xf32, #tpu.memory_space<vmem>>, vector<16xf32>,
          %mul3A_291 = arith.mulf %get3A_290, %bitcast3A_285 : vector<16xf32>
          %swap3A_292 = arith.index_cast %scan3A_277 : i32 to index
          %swap3A_293 = arith.constant 0 : index
          %swap3A_294 = tpu.vector_load %arg18[%swap3A_292, %swap3A_293] {strides = array<i32>} : memref<320x64xf32, #tpu.memory_space<vmem>>, vector<16xf32>,
          tpu.vector_store %arg18[%swap3A_292, %swap3A_293], %mul3A_291 {strides = array<i32>} : memref<320x64xf32, #tpu.memory_space<vmem>>, vector<16xf32>,
          %get3A_295 = arith.index_cast %scan3A_277 : i32 to index
          %get3A_296 = arith.constant 16 : index
          %get3A_297 = tpu.vector_load %arg18[%get3A_295, %get3A_296] {strides = array<i32>} : memref<320x64xf32, #tpu.memory_space<vmem>>, vector<16xf32>,
          %mul3A_298 = arith.mulf %get3A_297, %bitcast3A_287 : vector<16xf32>
          %swap3A_299 = arith.index_cast %scan3A_277 : i32 to index
          %swap3A_300 = arith.constant 16 : index
          %swap3A_301 = tpu.vector_load %arg18[%swap3A_299, %swap3A_300] {strides = array<i32>} : memref<320x64xf32, #tpu.memory_space<vmem>>, vector<16xf32>,
          tpu.vector_store %arg18[%swap3A_299, %swap3A_300], %mul3A_298 {strides = array<i32>} : memref<320x64xf32, #tpu.memory_space<vmem>>, vector<16xf32>,
          %get3A_302 = arith.index_cast %scan3A_277 : i32 to index
          %get3A_303 = arith.constant 32 : index
          %get3A_304 = tpu.vector_load %arg17[%get3A_302, %get3A_303] {strides = array<i32>} : memref<320x64xbf16, #tpu.memory_space<vmem>>, vector<32xbf16>,
          %bitcast3A_305 = vector.bitcast %get3A_304 : vector<32xbf16> to vector<16xi32>
          %shift_left3A_306 = arith.constant 16 : i32
          %shift_left3A_307 = vector.broadcast %shift_left3A_306 : i32 to vector<16xi32>
          %shift_left3A_308 = arith.shli %bitcast3A_305, %shift_left3A_307 : vector<16xi32>
          %bitcast3A_309 = vector.bitcast %shift_left3A_308 : vector<16xi32> to vector<16xf32>
          %and3A_310 = arith.andi %bitcast3A_305, %broadcast_in_dim3A_169 : vector<16xi32>
          %bitcast3A_311 = vector.bitcast %and3A_310 : vector<16xi32> to vector<16xf32>
          %get3A_312 = arith.index_cast %scan3A_277 : i32 to index
          %get3A_313 = arith.constant 32 : index
          %get3A_314 = tpu.vector_load %arg18[%get3A_312, %get3A_313] {strides = array<i32>} : memref<320x64xf32, #tpu.memory_space<vmem>>, vector<16xf32>,
          %mul3A_315 = arith.mulf %get3A_314, %bitcast3A_309 : vector<16xf32>
          %swap3A_316 = arith.index_cast %scan3A_277 : i32 to index
          %swap3A_317 = arith.constant 32 : index
          %swap3A_318 = tpu.vector_load %arg18[%swap3A_316, %swap3A_317] {strides = array<i32>} : memref<320x64xf32, #tpu.memory_space<vmem>>, vector<16xf32>,
          tpu.vector_store %arg18[%swap3A_316, %swap3A_317], %mul3A_315 {strides = array<i32>} : memref<320x64xf32, #tpu.memory_space<vmem>>, vector<16xf32>,
          %get3A_319 = arith.index_cast %scan3A_277 : i32 to index
          %get3A_320 = arith.constant 48 : index
          %get3A_321 = tpu.vector_load %arg18[%get3A_319, %get3A_320] {strides = array<i32>} : memref<320x64xf32, #tpu.memory_space<vmem>>, vector<16xf32>,
          %mul3A_322 = arith.mulf %get3A_321, %bitcast3A_311 : vector<16xf32>
          %swap3A_323 = arith.index_cast %scan3A_277 : i32 to index
          %swap3A_324 = arith.constant 48 : index
          %swap3A_325 = tpu.vector_load %arg18[%swap3A_323, %swap3A_324] {strides = array<i32>} : memref<320x64xf32, #tpu.memory_space<vmem>>, vector<16xf32>,
          tpu.vector_store %arg18[%swap3A_323, %swap3A_324], %mul3A_322 {strides = array<i32>} : memref<320x64xf32, #tpu.memory_space<vmem>>, vector<16xf32>,
          %scan3A_326 = arith.constant 0 : i32
          %scan3A_327 = arith.constant 3 : i32
          %scan3A_328 = arith.addi %scan3A_178, %scan3A_327 : i32
          %get3A_329 = arith.index_cast %scan3A_328 : i32 to index
          %get3A_330 = arith.constant 0 : index
          %get3A_331 = tpu.vector_load %arg17[%get3A_329, %get3A_330] {strides = array<i32>} : memref<320x64xbf16, #tpu.memory_space<vmem>>, vector<32xbf16>,
          %bitcast3A_332 = vector.bitcast %get3A_331 : vector<32xbf16> to vector<16xi32>
          %shift_left3A_333 = arith.constant 16 : i32
          %shift_left3A_334 = vector.broadcast %shift_left3A_333 : i32 to vector<16xi32>
          %shift_left3A_335 = arith.shli %bitcast3A_332, %shift_left3A_334 : vector<16xi32>
          %bitcast3A_336 = vector.bitcast %shift_left3A_335 : vector<16xi32> to vector<16xf32>
          %and3A_337 = arith.andi %bitcast3A_332, %broadcast_in_dim3A_169 : vector<16xi32>
          %bitcast3A_338 = vector.bitcast %and3A_337 : vector<16xi32> to vector<16xf32>
          %get3A_339 = arith.index_cast %scan3A_328 : i32 to index
          %get3A_340 = arith.constant 0 : index
          %get3A_341 = tpu.vector_load %arg18[%get3A_339, %get3A_340] {strides = array<i32>} : memref<320x64xf32, #tpu.memory_space<vmem>>, vector<16xf32>,
          %mul3A_342 = arith.mulf %get3A_341, %bitcast3A_336 : vector<16xf32>
          %swap3A_343 = arith.index_cast %scan3A_328 : i32 to index
          %swap3A_344 = arith.constant 0 : index
          %swap3A_345 = tpu.vector_load %arg18[%swap3A_343, %swap3A_344] {strides = array<i32>} : memref<320x64xf32, #tpu.memory_space<vmem>>, vector<16xf32>,
          tpu.vector_store %arg18[%swap3A_343, %swap3A_344], %mul3A_342 {strides = array<i32>} : memref<320x64xf32, #tpu.memory_space<vmem>>, vector<16xf32>,
          %get3A_346 = arith.index_cast %scan3A_328 : i32 to index
          %get3A_347 = arith.constant 16 : index
          %get3A_348 = tpu.vector_load %arg18[%get3A_346, %get3A_347] {strides = array<i32>} : memref<320x64xf32, #tpu.memory_space<vmem>>, vector<16xf32>,
          %mul3A_349 = arith.mulf %get3A_348, %bitcast3A_338 : vector<16xf32>
          %swap3A_350 = arith.index_cast %scan3A_328 : i32 to index
          %swap3A_351 = arith.constant 16 : index
          %swap3A_352 = tpu.vector_load %arg18[%swap3A_350, %swap3A_351] {strides = array<i32>} : memref<320x64xf32, #tpu.memory_space<vmem>>, vector<16xf32>,
          tpu.vector_store %arg18[%swap3A_350, %swap3A_351], %mul3A_349 {strides = array<i32>} : memref<320x64xf32, #tpu.memory_space<vmem>>, vector<16xf32>,
          %get3A_353 = arith.index_cast %scan3A_328 : i32 to index
          %get3A_354 = arith.constant 32 : index
          %get3A_355 = tpu.vector_load %arg17[%get3A_353, %get3A_354] {strides = array<i32>} : memref<320x64xbf16, #tpu.memory_space<vmem>>, vector<32xbf16>,
          %bitcast3A_356 = vector.bitcast %get3A_355 : vector<32xbf16> to vector<16xi32>
          %shift_left3A_357 = arith.constant 16 : i32
          %shift_left3A_358 = vector.broadcast %shift_left3A_357 : i32 to vector<16xi32>
          %shift_left3A_359 = arith.shli %bitcast3A_356, %shift_left3A_358 : vector<16xi32>
          %bitcast3A_360 = vector.bitcast %shift_left3A_359 : vector<16xi32> to vector<16xf32>
          %and3A_361 = arith.andi %bitcast3A_356, %broadcast_in_dim3A_169 : vector<16xi32>
          %bitcast3A_362 = vector.bitcast %and3A_361 : vector<16xi32> to vector<16xf32>
          %get3A_363 = arith.index_cast %scan3A_328 : i32 to index
          %get3A_364 = arith.constant 32 : index
          %get3A_365 = tpu.vector_load %arg18[%get3A_363, %get3A_364] {strides = array<i32>} : memref<320x64xf32, #tpu.memory_space<vmem>>, vector<16xf32>,
          %mul3A_366 = arith.mulf %get3A_365, %bitcast3A_360 : vector<16xf32>
          %swap3A_367 = arith.index_cast %scan3A_328 : i32 to index
          %swap3A_368 = arith.constant 32 : index
          %swap3A_369 = tpu.vector_load %arg18[%swap3A_367, %swap3A_368] {strides = array<i32>} : memref<320x64xf32, #tpu.memory_space<vmem>>, vector<16xf32>,
          tpu.vector_store %arg18[%swap3A_367, %swap3A_368], %mul3A_366 {strides = array<i32>} : memref<320x64xf32, #tpu.memory_space<vmem>>, vector<16xf32>,
          %get3A_370 = arith.index_cast %scan3A_328 : i32 to index
          %get3A_371 = arith.constant 48 : index
          %get3A_372 = tpu.vector_load %arg18[%get3A_370, %get3A_371] {strides = array<i32>} : memref<320x64xf32, #tpu.memory_space<vmem>>, vector<16xf32>,
          %mul3A_373 = arith.mulf %get3A_372, %bitcast3A_362 : vector<16xf32>
          %swap3A_374 = arith.index_cast %scan3A_328 : i32 to index
          %swap3A_375 = arith.constant 48 : index
          %swap3A_376 = tpu.vector_load %arg18[%swap3A_374, %swap3A_375] {strides = array<i32>} : memref<320x64xf32, #tpu.memory_space<vmem>>, vector<16xf32>,
          tpu.vector_store %arg18[%swap3A_374, %swap3A_375], %mul3A_373 {strides = array<i32>} : memref<320x64xf32, #tpu.memory_space<vmem>>, vector<16xf32>,
          %scan3A_377 = arith.constant 0 : i32
          scf.yield %scan3A_377 : i32
        }
        %scan3A_176 = arith.constant 320 : i32
        "tpu.region"() ({
          %run_scoped3A = tpu.sem_alloc : memref<!tpu.dma_semaphore, #tpu.memory_space<semaphore_mem>>
          %dma_start3A_178 = arith.constant 0 : i32
          %dma_start3A_179 = arith.constant 0 : i32
          %dma_start3A_180 = tpu.memref_slice %arg20[%dma_start3A_178, %dma_start3A_179] : memref<16384x64xf32, #tpu.memory_space<vmem_shared>> -> memref<16384x64xf32, #tpu.memory_space<vmem_shared>>
          %dma_start3A_181 = arith.constant -1 : i32
          tpu.enqueue_indirect_dma source(%arg18 : memref<320x64xf32, #tpu.memory_space<vmem>>) target(%dma_start3A_180 : memref<16384x64xf32, #tpu.memory_space<vmem_shared>>) offsets(%arg16 : memref<320xi32, #tpu.memory_space<vmem>>) offset_filter(%dma_start3A_181) semaphore(%run_scoped3A : memref<!tpu.dma_semaphore, #tpu.memory_space<semaphore_mem>>) {add = true}
          %dma_wait3A_182 = arith.constant 0 : i32
          %dma_wait3A_183 = arith.constant 0 : i32
          %dma_wait3A_184 = tpu.memref_slice %arg20[%dma_wait3A_182, %dma_wait3A_183] : memref<16384x64xf32, #tpu.memory_space<vmem_shared>> -> memref<16384x64xf32, #tpu.memory_space<vmem_shared>>
          tpu.wait_indirect_dma semaphore(%run_scoped3A : memref<!tpu.dma_semaphore, #tpu.memory_space<semaphore_mem>>) src(%arg18 : memref<320x64xf32, #tpu.memory_space<vmem>>) dst(%dma_wait3A_184 : memref<16384x64xf32, #tpu.memory_space<vmem_shared>>)
          tpu.yield
        }) : () -> ()
        %while3A_177 = arith.constant 0 : i32
        scf.yield %while3A_177 : i32
      }
      %while3A_136 = arith.constant 1 : i32
      %while3A_137 = scf.for %while3A_146 = %while3A_133 to %while3A_129 step %while3A_136 iter_args(%while3A_147 = %while3A_135) -> (i32)  : i32 {
        %scan3A_148 = arith.constant 0 : i32
        %scan3A_149 = arith.constant 0 : i32
        %scan3A_150 = arith.constant 20 : i32
        %scan3A_151 = arith.addi %scan3A_149, %scan3A_150 : i32
        %scan3A_152 = arith.constant 4 : i32
        %scan3A_153 = scf.for %scan3A_178 = %scan3A_149 to %scan3A_151 step %scan3A_152 iter_args(%scan3A_179 = %scan3A_148) -> (i32)  : i32 {
          %mul3A_180 = arith.constant 16 : i32
          %mul3A_181 = arith.muli %scan3A_178, %mul3A_180 : i32
          %mul3A_182 = arith.constant 320 : i32
          %mul3A_183 = arith.muli %while3A_146, %mul3A_182 : i32
          %mul3A_184 = arith.constant 16 : i32
          %mul3A_185 = arith.muli %scan3A_178, %mul3A_184 : i32
          %add3A_186 = arith.addi %mul3A_183, %mul3A_185 : i32
          %get3A = arith.index_cast %add3A_186 : i32 to index
          %get3A_187 = tpu.vector_load %arg11[%get3A] {strides = array<i32>} : memref<4800xi32, #tpu.memory_space<vmem>>, vector<16xi32>,
          %swap3A = arith.index_cast %mul3A_181 : i32 to index
          %swap3A_188 = tpu.vector_load %arg14[%swap3A] {strides = array<i32>} : memref<320xi32, #tpu.memory_space<vmem>>, vector<16xi32>,
          tpu.vector_store %arg14[%swap3A], %get3A_187 {strides = array<i32>} : memref<320xi32, #tpu.memory_space<vmem>>, vector<16xi32>,
          %get3A_189 = arith.index_cast %add3A_186 : i32 to index
          %get3A_190 = tpu.vector_load %arg12[%get3A_189] {strides = array<i32>} : memref<4800xi32, #tpu.memory_space<vmem>>, vector<16xi32>,
          %swap3A_191 = arith.index_cast %mul3A_181 : i32 to index
          %swap3A_192 = tpu.vector_load %arg15[%swap3A_191] {strides = array<i32>} : memref<320xi32, #tpu.memory_space<vmem>>, vector<16xi32>,
          tpu.vector_store %arg15[%swap3A_191], %get3A_190 {strides = array<i32>} : memref<320xi32, #tpu.memory_space<vmem>>, vector<16xi32>,
          %get3A_193 = arith.index_cast %add3A_186 : i32 to index
          %get3A_194 = tpu.vector_load %arg13[%get3A_193] {strides = array<i32>} : memref<4800xi32, #tpu.memory_space<vmem>>, vector<16xi32>,
          %swap3A_195 = arith.index_cast %mul3A_181 : i32 to index
          %swap3A_196 = tpu.vector_load %arg16[%swap3A_195] {strides = array<i32>} : memref<320xi32, #tpu.memory_space<vmem>>, vector<16xi32>,
          tpu.vector_store %arg16[%swap3A_195], %get3A_194 {strides = array<i32>} : memref<320xi32, #tpu.memory_space<vmem>>, vector<16xi32>,
          %scan3A_197 = arith.constant 0 : i32
          %scan3A_198 = arith.constant 1 : i32
          %scan3A_199 = arith.addi %scan3A_178, %scan3A_198 : i32
          %mul3A_200 = arith.constant 16 : i32
          %mul3A_201 = arith.muli %scan3A_199, %mul3A_200 : i32
          %mul3A_202 = arith.constant 320 : i32
          %mul3A_203 = arith.muli %while3A_146, %mul3A_202 : i32
          %mul3A_204 = arith.constant 16 : i32
          %mul3A_205 = arith.muli %scan3A_199, %mul3A_204 : i32
          %add3A_206 = arith.addi %mul3A_203, %mul3A_205 : i32
          %get3A_207 = arith.index_cast %add3A_206 : i32 to index
          %get3A_208 = tpu.vector_load %arg11[%get3A_207] {strides = array<i32>} : memref<4800xi32, #tpu.memory_space<vmem>>, vector<16xi32>,
          %swap3A_209 = arith.index_cast %mul3A_201 : i32 to index
          %swap3A_210 = tpu.vector_load %arg14[%swap3A_209] {strides = array<i32>} : memref<320xi32, #tpu.memory_space<vmem>>, vector<16xi32>,
          tpu.vector_store %arg14[%swap3A_209], %get3A_208 {strides = array<i32>} : memref<320xi32, #tpu.memory_space<vmem>>, vector<16xi32>,
          %get3A_211 = arith.index_cast %add3A_206 : i32 to index
          %get3A_212 = tpu.vector_load %arg12[%get3A_211] {strides = array<i32>} : memref<4800xi32, #tpu.memory_space<vmem>>, vector<16xi32>,
          %swap3A_213 = arith.index_cast %mul3A_201 : i32 to index
          %swap3A_214 = tpu.vector_load %arg15[%swap3A_213] {strides = array<i32>} : memref<320xi32, #tpu.memory_space<vmem>>, vector<16xi32>,
          tpu.vector_store %arg15[%swap3A_213], %get3A_212 {strides = array<i32>} : memref<320xi32, #tpu.memory_space<vmem>>, vector<16xi32>,
          %get3A_215 = arith.index_cast %add3A_206 : i32 to index
          %get3A_216 = tpu.vector_load %arg13[%get3A_215] {strides = array<i32>} : memref<4800xi32, #tpu.memory_space<vmem>>, vector<16xi32>,
          %swap3A_217 = arith.index_cast %mul3A_201 : i32 to index
          %swap3A_218 = tpu.vector_load %arg16[%swap3A_217] {strides = array<i32>} : memref<320xi32, #tpu.memory_space<vmem>>, vector<16xi32>,
          tpu.vector_store %arg16[%swap3A_217], %get3A_216 {strides = array<i32>} : memref<320xi32, #tpu.memory_space<vmem>>, vector<16xi32>,
          %scan3A_219 = arith.constant 0 : i32
          %scan3A_220 = arith.constant 2 : i32
          %scan3A_221 = arith.addi %scan3A_178, %scan3A_220 : i32
          %mul3A_222 = arith.constant 16 : i32
          %mul3A_223 = arith.muli %scan3A_221, %mul3A_222 : i32
          %mul3A_224 = arith.constant 320 : i32
          %mul3A_225 = arith.muli %while3A_146, %mul3A_224 : i32
          %mul3A_226 = arith.constant 16 : i32
          %mul3A_227 = arith.muli %scan3A_221, %mul3A_226 : i32
          %add3A_228 = arith.addi %mul3A_225, %mul3A_227 : i32
          %get3A_229 = arith.index_cast %add3A_228 : i32 to index
          %get3A_230 = tpu.vector_load %arg11[%get3A_229] {strides = array<i32>} : memref<4800xi32, #tpu.memory_space<vmem>>, vector<16xi32>,
          %swap3A_231 = arith.index_cast %mul3A_223 : i32 to index
          %swap3A_232 = tpu.vector_load %arg14[%swap3A_231] {strides = array<i32>} : memref<320xi32, #tpu.memory_space<vmem>>, vector<16xi32>,
          tpu.vector_store %arg14[%swap3A_231], %get3A_230 {strides = array<i32>} : memref<320xi32, #tpu.memory_space<vmem>>, vector<16xi32>,
          %get3A_233 = arith.index_cast %add3A_228 : i32 to index
          %get3A_234 = tpu.vector_load %arg12[%get3A_233] {strides = array<i32>} : memref<4800xi32, #tpu.memory_space<vmem>>, vector<16xi32>,
          %swap3A_235 = arith.index_cast %mul3A_223 : i32 to index
          %swap3A_236 = tpu.vector_load %arg15[%swap3A_235] {strides = array<i32>} : memref<320xi32, #tpu.memory_space<vmem>>, vector<16xi32>,
          tpu.vector_store %arg15[%swap3A_235], %get3A_234 {strides = array<i32>} : memref<320xi32, #tpu.memory_space<vmem>>, vector<16xi32>,
          %get3A_237 = arith.index_cast %add3A_228 : i32 to index
          %get3A_238 = tpu.vector_load %arg13[%get3A_237] {strides = array<i32>} : memref<4800xi32, #tpu.memory_space<vmem>>, vector<16xi32>,
          %swap3A_239 = arith.index_cast %mul3A_223 : i32 to index
          %swap3A_240 = tpu.vector_load %arg16[%swap3A_239] {strides = array<i32>} : memref<320xi32, #tpu.memory_space<vmem>>, vector<16xi32>,
          tpu.vector_store %arg16[%swap3A_239], %get3A_238 {strides = array<i32>} : memref<320xi32, #tpu.memory_space<vmem>>, vector<16xi32>,
          %scan3A_241 = arith.constant 0 : i32
          %scan3A_242 = arith.constant 3 : i32
          %scan3A_243 = arith.addi %scan3A_178, %scan3A_242 : i32
          %mul3A_244 = arith.constant 16 : i32
          %mul3A_245 = arith.muli %scan3A_243, %mul3A_244 : i32
          %mul3A_246 = arith.constant 320 : i32
          %mul3A_247 = arith.muli %while3A_146, %mul3A_246 : i32
          %mul3A_248 = arith.constant 16 : i32
          %mul3A_249 = arith.muli %scan3A_243, %mul3A_248 : i32
          %add3A_250 = arith.addi %mul3A_247, %mul3A_249 : i32
          %get3A_251 = arith.index_cast %add3A_250 : i32 to index
          %get3A_252 = tpu.vector_load %arg11[%get3A_251] {strides = array<i32>} : memref<4800xi32, #tpu.memory_space<vmem>>, vector<16xi32>,
          %swap3A_253 = arith.index_cast %mul3A_245 : i32 to index
          %swap3A_254 = tpu.vector_load %arg14[%swap3A_253] {strides = array<i32>} : memref<320xi32, #tpu.memory_space<vmem>>, vector<16xi32>,
          tpu.vector_store %arg14[%swap3A_253], %get3A_252 {strides = array<i32>} : memref<320xi32, #tpu.memory_space<vmem>>, vector<16xi32>,
          %get3A_255 = arith.index_cast %add3A_250 : i32 to index
          %get3A_256 = tpu.vector_load %arg12[%get3A_255] {strides = array<i32>} : memref<4800xi32, #tpu.memory_space<vmem>>, vector<16xi32>,
          %swap3A_257 = arith.index_cast %mul3A_245 : i32 to index
          %swap3A_258 = tpu.vector_load %arg15[%swap3A_257] {strides = array<i32>} : memref<320xi32, #tpu.memory_space<vmem>>, vector<16xi32>,
          tpu.vector_store %arg15[%swap3A_257], %get3A_256 {strides = array<i32>} : memref<320xi32, #tpu.memory_space<vmem>>, vector<16xi32>,
          %get3A_259 = arith.index_cast %add3A_250 : i32 to index
          %get3A_260 = tpu.vector_load %arg13[%get3A_259] {strides = array<i32>} : memref<4800xi32, #tpu.memory_space<vmem>>, vector<16xi32>,
          %swap3A_261 = arith.index_cast %mul3A_245 : i32 to index
          %swap3A_262 = tpu.vector_load %arg16[%swap3A_261] {strides = array<i32>} : memref<320xi32, #tpu.memory_space<vmem>>, vector<16xi32>,
          tpu.vector_store %arg16[%swap3A_261], %get3A_260 {strides = array<i32>} : memref<320xi32, #tpu.memory_space<vmem>>, vector<16xi32>,
          %scan3A_263 = arith.constant 0 : i32
          scf.yield %scan3A_263 : i32
        }
        %scan3A_154 = arith.constant 20 : i32
        %dma_start3A_155 = arith.constant 0 : i32
        %dma_start3A_156 = arith.constant 0 : i32
        %dma_start3A_157 = tpu.memref_slice %arg2[%dma_start3A_155, %dma_start3A_156] : memref<1280000x64xbf16, #tpu.memory_space<hbm>> -> memref<1280000x64xbf16, #tpu.memory_space<hbm>>
        %dma_start3A_158 = arith.constant -1 : i32
        tpu.enqueue_indirect_dma source(%dma_start3A_157 : memref<1280000x64xbf16, #tpu.memory_space<hbm>>) target(%arg17 : memref<320x64xbf16, #tpu.memory_space<vmem>>) offsets(%arg14 : memref<320xi32, #tpu.memory_space<vmem>>) offset_filter(%dma_start3A_158) semaphore(%arg21 : memref<!tpu.dma_semaphore, #tpu.memory_space<semaphore_mem>>)
        %dma_start3A_159 = arith.constant 0 : i32
        %dma_start3A_160 = arith.constant 0 : i32
        %dma_start3A_161 = tpu.memref_slice %arg5[%dma_start3A_159, %dma_start3A_160] : memref<320000x64xf32, #tpu.memory_space<hbm>> -> memref<320000x64xf32, #tpu.memory_space<hbm>>
        %dma_start3A_162 = arith.constant -1 : i32
        tpu.enqueue_indirect_dma source(%dma_start3A_161 : memref<320000x64xf32, #tpu.memory_space<hbm>>) target(%arg18 : memref<320x64xf32, #tpu.memory_space<vmem>>) offsets(%arg15 : memref<320xi32, #tpu.memory_space<vmem>>) offset_filter(%dma_start3A_162) semaphore(%arg22 : memref<!tpu.dma_semaphore, #tpu.memory_space<semaphore_mem>>)
        %dma_wait3A = arith.constant 0 : i32
        %dma_wait3A_163 = arith.constant 0 : i32
        %dma_wait3A_164 = tpu.memref_slice %arg2[%dma_wait3A, %dma_wait3A_163] : memref<1280000x64xbf16, #tpu.memory_space<hbm>> -> memref<1280000x64xbf16, #tpu.memory_space<hbm>>
        tpu.wait_indirect_dma semaphore(%arg21 : memref<!tpu.dma_semaphore, #tpu.memory_space<semaphore_mem>>) src(%dma_wait3A_164 : memref<1280000x64xbf16, #tpu.memory_space<hbm>>) dst(%arg17 : memref<320x64xbf16, #tpu.memory_space<vmem>>)
        %dma_wait3A_165 = arith.constant 0 : i32
        %dma_wait3A_166 = arith.constant 0 : i32
        %dma_wait3A_167 = tpu.memref_slice %arg5[%dma_wait3A_165, %dma_wait3A_166] : memref<320000x64xf32, #tpu.memory_space<hbm>> -> memref<320000x64xf32, #tpu.memory_space<hbm>>
        tpu.wait_indirect_dma semaphore(%arg22 : memref<!tpu.dma_semaphore, #tpu.memory_space<semaphore_mem>>) src(%dma_wait3A_167 : memref<320000x64xf32, #tpu.memory_space<hbm>>) dst(%arg18 : memref<320x64xf32, #tpu.memory_space<vmem>>)
        %broadcast_in_dim3A_168 = arith.constant -65536 : i32
        %broadcast_in_dim3A_169 = vector.broadcast %broadcast_in_dim3A_168 : i32 to vector<16xi32>
        %scan3A_170 = arith.constant 0 : i32
        %scan3A_171 = arith.constant 0 : i32
        %scan3A_172 = arith.constant 320 : i32
        %scan3A_173 = arith.addi %scan3A_171, %scan3A_172 : i32
        %scan3A_174 = arith.constant 4 : i32
        %scan3A_175 = scf.for %scan3A_178 = %scan3A_171 to %scan3A_173 step %scan3A_174 iter_args(%scan3A_179 = %scan3A_170) -> (i32)  : i32 {
          %get3A = arith.index_cast %scan3A_178 : i32 to index
          %get3A_180 = arith.constant 0 : index
          %get3A_181 = tpu.vector_load %arg17[%get3A, %get3A_180] {strides = array<i32>} : memref<320x64xbf16, #tpu.memory_space<vmem>>, vector<32xbf16>,
          %bitcast3A = vector.bitcast %get3A_181 : vector<32xbf16> to vector<16xi32>
          %shift_left3A = arith.constant 16 : i32
          %shift_left3A_182 = vector.broadcast %shift_left3A : i32 to vector<16xi32>
          %shift_left3A_183 = arith.shli %bitcast3A, %shift_left3A_182 : vector<16xi32>
          %bitcast3A_184 = vector.bitcast %shift_left3A_183 : vector<16xi32> to vector<16xf32>
          %and3A_185 = arith.andi %bitcast3A, %broadcast_in_dim3A_169 : vector<16xi32>
          %bitcast3A_186 = vector.bitcast %and3A_185 : vector<16xi32> to vector<16xf32>
          %get3A_187 = arith.index_cast %scan3A_178 : i32 to index
          %get3A_188 = arith.constant 0 : index
          %get3A_189 = tpu.vector_load %arg18[%get3A_187, %get3A_188] {strides = array<i32>} : memref<320x64xf32, #tpu.memory_space<vmem>>, vector<16xf32>,
          %mul3A_190 = arith.mulf %get3A_189, %bitcast3A_184 : vector<16xf32>
          %swap3A = arith.index_cast %scan3A_178 : i32 to index
          %swap3A_191 = arith.constant 0 : index
          %swap3A_192 = tpu.vector_load %arg18[%swap3A, %swap3A_191] {strides = array<i32>} : memref<320x64xf32, #tpu.memory_space<vmem>>, vector<16xf32>,
          tpu.vector_store %arg18[%swap3A, %swap3A_191], %mul3A_190 {strides = array<i32>} : memref<320x64xf32, #tpu.memory_space<vmem>>, vector<16xf32>,
          %get3A_193 = arith.index_cast %scan3A_178 : i32 to index
          %get3A_194 = arith.constant 16 : index
          %get3A_195 = tpu.vector_load %arg18[%get3A_193, %get3A_194] {strides = array<i32>} : memref<320x64xf32, #tpu.memory_space<vmem>>, vector<16xf32>,
          %mul3A_196 = arith.mulf %get3A_195, %bitcast3A_186 : vector<16xf32>
          %swap3A_197 = arith.index_cast %scan3A_178 : i32 to index
          %swap3A_198 = arith.constant 16 : index
          %swap3A_199 = tpu.vector_load %arg18[%swap3A_197, %swap3A_198] {strides = array<i32>} : memref<320x64xf32, #tpu.memory_space<vmem>>, vector<16xf32>,
          tpu.vector_store %arg18[%swap3A_197, %swap3A_198], %mul3A_196 {strides = array<i32>} : memref<320x64xf32, #tpu.memory_space<vmem>>, vector<16xf32>,
          %get3A_200 = arith.index_cast %scan3A_178 : i32 to index
          %get3A_201 = arith.constant 32 : index
          %get3A_202 = tpu.vector_load %arg17[%get3A_200, %get3A_201] {strides = array<i32>} : memref<320x64xbf16, #tpu.memory_space<vmem>>, vector<32xbf16>,
          %bitcast3A_203 = vector.bitcast %get3A_202 : vector<32xbf16> to vector<16xi32>
          %shift_left3A_204 = arith.constant 16 : i32
          %shift_left3A_205 = vector.broadcast %shift_left3A_204 : i32 to vector<16xi32>
          %shift_left3A_206 = arith.shli %bitcast3A_203, %shift_left3A_205 : vector<16xi32>
          %bitcast3A_207 = vector.bitcast %shift_left3A_206 : vector<16xi32> to vector<16xf32>
          %and3A_208 = arith.andi %bitcast3A_203, %broadcast_in_dim3A_169 : vector<16xi32>
          %bitcast3A_209 = vector.bitcast %and3A_208 : vector<16xi32> to vector<16xf32>
          %get3A_210 = arith.index_cast %scan3A_178 : i32 to index
          %get3A_211 = arith.constant 32 : index
          %get3A_212 = tpu.vector_load %arg18[%get3A_210, %get3A_211] {strides = array<i32>} : memref<320x64xf32, #tpu.memory_space<vmem>>, vector<16xf32>,
          %mul3A_213 = arith.mulf %get3A_212, %bitcast3A_207 : vector<16xf32>
          %swap3A_214 = arith.index_cast %scan3A_178 : i32 to index
          %swap3A_215 = arith.constant 32 : index
          %swap3A_216 = tpu.vector_load %arg18[%swap3A_214, %swap3A_215] {strides = array<i32>} : memref<320x64xf32, #tpu.memory_space<vmem>>, vector<16xf32>,
          tpu.vector_store %arg18[%swap3A_214, %swap3A_215], %mul3A_213 {strides = array<i32>} : memref<320x64xf32, #tpu.memory_space<vmem>>, vector<16xf32>,
          %get3A_217 = arith.index_cast %scan3A_178 : i32 to index
          %get3A_218 = arith.constant 48 : index
          %get3A_219 = tpu.vector_load %arg18[%get3A_217, %get3A_218] {strides = array<i32>} : memref<320x64xf32, #tpu.memory_space<vmem>>, vector<16xf32>,
          %mul3A_220 = arith.mulf %get3A_219, %bitcast3A_209 : vector<16xf32>
          %swap3A_221 = arith.index_cast %scan3A_178 : i32 to index
          %swap3A_222 = arith.constant 48 : index
          %swap3A_223 = tpu.vector_load %arg18[%swap3A_221, %swap3A_222] {strides = array<i32>} : memref<320x64xf32, #tpu.memory_space<vmem>>, vector<16xf32>,
          tpu.vector_store %arg18[%swap3A_221, %swap3A_222], %mul3A_220 {strides = array<i32>} : memref<320x64xf32, #tpu.memory_space<vmem>>, vector<16xf32>,
          %scan3A_224 = arith.constant 0 : i32
          %scan3A_225 = arith.constant 1 : i32
          %scan3A_226 = arith.addi %scan3A_178, %scan3A_225 : i32
          %get3A_227 = arith.index_cast %scan3A_226 : i32 to index
          %get3A_228 = arith.constant 0 : index
          %get3A_229 = tpu.vector_load %arg17[%get3A_227, %get3A_228] {strides = array<i32>} : memref<320x64xbf16, #tpu.memory_space<vmem>>, vector<32xbf16>,
          %bitcast3A_230 = vector.bitcast %get3A_229 : vector<32xbf16> to vector<16xi32>
          %shift_left3A_231 = arith.constant 16 : i32
          %shift_left3A_232 = vector.broadcast %shift_left3A_231 : i32 to vector<16xi32>
          %shift_left3A_233 = arith.shli %bitcast3A_230, %shift_left3A_232 : vector<16xi32>
          %bitcast3A_234 = vector.bitcast %shift_left3A_233 : vector<16xi32> to vector<16xf32>
          %and3A_235 = arith.andi %bitcast3A_230, %broadcast_in_dim3A_169 : vector<16xi32>
          %bitcast3A_236 = vector.bitcast %and3A_235 : vector<16xi32> to vector<16xf32>
          %get3A_237 = arith.index_cast %scan3A_226 : i32 to index
          %get3A_238 = arith.constant 0 : index
          %get3A_239 = tpu.vector_load %arg18[%get3A_237, %get3A_238] {strides = array<i32>} : memref<320x64xf32, #tpu.memory_space<vmem>>, vector<16xf32>,
          %mul3A_240 = arith.mulf %get3A_239, %bitcast3A_234 : vector<16xf32>
          %swap3A_241 = arith.index_cast %scan3A_226 : i32 to index
          %swap3A_242 = arith.constant 0 : index
          %swap3A_243 = tpu.vector_load %arg18[%swap3A_241, %swap3A_242] {strides = array<i32>} : memref<320x64xf32, #tpu.memory_space<vmem>>, vector<16xf32>,
          tpu.vector_store %arg18[%swap3A_241, %swap3A_242], %mul3A_240 {strides = array<i32>} : memref<320x64xf32, #tpu.memory_space<vmem>>, vector<16xf32>,
          %get3A_244 = arith.index_cast %scan3A_226 : i32 to index
          %get3A_245 = arith.constant 16 : index
          %get3A_246 = tpu.vector_load %arg18[%get3A_244, %get3A_245] {strides = array<i32>} : memref<320x64xf32, #tpu.memory_space<vmem>>, vector<16xf32>,
          %mul3A_247 = arith.mulf %get3A_246, %bitcast3A_236 : vector<16xf32>
          %swap3A_248 = arith.index_cast %scan3A_226 : i32 to index
          %swap3A_249 = arith.constant 16 : index
          %swap3A_250 = tpu.vector_load %arg18[%swap3A_248, %swap3A_249] {strides = array<i32>} : memref<320x64xf32, #tpu.memory_space<vmem>>, vector<16xf32>,
          tpu.vector_store %arg18[%swap3A_248, %swap3A_249], %mul3A_247 {strides = array<i32>} : memref<320x64xf32, #tpu.memory_space<vmem>>, vector<16xf32>,
          %get3A_251 = arith.index_cast %scan3A_226 : i32 to index
          %get3A_252 = arith.constant 32 : index
          %get3A_253 = tpu.vector_load %arg17[%get3A_251, %get3A_252] {strides = array<i32>} : memref<320x64xbf16, #tpu.memory_space<vmem>>, vector<32xbf16>,
          %bitcast3A_254 = vector.bitcast %get3A_253 : vector<32xbf16> to vector<16xi32>
          %shift_left3A_255 = arith.constant 16 : i32
          %shift_left3A_256 = vector.broadcast %shift_left3A_255 : i32 to vector<16xi32>
          %shift_left3A_257 = arith.shli %bitcast3A_254, %shift_left3A_256 : vector<16xi32>
          %bitcast3A_258 = vector.bitcast %shift_left3A_257 : vector<16xi32> to vector<16xf32>
          %and3A_259 = arith.andi %bitcast3A_254, %broadcast_in_dim3A_169 : vector<16xi32>
          %bitcast3A_260 = vector.bitcast %and3A_259 : vector<16xi32> to vector<16xf32>
          %get3A_261 = arith.index_cast %scan3A_226 : i32 to index
          %get3A_262 = arith.constant 32 : index
          %get3A_263 = tpu.vector_load %arg18[%get3A_261, %get3A_262] {strides = array<i32>} : memref<320x64xf32, #tpu.memory_space<vmem>>, vector<16xf32>,
          %mul3A_264 = arith.mulf %get3A_263, %bitcast3A_258 : vector<16xf32>
          %swap3A_265 = arith.index_cast %scan3A_226 : i32 to index
          %swap3A_266 = arith.constant 32 : index
          %swap3A_267 = tpu.vector_load %arg18[%swap3A_265, %swap3A_266] {strides = array<i32>} : memref<320x64xf32, #tpu.memory_space<vmem>>, vector<16xf32>,
          tpu.vector_store %arg18[%swap3A_265, %swap3A_266], %mul3A_264 {strides = array<i32>} : memref<320x64xf32, #tpu.memory_space<vmem>>, vector<16xf32>,
          %get3A_268 = arith.index_cast %scan3A_226 : i32 to index
          %get3A_269 = arith.constant 48 : index
          %get3A_270 = tpu.vector_load %arg18[%get3A_268, %get3A_269] {strides = array<i32>} : memref<320x64xf32, #tpu.memory_space<vmem>>, vector<16xf32>,
          %mul3A_271 = arith.mulf %get3A_270, %bitcast3A_260 : vector<16xf32>
          %swap3A_272 = arith.index_cast %scan3A_226 : i32 to index
          %swap3A_273 = arith.constant 48 : index
          %swap3A_274 = tpu.vector_load %arg18[%swap3A_272, %swap3A_273] {strides = array<i32>} : memref<320x64xf32, #tpu.memory_space<vmem>>, vector<16xf32>,
          tpu.vector_store %arg18[%swap3A_272, %swap3A_273], %mul3A_271 {strides = array<i32>} : memref<320x64xf32, #tpu.memory_space<vmem>>, vector<16xf32>,
          %scan3A_275 = arith.constant 0 : i32
          %scan3A_276 = arith.constant 2 : i32
          %scan3A_277 = arith.addi %scan3A_178, %scan3A_276 : i32
          %get3A_278 = arith.index_cast %scan3A_277 : i32 to index
          %get3A_279 = arith.constant 0 : index
          %get3A_280 = tpu.vector_load %arg17[%get3A_278, %get3A_279] {strides = array<i32>} : memref<320x64xbf16, #tpu.memory_space<vmem>>, vector<32xbf16>,
          %bitcast3A_281 = vector.bitcast %get3A_280 : vector<32xbf16> to vector<16xi32>
          %shift_left3A_282 = arith.constant 16 : i32
          %shift_left3A_283 = vector.broadcast %shift_left3A_282 : i32 to vector<16xi32>
          %shift_left3A_284 = arith.shli %bitcast3A_281, %shift_left3A_283 : vector<16xi32>
          %bitcast3A_285 = vector.bitcast %shift_left3A_284 : vector<16xi32> to vector<16xf32>
          %and3A_286 = arith.andi %bitcast3A_281, %broadcast_in_dim3A_169 : vector<16xi32>
          %bitcast3A_287 = vector.bitcast %and3A_286 : vector<16xi32> to vector<16xf32>
          %get3A_288 = arith.index_cast %scan3A_277 : i32 to index
          %get3A_289 = arith.constant 0 : index
          %get3A_290 = tpu.vector_load %arg18[%get3A_288, %get3A_289] {strides = array<i32>} : memref<320x64xf32, #tpu.memory_space<vmem>>, vector<16xf32>,
          %mul3A_291 = arith.mulf %get3A_290, %bitcast3A_285 : vector<16xf32>
          %swap3A_292 = arith.index_cast %scan3A_277 : i32 to index
          %swap3A_293 = arith.constant 0 : index
          %swap3A_294 = tpu.vector_load %arg18[%swap3A_292, %swap3A_293] {strides = array<i32>} : memref<320x64xf32, #tpu.memory_space<vmem>>, vector<16xf32>,
          tpu.vector_store %arg18[%swap3A_292, %swap3A_293], %mul3A_291 {strides = array<i32>} : memref<320x64xf32, #tpu.memory_space<vmem>>, vector<16xf32>,
          %get3A_295 = arith.index_cast %scan3A_277 : i32 to index
          %get3A_296 = arith.constant 16 : index
          %get3A_297 = tpu.vector_load %arg18[%get3A_295, %get3A_296] {strides = array<i32>} : memref<320x64xf32, #tpu.memory_space<vmem>>, vector<16xf32>,
          %mul3A_298 = arith.mulf %get3A_297, %bitcast3A_287 : vector<16xf32>
          %swap3A_299 = arith.index_cast %scan3A_277 : i32 to index
          %swap3A_300 = arith.constant 16 : index
          %swap3A_301 = tpu.vector_load %arg18[%swap3A_299, %swap3A_300] {strides = array<i32>} : memref<320x64xf32, #tpu.memory_space<vmem>>, vector<16xf32>,
          tpu.vector_store %arg18[%swap3A_299, %swap3A_300], %mul3A_298 {strides = array<i32>} : memref<320x64xf32, #tpu.memory_space<vmem>>, vector<16xf32>,
          %get3A_302 = arith.index_cast %scan3A_277 : i32 to index
          %get3A_303 = arith.constant 32 : index
          %get3A_304 = tpu.vector_load %arg17[%get3A_302, %get3A_303] {strides = array<i32>} : memref<320x64xbf16, #tpu.memory_space<vmem>>, vector<32xbf16>,
          %bitcast3A_305 = vector.bitcast %get3A_304 : vector<32xbf16> to vector<16xi32>
          %shift_left3A_306 = arith.constant 16 : i32
          %shift_left3A_307 = vector.broadcast %shift_left3A_306 : i32 to vector<16xi32>
          %shift_left3A_308 = arith.shli %bitcast3A_305, %shift_left3A_307 : vector<16xi32>
          %bitcast3A_309 = vector.bitcast %shift_left3A_308 : vector<16xi32> to vector<16xf32>
          %and3A_310 = arith.andi %bitcast3A_305, %broadcast_in_dim3A_169 : vector<16xi32>
          %bitcast3A_311 = vector.bitcast %and3A_310 : vector<16xi32> to vector<16xf32>
          %get3A_312 = arith.index_cast %scan3A_277 : i32 to index
          %get3A_313 = arith.constant 32 : index
          %get3A_314 = tpu.vector_load %arg18[%get3A_312, %get3A_313] {strides = array<i32>} : memref<320x64xf32, #tpu.memory_space<vmem>>, vector<16xf32>,
          %mul3A_315 = arith.mulf %get3A_314, %bitcast3A_309 : vector<16xf32>
          %swap3A_316 = arith.index_cast %scan3A_277 : i32 to index
          %swap3A_317 = arith.constant 32 : index
          %swap3A_318 = tpu.vector_load %arg18[%swap3A_316, %swap3A_317] {strides = array<i32>} : memref<320x64xf32, #tpu.memory_space<vmem>>, vector<16xf32>,
          tpu.vector_store %arg18[%swap3A_316, %swap3A_317], %mul3A_315 {strides = array<i32>} : memref<320x64xf32, #tpu.memory_space<vmem>>, vector<16xf32>,
          %get3A_319 = arith.index_cast %scan3A_277 : i32 to index
          %get3A_320 = arith.constant 48 : index
          %get3A_321 = tpu.vector_load %arg18[%get3A_319, %get3A_320] {strides = array<i32>} : memref<320x64xf32, #tpu.memory_space<vmem>>, vector<16xf32>,
          %mul3A_322 = arith.mulf %get3A_321, %bitcast3A_311 : vector<16xf32>
          %swap3A_323 = arith.index_cast %scan3A_277 : i32 to index
          %swap3A_324 = arith.constant 48 : index
          %swap3A_325 = tpu.vector_load %arg18[%swap3A_323, %swap3A_324] {strides = array<i32>} : memref<320x64xf32, #tpu.memory_space<vmem>>, vector<16xf32>,
          tpu.vector_store %arg18[%swap3A_323, %swap3A_324], %mul3A_322 {strides = array<i32>} : memref<320x64xf32, #tpu.memory_space<vmem>>, vector<16xf32>,
          %scan3A_326 = arith.constant 0 : i32
          %scan3A_327 = arith.constant 3 : i32
          %scan3A_328 = arith.addi %scan3A_178, %scan3A_327 : i32
          %get3A_329 = arith.index_cast %scan3A_328 : i32 to index
          %get3A_330 = arith.constant 0 : index
          %get3A_331 = tpu.vector_load %arg17[%get3A_329, %get3A_330] {strides = array<i32>} : memref<320x64xbf16, #tpu.memory_space<vmem>>, vector<32xbf16>,
          %bitcast3A_332 = vector.bitcast %get3A_331 : vector<32xbf16> to vector<16xi32>
          %shift_left3A_333 = arith.constant 16 : i32
          %shift_left3A_334 = vector.broadcast %shift_left3A_333 : i32 to vector<16xi32>
          %shift_left3A_335 = arith.shli %bitcast3A_332, %shift_left3A_334 : vector<16xi32>
          %bitcast3A_336 = vector.bitcast %shift_left3A_335 : vector<16xi32> to vector<16xf32>
          %and3A_337 = arith.andi %bitcast3A_332, %broadcast_in_dim3A_169 : vector<16xi32>
          %bitcast3A_338 = vector.bitcast %and3A_337 : vector<16xi32> to vector<16xf32>
          %get3A_339 = arith.index_cast %scan3A_328 : i32 to index
          %get3A_340 = arith.constant 0 : index
          %get3A_341 = tpu.vector_load %arg18[%get3A_339, %get3A_340] {strides = array<i32>} : memref<320x64xf32, #tpu.memory_space<vmem>>, vector<16xf32>,
          %mul3A_342 = arith.mulf %get3A_341, %bitcast3A_336 : vector<16xf32>
          %swap3A_343 = arith.index_cast %scan3A_328 : i32 to index
          %swap3A_344 = arith.constant 0 : index
          %swap3A_345 = tpu.vector_load %arg18[%swap3A_343, %swap3A_344] {strides = array<i32>} : memref<320x64xf32, #tpu.memory_space<vmem>>, vector<16xf32>,
          tpu.vector_store %arg18[%swap3A_343, %swap3A_344], %mul3A_342 {strides = array<i32>} : memref<320x64xf32, #tpu.memory_space<vmem>>, vector<16xf32>,
          %get3A_346 = arith.index_cast %scan3A_328 : i32 to index
          %get3A_347 = arith.constant 16 : index
          %get3A_348 = tpu.vector_load %arg18[%get3A_346, %get3A_347] {strides = array<i32>} : memref<320x64xf32, #tpu.memory_space<vmem>>, vector<16xf32>,
          %mul3A_349 = arith.mulf %get3A_348, %bitcast3A_338 : vector<16xf32>
          %swap3A_350 = arith.index_cast %scan3A_328 : i32 to index
          %swap3A_351 = arith.constant 16 : index
          %swap3A_352 = tpu.vector_load %arg18[%swap3A_350, %swap3A_351] {strides = array<i32>} : memref<320x64xf32, #tpu.memory_space<vmem>>, vector<16xf32>,
          tpu.vector_store %arg18[%swap3A_350, %swap3A_351], %mul3A_349 {strides = array<i32>} : memref<320x64xf32, #tpu.memory_space<vmem>>, vector<16xf32>,
          %get3A_353 = arith.index_cast %scan3A_328 : i32 to index
          %get3A_354 = arith.constant 32 : index
          %get3A_355 = tpu.vector_load %arg17[%get3A_353, %get3A_354] {strides = array<i32>} : memref<320x64xbf16, #tpu.memory_space<vmem>>, vector<32xbf16>,
          %bitcast3A_356 = vector.bitcast %get3A_355 : vector<32xbf16> to vector<16xi32>
          %shift_left3A_357 = arith.constant 16 : i32
          %shift_left3A_358 = vector.broadcast %shift_left3A_357 : i32 to vector<16xi32>
          %shift_left3A_359 = arith.shli %bitcast3A_356, %shift_left3A_358 : vector<16xi32>
          %bitcast3A_360 = vector.bitcast %shift_left3A_359 : vector<16xi32> to vector<16xf32>
          %and3A_361 = arith.andi %bitcast3A_356, %broadcast_in_dim3A_169 : vector<16xi32>
          %bitcast3A_362 = vector.bitcast %and3A_361 : vector<16xi32> to vector<16xf32>
          %get3A_363 = arith.index_cast %scan3A_328 : i32 to index
          %get3A_364 = arith.constant 32 : index
          %get3A_365 = tpu.vector_load %arg18[%get3A_363, %get3A_364] {strides = array<i32>} : memref<320x64xf32, #tpu.memory_space<vmem>>, vector<16xf32>,
          %mul3A_366 = arith.mulf %get3A_365, %bitcast3A_360 : vector<16xf32>
          %swap3A_367 = arith.index_cast %scan3A_328 : i32 to index
          %swap3A_368 = arith.constant 32 : index
          %swap3A_369 = tpu.vector_load %arg18[%swap3A_367, %swap3A_368] {strides = array<i32>} : memref<320x64xf32, #tpu.memory_space<vmem>>, vector<16xf32>,
          tpu.vector_store %arg18[%swap3A_367, %swap3A_368], %mul3A_366 {strides = array<i32>} : memref<320x64xf32, #tpu.memory_space<vmem>>, vector<16xf32>,
          %get3A_370 = arith.index_cast %scan3A_328 : i32 to index
          %get3A_371 = arith.constant 48 : index
          %get3A_372 = tpu.vector_load %arg18[%get3A_370, %get3A_371] {strides = array<i32>} : memref<320x64xf32, #tpu.memory_space<vmem>>, vector<16xf32>,
          %mul3A_373 = arith.mulf %get3A_372, %bitcast3A_362 : vector<16xf32>
          %swap3A_374 = arith.index_cast %scan3A_328 : i32 to index
          %swap3A_375 = arith.constant 48 : index
          %swap3A_376 = tpu.vector_load %arg18[%swap3A_374, %swap3A_375] {strides = array<i32>} : memref<320x64xf32, #tpu.memory_space<vmem>>, vector<16xf32>,
          tpu.vector_store %arg18[%swap3A_374, %swap3A_375], %mul3A_373 {strides = array<i32>} : memref<320x64xf32, #tpu.memory_space<vmem>>, vector<16xf32>,
          %scan3A_377 = arith.constant 0 : i32
          scf.yield %scan3A_377 : i32
        }
        %scan3A_176 = arith.constant 320 : i32
        "tpu.region"() ({
          %run_scoped3A = tpu.sem_alloc : memref<!tpu.dma_semaphore, #tpu.memory_space<semaphore_mem>>
          %dma_start3A_178 = arith.constant 0 : i32
          %dma_start3A_179 = arith.constant 0 : i32
          %dma_start3A_180 = tpu.memref_slice %arg20[%dma_start3A_178, %dma_start3A_179] : memref<16384x64xf32, #tpu.memory_space<vmem_shared>> -> memref<16384x64xf32, #tpu.memory_space<vmem_shared>>
          %dma_start3A_181 = arith.constant -1 : i32
          tpu.enqueue_indirect_dma source(%arg18 : memref<320x64xf32, #tpu.memory_space<vmem>>) target(%dma_start3A_180 : memref<16384x64xf32, #tpu.memory_space<vmem_shared>>) offsets(%arg16 : memref<320xi32, #tpu.memory_space<vmem>>) offset_filter(%dma_start3A_181) semaphore(%run_scoped3A : memref<!tpu.dma_semaphore, #tpu.memory_space<semaphore_mem>>) {add = true}
          %dma_wait3A_182 = arith.constant 0 : i32
          %dma_wait3A_183 = arith.constant 0 : i32
          %dma_wait3A_184 = tpu.memref_slice %arg20[%dma_wait3A_182, %dma_wait3A_183] : memref<16384x64xf32, #tpu.memory_space<vmem_shared>> -> memref<16384x64xf32, #tpu.memory_space<vmem_shared>>
          tpu.wait_indirect_dma semaphore(%run_scoped3A : memref<!tpu.dma_semaphore, #tpu.memory_space<semaphore_mem>>) src(%arg18 : memref<320x64xf32, #tpu.memory_space<vmem>>) dst(%dma_wait3A_184 : memref<16384x64xf32, #tpu.memory_space<vmem_shared>>)
          tpu.yield
        }) : () -> ()
        %while3A_177 = arith.constant 0 : i32
        scf.yield %while3A_177 : i32
      }
      %barrier3A_138 = arith.constant 0 : index
      tpu.barrier barrier_id(%barrier3A_138)
      %mul3A_139 = arith.constant 1024 : i32
      %mul3A_140 = arith.muli %arg1, %mul3A_139 : i32
      %mul3A_141 = arith.constant 1024 : i32
      %mul3A_142 = arith.muli %arg1, %mul3A_141 : i32
      %add3A_143 = arith.addi %mul3A_20, %mul3A_142 : i32
      "tpu.region"() ({
        %run_scoped3A = tpu.sem_alloc : memref<!tpu.dma_semaphore, #tpu.memory_space<semaphore_mem>>
        %dma_start3A_146 = arith.constant 0 : i32
        %dma_start3A_147 = tpu.memref_slice %arg6[%add3A_143, %dma_start3A_146] : memref<327680x64xf32, #tpu.memory_space<hbm>> -> memref<1024x64xf32, #tpu.memory_space<hbm>>
        %dma_start3A_148 = arith.constant 0 : i32
        %dma_start3A_149 = tpu.memref_slice %arg20[%mul3A_140, %dma_start3A_148] : memref<16384x64xf32, #tpu.memory_space<vmem_shared>> -> memref<1024x64xf32, #tpu.memory_space<vmem_shared>>
        tpu.enqueue_dma source(%dma_start3A_149 : memref<1024x64xf32, #tpu.memory_space<vmem_shared>>) target(%dma_start3A_147 : memref<1024x64xf32, #tpu.memory_space<hbm>>) target_semaphore(%run_scoped3A : memref<!tpu.dma_semaphore, #tpu.memory_space<semaphore_mem>>)
        %dma_wait3A = arith.constant 0 : i32
        %dma_wait3A_150 = tpu.memref_slice %arg6[%add3A_143, %dma_wait3A] : memref<327680x64xf32, #tpu.memory_space<hbm>> -> memref<1024x64xf32, #tpu.memory_space<hbm>>
        %dma_wait3A_151 = arith.constant 0 : i32
        %dma_wait3A_152 = tpu.memref_slice %arg20[%mul3A_140, %dma_wait3A_151] : memref<16384x64xf32, #tpu.memory_space<vmem_shared>> -> memref<1024x64xf32, #tpu.memory_space<vmem_shared>>
        tpu.wait_dma2 semaphore(%run_scoped3A : memref<!tpu.dma_semaphore, #tpu.memory_space<semaphore_mem>>) src(%dma_wait3A_152 : memref<1024x64xf32, #tpu.memory_space<vmem_shared>>) dst(%dma_wait3A_150 : memref<1024x64xf32, #tpu.memory_space<hbm>>)
        tpu.yield
      }) : () -> ()
      %barrier3A_144 = arith.constant 0 : index
      tpu.barrier barrier_id(%barrier3A_144)
      %scan3A_145 = arith.constant 0 : i32
      scf.yield %scan3A_145 : i32
    }
    %scan3A_14 = arith.constant 10 : i32
    return
  }
}

module attributes {stable_mosaic.version = 14 : i64} {
  func.func @_k2_body(%arg0: i32, %arg1: memref<42x32000xf32, #tpu.memory_space<vmem>>, %arg2: memref<42x64xf32, #tpu.memory_space<vmem>>, %arg3: memref<32000x64xbf16, #tpu.memory_space<vmem>>) attributes {dimension_semantics = [#tpu.dimension_semantics<arbitrary>], iteration_bounds = array<i64: 40>, scalar_prefetch = 0 : i64, scratch_operands = 0 : i64, tpu.core_type = #tpu.core_type<tc>, window_params = [{transform_indices = @transform_0, window_bounds = array<i64: 42, 32000>}, {pipeline_mode = #tpu.pipeline_mode<synchronous>, transform_indices = @transform_1, window_bounds = array<i64: 42, 64>}, {transform_indices = @transform_2, window_bounds = array<i64: 32000, 64>}]} {
    %get3A = arith.constant 0 : index
    %get3A_0 = arith.constant 0 : index
    %get3A_1 = vector.load %arg1[%get3A, %get3A_0] : memref<42x32000xf32, #tpu.memory_space<vmem>>, vector<42x32000xf32>
    %get3A_2 = arith.constant 0 : index
    %get3A_3 = arith.constant 0 : index
    %get3A_4 = vector.load %arg2[%get3A_2, %get3A_3] : memref<42x64xf32, #tpu.memory_space<vmem>>, vector<42x64xf32>
    %dot_general3A = arith.constant dense<0.000000e+00> : vector<32000x64xf32>
    %dot_general3A_5 = tpu.matmul %get3A_1, %get3A_4, %dot_general3A {dimension_numbers = #tpu.dot_dimension_numbers<[0], [0], [1], [1], [0, 1, 1, 1], [], []>, transpose_lhs_hint = false} : vector<42x32000xf32>, vector<42x64xf32>, vector<32000x64xf32> -> vector<32000x64xf32>
    %convert_element_type3A = arith.truncf %dot_general3A_5 : vector<32000x64xf32> to vector<32000x64xbf16>
    %swap3A = arith.constant 0 : index
    %swap3A_6 = arith.constant 0 : index
    %swap3A_7 = vector.load %arg3[%swap3A, %swap3A_6] : memref<32000x64xbf16, #tpu.memory_space<vmem>>, vector<32000x64xbf16>
    tpu.vector_store %arg3[%swap3A, %swap3A_6], %convert_element_type3A {strides = array<i32>} : memref<32000x64xbf16, #tpu.memory_space<vmem>>, vector<32000x64xbf16>,
    return
  }
  func.func @transform_0(%arg0: i32) -> (i32, i32) {
    %c0_i32 = arith.constant 0 : i32
    %c0_i32_0 = arith.constant 0 : i32
    return %c0_i32, %arg0 : i32, i32
  }
  func.func @transform_1(%arg0: i32) -> (i32, i32) {
    %c0_i32 = arith.constant 0 : i32
    %c0_i32_0 = arith.constant 0 : i32
    %c0_i32_1 = arith.constant 0 : i32
    return %c0_i32, %c0_i32_0 : i32, i32
  }
  func.func @transform_2(%arg0: i32) -> (i32, i32) {
    %c0_i32 = arith.constant 0 : i32
    %c0_i32_0 = arith.constant 0 : i32
    return %arg0, %c0_i32 : i32, i32
  }
}

module attributes {stable_mosaic.version = 14 : i64} {
  func.func @_k1_body(%arg0: i32, %arg1: memref<4000x128xf32, #tpu.memory_space<vmem>>, %arg2: memref<4000x6xf32, #tpu.memory_space<vmem>>, %arg3: memref<128x128xf32, #tpu.memory_space<vmem>>, %arg4: memref<1x128xf32, #tpu.memory_space<vmem>>, %arg5: memref<128x128xf32, #tpu.memory_space<vmem>>, %arg6: memref<1x128xf32, #tpu.memory_space<vmem>>, %arg7: memref<6x128xf32, #tpu.memory_space<vmem>>, %arg8: memref<128x64xf32, #tpu.memory_space<vmem>>, %arg9: memref<4000x128xf32, #tpu.memory_space<vmem>>, %arg10: memref<4000x64xf32, #tpu.memory_space<vmem>>) attributes {dimension_semantics = [#tpu.dimension_semantics<arbitrary>], iteration_bounds = array<i64: 80>, scalar_prefetch = 0 : i64, scratch_operands = 0 : i64, tpu.core_type = #tpu.core_type<tc>, window_params = [{transform_indices = @transform_0, window_bounds = array<i64: 4000, 128>}, {transform_indices = @transform_1, window_bounds = array<i64: 4000, 6>}, {pipeline_mode = #tpu.pipeline_mode<synchronous>, transform_indices = @transform_2, window_bounds = array<i64: 128, 128>}, {pipeline_mode = #tpu.pipeline_mode<synchronous>, transform_indices = @transform_3, window_bounds = array<i64: 1, 128>}, {pipeline_mode = #tpu.pipeline_mode<synchronous>, transform_indices = @transform_4, window_bounds = array<i64: 128, 128>}, {pipeline_mode = #tpu.pipeline_mode<synchronous>, transform_indices = @transform_5, window_bounds = array<i64: 1, 128>}, {pipeline_mode = #tpu.pipeline_mode<synchronous>, transform_indices = @transform_6, window_bounds = array<i64: 6, 128>}, {pipeline_mode = #tpu.pipeline_mode<synchronous>, transform_indices = @transform_7, window_bounds = array<i64: 128, 64>}, {transform_indices = @transform_8, window_bounds = array<i64: 4000, 128>}, {transform_indices = @transform_9, window_bounds = array<i64: 4000, 64>}]} {
    %get3A = arith.constant 0 : index
    %get3A_0 = arith.constant 0 : index
    %get3A_1 = vector.load %arg1[%get3A, %get3A_0] : memref<4000x128xf32, #tpu.memory_space<vmem>>, vector<4000x128xf32>
    %get3A_2 = arith.constant 0 : index
    %get3A_3 = arith.constant 0 : index
    %get3A_4 = vector.load %arg3[%get3A_2, %get3A_3] : memref<128x128xf32, #tpu.memory_space<vmem>>, vector<128x128xf32>
    %dot_general3A = arith.constant dense<0.000000e+00> : vector<4000x128xf32>
    %dot_general3A_5 = tpu.matmul %get3A_1, %get3A_4, %dot_general3A {dimension_numbers = #tpu.dot_dimension_numbers<[1], [0], [0], [1], [0, 0, 1, 1], [], []>, transpose_lhs_hint = false} : vector<4000x128xf32>, vector<128x128xf32>, vector<4000x128xf32> -> vector<4000x128xf32>
    %get3A_6 = arith.constant 0 : index
    %get3A_7 = arith.constant 0 : index
    %get3A_8 = vector.load %arg4[%get3A_6, %get3A_7] : memref<1x128xf32, #tpu.memory_space<vmem>>, vector<1x128xf32>
    %add3A = vector.broadcast %get3A_8 : vector<1x128xf32> to vector<4000x128xf32>
    %add3A_9 = arith.addf %dot_general3A_5, %add3A : vector<4000x128xf32>
    %neg3A = arith.constant 0.000000e+00 : f32
    %neg3A_10 = vector.broadcast %neg3A : f32 to vector<4000x128xf32>
    %neg3A_11 = arith.subf %neg3A_10, %add3A_9 : vector<4000x128xf32>
    %exp3A = math.exp %neg3A_11 : vector<4000x128xf32>
    %add3A_12 = arith.constant 1.000000e+00 : f32
    %add3A_13 = vector.broadcast %add3A_12 : f32 to vector<4000x128xf32>
    %add3A_14 = arith.addf %add3A_13, %exp3A : vector<4000x128xf32>
    %div3A = arith.constant 1.000000e+00 : f32
    %div3A_15 = vector.broadcast %div3A : f32 to vector<4000x128xf32>
    %div3A_16 = arith.divf %div3A_15, %add3A_14 : vector<4000x128xf32>
    %mul3A = arith.mulf %add3A_9, %div3A_16 : vector<4000x128xf32>
    %get3A_17 = arith.constant 0 : index
    %get3A_18 = arith.constant 0 : index
    %get3A_19 = vector.load %arg5[%get3A_17, %get3A_18] : memref<128x128xf32, #tpu.memory_space<vmem>>, vector<128x128xf32>
    %dot_general3A_20 = arith.constant dense<0.000000e+00> : vector<4000x128xf32>
    %dot_general3A_21 = tpu.matmul %get3A_1, %get3A_19, %dot_general3A_20 {dimension_numbers = #tpu.dot_dimension_numbers<[1], [0], [0], [1], [0, 0, 1, 1], [], []>, transpose_lhs_hint = false} : vector<4000x128xf32>, vector<128x128xf32>, vector<4000x128xf32> -> vector<4000x128xf32>
    %get3A_22 = arith.constant 0 : index
    %get3A_23 = arith.constant 0 : index
    %get3A_24 = vector.load %arg6[%get3A_22, %get3A_23] : memref<1x128xf32, #tpu.memory_space<vmem>>, vector<1x128xf32>
    %add3A_25 = vector.broadcast %get3A_24 : vector<1x128xf32> to vector<4000x128xf32>
    %add3A_26 = arith.addf %dot_general3A_21, %add3A_25 : vector<4000x128xf32>
    %neg3A_27 = arith.constant 0.000000e+00 : f32
    %neg3A_28 = vector.broadcast %neg3A_27 : f32 to vector<4000x128xf32>
    %neg3A_29 = arith.subf %neg3A_28, %add3A_26 : vector<4000x128xf32>
    %exp3A_30 = math.exp %neg3A_29 : vector<4000x128xf32>
    %add3A_31 = arith.constant 1.000000e+00 : f32
    %add3A_32 = vector.broadcast %add3A_31 : f32 to vector<4000x128xf32>
    %add3A_33 = arith.addf %add3A_32, %exp3A_30 : vector<4000x128xf32>
    %div3A_34 = arith.constant 1.000000e+00 : f32
    %div3A_35 = vector.broadcast %div3A_34 : f32 to vector<4000x128xf32>
    %div3A_36 = arith.divf %div3A_35, %add3A_33 : vector<4000x128xf32>
    %mul3A_37 = arith.mulf %add3A_26, %div3A_36 : vector<4000x128xf32>
    %get3A_38 = arith.constant 0 : index
    %get3A_39 = arith.constant 0 : index
    %get3A_40 = vector.load %arg2[%get3A_38, %get3A_39] : memref<4000x6xf32, #tpu.memory_space<vmem>>, vector<4000x6xf32>
    %get3A_41 = arith.constant 0 : index
    %get3A_42 = arith.constant 0 : index
    %get3A_43 = vector.load %arg7[%get3A_41, %get3A_42] : memref<6x128xf32, #tpu.memory_space<vmem>>, vector<6x128xf32>
    %dot_general3A_44 = arith.constant dense<0.000000e+00> : vector<4000x128xf32>
    %dot_general3A_45 = tpu.matmul %get3A_40, %get3A_43, %dot_general3A_44 {dimension_numbers = #tpu.dot_dimension_numbers<[1], [0], [0], [1], [0, 0, 1, 1], [], []>, transpose_lhs_hint = false} : vector<4000x6xf32>, vector<6x128xf32>, vector<4000x128xf32> -> vector<4000x128xf32>
    %mul3A_46 = arith.mulf %mul3A_37, %dot_general3A_45 : vector<4000x128xf32>
    %get3A_47 = arith.constant 0 : index
    %get3A_48 = arith.constant 0 : index
    %get3A_49 = vector.load %arg8[%get3A_47, %get3A_48] : memref<128x64xf32, #tpu.memory_space<vmem>>, vector<128x64xf32>
    %dot_general3A_50 = arith.constant dense<0.000000e+00> : vector<4000x64xf32>
    %dot_general3A_51 = tpu.matmul %mul3A_46, %get3A_49, %dot_general3A_50 {dimension_numbers = #tpu.dot_dimension_numbers<[1], [0], [0], [1], [0, 0, 1, 1], [], []>, transpose_lhs_hint = false} : vector<4000x128xf32>, vector<128x64xf32>, vector<4000x64xf32> -> vector<4000x64xf32>
    %neg3A_52 = arith.constant 0.000000e+00 : f32
    %neg3A_53 = vector.broadcast %neg3A_52 : f32 to vector<4000x64xf32>
    %neg3A_54 = arith.subf %neg3A_53, %dot_general3A_51 : vector<4000x64xf32>
    %exp3A_55 = math.exp %neg3A_54 : vector<4000x64xf32>
    %add3A_56 = arith.constant 1.000000e+00 : f32
    %add3A_57 = vector.broadcast %add3A_56 : f32 to vector<4000x64xf32>
    %add3A_58 = arith.addf %add3A_57, %exp3A_55 : vector<4000x64xf32>
    %div3A_59 = arith.constant 1.000000e+00 : f32
    %div3A_60 = vector.broadcast %div3A_59 : f32 to vector<4000x64xf32>
    %div3A_61 = arith.divf %div3A_60, %add3A_58 : vector<4000x64xf32>
    %mul3A_62 = arith.mulf %dot_general3A_51, %div3A_61 : vector<4000x64xf32>
    %swap3A = arith.constant 0 : index
    %swap3A_63 = arith.constant 0 : index
    %swap3A_64 = vector.load %arg10[%swap3A, %swap3A_63] : memref<4000x64xf32, #tpu.memory_space<vmem>>, vector<4000x64xf32>
    tpu.vector_store %arg10[%swap3A, %swap3A_63], %mul3A_62 {strides = array<i32>} : memref<4000x64xf32, #tpu.memory_space<vmem>>, vector<4000x64xf32>,
    %swap3A_65 = arith.constant 0 : index
    %swap3A_66 = arith.constant 0 : index
    %swap3A_67 = vector.load %arg9[%swap3A_65, %swap3A_66] : memref<4000x128xf32, #tpu.memory_space<vmem>>, vector<4000x128xf32>
    tpu.vector_store %arg9[%swap3A_65, %swap3A_66], %mul3A {strides = array<i32>} : memref<4000x128xf32, #tpu.memory_space<vmem>>, vector<4000x128xf32>,
    return
  }
  func.func @transform_0(%arg0: i32) -> (i32, i32) {
    %c0_i32 = arith.constant 0 : i32
    %c0_i32_0 = arith.constant 0 : i32
    return %arg0, %c0_i32 : i32, i32
  }
  func.func @transform_1(%arg0: i32) -> (i32, i32) {
    %c0_i32 = arith.constant 0 : i32
    %c0_i32_0 = arith.constant 0 : i32
    return %arg0, %c0_i32 : i32, i32
  }
  func.func @transform_2(%arg0: i32) -> (i32, i32) {
    %c0_i32 = arith.constant 0 : i32
    %c0_i32_0 = arith.constant 0 : i32
    %c0_i32_1 = arith.constant 0 : i32
    return %c0_i32, %c0_i32_0 : i32, i32
  }
  func.func @transform_3(%arg0: i32) -> (i32, i32) {
    %c0_i32 = arith.constant 0 : i32
    %c0_i32_0 = arith.constant 0 : i32
    %c0_i32_1 = arith.constant 0 : i32
    return %c0_i32, %c0_i32_0 : i32, i32
  }
  func.func @transform_4(%arg0: i32) -> (i32, i32) {
    %c0_i32 = arith.constant 0 : i32
    %c0_i32_0 = arith.constant 0 : i32
    %c0_i32_1 = arith.constant 0 : i32
    return %c0_i32, %c0_i32_0 : i32, i32
  }
  func.func @transform_5(%arg0: i32) -> (i32, i32) {
    %c0_i32 = arith.constant 0 : i32
    %c0_i32_0 = arith.constant 0 : i32
    %c0_i32_1 = arith.constant 0 : i32
    return %c0_i32, %c0_i32_0 : i32, i32
  }
  func.func @transform_6(%arg0: i32) -> (i32, i32) {
    %c0_i32 = arith.constant 0 : i32
    %c0_i32_0 = arith.constant 0 : i32
    %c0_i32_1 = arith.constant 0 : i32
    return %c0_i32, %c0_i32_0 : i32, i32
  }
  func.func @transform_7(%arg0: i32) -> (i32, i32) {
    %c0_i32 = arith.constant 0 : i32
    %c0_i32_0 = arith.constant 0 : i32
    %c0_i32_1 = arith.constant 0 : i32
    return %c0_i32, %c0_i32_0 : i32, i32
  }
  func.func @transform_8(%arg0: i32) -> (i32, i32) {
    %c0_i32 = arith.constant 0 : i32
    %c0_i32_0 = arith.constant 0 : i32
    return %arg0, %c0_i32 : i32, i32
  }
  func.func @transform_9(%arg0: i32) -> (i32, i32) {
    %c0_i32 = arith.constant 0 : i32
    %c0_i32_0 = arith.constant 0 : i32
    return %arg0, %c0_i32 : i32, i32
  }
}

module attributes {stable_mosaic.version = 14 : i64} {
  func.func @_k4_body(%arg0: i32, %arg1: memref<4000x64xf32, #tpu.memory_space<vmem>>, %arg2: memref<4000x128xf32, #tpu.memory_space<vmem>>, %arg3: memref<4000x128xf32, #tpu.memory_space<vmem>>, %arg4: memref<64x128xf32, #tpu.memory_space<vmem>>, %arg5: memref<128x128xf32, #tpu.memory_space<vmem>>, %arg6: memref<1x128xf32, #tpu.memory_space<vmem>>, %arg7: memref<128x128xf32, #tpu.memory_space<vmem>>, %arg8: memref<1x128xf32, #tpu.memory_space<vmem>>, %arg9: memref<128x128xf32, #tpu.memory_space<vmem>>, %arg10: memref<1x128xf32, #tpu.memory_space<vmem>>, %arg11: memref<128x128xf32, #tpu.memory_space<vmem>>, %arg12: memref<1x128xf32, #tpu.memory_space<vmem>>, %arg13: memref<128x128xf32, #tpu.memory_space<vmem>>, %arg14: memref<1x128xf32, #tpu.memory_space<vmem>>, %arg15: memref<128x128xf32, #tpu.memory_space<vmem>>, %arg16: memref<1x128xf32, #tpu.memory_space<vmem>>, %arg17: memref<128x128xf32, #tpu.memory_space<vmem>>, %arg18: memref<1x128xf32, #tpu.memory_space<vmem>>, %arg19: memref<4000x128xf32, #tpu.memory_space<vmem>>) attributes {dimension_semantics = [#tpu.dimension_semantics<arbitrary>], iteration_bounds = array<i64: 80>, scalar_prefetch = 0 : i64, scratch_operands = 0 : i64, tpu.core_type = #tpu.core_type<tc>, window_params = [{transform_indices = @transform_0, window_bounds = array<i64: 4000, 64>}, {transform_indices = @transform_1, window_bounds = array<i64: 4000, 128>}, {transform_indices = @transform_2, window_bounds = array<i64: 4000, 128>}, {pipeline_mode = #tpu.pipeline_mode<synchronous>, transform_indices = @transform_3, window_bounds = array<i64: 64, 128>}, {pipeline_mode = #tpu.pipeline_mode<synchronous>, transform_indices = @transform_4, window_bounds = array<i64: 128, 128>}, {pipeline_mode = #tpu.pipeline_mode<synchronous>, transform_indices = @transform_5, window_bounds = array<i64: 1, 128>}, {pipeline_mode = #tpu.pipeline_mode<synchronous>, transform_indices = @transform_6, window_bounds = array<i64: 128, 128>}, {pipeline_mode = #tpu.pipeline_mode<synchronous>, transform_indices = @transform_7, window_bounds = array<i64: 1, 128>}, {pipeline_mode = #tpu.pipeline_mode<synchronous>, transform_indices = @transform_8, window_bounds = array<i64: 128, 128>}, {pipeline_mode = #tpu.pipeline_mode<synchronous>, transform_indices = @transform_9, window_bounds = array<i64: 1, 128>}, {pipeline_mode = #tpu.pipeline_mode<synchronous>, transform_indices = @transform_10, window_bounds = array<i64: 128, 128>}, {pipeline_mode = #tpu.pipeline_mode<synchronous>, transform_indices = @transform_11, window_bounds = array<i64: 1, 128>}, {pipeline_mode = #tpu.pipeline_mode<synchronous>, transform_indices = @transform_12, window_bounds = array<i64: 128, 128>}, {pipeline_mode = #tpu.pipeline_mode<synchronous>, transform_indices = @transform_13, window_bounds = array<i64: 1, 128>}, {pipeline_mode = #tpu.pipeline_mode<synchronous>, transform_indices = @transform_14, window_bounds = array<i64: 128, 128>}, {pipeline_mode = #tpu.pipeline_mode<synchronous>, transform_indices = @transform_15, window_bounds = array<i64: 1, 128>}, {pipeline_mode = #tpu.pipeline_mode<synchronous>, transform_indices = @transform_16, window_bounds = array<i64: 128, 128>}, {pipeline_mode = #tpu.pipeline_mode<synchronous>, transform_indices = @transform_17, window_bounds = array<i64: 1, 128>}, {transform_indices = @transform_18, window_bounds = array<i64: 4000, 128>}]} {
    %get3A = arith.constant 0 : index
    %get3A_0 = arith.constant 0 : index
    %get3A_1 = vector.load %arg2[%get3A, %get3A_0] : memref<4000x128xf32, #tpu.memory_space<vmem>>, vector<4000x128xf32>
    %get3A_2 = arith.constant 0 : index
    %get3A_3 = arith.constant 0 : index
    %get3A_4 = vector.load %arg1[%get3A_2, %get3A_3] : memref<4000x64xf32, #tpu.memory_space<vmem>>, vector<4000x64xf32>
    %get3A_5 = arith.constant 0 : index
    %get3A_6 = arith.constant 0 : index
    %get3A_7 = vector.load %arg4[%get3A_5, %get3A_6] : memref<64x128xf32, #tpu.memory_space<vmem>>, vector<64x128xf32>
    %dot_general3A = arith.constant dense<0.000000e+00> : vector<4000x128xf32>
    %dot_general3A_8 = tpu.matmul %get3A_4, %get3A_7, %dot_general3A {dimension_numbers = #tpu.dot_dimension_numbers<[1], [0], [0], [1], [0, 0, 1, 1], [], []>, transpose_lhs_hint = false} : vector<4000x64xf32>, vector<64x128xf32>, vector<4000x128xf32> -> vector<4000x128xf32>
    %neg3A = arith.constant 0.000000e+00 : f32
    %neg3A_9 = vector.broadcast %neg3A : f32 to vector<4000x128xf32>
    %neg3A_10 = arith.subf %neg3A_9, %dot_general3A_8 : vector<4000x128xf32>
    %exp3A = math.exp %neg3A_10 : vector<4000x128xf32>
    %add3A = arith.constant 1.000000e+00 : f32
    %add3A_11 = vector.broadcast %add3A : f32 to vector<4000x128xf32>
    %add3A_12 = arith.addf %add3A_11, %exp3A : vector<4000x128xf32>
    %div3A = arith.constant 1.000000e+00 : f32
    %div3A_13 = vector.broadcast %div3A : f32 to vector<4000x128xf32>
    %div3A_14 = arith.divf %div3A_13, %add3A_12 : vector<4000x128xf32>
    %mul3A = arith.mulf %dot_general3A_8, %div3A_14 : vector<4000x128xf32>
    %add3A_15 = arith.addf %get3A_1, %mul3A : vector<4000x128xf32>
    %get3A_16 = arith.constant 0 : index
    %get3A_17 = arith.constant 0 : index
    %get3A_18 = vector.load %arg5[%get3A_16, %get3A_17] : memref<128x128xf32, #tpu.memory_space<vmem>>, vector<128x128xf32>
    %dot_general3A_19 = arith.constant dense<0.000000e+00> : vector<4000x128xf32>
    %dot_general3A_20 = tpu.matmul %add3A_15, %get3A_18, %dot_general3A_19 {dimension_numbers = #tpu.dot_dimension_numbers<[1], [0], [0], [1], [0, 0, 1, 1], [], []>, transpose_lhs_hint = false} : vector<4000x128xf32>, vector<128x128xf32>, vector<4000x128xf32> -> vector<4000x128xf32>
    %get3A_21 = arith.constant 0 : index
    %get3A_22 = arith.constant 0 : index
    %get3A_23 = vector.load %arg6[%get3A_21, %get3A_22] : memref<1x128xf32, #tpu.memory_space<vmem>>, vector<1x128xf32>
    %add3A_24 = vector.broadcast %get3A_23 : vector<1x128xf32> to vector<4000x128xf32>
    %add3A_25 = arith.addf %dot_general3A_20, %add3A_24 : vector<4000x128xf32>
    %neg3A_26 = arith.constant 0.000000e+00 : f32
    %neg3A_27 = vector.broadcast %neg3A_26 : f32 to vector<4000x128xf32>
    %neg3A_28 = arith.subf %neg3A_27, %add3A_25 : vector<4000x128xf32>
    %exp3A_29 = math.exp %neg3A_28 : vector<4000x128xf32>
    %add3A_30 = arith.constant 1.000000e+00 : f32
    %add3A_31 = vector.broadcast %add3A_30 : f32 to vector<4000x128xf32>
    %add3A_32 = arith.addf %add3A_31, %exp3A_29 : vector<4000x128xf32>
    %div3A_33 = arith.constant 1.000000e+00 : f32
    %div3A_34 = vector.broadcast %div3A_33 : f32 to vector<4000x128xf32>
    %div3A_35 = arith.divf %div3A_34, %add3A_32 : vector<4000x128xf32>
    %mul3A_36 = arith.mulf %add3A_25, %div3A_35 : vector<4000x128xf32>
    %get3A_37 = arith.constant 0 : index
    %get3A_38 = arith.constant 0 : index
    %get3A_39 = vector.load %arg7[%get3A_37, %get3A_38] : memref<128x128xf32, #tpu.memory_space<vmem>>, vector<128x128xf32>
    %dot_general3A_40 = arith.constant dense<0.000000e+00> : vector<4000x128xf32>
    %dot_general3A_41 = tpu.matmul %mul3A_36, %get3A_39, %dot_general3A_40 {dimension_numbers = #tpu.dot_dimension_numbers<[1], [0], [0], [1], [0, 0, 1, 1], [], []>, transpose_lhs_hint = false} : vector<4000x128xf32>, vector<128x128xf32>, vector<4000x128xf32> -> vector<4000x128xf32>
    %get3A_42 = arith.constant 0 : index
    %get3A_43 = arith.constant 0 : index
    %get3A_44 = vector.load %arg8[%get3A_42, %get3A_43] : memref<1x128xf32, #tpu.memory_space<vmem>>, vector<1x128xf32>
    %add3A_45 = vector.broadcast %get3A_44 : vector<1x128xf32> to vector<4000x128xf32>
    %add3A_46 = arith.addf %dot_general3A_41, %add3A_45 : vector<4000x128xf32>
    %neg3A_47 = arith.constant 0.000000e+00 : f32
    %neg3A_48 = vector.broadcast %neg3A_47 : f32 to vector<4000x128xf32>
    %neg3A_49 = arith.subf %neg3A_48, %add3A_46 : vector<4000x128xf32>
    %exp3A_50 = math.exp %neg3A_49 : vector<4000x128xf32>
    %add3A_51 = arith.constant 1.000000e+00 : f32
    %add3A_52 = vector.broadcast %add3A_51 : f32 to vector<4000x128xf32>
    %add3A_53 = arith.addf %add3A_52, %exp3A_50 : vector<4000x128xf32>
    %div3A_54 = arith.constant 1.000000e+00 : f32
    %div3A_55 = vector.broadcast %div3A_54 : f32 to vector<4000x128xf32>
    %div3A_56 = arith.divf %div3A_55, %add3A_53 : vector<4000x128xf32>
    %mul3A_57 = arith.mulf %add3A_46, %div3A_56 : vector<4000x128xf32>
    %add3A_58 = arith.addf %add3A_15, %mul3A_57 : vector<4000x128xf32>
    %get3A_59 = arith.constant 0 : index
    %get3A_60 = arith.constant 0 : index
    %get3A_61 = vector.load %arg9[%get3A_59, %get3A_60] : memref<128x128xf32, #tpu.memory_space<vmem>>, vector<128x128xf32>
    %dot_general3A_62 = arith.constant dense<0.000000e+00> : vector<4000x128xf32>
    %dot_general3A_63 = tpu.matmul %add3A_58, %get3A_61, %dot_general3A_62 {dimension_numbers = #tpu.dot_dimension_numbers<[1], [0], [0], [1], [0, 0, 1, 1], [], []>, transpose_lhs_hint = false} : vector<4000x128xf32>, vector<128x128xf32>, vector<4000x128xf32> -> vector<4000x128xf32>
    %get3A_64 = arith.constant 0 : index
    %get3A_65 = arith.constant 0 : index
    %get3A_66 = vector.load %arg10[%get3A_64, %get3A_65] : memref<1x128xf32, #tpu.memory_space<vmem>>, vector<1x128xf32>
    %add3A_67 = vector.broadcast %get3A_66 : vector<1x128xf32> to vector<4000x128xf32>
    %add3A_68 = arith.addf %dot_general3A_63, %add3A_67 : vector<4000x128xf32>
    %neg3A_69 = arith.constant 0.000000e+00 : f32
    %neg3A_70 = vector.broadcast %neg3A_69 : f32 to vector<4000x128xf32>
    %neg3A_71 = arith.subf %neg3A_70, %add3A_68 : vector<4000x128xf32>
    %exp3A_72 = math.exp %neg3A_71 : vector<4000x128xf32>
    %add3A_73 = arith.constant 1.000000e+00 : f32
    %add3A_74 = vector.broadcast %add3A_73 : f32 to vector<4000x128xf32>
    %add3A_75 = arith.addf %add3A_74, %exp3A_72 : vector<4000x128xf32>
    %div3A_76 = arith.constant 1.000000e+00 : f32
    %div3A_77 = vector.broadcast %div3A_76 : f32 to vector<4000x128xf32>
    %div3A_78 = arith.divf %div3A_77, %add3A_75 : vector<4000x128xf32>
    %mul3A_79 = arith.mulf %add3A_68, %div3A_78 : vector<4000x128xf32>
    %get3A_80 = arith.constant 0 : index
    %get3A_81 = arith.constant 0 : index
    %get3A_82 = vector.load %arg3[%get3A_80, %get3A_81] : memref<4000x128xf32, #tpu.memory_space<vmem>>, vector<4000x128xf32>
    %add3A_83 = arith.addf %mul3A_79, %get3A_82 : vector<4000x128xf32>
    %get3A_84 = arith.constant 0 : index
    %get3A_85 = arith.constant 0 : index
    %get3A_86 = vector.load %arg11[%get3A_84, %get3A_85] : memref<128x128xf32, #tpu.memory_space<vmem>>, vector<128x128xf32>
    %dot_general3A_87 = arith.constant dense<0.000000e+00> : vector<4000x128xf32>
    %dot_general3A_88 = tpu.matmul %add3A_83, %get3A_86, %dot_general3A_87 {dimension_numbers = #tpu.dot_dimension_numbers<[1], [0], [0], [1], [0, 0, 1, 1], [], []>, transpose_lhs_hint = false} : vector<4000x128xf32>, vector<128x128xf32>, vector<4000x128xf32> -> vector<4000x128xf32>
    %get3A_89 = arith.constant 0 : index
    %get3A_90 = arith.constant 0 : index
    %get3A_91 = vector.load %arg12[%get3A_89, %get3A_90] : memref<1x128xf32, #tpu.memory_space<vmem>>, vector<1x128xf32>
    %add3A_92 = vector.broadcast %get3A_91 : vector<1x128xf32> to vector<4000x128xf32>
    %add3A_93 = arith.addf %dot_general3A_88, %add3A_92 : vector<4000x128xf32>
    %neg3A_94 = arith.constant 0.000000e+00 : f32
    %neg3A_95 = vector.broadcast %neg3A_94 : f32 to vector<4000x128xf32>
    %neg3A_96 = arith.subf %neg3A_95, %add3A_93 : vector<4000x128xf32>
    %exp3A_97 = math.exp %neg3A_96 : vector<4000x128xf32>
    %add3A_98 = arith.constant 1.000000e+00 : f32
    %add3A_99 = vector.broadcast %add3A_98 : f32 to vector<4000x128xf32>
    %add3A_100 = arith.addf %add3A_99, %exp3A_97 : vector<4000x128xf32>
    %div3A_101 = arith.constant 1.000000e+00 : f32
    %div3A_102 = vector.broadcast %div3A_101 : f32 to vector<4000x128xf32>
    %div3A_103 = arith.divf %div3A_102, %add3A_100 : vector<4000x128xf32>
    %mul3A_104 = arith.mulf %add3A_93, %div3A_103 : vector<4000x128xf32>
    %get3A_105 = arith.constant 0 : index
    %get3A_106 = arith.constant 0 : index
    %get3A_107 = vector.load %arg13[%get3A_105, %get3A_106] : memref<128x128xf32, #tpu.memory_space<vmem>>, vector<128x128xf32>
    %dot_general3A_108 = arith.constant dense<0.000000e+00> : vector<4000x128xf32>
    %dot_general3A_109 = tpu.matmul %mul3A_104, %get3A_107, %dot_general3A_108 {dimension_numbers = #tpu.dot_dimension_numbers<[1], [0], [0], [1], [0, 0, 1, 1], [], []>, transpose_lhs_hint = false} : vector<4000x128xf32>, vector<128x128xf32>, vector<4000x128xf32> -> vector<4000x128xf32>
    %get3A_110 = arith.constant 0 : index
    %get3A_111 = arith.constant 0 : index
    %get3A_112 = vector.load %arg14[%get3A_110, %get3A_111] : memref<1x128xf32, #tpu.memory_space<vmem>>, vector<1x128xf32>
    %add3A_113 = vector.broadcast %get3A_112 : vector<1x128xf32> to vector<4000x128xf32>
    %add3A_114 = arith.addf %dot_general3A_109, %add3A_113 : vector<4000x128xf32>
    %neg3A_115 = arith.constant 0.000000e+00 : f32
    %neg3A_116 = vector.broadcast %neg3A_115 : f32 to vector<4000x128xf32>
    %neg3A_117 = arith.subf %neg3A_116, %add3A_114 : vector<4000x128xf32>
    %exp3A_118 = math.exp %neg3A_117 : vector<4000x128xf32>
    %add3A_119 = arith.constant 1.000000e+00 : f32
    %add3A_120 = vector.broadcast %add3A_119 : f32 to vector<4000x128xf32>
    %add3A_121 = arith.addf %add3A_120, %exp3A_118 : vector<4000x128xf32>
    %div3A_122 = arith.constant 1.000000e+00 : f32
    %div3A_123 = vector.broadcast %div3A_122 : f32 to vector<4000x128xf32>
    %div3A_124 = arith.divf %div3A_123, %add3A_121 : vector<4000x128xf32>
    %mul3A_125 = arith.mulf %add3A_114, %div3A_124 : vector<4000x128xf32>
    %add3A_126 = arith.addf %add3A_83, %mul3A_125 : vector<4000x128xf32>
    %get3A_127 = arith.constant 0 : index
    %get3A_128 = arith.constant 0 : index
    %get3A_129 = vector.load %arg15[%get3A_127, %get3A_128] : memref<128x128xf32, #tpu.memory_space<vmem>>, vector<128x128xf32>
    %dot_general3A_130 = arith.constant dense<0.000000e+00> : vector<4000x128xf32>
    %dot_general3A_131 = tpu.matmul %add3A_126, %get3A_129, %dot_general3A_130 {dimension_numbers = #tpu.dot_dimension_numbers<[1], [0], [0], [1], [0, 0, 1, 1], [], []>, transpose_lhs_hint = false} : vector<4000x128xf32>, vector<128x128xf32>, vector<4000x128xf32> -> vector<4000x128xf32>
    %get3A_132 = arith.constant 0 : index
    %get3A_133 = arith.constant 0 : index
    %get3A_134 = vector.load %arg16[%get3A_132, %get3A_133] : memref<1x128xf32, #tpu.memory_space<vmem>>, vector<1x128xf32>
    %add3A_135 = vector.broadcast %get3A_134 : vector<1x128xf32> to vector<4000x128xf32>
    %add3A_136 = arith.addf %dot_general3A_131, %add3A_135 : vector<4000x128xf32>
    %neg3A_137 = arith.constant 0.000000e+00 : f32
    %neg3A_138 = vector.broadcast %neg3A_137 : f32 to vector<4000x128xf32>
    %neg3A_139 = arith.subf %neg3A_138, %add3A_136 : vector<4000x128xf32>
    %exp3A_140 = math.exp %neg3A_139 : vector<4000x128xf32>
    %add3A_141 = arith.constant 1.000000e+00 : f32
    %add3A_142 = vector.broadcast %add3A_141 : f32 to vector<4000x128xf32>
    %add3A_143 = arith.addf %add3A_142, %exp3A_140 : vector<4000x128xf32>
    %div3A_144 = arith.constant 1.000000e+00 : f32
    %div3A_145 = vector.broadcast %div3A_144 : f32 to vector<4000x128xf32>
    %div3A_146 = arith.divf %div3A_145, %add3A_143 : vector<4000x128xf32>
    %mul3A_147 = arith.mulf %add3A_136, %div3A_146 : vector<4000x128xf32>
    %get3A_148 = arith.constant 0 : index
    %get3A_149 = arith.constant 0 : index
    %get3A_150 = vector.load %arg17[%get3A_148, %get3A_149] : memref<128x128xf32, #tpu.memory_space<vmem>>, vector<128x128xf32>
    %dot_general3A_151 = arith.constant dense<0.000000e+00> : vector<4000x128xf32>
    %dot_general3A_152 = tpu.matmul %mul3A_147, %get3A_150, %dot_general3A_151 {dimension_numbers = #tpu.dot_dimension_numbers<[1], [0], [0], [1], [0, 0, 1, 1], [], []>, transpose_lhs_hint = false} : vector<4000x128xf32>, vector<128x128xf32>, vector<4000x128xf32> -> vector<4000x128xf32>
    %get3A_153 = arith.constant 0 : index
    %get3A_154 = arith.constant 0 : index
    %get3A_155 = vector.load %arg18[%get3A_153, %get3A_154] : memref<1x128xf32, #tpu.memory_space<vmem>>, vector<1x128xf32>
    %add3A_156 = vector.broadcast %get3A_155 : vector<1x128xf32> to vector<4000x128xf32>
    %add3A_157 = arith.addf %dot_general3A_152, %add3A_156 : vector<4000x128xf32>
    %neg3A_158 = arith.constant 0.000000e+00 : f32
    %neg3A_159 = vector.broadcast %neg3A_158 : f32 to vector<4000x128xf32>
    %neg3A_160 = arith.subf %neg3A_159, %add3A_157 : vector<4000x128xf32>
    %exp3A_161 = math.exp %neg3A_160 : vector<4000x128xf32>
    %add3A_162 = arith.constant 1.000000e+00 : f32
    %add3A_163 = vector.broadcast %add3A_162 : f32 to vector<4000x128xf32>
    %add3A_164 = arith.addf %add3A_163, %exp3A_161 : vector<4000x128xf32>
    %div3A_165 = arith.constant 1.000000e+00 : f32
    %div3A_166 = vector.broadcast %div3A_165 : f32 to vector<4000x128xf32>
    %div3A_167 = arith.divf %div3A_166, %add3A_164 : vector<4000x128xf32>
    %mul3A_168 = arith.mulf %add3A_157, %div3A_167 : vector<4000x128xf32>
    %add3A_169 = arith.addf %add3A_126, %mul3A_168 : vector<4000x128xf32>
    %swap3A = arith.constant 0 : index
    %swap3A_170 = arith.constant 0 : index
    %swap3A_171 = vector.load %arg19[%swap3A, %swap3A_170] : memref<4000x128xf32, #tpu.memory_space<vmem>>, vector<4000x128xf32>
    tpu.vector_store %arg19[%swap3A, %swap3A_170], %add3A_169 {strides = array<i32>} : memref<4000x128xf32, #tpu.memory_space<vmem>>, vector<4000x128xf32>,
    return
  }
  func.func @transform_0(%arg0: i32) -> (i32, i32) {
    %c0_i32 = arith.constant 0 : i32
    %c0_i32_0 = arith.constant 0 : i32
    return %arg0, %c0_i32 : i32, i32
  }
  func.func @transform_1(%arg0: i32) -> (i32, i32) {
    %c0_i32 = arith.constant 0 : i32
    %c0_i32_0 = arith.constant 0 : i32
    return %arg0, %c0_i32 : i32, i32
  }
  func.func @transform_2(%arg0: i32) -> (i32, i32) {
    %c0_i32 = arith.constant 0 : i32
    %c0_i32_0 = arith.constant 0 : i32
    return %arg0, %c0_i32 : i32, i32
  }
  func.func @transform_3(%arg0: i32) -> (i32, i32) {
    %c0_i32 = arith.constant 0 : i32
    %c0_i32_0 = arith.constant 0 : i32
    %c0_i32_1 = arith.constant 0 : i32
    return %c0_i32, %c0_i32_0 : i32, i32
  }
  func.func @transform_4(%arg0: i32) -> (i32, i32) {
    %c0_i32 = arith.constant 0 : i32
    %c0_i32_0 = arith.constant 0 : i32
    %c0_i32_1 = arith.constant 0 : i32
    return %c0_i32, %c0_i32_0 : i32, i32
  }
  func.func @transform_5(%arg0: i32) -> (i32, i32) {
    %c0_i32 = arith.constant 0 : i32
    %c0_i32_0 = arith.constant 0 : i32
    %c0_i32_1 = arith.constant 0 : i32
    return %c0_i32, %c0_i32_0 : i32, i32
  }
  func.func @transform_6(%arg0: i32) -> (i32, i32) {
    %c0_i32 = arith.constant 0 : i32
    %c0_i32_0 = arith.constant 0 : i32
    %c0_i32_1 = arith.constant 0 : i32
    return %c0_i32, %c0_i32_0 : i32, i32
  }
  func.func @transform_7(%arg0: i32) -> (i32, i32) {
    %c0_i32 = arith.constant 0 : i32
    %c0_i32_0 = arith.constant 0 : i32
    %c0_i32_1 = arith.constant 0 : i32
    return %c0_i32, %c0_i32_0 : i32, i32
  }
  func.func @transform_8(%arg0: i32) -> (i32, i32) {
    %c0_i32 = arith.constant 0 : i32
    %c0_i32_0 = arith.constant 0 : i32
    %c0_i32_1 = arith.constant 0 : i32
    return %c0_i32, %c0_i32_0 : i32, i32
  }
  func.func @transform_9(%arg0: i32) -> (i32, i32) {
    %c0_i32 = arith.constant 0 : i32
    %c0_i32_0 = arith.constant 0 : i32
    %c0_i32_1 = arith.constant 0 : i32
    return %c0_i32, %c0_i32_0 : i32, i32
  }
  func.func @transform_10(%arg0: i32) -> (i32, i32) {
    %c0_i32 = arith.constant 0 : i32
    %c0_i32_0 = arith.constant 0 : i32
    %c0_i32_1 = arith.constant 0 : i32
    return %c0_i32, %c0_i32_0 : i32, i32
  }
  func.func @transform_11(%arg0: i32) -> (i32, i32) {
    %c0_i32 = arith.constant 0 : i32
    %c0_i32_0 = arith.constant 0 : i32
    %c0_i32_1 = arith.constant 0 : i32
    return %c0_i32, %c0_i32_0 : i32, i32
  }
  func.func @transform_12(%arg0: i32) -> (i32, i32) {
    %c0_i32 = arith.constant 0 : i32
    %c0_i32_0 = arith.constant 0 : i32
    %c0_i32_1 = arith.constant 0 : i32
    return %c0_i32, %c0_i32_0 : i32, i32
  }
  func.func @transform_13(%arg0: i32) -> (i32, i32) {
    %c0_i32 = arith.constant 0 : i32
    %c0_i32_0 = arith.constant 0 : i32
    %c0_i32_1 = arith.constant 0 : i32
    return %c0_i32, %c0_i32_0 : i32, i32
  }
  func.func @transform_14(%arg0: i32) -> (i32, i32) {
    %c0_i32 = arith.constant 0 : i32
    %c0_i32_0 = arith.constant 0 : i32
    %c0_i32_1 = arith.constant 0 : i32
    return %c0_i32, %c0_i32_0 : i32, i32
  }
  func.func @transform_15(%arg0: i32) -> (i32, i32) {
    %c0_i32 = arith.constant 0 : i32
    %c0_i32_0 = arith.constant 0 : i32
    %c0_i32_1 = arith.constant 0 : i32
    return %c0_i32, %c0_i32_0 : i32, i32
  }
  func.func @transform_16(%arg0: i32) -> (i32, i32) {
    %c0_i32 = arith.constant 0 : i32
    %c0_i32_0 = arith.constant 0 : i32
    %c0_i32_1 = arith.constant 0 : i32
    return %c0_i32, %c0_i32_0 : i32, i32
  }
  func.func @transform_17(%arg0: i32) -> (i32, i32) {
    %c0_i32 = arith.constant 0 : i32
    %c0_i32_0 = arith.constant 0 : i32
    %c0_i32_1 = arith.constant 0 : i32
    return %c0_i32, %c0_i32_0 : i32, i32
  }
  func.func @transform_18(%arg0: i32) -> (i32, i32) {
    %c0_i32 = arith.constant 0 : i32
    %c0_i32_0 = arith.constant 0 : i32
    return %arg0, %c0_i32 : i32, i32
  }
}

</mosaic_0001>

<sc_bundles>
// kernel: kernel.6.cloned.1.call-start
scs
__scs_entry_jumppad:
0x0: {  	(pc) =	sbr.rel $0x88, $3  }
0x1: {  	(tag) =	ssettag $0x0;
	lr =	simm.s32 $0x1  }
0x2: {  	[smem:$0x3F84] =	sst lr;
	_ =	strace $0xD0000000  }
0x3: {  	_ = 	snop  }
0x4: {  	_ = 	snop  }
0x5: {  	_ = 	snop  }
0x6: {  	_ = 	snop  }
0x7: {  	_ = 	snop  }
__scs_overlays_trampoline_lowered:
0x8: {  	[smem:$0x3F93] =	sst s0  }
0x9: {  	[smem:$0x3F94] =	sst s1  }
0xa: {  	[smem:$0x3F95] =	sst s2  }
0xb: {  	[smem:$0x3F96] =	sst s3  }
0xc: {  	[smem:$0x3F97] =	sst s4  }
0xd: {  	[smem:$0x3F98] =	sst s5  }
0xe: {  	[smem:$0x3F99] =	sst s6  }
0xf: {  	[smem:$0x3F9A] =	sst s7  }
0x10: {  	[smem:$0x3F9B] =	sst s8  }
0x11: {  	[smem:$0x3F9C] =	sst s9;
	s0 =	simm.s32 @!p0 $0x0  }
0x12: {  	s1 =	sld [smem:$0x3F82];
	s0 =	simm.s32 @p0 $0x1  }
0x13: {  	[smem:$0x3F9D] =	sst s0;
	s0 =	simm.s32 @!p1 $0x0  }
0x14: {  	s2 =	sld [smem:$0x3F81];
	s0 =	simm.s32 @p1 $0x1  }
0x15: {  	[smem:$0x3F9E] =	sst s0;
	s0 =	simm.s32 @!p2 $0x0  }
0x16: {  	s3 =	sld [smem:$0x3FDB];
	s0 =	simm.s32 @p2 $0x1  }
0x17: {  	s4 =	simm.s32 $0x1BF5;
	[smem:$0x3FA0] =	sst s0  }
0x18: {  	s0 =	sld [smem:$0x3F83];
	_ =	swait.ge [sflag:s4], $0x0  }
0x19: {  	s7 =	sld [smem:$0x3F84]  }
0x1a: {  	s8 =	sadd.s32 $0xFFFFE003, lr  }
0x1b: {  	s9 =	sadd.s32 $0xFFFFFEF7, lr;
	s5 =	simm.s32 $0xFFFFFFFF;
	p2 =	slt.u32 s8, $0xFFFFF086  }
0x1c: {  	p1 =	slt.u32 s9, $0xF7A;
	s5 =	simm.s32 @!p2 $0x0  }
0x1d: {  	s5 =	simm.s32 @p1 $0x1;
	p0 =	seq.s32 s7, s2  }
0x1e: {  	s7 =	smul.u32 @!p0 $0xF7A, s2;
	p2 =	seq.s32 @!p0 s5, $0x0  }
0x1f: {  	s9 =	smul.u32 $0xF7A, s1;
	s8 =	simm.s32 @!p0 $0x1BF5;
	p2 =	por !p2, p0  }
0x20: {  	[sflag:s8] =	ssyncset.s32 @!p0 $0xFFFFF086;
	s6 =	sadd.s32 @!p0 s3, s7;
	s7 =	simm.s32 @!p0 $0x108  }
0x21: {  	s3 =	sadd.s32 s3, s9;
	s6 =	sadd.s32 @!p0 $0x88, s6;
	s7 =	simm.s32 @p2 $0x1082  }
0x22: {  	[simem:s7], [sflag:s8] =	dma.local @!p0 [hbm:s6], $0xF7A  }
0x23: {  	s9 =	sor.u32 $0xD0000000, s2;
	s6 =	simm.s32 $0x108;
	_ =	swait.ge @!p0 [sflag:s8], $0x0  }
0x24: {  	s3 =	sadd.s32 $0x88, s3;
	s6 =	simm.s32 @!p1 $0x1082;
	[sflag:s4] =	ssyncset.s32 $0xFFFFF086  }
0x25: {  	[simem:s6], [sflag:s4] =	dma.local [hbm:s3], $0xF7A  }
0x26: {  	[smem:$0x3F84] =	sst s1;
	(tag) =	ssettag s2;
	_ =	strace s9  }
0x27: {  	s1 =	sld [smem:$0x3F94]  }
0x28: {  	s2 =	sld [smem:$0x3F95]  }
0x29: {  	s4 =	sld [smem:$0x3F97]  }
0x2a: {  	p0 =	seq.s32 s5, $0x0;
	s5 =	sld [smem:$0x3F98]  }
0x2b: {  	s6 =	sld [smem:$0x3F99]  }
0x2c: {  	s7 =	sld [smem:$0x3F9A]  }
0x2d: {  	s3 =	simm.s32 $0x108;
	s8 =	sld [smem:$0x3F9B]  }
0x2e: {  	s3 =	simm.s32 @!p0 $0x1082;
	s9 =	sld [smem:$0x3F9C]  }
0x2f: {  	lr =	sadd.s32 s0, s3;
	s0 =	sld [smem:$0x3F93]  }
0x30: {  	s3 =	sld [smem:$0x3F96]  }
0x31: {  	[smem:$0x3F9F] =	sst s10  }
0x32: {  	s10 =	sld [smem:$0x3F9D];
	_ =	sdelay $0x3  }
0x33: {  	p0 =	seq.s32 s10, $0x1;
	s10 =	sld [smem:$0x3F9F];
	_ =	sdelay $0x3  }
0x34: {  	[smem:$0x3F9F] =	sst s10  }
0x35: {  	s10 =	sld [smem:$0x3F9E];
	_ =	sdelay $0x3  }
0x36: {  	p1 =	seq.s32 s10, $0x1;
	s10 =	sld [smem:$0x3F9F];
	_ =	sdelay $0x3  }
0x37: {  	[smem:$0x3F9F] =	sst s10  }
0x38: {  	s10 =	sld [smem:$0x3FA0]  }
0x39: {  	_ = 	snop;
	(pc) =	sbr.ind lr, $3  }
0x3a: {  	_ = 	snop  }
0x3b: {  	_ = 	snop  }
0x3c: {  	p2 =	seq.s32 s10, $0x1;
	s10 =	sld [smem:$0x3F9F]  }
0x3d: {  	_ =	shalt  }
0x3e: {  	_ =	shalt  }
0x3f: {  	_ =	shalt  }
0x40: {  	_ =	shalt  }
0x41: {  	_ =	shalt  }
0x42: {  	_ =	shalt  }
0x43: {  	_ =	shalt  }
0x44: {  	_ =	shalt  }
0x45: {  	_ =	shalt  }
0x46: {  	_ =	shalt  }
0x47: {  	_ =	shalt  }
0x48: {  	_ =	shalt  }
0x49: {  	_ =	shalt  }
0x4a: {  	_ =	shalt  }
0x4b: {  	_ =	shalt  }
0x4c: {  	_ =	shalt  }
0x4d: {  	_ =	shalt  }
0x4e: {  	_ =	shalt  }
0x4f: {  	_ =	shalt  }
0x50: {  	_ =	shalt  }
0x51: {  	_ =	shalt  }
0x52: {  	_ =	shalt  }
0x53: {  	_ =	shalt  }
0x54: {  	_ =	shalt  }
0x55: {  	_ =	shalt  }
0x56: {  	_ =	shalt  }
0x57: {  	_ =	shalt  }
0x58: {  	_ =	shalt  }
0x59: {  	_ =	shalt  }
0x5a: {  	_ =	shalt  }
0x5b: {  	_ =	shalt  }
0x5c: {  	_ =	shalt  }
0x5d: {  	_ =	shalt  }
0x5e: {  	_ =	shalt  }
0x5f: {  	_ =	shalt  }
0x60: {  	_ =	shalt  }
0x61: {  	_ =	shalt  }
0x62: {  	_ =	shalt  }
0x63: {  	_ =	shalt  }
0x64: {  	_ =	shalt  }
0x65: {  	_ =	shalt  }
0x66: {  	_ =	shalt  }
0x67: {  	_ =	shalt  }
0x68: {  	_ =	shalt  }
0x69: {  	_ =	shalt  }
0x6a: {  	_ =	shalt  }
0x6b: {  	_ =	shalt  }
0x6c: {  	_ =	shalt  }
0x6d: {  	_ =	shalt  }
0x6e: {  	_ =	shalt  }
0x6f: {  	_ =	shalt  }
0x70: {  	_ =	shalt  }
0x71: {  	_ =	shalt  }
0x72: {  	_ =	shalt  }
0x73: {  	_ =	shalt  }
0x74: {  	_ =	shalt  }
0x75: {  	_ =	shalt  }
0x76: {  	_ =	shalt  }
0x77: {  	_ =	shalt  }
0x78: {  	_ =	shalt  }
0x79: {  	_ =	shalt  }
0x7a: {  	_ =	shalt  }
0x7b: {  	_ =	shalt  }
0x7c: {  	_ =	shalt  }
0x7d: {  	_ =	shalt  }
0x7e: {  	_ =	shalt  }
0x7f: {  	_ =	shalt  }
0x80: {  	_ =	shalt  }
0x81: {  	_ =	shalt  }
0x82: {  	_ =	shalt  }
0x83: {  	_ =	shalt  }
0x84: {  	_ =	shalt  }
0x85: {  	_ =	shalt  }
0x86: {  	_ =	shalt  }
0x87: {  	_ =	shalt  }
.Lfunc_end0:
.L_simem_size_0:
called_computation.1_lowered:
.L_overlay_start_0:
0x88: {  	s2 =	sld [smem:$0x3FD9]  }
0x89: {  	s3 =	sld [smem:$0x3FFE];
	_ =	sdelay $0x1  }
0x8a: {  	s1 =	srdreg.scid  }
0x8b: {  	s0 =	sand.u32 $0x1, s1  }
0x8c: {  	s17 =	sshll.u32 s0, $0xA;
	s2 =	sadd.s32 s3, s2  }
0x8d: {  	s2 =	sadd.s32 s2, s17  }
0x8e: {  	[smem:$0x3FAB] =	sst s2  }
0x8f: {  	_ = 	snop  }
0x90: {  	s2 =	sld [smem:$0x3FC6]  }
0x91: {  	s18 =	sld [smem:$0x3FC5]  }
0x92: {  	s4 =	sld [smem:$0x3FD0];
	(tm) =	ssettm $0x1  }
0x93: {  	s5 =	sld [smem:$0x3FFB];
	_ =	sdelay $0x3  }
0x94: {  	_ =	strace s5  }
0x95: {  	s5 =	sld [smem:$0x3FFC];
	_ =	sdelay $0x3  }
0x96: {  	_ =	strace s5  }
0x97: {  	s5 =	sld [smem:$0x3FFD];
	_ =	sdelay $0x3  }
0x98: {  	_ =	strace s5  }
0x99: {  	_ =	strace $0x8FFFFFFF  }
0x9a: {  	s19 =	sld [smem:$0x3FDB];
	_ =	sdelay $0x1  }
0x9b: {  	s6 =	simm.s32 $_scs_section_size  }
0x9c: {  	s7 =	simm.s32 $_size__tile_overlayer_lowered;
	s8 =	simm.s32 $_tile_overlayer_lowered  }
0x9d: {  	s22 =	simm.s32 $0x1BFF;
	s21 =	sshll.u32 s8, $0x1;
	s5 =	sadd.s32 s6, s19  }
0x9e: {  	s9 =	simm.s32 $0x0;
	s20 =	sshll.u32 s7, $0x1;
	s7 =	sadd.s32 s21, s5  }
0x9f: {  	[timem:s9], [sflag:s22] =	dma.local [hbm:s7], s20  }
0xa0: {  	_ =	swait.ge [sflag:s22], s20  }
0xa1: {  	s6 =	ssub.s32 $0x0, s20;
	[sflag:s22] =	ssyncset.done $0x0  }
0xa2: {  	[sflag:s22] =	ssyncadd.s32 s6;
	_ =	sdelay $0x1  }
0xa3: {  	s23 =	simm.s32 $0x1B8B  }
0xa4: {  	_ =	swait.ge [sflag:s23], $0x1  }
0xa5: {  	[sflag:s23] =	ssyncset.done $0x0  }
0xa6: {  	s25 =	simm.s32 $0x1B8E;
	s24 =	sld [smem:$0x3FFE];
	[sflag:s23] =	ssyncadd.s32 $0xFFFFFFFF  }
0xa7: {  	s26 =	simm.s32 $execute0_lowered;
	[smem:$0x3FD2] =	sst s25  }
0xa8: {  	s7 =	sshll.u32 s26, $0x1;
	_ =	strace $0x80000049;
	[dreg:$0x1] =	wrdreg $0xFFFFFFFF  }
0xa9: {  	s28 =	simm.s32 $_size_execute0_lowered;
	s5 =	sadd.s32 s5, s7;
	[dreg:$0x0] =	wrdreg $0x0  }
0xaa: {  	s7 =	sshll.u32 s28, $0x1;
	[dreg:$0x2] =	wrdreg s5  }
0xab: {  	[dreg:$0x3] =	wrdreg s7  }
0xac: {  	[dreg:$0x4] =	wrdreg $0xC0  }
0xad: {  	_ =	task [dreg:s9], $0x5FFFF  }
0xae: {  	[dreg:$0x1] =	wrdreg $0xFFFFFFFF  }
0xaf: {  	[dreg:$0x0] =	wrdreg $0x60  }
0xb0: {  	[dreg:$0x2] =	wrdreg s24  }
0xb1: {  	[dreg:$0x3] =	wrdreg s2  }
0xb2: {  	[dreg:$0x4] =	wrdreg s18  }
0xb3: {  	[dreg:$0x5] =	wrdreg s4  }
0xb4: {  	[dreg:$0x6] =	wrdreg $0xF6800  }
0xb5: {  	[dreg:$0x7] =	wrdreg $0x9  }
0xb6: {  	_ =	task.clear_ibuf [dreg:s9], $0x8FFFF;
	_ =	strace $0x90000049  }
0xb7: {  	s29 =	simm.s32 $0x9;
	_ =	strace $0x8000004B  }
0xb8: {  	_ =	swait.ge [sflag:s29], $0x1  }
0xb9: {  	[sflag:s29] =	ssyncadd.s32 $0xFFFFFFFF  }
0xba: {  	_ =	strace $0x9000004B  }
0xbb: {  	_ =	sfence  }
0xbc: {  	s30 =	sld [smem:$0x0];
	_ =	sdelay $0x2  }
0xbd: {  	s31 =	sshll.u32 s1, $0xD;
	s1 =	sshrl.u32 s1, $0x2  }
0xbe: {  	s3 =	sand.u32 $0x4000, s31;
	s1 =	sadd.s32 s1, s30  }
0xbf: {  	s0 =	sor.u32 s3, s0;
	s1 =	sshll.u32 s1, $0x11  }
0xc0: {  	s0 =	sor.u32 s1, s0  }
0xc1: {  	s0 =	sadd.s32 $0x8F2B, s0  }
0xc2: {  	[sflag:s0] =	ssyncadd.remote.s32 $0x1  }
0xc3: {  	_ =	sfence.sel $0xFFFF  }
0xc4: {  	[dreg:$0x0] =	wrdreg $0xFFFFFFFF;
	(pc) =	sbr.abs _section_cstart, $3  }
0xc5: {  	[dreg:$0x1] =	wrdreg $0xFFFFFFFF  }
0xc6: {  	_ =	task.clear_ibuf [dreg:s9], $0x2FFFF;
	_ =	strace $0x9FFFFFFF  }
0xc7: {  	(tm) =	ssettm $0x7FFFFFFF  }
tec
execute0_lowered:
.L_overlay_start_1:
0x0: {  	(tag) =	ssettag $0x1  }
0x1: {  	s0 =	rddreg [dreg:$0x0]  }
0x2: {  	s10 =	rddreg [dreg:$0x1]  }
0x3: {  	s11 =	rddreg [dreg:$0x2]  }
0x4: {  	s1 =	rddreg [dreg:$0x3]  }
0x5: {  	s3 =	rddreg [dreg:$0x4];
	s4 =	simm.s32 $0x0  }
0x6: {  	s2 =	srdreg.scid;
	s12 =	stileid.u32;
	s28 =	simm.s32 $0x6400  }
0x7: {  	s29 =	simm.s32 $0x1;
	s30 =	simm.s32 $0x140;
	s31 =	simm.s32 $0x76C0  }
0x8: {  	s15 =	simm.s32 $0x7800;
	[smem:$0x7FF] =	sst s4;
	s6 =	sadd.s32 $0x4E5A00, s0  }
0x9: {  	s2 =	sand.u32 $0x1, s2;
	s8 =	smul.u32 $0x13880, s12;
	s7 =	sadd.s32 $0x138BA00, s0  }
0xa: {  	s19 =	sshll.u32 s12, $0x10;
	s22 =	sshll.u32 s12, $0xD;
	_ =	strace $0x8000004A  }
0xb: {  	s17 =	ssub.s32 $0x2, s2;
	s2 =	sshll.u32 s2, $0xE;
	s9 =	sadd.s32 s19, s3  }
0xc: {  	s1 =	sadd.s32 s1, s22;
	s19 =	simm.s32 $0x7;
	s22 =	simm.s32 $0x4  }
0xd: {  	s5 =	sshrl.u32 s17, $0x1;
	[dreg:$0x6] =	wrdreg s2;
	s20 =	sshrl.u32 s8, $0x3  }
0xe: {  	s23 =	sadd.s32 $0xFA0, s8;
	s24 =	sadd.s32 $0x1F40, s8;
	[dreg:$0xb] =	wrdreg s1  }
0xf: {  	s25 =	sor.u32 $0x10, s8;
	s26 =	sadd.s32 $0xFB0, s8;
	[dreg:$0x9] =	wrdreg s23  }
0x10: {  	s8 =	simm.s32 $0x7940;
	s18 =	ssub.s32 s17, s5;
	[dreg:$0xa] =	wrdreg s24  }
0x11: {  	s21 =	sadd.s32 s11, s20;
	s2 =	sadd.s32 s10, s20;
	[dreg:$0xd] =	wrdreg s25  }
.Ltmp0:
0x12: {  	[dreg:$0xe] =	wrdreg s26;
	s25 =	simm.s32 $0x3E80;
	(pc) =	sbr.rel .LBB2_1-.Ltmp0, $4  }
0x13: {  	s26 =	simm.s32 $0x5140;
	s5 =	simm.s32 $0xA280;
	s20 =	simm.s32 $0x2  }
0x14: {  	s10 =	simm.s32 $0x5;
	s11 =	simm.s32 $0x6;
	[dreg:$0x7] =	wrdreg s21  }
0x15: {  	v0 =	vimm.f32 $0.0e+00;
	v1 =	vlaneseq.u32;
	[dreg:$0x8] =	wrdreg s2;
	s0 =	smax.u32 s18, $0x1;
	s18 =	simm.s32 $0xF280  }
0x16: {  	v2 =	vimm.s32 $0x0;
	v4 =	vimm.s32 $0xFFFFFFFF;
	v3 =	vor.u32 $0xFFFFFFF8, v1;
	s2 =	simm.s32 $0x0;
	[dreg:$0xc] =	wrdreg s0;
	s0 =	simm.s32 $0x7A80  }
.LBB2_21:
0x17: {  	s2 =	rddreg [dreg:$0xf]  }
0x18: {  	s1 =	rddreg [dreg:$0xc];
	s2 =	sadd.s32 $0x1, s2  }
0x19: {  	p0 =	sne.s32 s2, s1  }
.Ltmp1:
0x1a: {  	_ = 	snop;
	(pc) =	sbr.rel @!p0 .LBB2_22-.Ltmp1, $1  }
0x1b: {  	_ =	sdelay $0x3  }
.LBB2_1:
0x1c: {  	[tilespmem:$0xF280] =	vst v0  }
0x1d: {  	[tilespmem:$0xF290] =	vst v0  }
0x1e: {  	[tilespmem:$0xF2A0] =	vst v0  }
0x1f: {  	[tilespmem:$0xF2B0] =	vst v0  }
0x20: {  	[tilespmem:$0xF2C0] =	vst v0  }
0x21: {  	[tilespmem:$0xF2D0] =	vst v0  }
0x22: {  	[tilespmem:$0xF2E0] =	vst v0  }
0x23: {  	[tilespmem:$0xF2F0] =	vst v0  }
0x24: {  	[tilespmem:$0xF300] =	vst v0  }
0x25: {  	[tilespmem:$0xF310] =	vst v0  }
0x26: {  	[tilespmem:$0xF320] =	vst v0  }
0x27: {  	[tilespmem:$0xF330] =	vst v0  }
0x28: {  	[tilespmem:$0xF340] =	vst v0  }
0x29: {  	[tilespmem:$0xF350] =	vst v0  }
0x2a: {  	[tilespmem:$0xF360] =	vst v0  }
0x2b: {  	[tilespmem:$0xF370] =	vst v0  }
0x2c: {  	[tilespmem:$0xF380] =	vst v0  }
0x2d: {  	[tilespmem:$0xF390] =	vst v0  }
0x2e: {  	[tilespmem:$0xF3A0] =	vst v0  }
0x2f: {  	[tilespmem:$0xF3B0] =	vst v0  }
0x30: {  	[tilespmem:$0xF3C0] =	vst v0  }
0x31: {  	[tilespmem:$0xF3D0] =	vst v0  }
0x32: {  	[tilespmem:$0xF3E0] =	vst v0  }
0x33: {  	[tilespmem:$0xF3F0] =	vst v0  }
0x34: {  	[tilespmem:$0xF400] =	vst v0  }
0x35: {  	[tilespmem:$0xF410] =	vst v0  }
0x36: {  	[tilespmem:$0xF420] =	vst v0  }
0x37: {  	[tilespmem:$0xF430] =	vst v0  }
0x38: {  	[tilespmem:$0xF440] =	vst v0  }
0x39: {  	[tilespmem:$0xF450] =	vst v0  }
0x3a: {  	[tilespmem:$0xF460] =	vst v0  }
0x3b: {  	[tilespmem:$0xF470] =	vst v0  }
0x3c: {  	[tilespmem:$0xF480] =	vst v0  }
0x3d: {  	[tilespmem:$0xF490] =	vst v0  }
0x3e: {  	[tilespmem:$0xF4A0] =	vst v0  }
0x3f: {  	[tilespmem:$0xF4B0] =	vst v0  }
0x40: {  	[tilespmem:$0xF4C0] =	vst v0  }
0x41: {  	[tilespmem:$0xF4D0] =	vst v0  }
0x42: {  	[tilespmem:$0xF4E0] =	vst v0  }
0x43: {  	[tilespmem:$0xF4F0] =	vst v0  }
0x44: {  	[tilespmem:$0xF500] =	vst v0  }
0x45: {  	[tilespmem:$0xF510] =	vst v0  }
0x46: {  	[tilespmem:$0xF520] =	vst v0  }
0x47: {  	[tilespmem:$0xF530] =	vst v0  }
0x48: {  	[tilespmem:$0xF540] =	vst v0  }
0x49: {  	[tilespmem:$0xF550] =	vst v0  }
0x4a: {  	[tilespmem:$0xF560] =	vst v0  }
0x4b: {  	[tilespmem:$0xF570] =	vst v0  }
0x4c: {  	[tilespmem:$0xF580] =	vst v0  }
0x4d: {  	[tilespmem:$0xF590] =	vst v0  }
0x4e: {  	[tilespmem:$0xF5A0] =	vst v0  }
0x4f: {  	[tilespmem:$0xF5B0] =	vst v0  }
0x50: {  	[tilespmem:$0xF5C0] =	vst v0  }
0x51: {  	[tilespmem:$0xF5D0] =	vst v0  }
0x52: {  	[tilespmem:$0xF5E0] =	vst v0  }
0x53: {  	[tilespmem:$0xF5F0] =	vst v0  }
0x54: {  	[tilespmem:$0xF600] =	vst v0  }
0x55: {  	[tilespmem:$0xF610] =	vst v0  }
0x56: {  	[tilespmem:$0xF620] =	vst v0  }
.Ltmp2:
0x57: {  	[tilespmem:$0xF630] =	vst v0;
	(pc) =	sbr.rel .LBB2_2-.Ltmp2, $4  }
0x58: {  	[tilespmem:$0xF640] =	vst v0  }
0x59: {  	[tilespmem:$0xF650] =	vst v0  }
0x5a: {  	[tilespmem:$0xF660] =	vst v0  }
0x5b: {  	[dreg:$0xf] =	wrdreg s2;
	[tilespmem:$0xF670] =	vst v0;
	s4 =	simm.s32 $0x0  }
.LBB2_20:
0x5c: {  	[bflag:$0x0] =	sbarrier.arrive $0xFFFF  }
0x5d: {  	s2 =	stileid.u32;
	s1 =	rddreg [dreg:$0x11]  }
0x5e: {  	s2 =	sshll.u32 s2, $0x6;
	s4 =	rddreg [dreg:$0xb];
	s1 =	sshll.u32 s1, $0x3  }
0x5f: {  	s23 =	sshrl.u32 s9, $0x3;
	s2 =	sor.u32 $0x1C07, s2;
	s1 =	sadd.s32 s1, s4  }
0x60: {  	[hbm:s1], [sflag:s2] =	dma.local [spmem:s23], $0x2000  }
0x61: {  	_ =	swait.ge [sflag:s19], $0x2000  }
0x62: {  	s24 =	rddreg [dreg:$0x10]  }
0x63: {  	s4 =	sadd.s32 $0x1, s24  }
0x64: {  	p0 =	sne.s32 s4, $0xA  }
.Ltmp3:
0x65: {  	_ = 	snop;
	(pc) =	sbr.rel @!p0 .LBB2_21-.Ltmp3, $3  }
0x66: {  	[sflag:s19] =	ssyncset.done $0x0  }
0x67: {  	[sflag:s19] =	ssyncadd.s32 $0xFFFFE000  }
0x68: {  	[bflag:$0x0] =	sbarrier.arrive $0xFFFF;
	_ =	sdelay $0x1  }
.LBB2_2:
0x69: {  	s1 =	sadd.s32 $0x0, s9  }
0x6a: {  	[spmem:s1] =	stream.linear.scatter [tilespmem:s18], [sflag:$0x7], $0x400, $0x38;
	[tilespmem:$0x1F680] =	vst v63  }
0x6b: {  	s1 =	simm.s32 $0x1000;
	_ =	swait.ge [sflag:s19], $0x400  }
.LBB2_3:
0x6c: {  	s2 =	sshra.s32 s1, $0x2;
	[sflag:s19] =	ssyncset.done $0x0;
	p0 =	sne.s32 s1, $0x3F000  }
.Ltmp4:
0x6d: {  	s2 =	sadd.s32 s2, s9;
	[sflag:s19] =	ssyncadd.s32 $0xFFFFFC00;
	(pc) =	sbr.rel @p0 .LBB2_3-.Ltmp4, $3  }
0x6e: {  	[spmem:s2] =	stream.linear.scatter [tilespmem:s18], [sflag:$0x7], $0x400, $0x38;
	[tilespmem:$0x1F680] =	vst v63  }
0x6f: {  	s1 =	sadd.s32 $0x1000, s1;
	_ =	sdelay $0x1  }
0x70: {  	_ =	swait.ge [sflag:s19], $0x400  }
0x71: {  	[sflag:s19] =	ssyncset.done $0x0  }
0x72: {  	[sflag:s19] =	ssyncadd.s32 $0xFFFFFC00  }
0x73: {  	[bflag:$0x0] =	sbarrier.arrive $0xFFFF  }
0x74: {  	s1 =	rddreg [dreg:$0x7]  }
0x75: {  	[dreg:$0x10] =	wrdreg s4  }
0x76: {  	s23 =	rddreg [dreg:$0x8]  }
0x77: {  	s2 =	simm.s32 $0x0;
	s24 =	rddreg [dreg:$0x6]  }
.Ltmp5:
0x78: {  	s21 =	sshll.u32 s4, $0xF;
	s17 =	rddreg [dreg:$0xe];
	(pc) =	sbr.rel .LBB2_5-.Ltmp5, $4  }
0x79: {  	[tilespmem:s2], [sflag:$0x3] =	stream.linear.gather [hbm4b:s1+s2], $0xFA0, $0x38;
	[tilespmem:$0x1F680] =	vst v63  }
0x7a: {  	s16 =	rddreg [dreg:$0xd];
	s1 =	sor.u32 s24, s21  }
0x7b: {  	s12 =	simm.s32 $0xFA0;
	s14 =	simm.s32 $0x0;
	[dreg:$0x11] =	wrdreg s1  }
0x7c: {  	v5 =	vmov s1;
	[tilespmem:s12], [sflag:$0x4] =	stream.linear.gather [hbm4b:s23+s2], $0xFA0, $0x38;
	[tilespmem:$0x1F680] =	vst v63  }
.LBB2_11:
0x7d: {  	s2 =	smul.u32 $0x140, s1;
	_ =	sdelay $0x1  }
0x7e: {  	v6 =	vld [tilespmem:s2+$0x3E80]  }
0x7f: {  	v7 =	vld [tilespmem:s2+$0x5140]  }
0x80: {  	v8 =	vld [tilespmem:s2+$0x6400];
	_ =	sdelay $0x2  }
0x81: {  	[tilespmem:$0x3E80] =	vst v6  }
0x82: {  	[tilespmem:$0x5140] =	vst v7  }
0x83: {  	[tilespmem:$0x6400] =	vst v8  }
0x84: {  	v6 =	vld [tilespmem:s2+$0x3E90]  }
0x85: {  	v7 =	vld [tilespmem:s2+$0x5150]  }
0x86: {  	v8 =	vld [tilespmem:s2+$0x6410];
	_ =	sdelay $0x2  }
0x87: {  	[tilespmem:$0x3E90] =	vst v6  }
0x88: {  	[tilespmem:$0x5150] =	vst v7  }
0x89: {  	[tilespmem:$0x6410] =	vst v8  }
0x8a: {  	v6 =	vld [tilespmem:s2+$0x3EA0]  }
0x8b: {  	v7 =	vld [tilespmem:s2+$0x5160]  }
0x8c: {  	v8 =	vld [tilespmem:s2+$0x6420];
	_ =	sdelay $0x2  }
0x8d: {  	[tilespmem:$0x3EA0] =	vst v6  }
0x8e: {  	[tilespmem:$0x5160] =	vst v7  }
0x8f: {  	[tilespmem:$0x6420] =	vst v8  }
0x90: {  	v6 =	vld [tilespmem:s2+$0x3EB0]  }
0x91: {  	v7 =	vld [tilespmem:s2+$0x5170]  }
0x92: {  	v8 =	vld [tilespmem:s2+$0x6430];
	_ =	sdelay $0x2  }
0x93: {  	[tilespmem:$0x3EB0] =	vst v6  }
0x94: {  	[tilespmem:$0x5170] =	vst v7  }
0x95: {  	[tilespmem:$0x6430] =	vst v8  }
0x96: {  	v6 =	vld [tilespmem:s2+$0x3EC0]  }
0x97: {  	v7 =	vld [tilespmem:s2+$0x5180]  }
0x98: {  	v8 =	vld [tilespmem:s2+$0x6440];
	_ =	sdelay $0x2  }
0x99: {  	[tilespmem:$0x3EC0] =	vst v6  }
0x9a: {  	[tilespmem:$0x5180] =	vst v7  }
0x9b: {  	[tilespmem:$0x6440] =	vst v8  }
0x9c: {  	v6 =	vld [tilespmem:s2+$0x3ED0]  }
0x9d: {  	v7 =	vld [tilespmem:s2+$0x5190]  }
0x9e: {  	v8 =	vld [tilespmem:s2+$0x6450];
	_ =	sdelay $0x2  }
0x9f: {  	[tilespmem:$0x3ED0] =	vst v6  }
0xa0: {  	[tilespmem:$0x5190] =	vst v7  }
0xa1: {  	[tilespmem:$0x6450] =	vst v8  }
0xa2: {  	v6 =	vld [tilespmem:s2+$0x3EE0]  }
0xa3: {  	v7 =	vld [tilespmem:s2+$0x51A0]  }
0xa4: {  	v8 =	vld [tilespmem:s2+$0x6460];
	_ =	sdelay $0x2  }
0xa5: {  	[tilespmem:$0x3EE0] =	vst v6  }
0xa6: {  	[tilespmem:$0x51A0] =	vst v7  }
0xa7: {  	[tilespmem:$0x6460] =	vst v8  }
0xa8: {  	v6 =	vld [tilespmem:s2+$0x3EF0]  }
0xa9: {  	v7 =	vld [tilespmem:s2+$0x51B0]  }
0xaa: {  	v8 =	vld [tilespmem:s2+$0x6470];
	_ =	sdelay $0x2  }
0xab: {  	[tilespmem:$0x3EF0] =	vst v6  }
0xac: {  	[tilespmem:$0x51B0] =	vst v7  }
0xad: {  	[tilespmem:$0x6470] =	vst v8  }
0xae: {  	v6 =	vld [tilespmem:s2+$0x3F00]  }
0xaf: {  	v7 =	vld [tilespmem:s2+$0x51C0]  }
0xb0: {  	v8 =	vld [tilespmem:s2+$0x6480];
	_ =	sdelay $0x2  }
0xb1: {  	[tilespmem:$0x3F00] =	vst v6  }
0xb2: {  	[tilespmem:$0x51C0] =	vst v7  }
0xb3: {  	[tilespmem:$0x6480] =	vst v8  }
0xb4: {  	v6 =	vld [tilespmem:s2+$0x3F10]  }
0xb5: {  	v7 =	vld [tilespmem:s2+$0x51D0]  }
0xb6: {  	v8 =	vld [tilespmem:s2+$0x6490];
	_ =	sdelay $0x2  }
0xb7: {  	[tilespmem:$0x3F10] =	vst v6  }
0xb8: {  	[tilespmem:$0x51D0] =	vst v7  }
0xb9: {  	[tilespmem:$0x6490] =	vst v8  }
0xba: {  	v6 =	vld [tilespmem:s2+$0x3F20]  }
0xbb: {  	v7 =	vld [tilespmem:s2+$0x51E0]  }
0xbc: {  	v8 =	vld [tilespmem:s2+$0x64A0];
	_ =	sdelay $0x2  }
0xbd: {  	[tilespmem:$0x3F20] =	vst v6  }
0xbe: {  	[tilespmem:$0x51E0] =	vst v7  }
0xbf: {  	[tilespmem:$0x64A0] =	vst v8  }
0xc0: {  	v6 =	vld [tilespmem:s2+$0x3F30]  }
0xc1: {  	v7 =	vld [tilespmem:s2+$0x51F0]  }
0xc2: {  	v8 =	vld [tilespmem:s2+$0x64B0];
	_ =	sdelay $0x2  }
0xc3: {  	[tilespmem:$0x3F30] =	vst v6  }
0xc4: {  	[tilespmem:$0x51F0] =	vst v7  }
0xc5: {  	[tilespmem:$0x64B0] =	vst v8  }
0xc6: {  	v6 =	vld [tilespmem:s2+$0x3F40]  }
0xc7: {  	v7 =	vld [tilespmem:s2+$0x5200]  }
0xc8: {  	v8 =	vld [tilespmem:s2+$0x64C0];
	_ =	sdelay $0x2  }
0xc9: {  	[tilespmem:$0x3F40] =	vst v6  }
0xca: {  	[tilespmem:$0x5200] =	vst v7  }
0xcb: {  	[tilespmem:$0x64C0] =	vst v8  }
0xcc: {  	v6 =	vld [tilespmem:s2+$0x3F50]  }
0xcd: {  	v7 =	vld [tilespmem:s2+$0x5210]  }
0xce: {  	v8 =	vld [tilespmem:s2+$0x64D0];
	_ =	sdelay $0x2  }
0xcf: {  	[tilespmem:$0x3F50] =	vst v6  }
0xd0: {  	[tilespmem:$0x5210] =	vst v7  }
0xd1: {  	[tilespmem:$0x64D0] =	vst v8  }
0xd2: {  	v6 =	vld [tilespmem:s2+$0x3F60]  }
0xd3: {  	v7 =	vld [tilespmem:s2+$0x5220]  }
0xd4: {  	v8 =	vld [tilespmem:s2+$0x64E0];
	_ =	sdelay $0x2  }
0xd5: {  	[tilespmem:$0x3F60] =	vst v6  }
0xd6: {  	[tilespmem:$0x5220] =	vst v7  }
0xd7: {  	[tilespmem:$0x64E0] =	vst v8  }
0xd8: {  	v6 =	vld [tilespmem:s2+$0x3F70]  }
0xd9: {  	v7 =	vld [tilespmem:s2+$0x5230]  }
0xda: {  	v8 =	vld [tilespmem:s2+$0x64F0];
	_ =	sdelay $0x2  }
0xdb: {  	[tilespmem:$0x3F70] =	vst v6  }
0xdc: {  	[tilespmem:$0x5230] =	vst v7  }
0xdd: {  	[tilespmem:$0x64F0] =	vst v8  }
0xde: {  	v6 =	vld [tilespmem:s2+$0x3F80]  }
0xdf: {  	v7 =	vld [tilespmem:s2+$0x5240]  }
0xe0: {  	v8 =	vld [tilespmem:s2+$0x6500];
	_ =	sdelay $0x2  }
0xe1: {  	[tilespmem:$0x3F80] =	vst v6  }
0xe2: {  	[tilespmem:$0x5240] =	vst v7  }
0xe3: {  	[tilespmem:$0x6500] =	vst v8  }
0xe4: {  	v6 =	vld [tilespmem:s2+$0x3F90]  }
0xe5: {  	v7 =	vld [tilespmem:s2+$0x5250]  }
0xe6: {  	v8 =	vld [tilespmem:s2+$0x6510];
	_ =	sdelay $0x2  }
0xe7: {  	[tilespmem:$0x3F90] =	vst v6  }
0xe8: {  	[tilespmem:$0x5250] =	vst v7  }
0xe9: {  	[tilespmem:$0x6510] =	vst v8  }
0xea: {  	v6 =	vld [tilespmem:s2+$0x3FA0]  }
0xeb: {  	v7 =	vld [tilespmem:s2+$0x5260]  }
0xec: {  	v8 =	vld [tilespmem:s2+$0x6520];
	_ =	sdelay $0x2  }
0xed: {  	[tilespmem:$0x3FA0] =	vst v6  }
0xee: {  	[tilespmem:$0x5260] =	vst v7  }
0xef: {  	[tilespmem:$0x6520] =	vst v8  }
0xf0: {  	v6 =	vld [tilespmem:s2+$0x3FB0]  }
0xf1: {  	s14 =	sadd.s32 $0x1, s14;
	v7 =	vld [tilespmem:s2+$0x5270]  }
0xf2: {  	p0 =	seq.s32 s14, $0xA;
	v8 =	vld [tilespmem:s2+$0x6530]  }
.Ltmp6:
0xf3: {  	_ = 	snop;
	(pc) =	sbr.rel @p0 .LBB2_12-.Ltmp6, $4  }
0xf4: {  	_ = 	snop  }
0xf5: {  	s21 =	smul.u32 $0xFFFFFEC0, s1;
	[tilespmem:$0x3FB0] =	vst v6  }
0xf6: {  	[tilespmem:$0x5270] =	vst v7  }
0xf7: {  	s16 =	sadd.s32 $0x1F40, s16;
	s17 =	sadd.s32 $0x1F40, s17;
	s2 =	sadd.s32 s24, s21;
	[tilespmem:$0x6530] =	vst v8  }
.LBB2_5:
0xf8: {  	s1 =	simm.s32 $0x3  }
0xf9: {  	_ =	swait.ge [sflag:s1], $0xFA0  }
0xfa: {  	[sflag:s1] =	ssyncset.done $0x0  }
0xfb: {  	[sflag:s1] =	ssyncadd.s32 $0xFFFFF060  }
0xfc: {  	s23 =	smul.u32 $0x1F40, s14;
	_ =	swait.ge [sflag:s22], $0xFA0  }
0xfd: {  	s13 =	rddreg [dreg:$0x9];
	[sflag:s22] =	ssyncset.done $0x0  }
0xfe: {  	s1 =	sadd.s32 s23, s13;
	[sflag:s22] =	ssyncadd.s32 $0xFFFFF060  }
0xff: {  	s12 =	simm.s32 $0x0;
	s1 =	sshrl.u32 s1, $0x3;
	s4 =	rddreg [dreg:$0x2]  }
0x100: {  	s13 =	simm.s32 $0x1F40;
	s21 =	rddreg [dreg:$0x1];
	s4 =	sadd.s32 s4, s1  }
0x101: {  	[tilespmem:s13], [sflag:$0x5] =	stream.linear.gather [hbm4b:s4+s12], $0xFA0, $0x38;
	[tilespmem:$0x1F680] =	vst v63  }
0x102: {  	s24 =	simm.s32 $0x2EE0;
	v6 =	vmov s2;
	s2 =	simm.s32 $0x10;
	s1 =	sadd.s32 s21, s1  }
0x103: {  	[tilespmem:s24], [sflag:$0x6] =	stream.linear.gather [hbm4b:s1+s12], $0xFA0, $0x38;
	[tilespmem:$0x1F680] =	vst v63  }
0x104: {  	s4 =	simm.s32 $0xFB0;
	s1 =	simm.s32 $0xFFFFFFFE;
	s12 =	smov.u32 s16  }
.LBB2_6:
0x105: {  	v7 =	vld [tilespmem:s2+$0xFFFFFFF0];
	_ =	sdelay $0x4  }
0x106: {  	v7 =	vsub.s32 v7, v5  }
0x107: {  	vm0 =	vlt.u32 v7, $0x4000  }
0x108: {  	v8 =	vsel vm0, $0x1, v2  }
0x109: {  	(xrf0) =	vadd.scan.msk.s32 $0xffff, v8;
	_ =	sdelay $0x5  }
0x10a: {  	v8, _, _ =	vpop (xrf0)  }
0x10b: {  	v8 =	vadd.s32 v8, v6  }
0x10c: {  	v8 =	vadd.s32 $0xFFFFFFFF, v8  }
0x10d: {  	v9 =	vld [tilespmem:s4+$0xFFFFFFF0];
	_ =	sdelay $0x1  }
0x10e: {  	s13 =	sadd.s32 $0xFFFFFFF0, s12  }
0x10f: {  	v10 =	vor.u32 s13, v1  }
0x110: {  	[tilespmem:v8+s25+$0x0] =	vst.idx.msk vm0, v10  }
0x111: {  	[tilespmem:v8+s26+$0x0] =	vst.idx.msk vm0, v9  }
0x112: {  	[tilespmem:v8+s28+$0x0] =	vst.idx.msk vm0, v7  }
0x113: {  	v7 =	vld [tilespmem:s2+$0x0];
	_ =	sdelay $0x4  }
0x114: {  	v7 =	vsub.s32 v7, v5  }
0x115: {  	vm1 =	vlt.u32 v7, $0x4000  }
0x116: {  	v8 =	vsel vm1, $0x1, v2  }
0x117: {  	(xrf0) =	vadd.scan.msk.s32 $0xffff, v8;
	_ =	sdelay $0x1  }
0x118: {  	v8 =	vmpcnt.ones.xlane vm0;
	_ =	sdelay $0x3  }
0x119: {  	v6 =	vadd.s32 v6, v8;
	v8, _, _ =	vpop (xrf0)  }
0x11a: {  	v8 =	vadd.s32 v8, v6  }
0x11b: {  	v8 =	vadd.s32 $0xFFFFFFFF, v8  }
0x11c: {  	s1 =	sadd.s32 $0x2, s1;
	v9 =	vld [tilespmem:s4+$0x0]  }
0x11d: {  	p0 =	slt.u32 s1, $0xF8  }
.Ltmp7:
0x11e: {  	_ = 	snop;
	(pc) =	sbr.rel @p0 .LBB2_6-.Ltmp7, $4  }
0x11f: {  	v62 =	vor.u32 s12, v1  }
0x120: {  	v63 =	vmpcnt.ones.xlane vm1;
	[tilespmem:v8+s25+$0x0] =	vst.idx.msk vm1, v62  }
0x121: {  	[tilespmem:v8+s26+$0x0] =	vst.idx.msk vm1, v9  }
0x122: {  	s12 =	sadd.s32 $0x20, s12;
	s2 =	sadd.s32 $0x20, s2;
	s4 =	sadd.s32 $0x20, s4;
	v6 =	vadd.s32 v6, v63;
	[tilespmem:v8+s28+$0x0] =	vst.idx.msk vm1, v7  }
0x123: {  	v6 =	vxor.u32 $0x80000000, v6  }
0x124: {  	(xrf0) =	vmax.scan.msk.u32 $0xffff, v6;
	_ =	sdelay $0x5  }
0x125: {  	v6, _, _ =	vpop (xrf0)  }
0x126: {  	(v2sf) =	vpush v6, $0xF;
	_ =	sdelay $0xe  }
0x127: {  	s1 =	spop (v2sf)  }
0x128: {  	s24 =	sxor.u32 $0x80000000, s1  }
0x129: {  	s2 =	smulhi.u32 $0x66666667, s24;
	s4 =	sshra.s32 s24, $0x1F  }
0x12a: {  	s4 =	smul.u32 $0x66666667, s4;
	_ =	sdelay $0x1  }
0x12b: {  	s2 =	sadd.s32 s4, s2  }
0x12c: {  	s4 =	sshrl.u32 s2, $0x1F;
	s2 =	sshra.s32 s2, $0x7  }
0x12d: {  	s2 =	sadd.s32 s4, s2  }
0x12e: {  	s4 =	smul.u32 $0xFFFFFEC0, s2  }
0x12f: {  	p1 =	sgt.s32 s1, $0xFFFFFFFF;
	p0 =	slt.s32 s24, $0x1;
	s21 =	ssub.s32 $0x0, s24  }
0x130: {  	p0 =	por p1, p0;
	p6 =	sne.s32 s4, s21  }
0x131: {  	p0 =	por !p0, !p6  }
0x132: {  	s1 =	simm.s32 $0x1;
	p0 =	por !p0, !p0  }
0x133: {  	s1 =	simm.s32 @!p0 $0x0  }
0x134: {  	s1 =	ssub.s32 s2, s1  }
0x135: {  	p0 =	sgt.s32 s1, $0x0  }
.Ltmp8:
0x136: {  	_ = 	snop;
	(pc) =	sbr.rel @!p0 .LBB2_8-.Ltmp8, $2  }
0x137: {  	_ =	sdelay $0x2  }
0x138: {  	s2 =	simm.s32 $0x0  }
.LBB2_23:
0x139: {  	s4 =	smul.u32 $0x140, s2;
	_ =	sdelay $0x1  }
0x13a: {  	v6 =	vld [tilespmem:s4+$0x3E80];
	_ =	sdelay $0x4  }
0x13b: {  	[tilespmem:$0x76C0] =	vst v6  }
0x13c: {  	v6 =	vld [tilespmem:s4+$0x5140];
	_ =	sdelay $0x4  }
0x13d: {  	[tilespmem:$0x7800] =	vst v6  }
0x13e: {  	v6 =	vld [tilespmem:s4+$0x6400];
	_ =	sdelay $0x4  }
0x13f: {  	[tilespmem:$0x7940] =	vst v6  }
0x140: {  	v6 =	vld [tilespmem:s4+$0x3E90];
	_ =	sdelay $0x4  }
0x141: {  	[tilespmem:$0x76D0] =	vst v6  }
0x142: {  	v6 =	vld [tilespmem:s4+$0x5150];
	_ =	sdelay $0x4  }
0x143: {  	[tilespmem:$0x7810] =	vst v6  }
0x144: {  	v6 =	vld [tilespmem:s4+$0x6410];
	_ =	sdelay $0x4  }
0x145: {  	[tilespmem:$0x7950] =	vst v6  }
0x146: {  	v6 =	vld [tilespmem:s4+$0x3EA0];
	_ =	sdelay $0x4  }
0x147: {  	[tilespmem:$0x76E0] =	vst v6  }
0x148: {  	v6 =	vld [tilespmem:s4+$0x5160];
	_ =	sdelay $0x4  }
0x149: {  	[tilespmem:$0x7820] =	vst v6  }
0x14a: {  	v6 =	vld [tilespmem:s4+$0x6420];
	_ =	sdelay $0x4  }
0x14b: {  	[tilespmem:$0x7960] =	vst v6  }
0x14c: {  	v6 =	vld [tilespmem:s4+$0x3EB0];
	_ =	sdelay $0x4  }
0x14d: {  	[tilespmem:$0x76F0] =	vst v6  }
0x14e: {  	v6 =	vld [tilespmem:s4+$0x5170];
	_ =	sdelay $0x4  }
0x14f: {  	[tilespmem:$0x7830] =	vst v6  }
0x150: {  	v6 =	vld [tilespmem:s4+$0x6430];
	_ =	sdelay $0x4  }
0x151: {  	[tilespmem:$0x7970] =	vst v6  }
0x152: {  	v6 =	vld [tilespmem:s4+$0x3EC0];
	_ =	sdelay $0x4  }
0x153: {  	[tilespmem:$0x7700] =	vst v6  }
0x154: {  	v6 =	vld [tilespmem:s4+$0x5180];
	_ =	sdelay $0x4  }
0x155: {  	[tilespmem:$0x7840] =	vst v6  }
0x156: {  	v6 =	vld [tilespmem:s4+$0x6440];
	_ =	sdelay $0x4  }
0x157: {  	[tilespmem:$0x7980] =	vst v6  }
0x158: {  	v6 =	vld [tilespmem:s4+$0x3ED0];
	_ =	sdelay $0x4  }
0x159: {  	[tilespmem:$0x7710] =	vst v6  }
0x15a: {  	v6 =	vld [tilespmem:s4+$0x5190];
	_ =	sdelay $0x4  }
0x15b: {  	[tilespmem:$0x7850] =	vst v6  }
0x15c: {  	v6 =	vld [tilespmem:s4+$0x6450];
	_ =	sdelay $0x4  }
0x15d: {  	[tilespmem:$0x7990] =	vst v6  }
0x15e: {  	v6 =	vld [tilespmem:s4+$0x3EE0];
	_ =	sdelay $0x4  }
0x15f: {  	[tilespmem:$0x7720] =	vst v6  }
0x160: {  	v6 =	vld [tilespmem:s4+$0x51A0];
	_ =	sdelay $0x4  }
0x161: {  	[tilespmem:$0x7860] =	vst v6  }
0x162: {  	v6 =	vld [tilespmem:s4+$0x6460];
	_ =	sdelay $0x4  }
0x163: {  	[tilespmem:$0x79A0] =	vst v6  }
0x164: {  	v6 =	vld [tilespmem:s4+$0x3EF0];
	_ =	sdelay $0x4  }
0x165: {  	[tilespmem:$0x7730] =	vst v6  }
0x166: {  	v6 =	vld [tilespmem:s4+$0x51B0];
	_ =	sdelay $0x4  }
0x167: {  	[tilespmem:$0x7870] =	vst v6  }
0x168: {  	v6 =	vld [tilespmem:s4+$0x6470];
	_ =	sdelay $0x4  }
0x169: {  	[tilespmem:$0x79B0] =	vst v6  }
0x16a: {  	v6 =	vld [tilespmem:s4+$0x3F00];
	_ =	sdelay $0x4  }
0x16b: {  	[tilespmem:$0x7740] =	vst v6  }
0x16c: {  	v6 =	vld [tilespmem:s4+$0x51C0];
	_ =	sdelay $0x4  }
0x16d: {  	[tilespmem:$0x7880] =	vst v6  }
0x16e: {  	v6 =	vld [tilespmem:s4+$0x6480];
	_ =	sdelay $0x4  }
0x16f: {  	[tilespmem:$0x79C0] =	vst v6  }
0x170: {  	v6 =	vld [tilespmem:s4+$0x3F10];
	_ =	sdelay $0x4  }
0x171: {  	[tilespmem:$0x7750] =	vst v6  }
0x172: {  	v6 =	vld [tilespmem:s4+$0x51D0];
	_ =	sdelay $0x4  }
0x173: {  	[tilespmem:$0x7890] =	vst v6  }
0x174: {  	v6 =	vld [tilespmem:s4+$0x6490];
	_ =	sdelay $0x4  }
0x175: {  	[tilespmem:$0x79D0] =	vst v6  }
0x176: {  	v6 =	vld [tilespmem:s4+$0x3F20];
	_ =	sdelay $0x4  }
0x177: {  	[tilespmem:$0x7760] =	vst v6  }
0x178: {  	v6 =	vld [tilespmem:s4+$0x51E0];
	_ =	sdelay $0x4  }
0x179: {  	[tilespmem:$0x78A0] =	vst v6  }
0x17a: {  	v6 =	vld [tilespmem:s4+$0x64A0];
	_ =	sdelay $0x4  }
0x17b: {  	[tilespmem:$0x79E0] =	vst v6  }
0x17c: {  	v6 =	vld [tilespmem:s4+$0x3F30];
	_ =	sdelay $0x4  }
0x17d: {  	[tilespmem:$0x7770] =	vst v6  }
0x17e: {  	v6 =	vld [tilespmem:s4+$0x51F0];
	_ =	sdelay $0x4  }
0x17f: {  	[tilespmem:$0x78B0] =	vst v6  }
0x180: {  	v6 =	vld [tilespmem:s4+$0x64B0];
	_ =	sdelay $0x4  }
0x181: {  	[tilespmem:$0x79F0] =	vst v6  }
0x182: {  	v6 =	vld [tilespmem:s4+$0x3F40];
	_ =	sdelay $0x4  }
0x183: {  	[tilespmem:$0x7780] =	vst v6  }
0x184: {  	v6 =	vld [tilespmem:s4+$0x5200];
	_ =	sdelay $0x4  }
0x185: {  	[tilespmem:$0x78C0] =	vst v6  }
0x186: {  	v6 =	vld [tilespmem:s4+$0x64C0];
	_ =	sdelay $0x4  }
0x187: {  	[tilespmem:$0x7A00] =	vst v6  }
0x188: {  	v6 =	vld [tilespmem:s4+$0x3F50];
	_ =	sdelay $0x4  }
0x189: {  	[tilespmem:$0x7790] =	vst v6  }
0x18a: {  	v6 =	vld [tilespmem:s4+$0x5210];
	_ =	sdelay $0x4  }
0x18b: {  	[tilespmem:$0x78D0] =	vst v6  }
0x18c: {  	v6 =	vld [tilespmem:s4+$0x64D0];
	_ =	sdelay $0x4  }
0x18d: {  	[tilespmem:$0x7A10] =	vst v6  }
0x18e: {  	v6 =	vld [tilespmem:s4+$0x3F60];
	_ =	sdelay $0x4  }
0x18f: {  	[tilespmem:$0x77A0] =	vst v6  }
0x190: {  	v6 =	vld [tilespmem:s4+$0x5220];
	_ =	sdelay $0x4  }
0x191: {  	[tilespmem:$0x78E0] =	vst v6  }
0x192: {  	v6 =	vld [tilespmem:s4+$0x64E0];
	_ =	sdelay $0x4  }
0x193: {  	[tilespmem:$0x7A20] =	vst v6  }
0x194: {  	v6 =	vld [tilespmem:s4+$0x3F70];
	_ =	sdelay $0x4  }
0x195: {  	[tilespmem:$0x77B0] =	vst v6  }
0x196: {  	v6 =	vld [tilespmem:s4+$0x5230];
	_ =	sdelay $0x4  }
0x197: {  	[tilespmem:$0x78F0] =	vst v6  }
0x198: {  	v6 =	vld [tilespmem:s4+$0x64F0];
	_ =	sdelay $0x4  }
0x199: {  	[tilespmem:$0x7A30] =	vst v6  }
0x19a: {  	v6 =	vld [tilespmem:s4+$0x3F80];
	_ =	sdelay $0x4  }
0x19b: {  	[tilespmem:$0x77C0] =	vst v6  }
0x19c: {  	v6 =	vld [tilespmem:s4+$0x5240];
	_ =	sdelay $0x4  }
0x19d: {  	[tilespmem:$0x7900] =	vst v6  }
0x19e: {  	v6 =	vld [tilespmem:s4+$0x6500];
	_ =	sdelay $0x4  }
0x19f: {  	[tilespmem:$0x7A40] =	vst v6  }
0x1a0: {  	v6 =	vld [tilespmem:s4+$0x3F90];
	_ =	sdelay $0x4  }
0x1a1: {  	[tilespmem:$0x77D0] =	vst v6  }
0x1a2: {  	v6 =	vld [tilespmem:s4+$0x5250];
	_ =	sdelay $0x4  }
0x1a3: {  	[tilespmem:$0x7910] =	vst v6  }
0x1a4: {  	v6 =	vld [tilespmem:s4+$0x6510];
	_ =	sdelay $0x4  }
0x1a5: {  	[tilespmem:$0x7A50] =	vst v6  }
0x1a6: {  	v6 =	vld [tilespmem:s4+$0x3FA0];
	_ =	sdelay $0x4  }
0x1a7: {  	[tilespmem:$0x77E0] =	vst v6  }
0x1a8: {  	v6 =	vld [tilespmem:s4+$0x5260];
	_ =	sdelay $0x4  }
0x1a9: {  	[tilespmem:$0x7920] =	vst v6  }
0x1aa: {  	v6 =	vld [tilespmem:s4+$0x6520];
	_ =	sdelay $0x4  }
0x1ab: {  	[tilespmem:$0x7A60] =	vst v6  }
0x1ac: {  	v6 =	vld [tilespmem:s4+$0x3FB0];
	_ =	sdelay $0x4  }
0x1ad: {  	[tilespmem:$0x77F0] =	vst v6  }
0x1ae: {  	v6 =	vld [tilespmem:s4+$0x5270];
	_ =	sdelay $0x4  }
0x1af: {  	[tilespmem:$0x7930] =	vst v6  }
0x1b0: {  	v6 =	vld [tilespmem:s4+$0x6530];
	_ =	sdelay $0x4  }
0x1b1: {  	[tilespmem:$0x7A70] =	vst v6;
	(ifvalue) =	ssetifvalue $0xFFFFFFFF  }
0x1b2: {  	(ifvalue) =	ssetifvalue $0xFFFFFFFF  }
0x1b3: {  	[tilespmem:s0], [sflag:$0x1] =	stream.indirect.gather [hbm4b:s6+s30], $0x20, s31, s30, $0x40b8;
	[tilespmem:$0x1F680] =	vst v63  }
0x1b4: {  	(ifvalue) =	ssetifvalue $0xFFFFFFFF  }
0x1b5: {  	(ifvalue) =	ssetifvalue $0xFFFFFFFF  }
0x1b6: {  	[tilespmem:s5], [sflag:$0x2] =	stream.indirect.gather [hbm4b:s7+s30], $0x40, s15, s30, $0x40b8;
	[tilespmem:$0x1F680] =	vst v63  }
0x1b7: {  	_ =	swait.ge [sflag:s29], $0x2800  }
0x1b8: {  	[sflag:s29] =	ssyncset.done $0x0  }
0x1b9: {  	[sflag:s29] =	ssyncadd.s32 $0xFFFFD800  }
0x1ba: {  	_ =	swait.ge [sflag:s20], $0x5000  }
0x1bb: {  	[sflag:s20] =	ssyncset.done $0x0  }
0x1bc: {  	s4 =	simm.s32 $0x7AC0;
	[sflag:s20] =	ssyncadd.s32 $0xFFFFB000  }
0x1bd: {  	s12 =	simm.s32 $0xA300;
	v6 =	vld [tilespmem:s4+$0xFFFFFFC0]  }
0x1be: {  	v7 =	vld [tilespmem:s12+$0xFFFFFF80]  }
0x1bf: {  	v8 =	vld [tilespmem:s12+$0xFFFFFF90];
	_ =	sdelay $0x2  }
0x1c0: {  	v9 =	vshll.u32 v6, $0x10  }
0x1c1: {  	v6 =	vand.u32 $0xFFFF0000, v6;
	v7 =	vmul.f32 v9, v7  }
0x1c2: {  	v6 =	vmul.f32 v6, v8  }
0x1c3: {  	[tilespmem:s12+$0xFFFFFF80] =	vst v7  }
0x1c4: {  	[tilespmem:s12+$0xFFFFFF90] =	vst v6  }
0x1c5: {  	v6 =	vld [tilespmem:s4+$0xFFFFFFD0]  }
0x1c6: {  	v7 =	vld [tilespmem:s12+$0xFFFFFFA0]  }
0x1c7: {  	v8 =	vld [tilespmem:s12+$0xFFFFFFB0];
	_ =	sdelay $0x2  }
0x1c8: {  	v9 =	vshll.u32 v6, $0x10  }
0x1c9: {  	v6 =	vand.u32 $0xFFFF0000, v6;
	v7 =	vmul.f32 v9, v7  }
0x1ca: {  	v6 =	vmul.f32 v6, v8  }
0x1cb: {  	[tilespmem:s12+$0xFFFFFFA0] =	vst v7  }
0x1cc: {  	[tilespmem:s12+$0xFFFFFFB0] =	vst v6  }
0x1cd: {  	v6 =	vld [tilespmem:s4+$0xFFFFFFE0]  }
0x1ce: {  	v7 =	vld [tilespmem:s12+$0xFFFFFFC0]  }
0x1cf: {  	v8 =	vld [tilespmem:s12+$0xFFFFFFD0];
	_ =	sdelay $0x2  }
0x1d0: {  	v9 =	vshll.u32 v6, $0x10  }
0x1d1: {  	v6 =	vand.u32 $0xFFFF0000, v6;
	v7 =	vmul.f32 v9, v7  }
0x1d2: {  	v6 =	vmul.f32 v6, v8  }
0x1d3: {  	[tilespmem:s12+$0xFFFFFFC0] =	vst v7  }
0x1d4: {  	[tilespmem:s12+$0xFFFFFFD0] =	vst v6  }
0x1d5: {  	v6 =	vld [tilespmem:s4+$0xFFFFFFF0]  }
0x1d6: {  	v8 =	vld [tilespmem:s12+$0xFFFFFFE0]  }
0x1d7: {  	v7 =	vld [tilespmem:s12+$0xFFFFFFF0];
	_ =	sdelay $0x2  }
0x1d8: {  	v9 =	vshll.u32 v6, $0x10  }
0x1d9: {  	v6 =	vand.u32 $0xFFFF0000, v6;
	v8 =	vmul.f32 v9, v8  }
0x1da: {  	v6 =	vmul.f32 v6, v7  }
0x1db: {  	[tilespmem:s12+$0xFFFFFFE0] =	vst v8  }
0x1dc: {  	[tilespmem:s12+$0xFFFFFFF0] =	vst v6  }
0x1dd: {  	v6 =	vld [tilespmem:s4+$0x0]  }
0x1de: {  	v7 =	vld [tilespmem:s12+$0x0]  }
0x1df: {  	v8 =	vld [tilespmem:s12+$0x10];
	_ =	sdelay $0x2  }
0x1e0: {  	v9 =	vshll.u32 v6, $0x10  }
0x1e1: {  	v6 =	vand.u32 $0xFFFF0000, v6;
	v7 =	vmul.f32 v9, v7  }
0x1e2: {  	v6 =	vmul.f32 v6, v8  }
0x1e3: {  	[tilespmem:s12+$0x0] =	vst v7  }
0x1e4: {  	[tilespmem:s12+$0x10] =	vst v6  }
0x1e5: {  	v6 =	vld [tilespmem:s4+$0x10]  }
0x1e6: {  	v7 =	vld [tilespmem:s12+$0x20]  }
0x1e7: {  	v8 =	vld [tilespmem:s12+$0x30];
	_ =	sdelay $0x2  }
0x1e8: {  	v9 =	vshll.u32 v6, $0x10  }
0x1e9: {  	v6 =	vand.u32 $0xFFFF0000, v6;
	v7 =	vmul.f32 v9, v7  }
0x1ea: {  	v8 =	vmul.f32 v6, v8  }
0x1eb: {  	[tilespmem:s12+$0x20] =	vst v7  }
0x1ec: {  	[tilespmem:s12+$0x30] =	vst v8  }
0x1ed: {  	v7 =	vld [tilespmem:s4+$0x20]  }
0x1ee: {  	v8 =	vld [tilespmem:s12+$0x40]  }
0x1ef: {  	v9 =	vld [tilespmem:s12+$0x50];
	_ =	sdelay $0x2  }
0x1f0: {  	v10 =	vshll.u32 v7, $0x10  }
0x1f1: {  	v11 =	vand.u32 $0xFFFF0000, v7;
	v8 =	vmul.f32 v10, v8  }
0x1f2: {  	v9 =	vmul.f32 v11, v9  }
0x1f3: {  	v6 =	vld [tilespmem:s12+$0x60];
	[tilespmem:s12+$0x40] =	vst v8  }
0x1f4: {  	v7 =	vld [tilespmem:s12+$0x70];
	[tilespmem:s12+$0x50] =	vst v9  }
0x1f5: {  	s21 =	simm.s32 $0x0;
	s13 =	simm.s32 $0xA300;
	v8 =	vld [tilespmem:s4+$0x30]  }
.LBB2_24:
0x1f6: {  	s21 =	sadd.s32 $0x4, s21;
	s12 =	sadd.s32 $0x100, s12;
	s4 =	sadd.s32 $0x80, s4  }
0x1f7: {  	p0 =	slt.u32 s21, $0x13C;
	_ =	sdelay $0x2  }
0x1f8: {  	v9 =	vshll.u32 v8, $0x10;
	v8 =	vand.u32 $0xFFFF0000, v8  }
0x1f9: {  	v6 =	vmul.f32 v9, v6;
	v7 =	vmul.f32 v8, v7;
	_ =	sdelay $0x1  }
0x1fa: {  	[tilespmem:s13+$0x60] =	vst v6  }
0x1fb: {  	v8 =	vld [tilespmem:s12+$0xFFFFFF90];
	[tilespmem:s13+$0x70] =	vst v7;
	s13 =	smov.u32 s12  }
0x1fc: {  	v9 =	vld [tilespmem:s4+$0xFFFFFFC0]  }
0x1fd: {  	v10 =	vld [tilespmem:s12+$0xFFFFFF80]  }
0x1fe: {  	v7 =	vld [tilespmem:s12+$0x70]  }
0x1ff: {  	v6 =	vld [tilespmem:s12+$0x60];
	_ =	sdelay $0x1  }
0x200: {  	v11 =	vshll.u32 v9, $0x10;
	v9 =	vand.u32 $0xFFFF0000, v9  }
0x201: {  	v10 =	vmul.f32 v11, v10;
	v8 =	vmul.f32 v9, v8;
	_ =	sdelay $0x1  }
0x202: {  	[tilespmem:s12+$0xFFFFFF80] =	vst v10  }
0x203: {  	[tilespmem:s12+$0xFFFFFF90] =	vst v8;
	v8 =	vld [tilespmem:s12+$0xFFFFFFB0]  }
0x204: {  	v9 =	vld [tilespmem:s4+$0xFFFFFFD0]  }
0x205: {  	v10 =	vld [tilespmem:s12+$0xFFFFFFA0];
	_ =	sdelay $0x3  }
0x206: {  	v11 =	vshll.u32 v9, $0x10;
	v9 =	vand.u32 $0xFFFF0000, v9  }
0x207: {  	v10 =	vmul.f32 v11, v10;
	v8 =	vmul.f32 v9, v8;
	_ =	sdelay $0x1  }
0x208: {  	[tilespmem:s12+$0xFFFFFFA0] =	vst v10  }
0x209: {  	[tilespmem:s12+$0xFFFFFFB0] =	vst v8;
	v8 =	vld [tilespmem:s12+$0xFFFFFFD0]  }
0x20a: {  	v9 =	vld [tilespmem:s4+$0xFFFFFFE0]  }
0x20b: {  	v10 =	vld [tilespmem:s12+$0xFFFFFFC0];
	_ =	sdelay $0x3  }
0x20c: {  	v11 =	vshll.u32 v9, $0x10;
	v9 =	vand.u32 $0xFFFF0000, v9  }
0x20d: {  	v10 =	vmul.f32 v11, v10;
	v8 =	vmul.f32 v9, v8;
	_ =	sdelay $0x1  }
0x20e: {  	[tilespmem:s12+$0xFFFFFFC0] =	vst v10;
	v9 =	vld [tilespmem:s12+$0xFFFFFFF0]  }
0x20f: {  	[tilespmem:s12+$0xFFFFFFD0] =	vst v8  }
0x210: {  	v8 =	vld [tilespmem:s4+$0xFFFFFFF0]  }
0x211: {  	v10 =	vld [tilespmem:s12+$0xFFFFFFE0];
	_ =	sdelay $0x3  }
0x212: {  	v11 =	vshll.u32 v8, $0x10;
	v8 =	vand.u32 $0xFFFF0000, v8  }
0x213: {  	v10 =	vmul.f32 v11, v10;
	v8 =	vmul.f32 v8, v9;
	_ =	sdelay $0x1  }
0x214: {  	[tilespmem:s12+$0xFFFFFFE0] =	vst v10  }
0x215: {  	[tilespmem:s12+$0xFFFFFFF0] =	vst v8;
	v8 =	vld [tilespmem:s12+$0x10]  }
0x216: {  	v9 =	vld [tilespmem:s4+$0x0]  }
0x217: {  	v10 =	vld [tilespmem:s12+$0x0];
	_ =	sdelay $0x3  }
0x218: {  	v11 =	vshll.u32 v9, $0x10;
	v9 =	vand.u32 $0xFFFF0000, v9  }
0x219: {  	v10 =	vmul.f32 v11, v10;
	v8 =	vmul.f32 v9, v8;
	_ =	sdelay $0x1  }
0x21a: {  	[tilespmem:s12+$0x0] =	vst v10  }
0x21b: {  	[tilespmem:s12+$0x10] =	vst v8;
	v8 =	vld [tilespmem:s12+$0x30]  }
0x21c: {  	v9 =	vld [tilespmem:s4+$0x10]  }
0x21d: {  	v10 =	vld [tilespmem:s12+$0x20];
	_ =	sdelay $0x3  }
0x21e: {  	v11 =	vshll.u32 v9, $0x10;
	v9 =	vand.u32 $0xFFFF0000, v9  }
0x21f: {  	v10 =	vmul.f32 v11, v10;
	v8 =	vmul.f32 v9, v8;
	_ =	sdelay $0x1  }
0x220: {  	[tilespmem:s12+$0x20] =	vst v10  }
0x221: {  	[tilespmem:s12+$0x30] =	vst v8;
	v8 =	vld [tilespmem:s12+$0x50]  }
0x222: {  	v9 =	vld [tilespmem:s4+$0x20]  }
0x223: {  	v10 =	vld [tilespmem:s12+$0x40];
	_ =	sdelay $0x3  }
0x224: {  	v11 =	vshll.u32 v9, $0x10;
	v9 =	vand.u32 $0xFFFF0000, v9  }
.Ltmp9:
0x225: {  	v10 =	vmul.f32 v11, v10;
	v8 =	vmul.f32 v9, v8;
	(pc) =	sbr.rel @p0 .LBB2_24-.Ltmp9, $4  }
0x226: {  	_ = 	snop  }
0x227: {  	[tilespmem:s12+$0x40] =	vst v10  }
0x228: {  	[tilespmem:s12+$0x50] =	vst v8  }
0x229: {  	v8 =	vld [tilespmem:s4+$0x30]  }
0x22a: {  	_ =	sdelay $0x3  }
0x22b: {  	v9 =	vshll.u32 v8, $0x10  }
0x22c: {  	v63 =	vand.u32 $0xFFFF0000, v8;
	v6 =	vmul.f32 v9, v6  }
0x22d: {  	s2 =	sadd.s32 $0x1, s2;
	v7 =	vmul.f32 v63, v7  }
0x22e: {  	p0 =	seq.s32 s2, s1;
	[tilespmem:s13+$0x60] =	vst v6  }
.Ltmp10:
0x22f: {  	[tilespmem:s13+$0x70] =	vst v7;
	(ifvalue) =	ssetifvalue $0xFFFFFFFF;
	(pc) =	sbr.rel @!p0 .LBB2_23-.Ltmp10, $4  }
0x230: {  	[spmem:s3] =	stream.indirect.scatter.add.f32 [tilespmem:s5], [sflag:$0x7], $0x40, s8, s30, $0x40b8;
	[tilespmem:$0x1F680] =	vst v63  }
0x231: {  	_ =	swait.ge [sflag:s19], $0x5000  }
0x232: {  	[sflag:s19] =	ssyncset.done $0x0  }
0x233: {  	[sflag:s19] =	ssyncadd.s32 $0xFFFFB000  }
.LBB2_8:
0x234: {  	s2 =	smul.u32 $0x140, s1;
	_ =	sdelay $0x1  }
0x235: {  	v6 =	vld [tilespmem:s2+$0x3E80]  }
0x236: {  	v7 =	vld [tilespmem:s2+$0x5140]  }
0x237: {  	v8 =	vld [tilespmem:s2+$0x6400];
	_ =	sdelay $0x2  }
0x238: {  	[tilespmem:$0x3E80] =	vst v6  }
0x239: {  	[tilespmem:$0x5140] =	vst v7  }
0x23a: {  	[tilespmem:$0x6400] =	vst v8  }
0x23b: {  	v6 =	vld [tilespmem:s2+$0x3E90]  }
0x23c: {  	v7 =	vld [tilespmem:s2+$0x5150]  }
0x23d: {  	v8 =	vld [tilespmem:s2+$0x6410];
	_ =	sdelay $0x2  }
0x23e: {  	[tilespmem:$0x3E90] =	vst v6  }
0x23f: {  	[tilespmem:$0x5150] =	vst v7  }
0x240: {  	[tilespmem:$0x6410] =	vst v8  }
0x241: {  	v6 =	vld [tilespmem:s2+$0x3EA0]  }
0x242: {  	v7 =	vld [tilespmem:s2+$0x5160]  }
0x243: {  	v8 =	vld [tilespmem:s2+$0x6420];
	_ =	sdelay $0x2  }
0x244: {  	[tilespmem:$0x3EA0] =	vst v6  }
0x245: {  	[tilespmem:$0x5160] =	vst v7  }
0x246: {  	[tilespmem:$0x6420] =	vst v8  }
0x247: {  	v6 =	vld [tilespmem:s2+$0x3EB0]  }
0x248: {  	v7 =	vld [tilespmem:s2+$0x5170]  }
0x249: {  	v8 =	vld [tilespmem:s2+$0x6430];
	_ =	sdelay $0x2  }
0x24a: {  	[tilespmem:$0x3EB0] =	vst v6  }
0x24b: {  	[tilespmem:$0x5170] =	vst v7  }
0x24c: {  	[tilespmem:$0x6430] =	vst v8  }
0x24d: {  	v6 =	vld [tilespmem:s2+$0x3EC0]  }
0x24e: {  	v7 =	vld [tilespmem:s2+$0x5180]  }
0x24f: {  	v8 =	vld [tilespmem:s2+$0x6440];
	_ =	sdelay $0x2  }
0x250: {  	[tilespmem:$0x3EC0] =	vst v6  }
0x251: {  	[tilespmem:$0x5180] =	vst v7  }
0x252: {  	[tilespmem:$0x6440] =	vst v8  }
0x253: {  	v6 =	vld [tilespmem:s2+$0x3ED0]  }
0x254: {  	v7 =	vld [tilespmem:s2+$0x5190]  }
0x255: {  	v8 =	vld [tilespmem:s2+$0x6450];
	_ =	sdelay $0x2  }
0x256: {  	[tilespmem:$0x3ED0] =	vst v6  }
0x257: {  	[tilespmem:$0x5190] =	vst v7  }
0x258: {  	[tilespmem:$0x6450] =	vst v8  }
0x259: {  	v6 =	vld [tilespmem:s2+$0x3EE0]  }
0x25a: {  	v7 =	vld [tilespmem:s2+$0x51A0]  }
0x25b: {  	v8 =	vld [tilespmem:s2+$0x6460];
	_ =	sdelay $0x2  }
0x25c: {  	[tilespmem:$0x3EE0] =	vst v6  }
0x25d: {  	[tilespmem:$0x51A0] =	vst v7  }
0x25e: {  	[tilespmem:$0x6460] =	vst v8  }
0x25f: {  	v6 =	vld [tilespmem:s2+$0x3EF0]  }
0x260: {  	v7 =	vld [tilespmem:s2+$0x51B0]  }
0x261: {  	v8 =	vld [tilespmem:s2+$0x6470];
	_ =	sdelay $0x2  }
0x262: {  	[tilespmem:$0x3EF0] =	vst v6  }
0x263: {  	[tilespmem:$0x51B0] =	vst v7  }
0x264: {  	[tilespmem:$0x6470] =	vst v8  }
0x265: {  	v6 =	vld [tilespmem:s2+$0x3F00]  }
0x266: {  	v7 =	vld [tilespmem:s2+$0x51C0]  }
0x267: {  	v8 =	vld [tilespmem:s2+$0x6480];
	_ =	sdelay $0x2  }
0x268: {  	[tilespmem:$0x3F00] =	vst v6  }
0x269: {  	[tilespmem:$0x51C0] =	vst v7  }
0x26a: {  	[tilespmem:$0x6480] =	vst v8  }
0x26b: {  	v6 =	vld [tilespmem:s2+$0x3F10]  }
0x26c: {  	v7 =	vld [tilespmem:s2+$0x51D0]  }
0x26d: {  	v8 =	vld [tilespmem:s2+$0x6490];
	_ =	sdelay $0x2  }
0x26e: {  	[tilespmem:$0x3F10] =	vst v6  }
0x26f: {  	[tilespmem:$0x51D0] =	vst v7  }
0x270: {  	[tilespmem:$0x6490] =	vst v8  }
0x271: {  	v6 =	vld [tilespmem:s2+$0x3F20]  }
0x272: {  	v7 =	vld [tilespmem:s2+$0x51E0]  }
0x273: {  	v8 =	vld [tilespmem:s2+$0x64A0];
	_ =	sdelay $0x2  }
0x274: {  	[tilespmem:$0x3F20] =	vst v6  }
0x275: {  	[tilespmem:$0x51E0] =	vst v7  }
0x276: {  	[tilespmem:$0x64A0] =	vst v8  }
0x277: {  	v6 =	vld [tilespmem:s2+$0x3F30]  }
0x278: {  	v7 =	vld [tilespmem:s2+$0x51F0]  }
0x279: {  	v8 =	vld [tilespmem:s2+$0x64B0];
	_ =	sdelay $0x2  }
0x27a: {  	[tilespmem:$0x3F30] =	vst v6  }
0x27b: {  	[tilespmem:$0x51F0] =	vst v7  }
0x27c: {  	[tilespmem:$0x64B0] =	vst v8  }
0x27d: {  	v6 =	vld [tilespmem:s2+$0x3F40]  }
0x27e: {  	v7 =	vld [tilespmem:s2+$0x5200]  }
0x27f: {  	v8 =	vld [tilespmem:s2+$0x64C0];
	_ =	sdelay $0x2  }
0x280: {  	[tilespmem:$0x3F40] =	vst v6  }
0x281: {  	[tilespmem:$0x5200] =	vst v7  }
0x282: {  	[tilespmem:$0x64C0] =	vst v8  }
0x283: {  	v6 =	vld [tilespmem:s2+$0x3F50]  }
0x284: {  	v7 =	vld [tilespmem:s2+$0x5210]  }
0x285: {  	v8 =	vld [tilespmem:s2+$0x64D0];
	_ =	sdelay $0x2  }
0x286: {  	[tilespmem:$0x3F50] =	vst v6  }
0x287: {  	[tilespmem:$0x5210] =	vst v7  }
0x288: {  	[tilespmem:$0x64D0] =	vst v8  }
0x289: {  	v6 =	vld [tilespmem:s2+$0x3F60]  }
0x28a: {  	v7 =	vld [tilespmem:s2+$0x5220]  }
0x28b: {  	v8 =	vld [tilespmem:s2+$0x64E0];
	_ =	sdelay $0x2  }
0x28c: {  	[tilespmem:$0x3F60] =	vst v6  }
0x28d: {  	[tilespmem:$0x5220] =	vst v7  }
0x28e: {  	[tilespmem:$0x64E0] =	vst v8  }
0x28f: {  	v6 =	vld [tilespmem:s2+$0x3F70]  }
0x290: {  	v7 =	vld [tilespmem:s2+$0x5230]  }
0x291: {  	v8 =	vld [tilespmem:s2+$0x64F0];
	_ =	sdelay $0x2  }
0x292: {  	[tilespmem:$0x3F70] =	vst v6  }
0x293: {  	[tilespmem:$0x5230] =	vst v7  }
0x294: {  	[tilespmem:$0x64F0] =	vst v8  }
0x295: {  	v6 =	vld [tilespmem:s2+$0x3F80]  }
0x296: {  	v7 =	vld [tilespmem:s2+$0x5240]  }
0x297: {  	v8 =	vld [tilespmem:s2+$0x6500];
	_ =	sdelay $0x2  }
0x298: {  	[tilespmem:$0x3F80] =	vst v6  }
0x299: {  	[tilespmem:$0x5240] =	vst v7  }
0x29a: {  	[tilespmem:$0x6500] =	vst v8  }
0x29b: {  	v6 =	vld [tilespmem:s2+$0x3F90]  }
0x29c: {  	v7 =	vld [tilespmem:s2+$0x5250]  }
0x29d: {  	v8 =	vld [tilespmem:s2+$0x6510];
	_ =	sdelay $0x2  }
0x29e: {  	[tilespmem:$0x3F90] =	vst v6  }
0x29f: {  	[tilespmem:$0x5250] =	vst v7  }
0x2a0: {  	[tilespmem:$0x6510] =	vst v8  }
0x2a1: {  	v6 =	vld [tilespmem:s2+$0x3FA0]  }
0x2a2: {  	v7 =	vld [tilespmem:s2+$0x5260]  }
0x2a3: {  	v8 =	vld [tilespmem:s2+$0x6520];
	_ =	sdelay $0x2  }
0x2a4: {  	[tilespmem:$0x3FA0] =	vst v6  }
0x2a5: {  	[tilespmem:$0x5260] =	vst v7  }
0x2a6: {  	[tilespmem:$0x6520] =	vst v8  }
0x2a7: {  	v6 =	vld [tilespmem:s2+$0x3FB0]  }
0x2a8: {  	v7 =	vld [tilespmem:s2+$0x5270]  }
0x2a9: {  	v8 =	vld [tilespmem:s2+$0x6530];
	_ =	sdelay $0x2  }
0x2aa: {  	[tilespmem:$0x3FB0] =	vst v6  }
0x2ab: {  	[tilespmem:$0x5270] =	vst v7  }
0x2ac: {  	[tilespmem:$0x6530] =	vst v8  }
0x2ad: {  	_ =	swait.ge [sflag:s10], $0xFA0  }
0x2ae: {  	[sflag:s10] =	ssyncset.done $0x0  }
0x2af: {  	[sflag:s10] =	ssyncadd.s32 $0xFFFFF060  }
0x2b0: {  	_ =	swait.ge [sflag:s11], $0xFA0  }
0x2b1: {  	p0 =	seq.s32 s14, $0x9;
	s2 =	rddreg [dreg:$0xa];
	[sflag:s11] =	ssyncset.done $0x0  }
0x2b2: {  	s2 =	sadd.s32 @!p0 s23, s2;
	[sflag:s11] =	ssyncadd.s32 $0xFFFFF060  }
0x2b3: {  	s2 =	sshrl.u32 @!p0 s2, $0x3;
	s4 =	rddreg [dreg:$0x2]  }
0x2b4: {  	s12 =	simm.s32 @!p0 $0x0;
	s23 =	smul.u32 $0xFFFFFEC0, s1;
	s4 =	sadd.s32 @!p0 s4, s2  }
0x2b5: {  	[tilespmem:s12], [sflag:$0x3] =	stream.linear.gather @!p0 [hbm4b:s4+s12], $0xFA0, $0x38;
	[tilespmem:$0x1F680] =	vst v63  }
0x2b6: {  	s1 =	sadd.s32 s24, s23;
	s4 =	rddreg [dreg:$0x1]  }
0x2b7: {  	v6 =	vmov s1;
	s1 =	simm.s32 $0xFFFFFFFE;
	s2 =	sadd.s32 @!p0 s4, s2;
	s4 =	simm.s32 @!p0 $0xFA0  }
0x2b8: {  	[tilespmem:s4], [sflag:$0x4] =	stream.linear.gather @!p0 [hbm4b:s2+s12], $0xFA0, $0x38;
	[tilespmem:$0x1F680] =	vst v63  }
0x2b9: {  	s2 =	simm.s32 $0x1F50;
	s4 =	simm.s32 $0x2EF0;
	s12 =	smov.u32 s17  }
.LBB2_9:
0x2ba: {  	v7 =	vld [tilespmem:s2+$0xFFFFFFF0];
	_ =	sdelay $0x4  }
0x2bb: {  	v7 =	vsub.s32 v7, v5  }
0x2bc: {  	vm0 =	vlt.u32 v7, $0x4000  }
0x2bd: {  	v8 =	vsel vm0, $0x1, v2  }
0x2be: {  	(xrf0) =	vadd.scan.msk.s32 $0xffff, v8;
	_ =	sdelay $0x5  }
0x2bf: {  	v8, _, _ =	vpop (xrf0)  }
0x2c0: {  	v8 =	vadd.s32 v8, v6  }
0x2c1: {  	v8 =	vadd.s32 $0xFFFFFFFF, v8  }
0x2c2: {  	v9 =	vld [tilespmem:s4+$0xFFFFFFF0];
	_ =	sdelay $0x1  }
0x2c3: {  	s13 =	sadd.s32 $0xFFFFFFF0, s12  }
0x2c4: {  	v10 =	vor.u32 s13, v1  }
0x2c5: {  	[tilespmem:v8+s25+$0x0] =	vst.idx.msk vm0, v10  }
0x2c6: {  	[tilespmem:v8+s26+$0x0] =	vst.idx.msk vm0, v9  }
0x2c7: {  	[tilespmem:v8+s28+$0x0] =	vst.idx.msk vm0, v7  }
0x2c8: {  	v7 =	vld [tilespmem:s2+$0x0];
	_ =	sdelay $0x4  }
0x2c9: {  	v7 =	vsub.s32 v7, v5  }
0x2ca: {  	vm1 =	vlt.u32 v7, $0x4000  }
0x2cb: {  	v8 =	vsel vm1, $0x1, v2  }
0x2cc: {  	(xrf0) =	vadd.scan.msk.s32 $0xffff, v8;
	_ =	sdelay $0x1  }
0x2cd: {  	v8 =	vmpcnt.ones.xlane vm0;
	_ =	sdelay $0x3  }
0x2ce: {  	v6 =	vadd.s32 v6, v8;
	v8, _, _ =	vpop (xrf0)  }
0x2cf: {  	v8 =	vadd.s32 v8, v6  }
0x2d0: {  	v8 =	vadd.s32 $0xFFFFFFFF, v8  }
0x2d1: {  	s1 =	sadd.s32 $0x2, s1;
	v9 =	vld [tilespmem:s4+$0x0]  }
0x2d2: {  	p0 =	slt.u32 s1, $0xF8  }
.Ltmp11:
0x2d3: {  	_ = 	snop;
	(pc) =	sbr.rel @p0 .LBB2_9-.Ltmp11, $4  }
0x2d4: {  	v62 =	vor.u32 s12, v1  }
0x2d5: {  	v63 =	vmpcnt.ones.xlane vm1;
	[tilespmem:v8+s25+$0x0] =	vst.idx.msk vm1, v62  }
0x2d6: {  	[tilespmem:v8+s26+$0x0] =	vst.idx.msk vm1, v9  }
0x2d7: {  	s12 =	sadd.s32 $0x20, s12;
	s2 =	sadd.s32 $0x20, s2;
	s4 =	sadd.s32 $0x20, s4;
	v6 =	vadd.s32 v6, v63;
	[tilespmem:v8+s28+$0x0] =	vst.idx.msk vm1, v7  }
0x2d8: {  	v6 =	vxor.u32 $0x80000000, v6  }
0x2d9: {  	(xrf0) =	vmax.scan.msk.u32 $0xffff, v6;
	_ =	sdelay $0x5  }
0x2da: {  	v6, _, _ =	vpop (xrf0)  }
0x2db: {  	(v2sf) =	vpush v6, $0xF;
	_ =	sdelay $0xe  }
0x2dc: {  	s23 =	spop (v2sf)  }
0x2dd: {  	s24 =	sxor.u32 $0x80000000, s23  }
0x2de: {  	s1 =	smulhi.u32 $0x66666667, s24;
	s2 =	sshra.s32 s24, $0x1F  }
0x2df: {  	s2 =	smul.u32 $0x66666667, s2;
	_ =	sdelay $0x1  }
0x2e0: {  	s1 =	sadd.s32 s2, s1  }
0x2e1: {  	s2 =	sshrl.u32 s1, $0x1F;
	s1 =	sshra.s32 s1, $0x7  }
0x2e2: {  	s1 =	sadd.s32 s2, s1  }
0x2e3: {  	s2 =	smul.u32 $0xFFFFFEC0, s1  }
0x2e4: {  	p1 =	sgt.s32 s23, $0xFFFFFFFF;
	p0 =	slt.s32 s24, $0x1;
	s4 =	ssub.s32 $0x0, s24  }
0x2e5: {  	p0 =	por p1, p0;
	p6 =	sne.s32 s2, s4  }
0x2e6: {  	p0 =	por !p0, !p6  }
0x2e7: {  	s2 =	simm.s32 $0x1;
	p0 =	por !p0, !p0  }
0x2e8: {  	s2 =	simm.s32 @!p0 $0x0  }
0x2e9: {  	s1 =	ssub.s32 s1, s2  }
0x2ea: {  	p0 =	sgt.s32 s1, $0x0  }
.Ltmp12:
0x2eb: {  	_ = 	snop;
	(pc) =	sbr.rel @!p0 .LBB2_11-.Ltmp12, $2  }
0x2ec: {  	_ =	sdelay $0x2  }
0x2ed: {  	s2 =	simm.s32 $0x0  }
.LBB2_26:
0x2ee: {  	s4 =	smul.u32 $0x140, s2;
	_ =	sdelay $0x1  }
0x2ef: {  	v6 =	vld [tilespmem:s4+$0x3E80];
	_ =	sdelay $0x4  }
0x2f0: {  	[tilespmem:$0x76C0] =	vst v6  }
0x2f1: {  	v6 =	vld [tilespmem:s4+$0x5140];
	_ =	sdelay $0x4  }
0x2f2: {  	[tilespmem:$0x7800] =	vst v6  }
0x2f3: {  	v6 =	vld [tilespmem:s4+$0x6400];
	_ =	sdelay $0x4  }
0x2f4: {  	[tilespmem:$0x7940] =	vst v6  }
0x2f5: {  	v6 =	vld [tilespmem:s4+$0x3E90];
	_ =	sdelay $0x4  }
0x2f6: {  	[tilespmem:$0x76D0] =	vst v6  }
0x2f7: {  	v6 =	vld [tilespmem:s4+$0x5150];
	_ =	sdelay $0x4  }
0x2f8: {  	[tilespmem:$0x7810] =	vst v6  }
0x2f9: {  	v6 =	vld [tilespmem:s4+$0x6410];
	_ =	sdelay $0x4  }
0x2fa: {  	[tilespmem:$0x7950] =	vst v6  }
0x2fb: {  	v6 =	vld [tilespmem:s4+$0x3EA0];
	_ =	sdelay $0x4  }
0x2fc: {  	[tilespmem:$0x76E0] =	vst v6  }
0x2fd: {  	v6 =	vld [tilespmem:s4+$0x5160];
	_ =	sdelay $0x4  }
0x2fe: {  	[tilespmem:$0x7820] =	vst v6  }
0x2ff: {  	v6 =	vld [tilespmem:s4+$0x6420];
	_ =	sdelay $0x4  }
0x300: {  	[tilespmem:$0x7960] =	vst v6  }
0x301: {  	v6 =	vld [tilespmem:s4+$0x3EB0];
	_ =	sdelay $0x4  }
0x302: {  	[tilespmem:$0x76F0] =	vst v6  }
0x303: {  	v6 =	vld [tilespmem:s4+$0x5170];
	_ =	sdelay $0x4  }
0x304: {  	[tilespmem:$0x7830] =	vst v6  }
0x305: {  	v6 =	vld [tilespmem:s4+$0x6430];
	_ =	sdelay $0x4  }
0x306: {  	[tilespmem:$0x7970] =	vst v6  }
0x307: {  	v6 =	vld [tilespmem:s4+$0x3EC0];
	_ =	sdelay $0x4  }
0x308: {  	[tilespmem:$0x7700] =	vst v6  }
0x309: {  	v6 =	vld [tilespmem:s4+$0x5180];
	_ =	sdelay $0x4  }
0x30a: {  	[tilespmem:$0x7840] =	vst v6  }
0x30b: {  	v6 =	vld [tilespmem:s4+$0x6440];
	_ =	sdelay $0x4  }
0x30c: {  	[tilespmem:$0x7980] =	vst v6  }
0x30d: {  	v6 =	vld [tilespmem:s4+$0x3ED0];
	_ =	sdelay $0x4  }
0x30e: {  	[tilespmem:$0x7710] =	vst v6  }
0x30f: {  	v6 =	vld [tilespmem:s4+$0x5190];
	_ =	sdelay $0x4  }
0x310: {  	[tilespmem:$0x7850] =	vst v6  }
0x311: {  	v6 =	vld [tilespmem:s4+$0x6450];
	_ =	sdelay $0x4  }
0x312: {  	[tilespmem:$0x7990] =	vst v6  }
0x313: {  	v6 =	vld [tilespmem:s4+$0x3EE0];
	_ =	sdelay $0x4  }
0x314: {  	[tilespmem:$0x7720] =	vst v6  }
0x315: {  	v6 =	vld [tilespmem:s4+$0x51A0];
	_ =	sdelay $0x4  }
0x316: {  	[tilespmem:$0x7860] =	vst v6  }
0x317: {  	v6 =	vld [tilespmem:s4+$0x6460];
	_ =	sdelay $0x4  }
0x318: {  	[tilespmem:$0x79A0] =	vst v6  }
0x319: {  	v6 =	vld [tilespmem:s4+$0x3EF0];
	_ =	sdelay $0x4  }
0x31a: {  	[tilespmem:$0x7730] =	vst v6  }
0x31b: {  	v6 =	vld [tilespmem:s4+$0x51B0];
	_ =	sdelay $0x4  }
0x31c: {  	[tilespmem:$0x7870] =	vst v6  }
0x31d: {  	v6 =	vld [tilespmem:s4+$0x6470];
	_ =	sdelay $0x4  }
0x31e: {  	[tilespmem:$0x79B0] =	vst v6  }
0x31f: {  	v6 =	vld [tilespmem:s4+$0x3F00];
	_ =	sdelay $0x4  }
0x320: {  	[tilespmem:$0x7740] =	vst v6  }
0x321: {  	v6 =	vld [tilespmem:s4+$0x51C0];
	_ =	sdelay $0x4  }
0x322: {  	[tilespmem:$0x7880] =	vst v6  }
0x323: {  	v6 =	vld [tilespmem:s4+$0x6480];
	_ =	sdelay $0x4  }
0x324: {  	[tilespmem:$0x79C0] =	vst v6  }
0x325: {  	v6 =	vld [tilespmem:s4+$0x3F10];
	_ =	sdelay $0x4  }
0x326: {  	[tilespmem:$0x7750] =	vst v6  }
0x327: {  	v6 =	vld [tilespmem:s4+$0x51D0];
	_ =	sdelay $0x4  }
0x328: {  	[tilespmem:$0x7890] =	vst v6  }
0x329: {  	v6 =	vld [tilespmem:s4+$0x6490];
	_ =	sdelay $0x4  }
0x32a: {  	[tilespmem:$0x79D0] =	vst v6  }
0x32b: {  	v6 =	vld [tilespmem:s4+$0x3F20];
	_ =	sdelay $0x4  }
0x32c: {  	[tilespmem:$0x7760] =	vst v6  }
0x32d: {  	v6 =	vld [tilespmem:s4+$0x51E0];
	_ =	sdelay $0x4  }
0x32e: {  	[tilespmem:$0x78A0] =	vst v6  }
0x32f: {  	v6 =	vld [tilespmem:s4+$0x64A0];
	_ =	sdelay $0x4  }
0x330: {  	[tilespmem:$0x79E0] =	vst v6  }
0x331: {  	v6 =	vld [tilespmem:s4+$0x3F30];
	_ =	sdelay $0x4  }
0x332: {  	[tilespmem:$0x7770] =	vst v6  }
0x333: {  	v6 =	vld [tilespmem:s4+$0x51F0];
	_ =	sdelay $0x4  }
0x334: {  	[tilespmem:$0x78B0] =	vst v6  }
0x335: {  	v6 =	vld [tilespmem:s4+$0x64B0];
	_ =	sdelay $0x4  }
0x336: {  	[tilespmem:$0x79F0] =	vst v6  }
0x337: {  	v6 =	vld [tilespmem:s4+$0x3F40];
	_ =	sdelay $0x4  }
0x338: {  	[tilespmem:$0x7780] =	vst v6  }
0x339: {  	v6 =	vld [tilespmem:s4+$0x5200];
	_ =	sdelay $0x4  }
0x33a: {  	[tilespmem:$0x78C0] =	vst v6  }
0x33b: {  	v6 =	vld [tilespmem:s4+$0x64C0];
	_ =	sdelay $0x4  }
0x33c: {  	[tilespmem:$0x7A00] =	vst v6  }
0x33d: {  	v6 =	vld [tilespmem:s4+$0x3F50];
	_ =	sdelay $0x4  }
0x33e: {  	[tilespmem:$0x7790] =	vst v6  }
0x33f: {  	v6 =	vld [tilespmem:s4+$0x5210];
	_ =	sdelay $0x4  }
0x340: {  	[tilespmem:$0x78D0] =	vst v6  }
0x341: {  	v6 =	vld [tilespmem:s4+$0x64D0];
	_ =	sdelay $0x4  }
0x342: {  	[tilespmem:$0x7A10] =	vst v6  }
0x343: {  	v6 =	vld [tilespmem:s4+$0x3F60];
	_ =	sdelay $0x4  }
0x344: {  	[tilespmem:$0x77A0] =	vst v6  }
0x345: {  	v6 =	vld [tilespmem:s4+$0x5220];
	_ =	sdelay $0x4  }
0x346: {  	[tilespmem:$0x78E0] =	vst v6  }
0x347: {  	v6 =	vld [tilespmem:s4+$0x64E0];
	_ =	sdelay $0x4  }
0x348: {  	[tilespmem:$0x7A20] =	vst v6  }
0x349: {  	v6 =	vld [tilespmem:s4+$0x3F70];
	_ =	sdelay $0x4  }
0x34a: {  	[tilespmem:$0x77B0] =	vst v6  }
0x34b: {  	v6 =	vld [tilespmem:s4+$0x5230];
	_ =	sdelay $0x4  }
0x34c: {  	[tilespmem:$0x78F0] =	vst v6  }
0x34d: {  	v6 =	vld [tilespmem:s4+$0x64F0];
	_ =	sdelay $0x4  }
0x34e: {  	[tilespmem:$0x7A30] =	vst v6  }
0x34f: {  	v6 =	vld [tilespmem:s4+$0x3F80];
	_ =	sdelay $0x4  }
0x350: {  	[tilespmem:$0x77C0] =	vst v6  }
0x351: {  	v6 =	vld [tilespmem:s4+$0x5240];
	_ =	sdelay $0x4  }
0x352: {  	[tilespmem:$0x7900] =	vst v6  }
0x353: {  	v6 =	vld [tilespmem:s4+$0x6500];
	_ =	sdelay $0x4  }
0x354: {  	[tilespmem:$0x7A40] =	vst v6  }
0x355: {  	v6 =	vld [tilespmem:s4+$0x3F90];
	_ =	sdelay $0x4  }
0x356: {  	[tilespmem:$0x77D0] =	vst v6  }
0x357: {  	v6 =	vld [tilespmem:s4+$0x5250];
	_ =	sdelay $0x4  }
0x358: {  	[tilespmem:$0x7910] =	vst v6  }
0x359: {  	v6 =	vld [tilespmem:s4+$0x6510];
	_ =	sdelay $0x4  }
0x35a: {  	[tilespmem:$0x7A50] =	vst v6  }
0x35b: {  	v6 =	vld [tilespmem:s4+$0x3FA0];
	_ =	sdelay $0x4  }
0x35c: {  	[tilespmem:$0x77E0] =	vst v6  }
0x35d: {  	v6 =	vld [tilespmem:s4+$0x5260];
	_ =	sdelay $0x4  }
0x35e: {  	[tilespmem:$0x7920] =	vst v6  }
0x35f: {  	v6 =	vld [tilespmem:s4+$0x6520];
	_ =	sdelay $0x4  }
0x360: {  	[tilespmem:$0x7A60] =	vst v6  }
0x361: {  	v6 =	vld [tilespmem:s4+$0x3FB0];
	_ =	sdelay $0x4  }
0x362: {  	[tilespmem:$0x77F0] =	vst v6  }
0x363: {  	v6 =	vld [tilespmem:s4+$0x5270];
	_ =	sdelay $0x4  }
0x364: {  	[tilespmem:$0x7930] =	vst v6  }
0x365: {  	v6 =	vld [tilespmem:s4+$0x6530];
	_ =	sdelay $0x4  }
0x366: {  	[tilespmem:$0x7A70] =	vst v6;
	(ifvalue) =	ssetifvalue $0xFFFFFFFF  }
0x367: {  	(ifvalue) =	ssetifvalue $0xFFFFFFFF  }
0x368: {  	[tilespmem:s0], [sflag:$0x1] =	stream.indirect.gather [hbm4b:s6+s30], $0x20, s31, s30, $0x40b8;
	[tilespmem:$0x1F680] =	vst v63  }
0x369: {  	(ifvalue) =	ssetifvalue $0xFFFFFFFF  }
0x36a: {  	(ifvalue) =	ssetifvalue $0xFFFFFFFF  }
0x36b: {  	[tilespmem:s5], [sflag:$0x2] =	stream.indirect.gather [hbm4b:s7+s30], $0x40, s15, s30, $0x40b8;
	[tilespmem:$0x1F680] =	vst v63  }
0x36c: {  	_ =	swait.ge [sflag:s29], $0x2800  }
0x36d: {  	[sflag:s29] =	ssyncset.done $0x0  }
0x36e: {  	[sflag:s29] =	ssyncadd.s32 $0xFFFFD800  }
0x36f: {  	_ =	swait.ge [sflag:s20], $0x5000  }
0x370: {  	[sflag:s20] =	ssyncset.done $0x0  }
0x371: {  	s4 =	simm.s32 $0x7AC0;
	[sflag:s20] =	ssyncadd.s32 $0xFFFFB000  }
0x372: {  	s12 =	simm.s32 $0xA300;
	v6 =	vld [tilespmem:s4+$0xFFFFFFC0]  }
0x373: {  	v7 =	vld [tilespmem:s12+$0xFFFFFF80]  }
0x374: {  	v8 =	vld [tilespmem:s12+$0xFFFFFF90];
	_ =	sdelay $0x2  }
0x375: {  	v9 =	vshll.u32 v6, $0x10  }
0x376: {  	v6 =	vand.u32 $0xFFFF0000, v6;
	v7 =	vmul.f32 v9, v7  }
0x377: {  	v6 =	vmul.f32 v6, v8  }
0x378: {  	[tilespmem:s12+$0xFFFFFF80] =	vst v7  }
0x379: {  	[tilespmem:s12+$0xFFFFFF90] =	vst v6  }
0x37a: {  	v6 =	vld [tilespmem:s4+$0xFFFFFFD0]  }
0x37b: {  	v7 =	vld [tilespmem:s12+$0xFFFFFFA0]  }
0x37c: {  	v8 =	vld [tilespmem:s12+$0xFFFFFFB0];
	_ =	sdelay $0x2  }
0x37d: {  	v9 =	vshll.u32 v6, $0x10  }
0x37e: {  	v6 =	vand.u32 $0xFFFF0000, v6;
	v7 =	vmul.f32 v9, v7  }
0x37f: {  	v6 =	vmul.f32 v6, v8  }
0x380: {  	[tilespmem:s12+$0xFFFFFFA0] =	vst v7  }
0x381: {  	[tilespmem:s12+$0xFFFFFFB0] =	vst v6  }
0x382: {  	v6 =	vld [tilespmem:s4+$0xFFFFFFE0]  }
0x383: {  	v7 =	vld [tilespmem:s12+$0xFFFFFFC0]  }
0x384: {  	v8 =	vld [tilespmem:s12+$0xFFFFFFD0];
	_ =	sdelay $0x2  }
0x385: {  	v9 =	vshll.u32 v6, $0x10  }
0x386: {  	v6 =	vand.u32 $0xFFFF0000, v6;
	v7 =	vmul.f32 v9, v7  }
0x387: {  	v6 =	vmul.f32 v6, v8  }
0x388: {  	[tilespmem:s12+$0xFFFFFFC0] =	vst v7  }
0x389: {  	[tilespmem:s12+$0xFFFFFFD0] =	vst v6  }
0x38a: {  	v6 =	vld [tilespmem:s4+$0xFFFFFFF0]  }
0x38b: {  	v8 =	vld [tilespmem:s12+$0xFFFFFFE0]  }
0x38c: {  	v7 =	vld [tilespmem:s12+$0xFFFFFFF0];
	_ =	sdelay $0x2  }
0x38d: {  	v9 =	vshll.u32 v6, $0x10  }
0x38e: {  	v6 =	vand.u32 $0xFFFF0000, v6;
	v8 =	vmul.f32 v9, v8  }
0x38f: {  	v6 =	vmul.f32 v6, v7  }
0x390: {  	[tilespmem:s12+$0xFFFFFFE0] =	vst v8  }
0x391: {  	[tilespmem:s12+$0xFFFFFFF0] =	vst v6  }
0x392: {  	v6 =	vld [tilespmem:s4+$0x0]  }
0x393: {  	v7 =	vld [tilespmem:s12+$0x0]  }
0x394: {  	v8 =	vld [tilespmem:s12+$0x10];
	_ =	sdelay $0x2  }
0x395: {  	v9 =	vshll.u32 v6, $0x10  }
0x396: {  	v6 =	vand.u32 $0xFFFF0000, v6;
	v7 =	vmul.f32 v9, v7  }
0x397: {  	v6 =	vmul.f32 v6, v8  }
0x398: {  	[tilespmem:s12+$0x0] =	vst v7  }
0x399: {  	[tilespmem:s12+$0x10] =	vst v6  }
0x39a: {  	v6 =	vld [tilespmem:s4+$0x10]  }
0x39b: {  	v7 =	vld [tilespmem:s12+$0x20]  }
0x39c: {  	v8 =	vld [tilespmem:s12+$0x30];
	_ =	sdelay $0x2  }
0x39d: {  	v9 =	vshll.u32 v6, $0x10  }
0x39e: {  	v6 =	vand.u32 $0xFFFF0000, v6;
	v7 =	vmul.f32 v9, v7  }
0x39f: {  	v8 =	vmul.f32 v6, v8  }
0x3a0: {  	[tilespmem:s12+$0x20] =	vst v7  }
0x3a1: {  	[tilespmem:s12+$0x30] =	vst v8  }
0x3a2: {  	v7 =	vld [tilespmem:s4+$0x20]  }
0x3a3: {  	v8 =	vld [tilespmem:s12+$0x40]  }
0x3a4: {  	v9 =	vld [tilespmem:s12+$0x50];
	_ =	sdelay $0x2  }
0x3a5: {  	v10 =	vshll.u32 v7, $0x10  }
0x3a6: {  	v11 =	vand.u32 $0xFFFF0000, v7;
	v8 =	vmul.f32 v10, v8  }
0x3a7: {  	v9 =	vmul.f32 v11, v9  }
0x3a8: {  	v6 =	vld [tilespmem:s12+$0x60];
	[tilespmem:s12+$0x40] =	vst v8  }
0x3a9: {  	v7 =	vld [tilespmem:s12+$0x70];
	[tilespmem:s12+$0x50] =	vst v9  }
0x3aa: {  	s21 =	simm.s32 $0x0;
	s13 =	simm.s32 $0xA300;
	v8 =	vld [tilespmem:s4+$0x30]  }
.LBB2_27:
0x3ab: {  	s21 =	sadd.s32 $0x4, s21;
	s12 =	sadd.s32 $0x100, s12;
	s4 =	sadd.s32 $0x80, s4  }
0x3ac: {  	p0 =	slt.u32 s21, $0x13C;
	_ =	sdelay $0x2  }
0x3ad: {  	v9 =	vshll.u32 v8, $0x10;
	v8 =	vand.u32 $0xFFFF0000, v8  }
0x3ae: {  	v6 =	vmul.f32 v9, v6;
	v7 =	vmul.f32 v8, v7;
	_ =	sdelay $0x1  }
0x3af: {  	[tilespmem:s13+$0x60] =	vst v6  }
0x3b0: {  	v8 =	vld [tilespmem:s12+$0xFFFFFF90];
	[tilespmem:s13+$0x70] =	vst v7;
	s13 =	smov.u32 s12  }
0x3b1: {  	v9 =	vld [tilespmem:s4+$0xFFFFFFC0]  }
0x3b2: {  	v10 =	vld [tilespmem:s12+$0xFFFFFF80]  }
0x3b3: {  	v7 =	vld [tilespmem:s12+$0x70]  }
0x3b4: {  	v6 =	vld [tilespmem:s12+$0x60];
	_ =	sdelay $0x1  }
0x3b5: {  	v11 =	vshll.u32 v9, $0x10;
	v9 =	vand.u32 $0xFFFF0000, v9  }
0x3b6: {  	v10 =	vmul.f32 v11, v10;
	v8 =	vmul.f32 v9, v8;
	_ =	sdelay $0x1  }
0x3b7: {  	[tilespmem:s12+$0xFFFFFF80] =	vst v10  }
0x3b8: {  	[tilespmem:s12+$0xFFFFFF90] =	vst v8;
	v8 =	vld [tilespmem:s12+$0xFFFFFFB0]  }
0x3b9: {  	v9 =	vld [tilespmem:s4+$0xFFFFFFD0]  }
0x3ba: {  	v10 =	vld [tilespmem:s12+$0xFFFFFFA0];
	_ =	sdelay $0x3  }
0x3bb: {  	v11 =	vshll.u32 v9, $0x10;
	v9 =	vand.u32 $0xFFFF0000, v9  }
0x3bc: {  	v10 =	vmul.f32 v11, v10;
	v8 =	vmul.f32 v9, v8;
	_ =	sdelay $0x1  }
0x3bd: {  	[tilespmem:s12+$0xFFFFFFA0] =	vst v10  }
0x3be: {  	[tilespmem:s12+$0xFFFFFFB0] =	vst v8;
	v8 =	vld [tilespmem:s12+$0xFFFFFFD0]  }
0x3bf: {  	v9 =	vld [tilespmem:s4+$0xFFFFFFE0]  }
0x3c0: {  	v10 =	vld [tilespmem:s12+$0xFFFFFFC0];
	_ =	sdelay $0x3  }
0x3c1: {  	v11 =	vshll.u32 v9, $0x10;
	v9 =	vand.u32 $0xFFFF0000, v9  }
0x3c2: {  	v10 =	vmul.f32 v11, v10;
	v8 =	vmul.f32 v9, v8;
	_ =	sdelay $0x1  }
0x3c3: {  	[tilespmem:s12+$0xFFFFFFC0] =	vst v10;
	v9 =	vld [tilespmem:s12+$0xFFFFFFF0]  }
0x3c4: {  	[tilespmem:s12+$0xFFFFFFD0] =	vst v8  }
0x3c5: {  	v8 =	vld [tilespmem:s4+$0xFFFFFFF0]  }
0x3c6: {  	v10 =	vld [tilespmem:s12+$0xFFFFFFE0];
	_ =	sdelay $0x3  }
0x3c7: {  	v11 =	vshll.u32 v8, $0x10;
	v8 =	vand.u32 $0xFFFF0000, v8  }
0x3c8: {  	v10 =	vmul.f32 v11, v10;
	v8 =	vmul.f32 v8, v9;
	_ =	sdelay $0x1  }
0x3c9: {  	[tilespmem:s12+$0xFFFFFFE0] =	vst v10  }
0x3ca: {  	[tilespmem:s12+$0xFFFFFFF0] =	vst v8;
	v8 =	vld [tilespmem:s12+$0x10]  }
0x3cb: {  	v9 =	vld [tilespmem:s4+$0x0]  }
0x3cc: {  	v10 =	vld [tilespmem:s12+$0x0];
	_ =	sdelay $0x3  }
0x3cd: {  	v11 =	vshll.u32 v9, $0x10;
	v9 =	vand.u32 $0xFFFF0000, v9  }
0x3ce: {  	v10 =	vmul.f32 v11, v10;
	v8 =	vmul.f32 v9, v8;
	_ =	sdelay $0x1  }
0x3cf: {  	[tilespmem:s12+$0x0] =	vst v10  }
0x3d0: {  	[tilespmem:s12+$0x10] =	vst v8;
	v8 =	vld [tilespmem:s12+$0x30]  }
0x3d1: {  	v9 =	vld [tilespmem:s4+$0x10]  }
0x3d2: {  	v10 =	vld [tilespmem:s12+$0x20];
	_ =	sdelay $0x3  }
0x3d3: {  	v11 =	vshll.u32 v9, $0x10;
	v9 =	vand.u32 $0xFFFF0000, v9  }
0x3d4: {  	v10 =	vmul.f32 v11, v10;
	v8 =	vmul.f32 v9, v8;
	_ =	sdelay $0x1  }
0x3d5: {  	[tilespmem:s12+$0x20] =	vst v10  }
0x3d6: {  	[tilespmem:s12+$0x30] =	vst v8;
	v8 =	vld [tilespmem:s12+$0x50]  }
0x3d7: {  	v9 =	vld [tilespmem:s4+$0x20]  }
0x3d8: {  	v10 =	vld [tilespmem:s12+$0x40];
	_ =	sdelay $0x3  }
0x3d9: {  	v11 =	vshll.u32 v9, $0x10;
	v9 =	vand.u32 $0xFFFF0000, v9  }
.Ltmp13:
0x3da: {  	v10 =	vmul.f32 v11, v10;
	v8 =	vmul.f32 v9, v8;
	(pc) =	sbr.rel @p0 .LBB2_27-.Ltmp13, $4  }
0x3db: {  	_ = 	snop  }
0x3dc: {  	[tilespmem:s12+$0x40] =	vst v10  }
0x3dd: {  	[tilespmem:s12+$0x50] =	vst v8  }
0x3de: {  	v8 =	vld [tilespmem:s4+$0x30]  }
0x3df: {  	_ =	sdelay $0x3  }
0x3e0: {  	v9 =	vshll.u32 v8, $0x10  }
0x3e1: {  	v63 =	vand.u32 $0xFFFF0000, v8;
	v6 =	vmul.f32 v9, v6  }
0x3e2: {  	v7 =	vmul.f32 v63, v7  }
0x3e3: {  	s2 =	sadd.s32 $0x1, s2;
	[tilespmem:s13+$0x60] =	vst v6  }
0x3e4: {  	p0 =	seq.s32 s2, s1;
	[tilespmem:s13+$0x70] =	vst v7;
	(ifvalue) =	ssetifvalue $0xFFFFFFFF  }
0x3e5: {  	[spmem:s3] =	stream.indirect.scatter.add.f32 [tilespmem:s5], [sflag:$0x7], $0x40, s8, s30, $0x40b8;
	[tilespmem:$0x1F680] =	vst v63  }
.Ltmp14:
0x3e6: {  	_ = 	snop;
	(pc) =	sbr.rel @!p0 .LBB2_26-.Ltmp14, $4  }
.Ltmp15:
0x3e7: {  	_ = 	snop;
	(pc) =	sbr.rel @p0 .LBB2_11-.Ltmp15, $4  }
0x3e8: {  	_ =	swait.ge [sflag:s19], $0x5000  }
0x3e9: {  	[sflag:s19] =	ssyncset.done $0x0  }
0x3ea: {  	[sflag:s19] =	ssyncadd.s32 $0xFFFFB000  }
0x3eb: {  	_ = 	snop  }
.LBB2_12:
0x3ec: {  	s1 =	sadd.s32 $0x13F, s2  }
0x3ed: {  	s4 =	smulhi.u32 $0x66666667, s1;
	s12 =	sshra.s32 s1, $0x1F  }
0x3ee: {  	s12 =	smul.u32 $0x66666667, s12;
	_ =	sdelay $0x1  }
0x3ef: {  	s4 =	sadd.s32 s12, s4  }
0x3f0: {  	s12 =	sshrl.u32 s4, $0x1F;
	s4 =	sshra.s32 s4, $0x7  }
0x3f1: {  	s4 =	sadd.s32 s12, s4  }
0x3f2: {  	s13 =	ssub.s32 $0xFFFFFEC1, s2;
	s12 =	smul.u32 $0xFFFFFEC0, s4  }
0x3f3: {  	s16 =	sand.u32 $0xF, s23;
	s17 =	sshra.s32 s2, $0x1F;
	p5 =	slt.s32 s2, $0x1  }
0x3f4: {  	p0 =	slt.s32 s1, $0x1;
	s1 =	simm.s32 $0x1;
	p1 =	sne.s32 s12, s13  }
0x3f5: {  	p2 =	sne.s32 s16, $0x0;
	s21 =	sshrl.u32 s17, $0x1C;
	p0 =	por !p0, !p1  }
0x3f6: {  	p6 =	por !p5, !p2;
	s12 =	sadd.s32 s21, s2;
	p0 =	por !p0, !p0  }
0x3f7: {  	s13 =	simm.s32 $0x1;
	s1 =	simm.s32 @!p0 $0x0;
	p0 =	por !p6, !p6  }
0x3f8: {  	s23 =	sshrl.u32 s12, $0x4;
	s1 =	ssub.s32 s4, s1;
	s13 =	simm.s32 @!p0 $0x0  }
0x3f9: {  	s12 =	smul.u32 $0x140, s1;
	s4 =	ssub.s32 s23, s13  }
0x3fa: {  	s4 =	sshll.u32 s4, $0x4  }
0x3fb: {  	s24 =	ssub.s32 s12, s4  }
0x3fc: {  	s14 =	sshra.s32 s24, $0x1F;
	s16 =	sxor.u32 $0xFFFFFFFF, s24  }
0x3fd: {  	s17 =	sshrl.u32 s14, $0x1C;
	s16 =	sshrl.u32 s16, $0x1F  }
0x3fe: {  	s13 =	sor.u32 s24, s17;
	s14 =	sadd.s32 s16, s14  }
0x3ff: {  	s13 =	sadd.s32 $0xF, s13;
	p0 =	sne.s32 s14, $0x1;
	s14 =	simm.s32 $0x1  }
0x400: {  	s13 =	sshra.s32 s13, $0x4;
	s14 =	simm.s32 @!p0 $0x0  }
0x401: {  	s13 =	ssub.s32 s13, s14  }
0x402: {  	p0 =	slt.s32 s13, $0x1  }
.Ltmp16:
0x403: {  	_ = 	snop;
	(pc) =	sbr.rel @p0 .LBB2_16-.Ltmp16, $1  }
0x404: {  	_ =	sdelay $0x3  }
0x405: {  	v5 =	vmov s2;
	v6 =	vmov s12;
	v7 =	vor.u32 s4, v1;
	p0 =	seq.s32 s13, $0x1  }
.Ltmp17:
0x406: {  	vm0 =	vge.s32 v7, v5;
	vm1 =	vlt.s32 v7, v6;
	(pc) =	sbr.rel @p0 .LBB2_15-.Ltmp17, $4  }
0x407: {  	vm0 =	vmand vm0, vm1  }
0x408: {  	v7 =	vand.u32 v3, v7;
	vm1 =	vmmov vm0  }
0x409: {  	v8 =	vmov v7;
	vm2 =	vmmov vm0  }
0x40a: {  	s2 =	sadd.s32 $0xFFFFFFFF, s13;
	s4 =	sadd.s32 $0x10, s4  }
.LBB2_14:
0x40b: {  	v9 =	vor.u32 s4, v1;
	p0 =	seq.s32 s2, $0x1  }
.Ltmp18:
0x40c: {  	vm3 =	vge.s32 v9, v5;
	vm4 =	vlt.s32 v9, v6;
	(pc) =	sbr.rel @!p0 .LBB2_14-.Ltmp18, $4  }
0x40d: {  	s2 =	sadd.s32 $0xFFFFFFFF, s2;
	[tilespmem:v7+s25+$0x0] =	vst.idx.msk vm0, v4;
	vm0 =	vmand vm3, vm4  }
0x40e: {  	v7 =	vand.u32 v3, v9;
	[tilespmem:v8+s26+$0x0] =	vst.idx.msk vm1, v4;
	vm1 =	vmmov vm0  }
0x40f: {  	[tilespmem:v8+s28+$0x0] =	vst.idx.msk vm2, v4;
	v8 =	vmov v7;
	vm2 =	vmmov vm0  }
0x410: {  	s4 =	sadd.s32 $0x10, s4  }
.LBB2_15:
0x411: {  	_ =	sdelay $0x4  }
0x412: {  	[tilespmem:v7+s25+$0x0] =	vst.idx.msk vm0, v4  }
0x413: {  	[tilespmem:v8+s26+$0x0] =	vst.idx.msk vm1, v4  }
0x414: {  	[tilespmem:v8+s28+$0x0] =	vst.idx.msk vm2, v4  }
.LBB2_16:
0x415: {  	p0 =	sgt.s32 s1, $0x0  }
.Ltmp19:
0x416: {  	_ = 	snop;
	(pc) =	sbr.rel @!p0 .LBB2_20-.Ltmp19, $2  }
0x417: {  	_ =	sdelay $0x2  }
0x418: {  	s2 =	simm.s32 $0x0  }
.LBB2_17:
0x419: {  	s4 =	smul.u32 $0x140, s2;
	_ =	sdelay $0x1  }
0x41a: {  	v5 =	vld [tilespmem:s4+$0x3E80];
	_ =	sdelay $0x4  }
0x41b: {  	[tilespmem:$0x76C0] =	vst v5  }
0x41c: {  	v5 =	vld [tilespmem:s4+$0x5140];
	_ =	sdelay $0x4  }
0x41d: {  	[tilespmem:$0x7800] =	vst v5  }
0x41e: {  	v5 =	vld [tilespmem:s4+$0x6400];
	_ =	sdelay $0x4  }
0x41f: {  	[tilespmem:$0x7940] =	vst v5  }
0x420: {  	v5 =	vld [tilespmem:s4+$0x3E90];
	_ =	sdelay $0x4  }
0x421: {  	[tilespmem:$0x76D0] =	vst v5  }
0x422: {  	v5 =	vld [tilespmem:s4+$0x5150];
	_ =	sdelay $0x4  }
0x423: {  	[tilespmem:$0x7810] =	vst v5  }
0x424: {  	v5 =	vld [tilespmem:s4+$0x6410];
	_ =	sdelay $0x4  }
0x425: {  	[tilespmem:$0x7950] =	vst v5  }
0x426: {  	v5 =	vld [tilespmem:s4+$0x3EA0];
	_ =	sdelay $0x4  }
0x427: {  	[tilespmem:$0x76E0] =	vst v5  }
0x428: {  	v5 =	vld [tilespmem:s4+$0x5160];
	_ =	sdelay $0x4  }
0x429: {  	[tilespmem:$0x7820] =	vst v5  }
0x42a: {  	v5 =	vld [tilespmem:s4+$0x6420];
	_ =	sdelay $0x4  }
0x42b: {  	[tilespmem:$0x7960] =	vst v5  }
0x42c: {  	v5 =	vld [tilespmem:s4+$0x3EB0];
	_ =	sdelay $0x4  }
0x42d: {  	[tilespmem:$0x76F0] =	vst v5  }
0x42e: {  	v5 =	vld [tilespmem:s4+$0x5170];
	_ =	sdelay $0x4  }
0x42f: {  	[tilespmem:$0x7830] =	vst v5  }
0x430: {  	v5 =	vld [tilespmem:s4+$0x6430];
	_ =	sdelay $0x4  }
0x431: {  	[tilespmem:$0x7970] =	vst v5  }
0x432: {  	v5 =	vld [tilespmem:s4+$0x3EC0];
	_ =	sdelay $0x4  }
0x433: {  	[tilespmem:$0x7700] =	vst v5  }
0x434: {  	v5 =	vld [tilespmem:s4+$0x5180];
	_ =	sdelay $0x4  }
0x435: {  	[tilespmem:$0x7840] =	vst v5  }
0x436: {  	v5 =	vld [tilespmem:s4+$0x6440];
	_ =	sdelay $0x4  }
0x437: {  	[tilespmem:$0x7980] =	vst v5  }
0x438: {  	v5 =	vld [tilespmem:s4+$0x3ED0];
	_ =	sdelay $0x4  }
0x439: {  	[tilespmem:$0x7710] =	vst v5  }
0x43a: {  	v5 =	vld [tilespmem:s4+$0x5190];
	_ =	sdelay $0x4  }
0x43b: {  	[tilespmem:$0x7850] =	vst v5  }
0x43c: {  	v5 =	vld [tilespmem:s4+$0x6450];
	_ =	sdelay $0x4  }
0x43d: {  	[tilespmem:$0x7990] =	vst v5  }
0x43e: {  	v5 =	vld [tilespmem:s4+$0x3EE0];
	_ =	sdelay $0x4  }
0x43f: {  	[tilespmem:$0x7720] =	vst v5  }
0x440: {  	v5 =	vld [tilespmem:s4+$0x51A0];
	_ =	sdelay $0x4  }
0x441: {  	[tilespmem:$0x7860] =	vst v5  }
0x442: {  	v5 =	vld [tilespmem:s4+$0x6460];
	_ =	sdelay $0x4  }
0x443: {  	[tilespmem:$0x79A0] =	vst v5  }
0x444: {  	v5 =	vld [tilespmem:s4+$0x3EF0];
	_ =	sdelay $0x4  }
0x445: {  	[tilespmem:$0x7730] =	vst v5  }
0x446: {  	v5 =	vld [tilespmem:s4+$0x51B0];
	_ =	sdelay $0x4  }
0x447: {  	[tilespmem:$0x7870] =	vst v5  }
0x448: {  	v5 =	vld [tilespmem:s4+$0x6470];
	_ =	sdelay $0x4  }
0x449: {  	[tilespmem:$0x79B0] =	vst v5  }
0x44a: {  	v5 =	vld [tilespmem:s4+$0x3F00];
	_ =	sdelay $0x4  }
0x44b: {  	[tilespmem:$0x7740] =	vst v5  }
0x44c: {  	v5 =	vld [tilespmem:s4+$0x51C0];
	_ =	sdelay $0x4  }
0x44d: {  	[tilespmem:$0x7880] =	vst v5  }
0x44e: {  	v5 =	vld [tilespmem:s4+$0x6480];
	_ =	sdelay $0x4  }
0x44f: {  	[tilespmem:$0x79C0] =	vst v5  }
0x450: {  	v5 =	vld [tilespmem:s4+$0x3F10];
	_ =	sdelay $0x4  }
0x451: {  	[tilespmem:$0x7750] =	vst v5  }
0x452: {  	v5 =	vld [tilespmem:s4+$0x51D0];
	_ =	sdelay $0x4  }
0x453: {  	[tilespmem:$0x7890] =	vst v5  }
0x454: {  	v5 =	vld [tilespmem:s4+$0x6490];
	_ =	sdelay $0x4  }
0x455: {  	[tilespmem:$0x79D0] =	vst v5  }
0x456: {  	v5 =	vld [tilespmem:s4+$0x3F20];
	_ =	sdelay $0x4  }
0x457: {  	[tilespmem:$0x7760] =	vst v5  }
0x458: {  	v5 =	vld [tilespmem:s4+$0x51E0];
	_ =	sdelay $0x4  }
0x459: {  	[tilespmem:$0x78A0] =	vst v5  }
0x45a: {  	v5 =	vld [tilespmem:s4+$0x64A0];
	_ =	sdelay $0x4  }
0x45b: {  	[tilespmem:$0x79E0] =	vst v5  }
0x45c: {  	v5 =	vld [tilespmem:s4+$0x3F30];
	_ =	sdelay $0x4  }
0x45d: {  	[tilespmem:$0x7770] =	vst v5  }
0x45e: {  	v5 =	vld [tilespmem:s4+$0x51F0];
	_ =	sdelay $0x4  }
0x45f: {  	[tilespmem:$0x78B0] =	vst v5  }
0x460: {  	v5 =	vld [tilespmem:s4+$0x64B0];
	_ =	sdelay $0x4  }
0x461: {  	[tilespmem:$0x79F0] =	vst v5  }
0x462: {  	v5 =	vld [tilespmem:s4+$0x3F40];
	_ =	sdelay $0x4  }
0x463: {  	[tilespmem:$0x7780] =	vst v5  }
0x464: {  	v5 =	vld [tilespmem:s4+$0x5200];
	_ =	sdelay $0x4  }
0x465: {  	[tilespmem:$0x78C0] =	vst v5  }
0x466: {  	v5 =	vld [tilespmem:s4+$0x64C0];
	_ =	sdelay $0x4  }
0x467: {  	[tilespmem:$0x7A00] =	vst v5  }
0x468: {  	v5 =	vld [tilespmem:s4+$0x3F50];
	_ =	sdelay $0x4  }
0x469: {  	[tilespmem:$0x7790] =	vst v5  }
0x46a: {  	v5 =	vld [tilespmem:s4+$0x5210];
	_ =	sdelay $0x4  }
0x46b: {  	[tilespmem:$0x78D0] =	vst v5  }
0x46c: {  	v5 =	vld [tilespmem:s4+$0x64D0];
	_ =	sdelay $0x4  }
0x46d: {  	[tilespmem:$0x7A10] =	vst v5  }
0x46e: {  	v5 =	vld [tilespmem:s4+$0x3F60];
	_ =	sdelay $0x4  }
0x46f: {  	[tilespmem:$0x77A0] =	vst v5  }
0x470: {  	v5 =	vld [tilespmem:s4+$0x5220];
	_ =	sdelay $0x4  }
0x471: {  	[tilespmem:$0x78E0] =	vst v5  }
0x472: {  	v5 =	vld [tilespmem:s4+$0x64E0];
	_ =	sdelay $0x4  }
0x473: {  	[tilespmem:$0x7A20] =	vst v5  }
0x474: {  	v5 =	vld [tilespmem:s4+$0x3F70];
	_ =	sdelay $0x4  }
0x475: {  	[tilespmem:$0x77B0] =	vst v5  }
0x476: {  	v5 =	vld [tilespmem:s4+$0x5230];
	_ =	sdelay $0x4  }
0x477: {  	[tilespmem:$0x78F0] =	vst v5  }
0x478: {  	v5 =	vld [tilespmem:s4+$0x64F0];
	_ =	sdelay $0x4  }
0x479: {  	[tilespmem:$0x7A30] =	vst v5  }
0x47a: {  	v5 =	vld [tilespmem:s4+$0x3F80];
	_ =	sdelay $0x4  }
0x47b: {  	[tilespmem:$0x77C0] =	vst v5  }
0x47c: {  	v5 =	vld [tilespmem:s4+$0x5240];
	_ =	sdelay $0x4  }
0x47d: {  	[tilespmem:$0x7900] =	vst v5  }
0x47e: {  	v5 =	vld [tilespmem:s4+$0x6500];
	_ =	sdelay $0x4  }
0x47f: {  	[tilespmem:$0x7A40] =	vst v5  }
0x480: {  	v5 =	vld [tilespmem:s4+$0x3F90];
	_ =	sdelay $0x4  }
0x481: {  	[tilespmem:$0x77D0] =	vst v5  }
0x482: {  	v5 =	vld [tilespmem:s4+$0x5250];
	_ =	sdelay $0x4  }
0x483: {  	[tilespmem:$0x7910] =	vst v5  }
0x484: {  	v5 =	vld [tilespmem:s4+$0x6510];
	_ =	sdelay $0x4  }
0x485: {  	[tilespmem:$0x7A50] =	vst v5  }
0x486: {  	v5 =	vld [tilespmem:s4+$0x3FA0];
	_ =	sdelay $0x4  }
0x487: {  	[tilespmem:$0x77E0] =	vst v5  }
0x488: {  	v5 =	vld [tilespmem:s4+$0x5260];
	_ =	sdelay $0x4  }
0x489: {  	[tilespmem:$0x7920] =	vst v5  }
0x48a: {  	v5 =	vld [tilespmem:s4+$0x6520];
	_ =	sdelay $0x4  }
0x48b: {  	[tilespmem:$0x7A60] =	vst v5  }
0x48c: {  	v5 =	vld [tilespmem:s4+$0x3FB0];
	_ =	sdelay $0x4  }
0x48d: {  	[tilespmem:$0x77F0] =	vst v5  }
0x48e: {  	v5 =	vld [tilespmem:s4+$0x5270];
	_ =	sdelay $0x4  }
0x48f: {  	[tilespmem:$0x7930] =	vst v5  }
0x490: {  	v5 =	vld [tilespmem:s4+$0x6530];
	_ =	sdelay $0x4  }
0x491: {  	[tilespmem:$0x7A70] =	vst v5;
	(ifvalue) =	ssetifvalue $0xFFFFFFFF  }
0x492: {  	(ifvalue) =	ssetifvalue $0xFFFFFFFF  }
0x493: {  	[tilespmem:s0], [sflag:$0x1] =	stream.indirect.gather [hbm4b:s6+s30], $0x20, s31, s30, $0x40b8;
	[tilespmem:$0x1F680] =	vst v63  }
0x494: {  	(ifvalue) =	ssetifvalue $0xFFFFFFFF  }
0x495: {  	(ifvalue) =	ssetifvalue $0xFFFFFFFF  }
0x496: {  	[tilespmem:s5], [sflag:$0x2] =	stream.indirect.gather [hbm4b:s7+s30], $0x40, s15, s30, $0x40b8;
	[tilespmem:$0x1F680] =	vst v63  }
0x497: {  	_ =	swait.ge [sflag:s29], $0x2800  }
0x498: {  	[sflag:s29] =	ssyncset.done $0x0  }
0x499: {  	[sflag:s29] =	ssyncadd.s32 $0xFFFFD800  }
0x49a: {  	_ =	swait.ge [sflag:s20], $0x5000  }
0x49b: {  	[sflag:s20] =	ssyncset.done $0x0  }
0x49c: {  	s4 =	simm.s32 $0x7AC0;
	[sflag:s20] =	ssyncadd.s32 $0xFFFFB000  }
0x49d: {  	s12 =	simm.s32 $0xA300;
	v5 =	vld [tilespmem:s4+$0xFFFFFFC0]  }
0x49e: {  	v6 =	vld [tilespmem:s12+$0xFFFFFF80]  }
0x49f: {  	v7 =	vld [tilespmem:s12+$0xFFFFFF90];
	_ =	sdelay $0x2  }
0x4a0: {  	v8 =	vshll.u32 v5, $0x10  }
0x4a1: {  	v5 =	vand.u32 $0xFFFF0000, v5;
	v6 =	vmul.f32 v8, v6  }
0x4a2: {  	v5 =	vmul.f32 v5, v7  }
0x4a3: {  	[tilespmem:s12+$0xFFFFFF80] =	vst v6  }
0x4a4: {  	[tilespmem:s12+$0xFFFFFF90] =	vst v5  }
0x4a5: {  	v5 =	vld [tilespmem:s4+$0xFFFFFFD0]  }
0x4a6: {  	v6 =	vld [tilespmem:s12+$0xFFFFFFA0]  }
0x4a7: {  	v7 =	vld [tilespmem:s12+$0xFFFFFFB0];
	_ =	sdelay $0x2  }
0x4a8: {  	v8 =	vshll.u32 v5, $0x10  }
0x4a9: {  	v5 =	vand.u32 $0xFFFF0000, v5;
	v6 =	vmul.f32 v8, v6  }
0x4aa: {  	v5 =	vmul.f32 v5, v7  }
0x4ab: {  	[tilespmem:s12+$0xFFFFFFA0] =	vst v6  }
0x4ac: {  	[tilespmem:s12+$0xFFFFFFB0] =	vst v5  }
0x4ad: {  	v5 =	vld [tilespmem:s4+$0xFFFFFFE0]  }
0x4ae: {  	v6 =	vld [tilespmem:s12+$0xFFFFFFC0]  }
0x4af: {  	v7 =	vld [tilespmem:s12+$0xFFFFFFD0];
	_ =	sdelay $0x2  }
0x4b0: {  	v8 =	vshll.u32 v5, $0x10  }
0x4b1: {  	v5 =	vand.u32 $0xFFFF0000, v5;
	v6 =	vmul.f32 v8, v6  }
0x4b2: {  	v5 =	vmul.f32 v5, v7  }
0x4b3: {  	[tilespmem:s12+$0xFFFFFFC0] =	vst v6  }
0x4b4: {  	[tilespmem:s12+$0xFFFFFFD0] =	vst v5  }
0x4b5: {  	v5 =	vld [tilespmem:s4+$0xFFFFFFF0]  }
0x4b6: {  	v7 =	vld [tilespmem:s12+$0xFFFFFFE0]  }
0x4b7: {  	v6 =	vld [tilespmem:s12+$0xFFFFFFF0];
	_ =	sdelay $0x2  }
0x4b8: {  	v8 =	vshll.u32 v5, $0x10  }
0x4b9: {  	v5 =	vand.u32 $0xFFFF0000, v5;
	v7 =	vmul.f32 v8, v7  }
0x4ba: {  	v5 =	vmul.f32 v5, v6  }
0x4bb: {  	[tilespmem:s12+$0xFFFFFFE0] =	vst v7  }
0x4bc: {  	[tilespmem:s12+$0xFFFFFFF0] =	vst v5  }
0x4bd: {  	v5 =	vld [tilespmem:s4+$0x0]  }
0x4be: {  	v6 =	vld [tilespmem:s12+$0x0]  }
0x4bf: {  	v7 =	vld [tilespmem:s12+$0x10];
	_ =	sdelay $0x2  }
0x4c0: {  	v8 =	vshll.u32 v5, $0x10  }
0x4c1: {  	v5 =	vand.u32 $0xFFFF0000, v5;
	v6 =	vmul.f32 v8, v6  }
0x4c2: {  	v5 =	vmul.f32 v5, v7  }
0x4c3: {  	[tilespmem:s12+$0x0] =	vst v6  }
0x4c4: {  	[tilespmem:s12+$0x10] =	vst v5  }
0x4c5: {  	v5 =	vld [tilespmem:s4+$0x10]  }
0x4c6: {  	v6 =	vld [tilespmem:s12+$0x20]  }
0x4c7: {  	v7 =	vld [tilespmem:s12+$0x30];
	_ =	sdelay $0x2  }
0x4c8: {  	v8 =	vshll.u32 v5, $0x10  }
0x4c9: {  	v5 =	vand.u32 $0xFFFF0000, v5;
	v6 =	vmul.f32 v8, v6  }
0x4ca: {  	v7 =	vmul.f32 v5, v7  }
0x4cb: {  	[tilespmem:s12+$0x20] =	vst v6  }
0x4cc: {  	[tilespmem:s12+$0x30] =	vst v7  }
0x4cd: {  	v6 =	vld [tilespmem:s4+$0x20]  }
0x4ce: {  	v7 =	vld [tilespmem:s12+$0x40]  }
0x4cf: {  	v8 =	vld [tilespmem:s12+$0x50];
	_ =	sdelay $0x2  }
0x4d0: {  	v9 =	vshll.u32 v6, $0x10  }
0x4d1: {  	v10 =	vand.u32 $0xFFFF0000, v6;
	v7 =	vmul.f32 v9, v7  }
0x4d2: {  	v8 =	vmul.f32 v10, v8  }
0x4d3: {  	v5 =	vld [tilespmem:s12+$0x60];
	[tilespmem:s12+$0x40] =	vst v7  }
0x4d4: {  	v6 =	vld [tilespmem:s12+$0x70];
	[tilespmem:s12+$0x50] =	vst v8  }
0x4d5: {  	s14 =	simm.s32 $0x0;
	s13 =	simm.s32 $0xA300;
	v7 =	vld [tilespmem:s4+$0x30]  }
.LBB2_18:
0x4d6: {  	s14 =	sadd.s32 $0x4, s14;
	s12 =	sadd.s32 $0x100, s12;
	s4 =	sadd.s32 $0x80, s4  }
0x4d7: {  	p0 =	slt.u32 s14, $0x13C;
	_ =	sdelay $0x2  }
0x4d8: {  	v8 =	vshll.u32 v7, $0x10;
	v7 =	vand.u32 $0xFFFF0000, v7  }
0x4d9: {  	v5 =	vmul.f32 v8, v5;
	v6 =	vmul.f32 v7, v6;
	_ =	sdelay $0x1  }
0x4da: {  	[tilespmem:s13+$0x60] =	vst v5  }
0x4db: {  	v7 =	vld [tilespmem:s12+$0xFFFFFF90];
	[tilespmem:s13+$0x70] =	vst v6;
	s13 =	smov.u32 s12  }
0x4dc: {  	v8 =	vld [tilespmem:s4+$0xFFFFFFC0]  }
0x4dd: {  	v9 =	vld [tilespmem:s12+$0xFFFFFF80]  }
0x4de: {  	v6 =	vld [tilespmem:s12+$0x70]  }
0x4df: {  	v5 =	vld [tilespmem:s12+$0x60];
	_ =	sdelay $0x1  }
0x4e0: {  	v10 =	vshll.u32 v8, $0x10;
	v8 =	vand.u32 $0xFFFF0000, v8  }
0x4e1: {  	v9 =	vmul.f32 v10, v9;
	v7 =	vmul.f32 v8, v7;
	_ =	sdelay $0x1  }
0x4e2: {  	[tilespmem:s12+$0xFFFFFF80] =	vst v9  }
0x4e3: {  	[tilespmem:s12+$0xFFFFFF90] =	vst v7;
	v7 =	vld [tilespmem:s12+$0xFFFFFFB0]  }
0x4e4: {  	v8 =	vld [tilespmem:s4+$0xFFFFFFD0]  }
0x4e5: {  	v9 =	vld [tilespmem:s12+$0xFFFFFFA0];
	_ =	sdelay $0x3  }
0x4e6: {  	v10 =	vshll.u32 v8, $0x10;
	v8 =	vand.u32 $0xFFFF0000, v8  }
0x4e7: {  	v9 =	vmul.f32 v10, v9;
	v7 =	vmul.f32 v8, v7;
	_ =	sdelay $0x1  }
0x4e8: {  	[tilespmem:s12+$0xFFFFFFA0] =	vst v9  }
0x4e9: {  	[tilespmem:s12+$0xFFFFFFB0] =	vst v7;
	v7 =	vld [tilespmem:s12+$0xFFFFFFD0]  }
0x4ea: {  	v8 =	vld [tilespmem:s4+$0xFFFFFFE0]  }
0x4eb: {  	v9 =	vld [tilespmem:s12+$0xFFFFFFC0];
	_ =	sdelay $0x3  }
0x4ec: {  	v10 =	vshll.u32 v8, $0x10;
	v8 =	vand.u32 $0xFFFF0000, v8  }
0x4ed: {  	v9 =	vmul.f32 v10, v9;
	v7 =	vmul.f32 v8, v7;
	_ =	sdelay $0x1  }
0x4ee: {  	[tilespmem:s12+$0xFFFFFFC0] =	vst v9;
	v8 =	vld [tilespmem:s12+$0xFFFFFFF0]  }
0x4ef: {  	[tilespmem:s12+$0xFFFFFFD0] =	vst v7  }
0x4f0: {  	v7 =	vld [tilespmem:s4+$0xFFFFFFF0]  }
0x4f1: {  	v9 =	vld [tilespmem:s12+$0xFFFFFFE0];
	_ =	sdelay $0x3  }
0x4f2: {  	v10 =	vshll.u32 v7, $0x10;
	v7 =	vand.u32 $0xFFFF0000, v7  }
0x4f3: {  	v9 =	vmul.f32 v10, v9;
	v7 =	vmul.f32 v7, v8;
	_ =	sdelay $0x1  }
0x4f4: {  	[tilespmem:s12+$0xFFFFFFE0] =	vst v9  }
0x4f5: {  	[tilespmem:s12+$0xFFFFFFF0] =	vst v7;
	v7 =	vld [tilespmem:s12+$0x10]  }
0x4f6: {  	v8 =	vld [tilespmem:s4+$0x0]  }
0x4f7: {  	v9 =	vld [tilespmem:s12+$0x0];
	_ =	sdelay $0x3  }
0x4f8: {  	v10 =	vshll.u32 v8, $0x10;
	v8 =	vand.u32 $0xFFFF0000, v8  }
0x4f9: {  	v9 =	vmul.f32 v10, v9;
	v7 =	vmul.f32 v8, v7;
	_ =	sdelay $0x1  }
0x4fa: {  	[tilespmem:s12+$0x0] =	vst v9  }
0x4fb: {  	[tilespmem:s12+$0x10] =	vst v7;
	v7 =	vld [tilespmem:s12+$0x30]  }
0x4fc: {  	v8 =	vld [tilespmem:s4+$0x10]  }
0x4fd: {  	v9 =	vld [tilespmem:s12+$0x20];
	_ =	sdelay $0x3  }
0x4fe: {  	v10 =	vshll.u32 v8, $0x10;
	v8 =	vand.u32 $0xFFFF0000, v8  }
0x4ff: {  	v9 =	vmul.f32 v10, v9;
	v7 =	vmul.f32 v8, v7;
	_ =	sdelay $0x1  }
0x500: {  	[tilespmem:s12+$0x20] =	vst v9  }
0x501: {  	[tilespmem:s12+$0x30] =	vst v7;
	v7 =	vld [tilespmem:s12+$0x50]  }
0x502: {  	v8 =	vld [tilespmem:s4+$0x20]  }
0x503: {  	v9 =	vld [tilespmem:s12+$0x40];
	_ =	sdelay $0x3  }
0x504: {  	v10 =	vshll.u32 v8, $0x10;
	v8 =	vand.u32 $0xFFFF0000, v8  }
.Ltmp20:
0x505: {  	v9 =	vmul.f32 v10, v9;
	v7 =	vmul.f32 v8, v7;
	(pc) =	sbr.rel @p0 .LBB2_18-.Ltmp20, $4  }
0x506: {  	_ = 	snop  }
0x507: {  	[tilespmem:s12+$0x40] =	vst v9  }
0x508: {  	[tilespmem:s12+$0x50] =	vst v7  }
0x509: {  	v7 =	vld [tilespmem:s4+$0x30]  }
0x50a: {  	_ =	sdelay $0x3  }
0x50b: {  	v8 =	vshll.u32 v7, $0x10  }
0x50c: {  	v7 =	vand.u32 $0xFFFF0000, v7;
	v5 =	vmul.f32 v8, v5  }
0x50d: {  	v6 =	vmul.f32 v7, v6  }
0x50e: {  	s2 =	sadd.s32 $0x1, s2;
	[tilespmem:s13+$0x60] =	vst v5  }
0x50f: {  	p0 =	sne.s32 s2, s1;
	[tilespmem:s13+$0x70] =	vst v6;
	(ifvalue) =	ssetifvalue $0xFFFFFFFF  }
0x510: {  	[spmem:s3] =	stream.indirect.scatter.add.f32 [tilespmem:s5], [sflag:$0x7], $0x40, s8, s30, $0x40b8;
	[tilespmem:$0x1F680] =	vst v63  }
.Ltmp21:
0x511: {  	_ = 	snop;
	(pc) =	sbr.rel @p0 .LBB2_17-.Ltmp21, $4  }
.Ltmp22:
0x512: {  	_ = 	snop;
	(pc) =	sbr.rel @!p0 .LBB2_20-.Ltmp22, $4  }
0x513: {  	_ =	swait.ge [sflag:s19], $0x5000  }
0x514: {  	[sflag:s19] =	ssyncset.done $0x0  }
0x515: {  	[sflag:s19] =	ssyncadd.s32 $0xFFFFB000  }
0x516: {  	_ = 	snop  }
.LBB2_22:
0x517: {  	_ =	sfence.sel $0x180000  }
0x518: {  	[bflag:$0x0] =	sbarrier.arrive $0xFFFF  }
0x519: {  	_ =	strace $0x9000004A  }
0x51a: {  	s0 =	stileid.u32;
	[bflag:$0x2] =	sbarrier.arrive $0xFFFF  }
0x51b: {  	p0 =	sne.s32 s0, $0x0;
	s0 =	rddreg [dreg:$0x5]  }
0x51c: {  	s0 =	sadd.s32 @!p0 $0x100000, s0  }
0x51d: {  	[sflag:s0] =	ssyncadd.tile.s32 @!p0 $0x1;
	_ =	shalt  }
.Lfunc_end2:
_tile_overlayer_lowered:
.L_overlay_start_2:
0x51e: {  	(tag) =	ssettag $0x2  }
0x51f: {  	s0 =	rddreg [dreg:$0x0];
	s2 =	stileid.u32  }
0x520: {  	s1 =	rddreg [dreg:$0x1];
	p0 =	sne.s32 s2, $0x0  }
0x521: {  	s3 =	rddreg [dreg:$0x2];
	[bflag:$0x3] =	sbarrier.arrive $0xFFFF;
	s2 =	simm.s32 @!p0 $0x1C07  }
0x522: {  	[timem:s3], [sflag:s2] =	dma.local @!p0 [hbm:s0], s1  }
0x523: {  	s0 =	simm.s32 @!p0 $0x7  }
0x524: {  	_ =	swait.ge @!p0 [sflag:s0], s1  }
0x525: {  	s1 =	ssub.s32 @!p0 $0x0, s1;
	[sflag:s0] =	ssyncset.done @!p0 $0x0  }
0x526: {  	[sflag:s0] =	ssyncadd.s32 @!p0 s1  }
0x527: {  	[bflag:$0x3] =	sbarrier.arrive $0xFFFF  }
0x528: {  	_ =	shalt  }

// kernel: sparse-core-data-format-call.cloned.1.call-start
scs
called_computation_lowered:
.L_overlay_start_0:
0x0: {  	s1 =	sld [smem:$0x3FD9]  }
0x1: {  	s2 =	sld [smem:$0x3FFE];
	_ =	sdelay $0x1  }
0x2: {  	s3 =	srdreg.scid  }
0x3: {  	s0 =	sand.u32 $0x1, s3  }
0x4: {  	s17 =	sshll.u32 s0, $0xA;
	s1 =	sadd.s32 s2, s1  }
0x5: {  	s1 =	sadd.s32 s1, s17  }
0x6: {  	[smem:$0x3FAB] =	sst s1  }
0x7: {  	_ = 	snop  }
0x8: {  	(tm) =	ssettm $0x1  }
0x9: {  	s18 =	sld [smem:$0x3FFB];
	_ =	sdelay $0x3  }
0xa: {  	_ =	strace s18  }
0xb: {  	s1 =	sld [smem:$0x3FFC];
	_ =	sdelay $0x3  }
0xc: {  	_ =	strace s1  }
0xd: {  	s1 =	sld [smem:$0x3FFD];
	_ =	sdelay $0x3  }
0xe: {  	_ =	strace s1  }
0xf: {  	_ =	strace $0x8FFFFFFF  }
0x10: {  	s19 =	sld [smem:$0x3FDB];
	_ =	sdelay $0x1  }
0x11: {  	s20 =	simm.s32 $_scs_section_size  }
0x12: {  	s4 =	simm.s32 $_size__tile_overlayer_lowered;
	s5 =	simm.s32 $_tile_overlayer_lowered  }
0x13: {  	s23 =	simm.s32 $0x1BFF;
	s22 =	sshll.u32 s5, $0x1;
	s1 =	sadd.s32 s20, s19  }
0x14: {  	s6 =	simm.s32 $0x0;
	s21 =	sshll.u32 s4, $0x1;
	s4 =	sadd.s32 s22, s1  }
0x15: {  	[timem:s6], [sflag:s23] =	dma.local [hbm:s4], s21  }
0x16: {  	_ =	swait.ge [sflag:s23], s21  }
0x17: {  	s2 =	ssub.s32 $0x0, s21;
	[sflag:s23] =	ssyncset.done $0x0  }
0x18: {  	[sflag:s23] =	ssyncadd.s32 s2;
	_ =	sdelay $0x1  }
0x19: {  	s24 =	simm.s32 $0x1B8B  }
0x1a: {  	_ =	swait.ge [sflag:s24], $0x1  }
0x1b: {  	[sflag:s24] =	ssyncset.done $0x0  }
0x1c: {  	s26 =	simm.s32 $0x1B8E;
	s25 =	sld [smem:$0x3FFE];
	[sflag:s24] =	ssyncadd.s32 $0xFFFFFFFF  }
0x1d: {  	s27 =	simm.s32 $execute0_lowered;
	[smem:$0x3FD2] =	sst s26  }
0x1e: {  	s4 =	sshll.u32 s27, $0x1;
	_ =	strace $0x80000046;
	[dreg:$0x1] =	wrdreg $0xFFFFFFFF  }
0x1f: {  	s28 =	simm.s32 $_size_execute0_lowered;
	s1 =	sadd.s32 s1, s4;
	[dreg:$0x0] =	wrdreg $0x0  }
0x20: {  	s4 =	sshll.u32 s28, $0x1;
	[dreg:$0x2] =	wrdreg s1  }
0x21: {  	[dreg:$0x3] =	wrdreg s4  }
0x22: {  	[dreg:$0x4] =	wrdreg $0xC0  }
0x23: {  	_ =	task [dreg:s6], $0x5FFFF  }
0x24: {  	[dreg:$0x1] =	wrdreg $0xFFFFFFFF  }
0x25: {  	[dreg:$0x0] =	wrdreg $0x60  }
0x26: {  	[dreg:$0x2] =	wrdreg s25  }
0x27: {  	[dreg:$0x3] =	wrdreg $0x9  }
0x28: {  	_ =	task.clear_ibuf [dreg:s6], $0x4FFFF;
	_ =	strace $0x90000046  }
0x29: {  	s29 =	simm.s32 $0x9;
	_ =	strace $0x80000048  }
0x2a: {  	_ =	swait.ge [sflag:s29], $0x1  }
0x2b: {  	[sflag:s29] =	ssyncadd.s32 $0xFFFFFFFF  }
0x2c: {  	_ =	strace $0x90000048  }
0x2d: {  	_ =	sfence  }
0x2e: {  	s30 =	sld [smem:$0x0];
	_ =	sdelay $0x2  }
0x2f: {  	s31 =	sshll.u32 s3, $0xD;
	s3 =	sshrl.u32 s3, $0x2  }
0x30: {  	s2 =	sand.u32 $0x4000, s31;
	s1 =	sadd.s32 s3, s30  }
0x31: {  	s0 =	sor.u32 s2, s0;
	s1 =	sshll.u32 s1, $0x11  }
0x32: {  	s0 =	sor.u32 s1, s0  }
0x33: {  	s0 =	sadd.s32 $0x8F2B, s0  }
0x34: {  	[sflag:s0] =	ssyncadd.remote.s32 $0x1  }
0x35: {  	_ =	sfence.sel $0xFFFF  }
0x36: {  	[dreg:$0x0] =	wrdreg $0xFFFFFFFF;
	(pc) =	sbr.abs _section_cstart, $3  }
0x37: {  	[dreg:$0x1] =	wrdreg $0xFFFFFFFF  }
0x38: {  	_ =	task.clear_ibuf [dreg:s6], $0x2FFFF;
	_ =	strace $0x9FFFFFFF  }
0x39: {  	(tm) =	ssettm $0x7FFFFFFF  }
tec
execute0_lowered:
.L_overlay_start_1:
0x0: {  	(tag) =	ssettag $0x1  }
0x1: {  	s0 =	srdreg.scid  }
0x2: {  	s1 =	sshll.u32 s0, $0x4  }
0x3: {  	s4 =	rddreg [dreg:$0x0];
	s0 =	stileid.u32;
	s1 =	sand.u32 $0x10, s1  }
0x4: {  	s7 =	simm.s32 $0x1;
	s8 =	simm.s32 $0x2;
	s1 =	sor.u32 s0, s1  }
0x5: {  	s9 =	simm.s32 $0x0;
	s12 =	simm.s32 $0x0;
	s2 =	sshll.u32 s1, $0x4  }
0x6: {  	s11 =	simm.s32 $0x0;
	s3 =	sadd.s32 $0x3A00, s4;
	s6 =	ssub.s32 $0x9C40, s2  }
.Ltmp0:
0x7: {  	s4 =	sadd.s32 $0x4E5A00, s4;
	s5 =	sand.u32 $0x1F0, s6;
	(pc) =	sbr.rel .LBB1_1-.Ltmp0, $4  }
0x8: {  	s1 =	rddreg [dreg:$0x1];
	_ =	strace $0x80000047;
	p0 =	sne.s32 s5, $0x0  }
0x9: {  	s6 =	sshrl.u32 s6, $0x9;
	s5 =	simm.s32 $0x1;
	s7 =	simm.s32 @!p0 $0x0  }
0xa: {  	s10 =	smov.u32 s2;
	[sflag:s5] =	ssyncpa.u1 $0x0;
	s6 =	sadd.s32 s7, s6  }
0xb: {  	[sflag:s8] =	ssyncpa.u1 $0x0;
	s8 =	simm.s32 $0x0;
	s7 =	sadd.s32 $0x1, s6  }
.LBB1_7:
0xc: {  	s14 =	sadd.s32 $0x200, s10  }
0xd: {  	p1 =	sgt.s32 s14, $0x9C3F  }
0xe: {  	s14 =	smov.u32 @p1 s2;
	p1 =	sne.s32 s11, s7  }
.Ltmp1:
0xf: {  	p0 =	slt.u32 s11, $0x2;
	(pc) =	sbr.rel @!p1 .LBB1_8-.Ltmp1, $4  }
0x10: {  	s13 =	simm.s32 @!p0 $0x2  }
0x11: {  	s15 =	sadd.s32 $0x1, s11;
	_ =	swait.ge @!p0 [sflag:s13], $0x4000  }
0x12: {  	s12 =	smov.u32 s10;
	s9 =	sadd.s32 $0x8000, s9;
	[sflag:s13] =	ssyncset.done @!p0 $0x0  }
0x13: {  	s11 =	smov.u32 s15;
	s10 =	smov.u32 s14;
	[sflag:s13] =	ssyncadd.s32 @!p0 $0xFFFFC000  }
.LBB1_1:
0x14: {  	p0 =	sge.u32 s11, s6  }
0x15: {  	s13 =	sxor.u32 @!p0 $0xFFFFFFFF, s11  }
0x16: {  	s31 =	sadd.s32 $0xFFFFFFFF, s11;
	s14 =	sshll.u32 @!p0 s10, $0x7;
	s13 =	sshll.u32 @!p0 s13, $0xE  }
0x17: {  	s15 =	simm.s32 @!p0 $0x0;
	s14 =	sadd.s32 @!p0 s3, s14;
	s13 =	sand.u32 @!p0 $0x4000, s13  }
0x18: {  	[tilespmem:s13], [sflag:$0x1] =	stream.linear.gather @!p0 [hbm4b:s14+s15], $0x4000, $0x38;
	[tilespmem:$0x10000] =	vst v63  }
0x19: {  	p0 =	sge.u32 s31, s6  }
.Ltmp2:
0x1a: {  	_ = 	snop;
	(pc) =	sbr.rel @p0 .LBB1_7-.Ltmp2, $1  }
0x1b: {  	_ =	sdelay $0x3  }
0x1c: {  	s13 =	sshrl.u32 s9, $0x1;
	_ =	swait.ge [sflag:s5], $0x4000  }
0x1d: {  	s15 =	sshll.u32 s11, $0xE;
	s16 =	simm.s32 $0x0;
	s14 =	sand.u32 $0x4000, s13  }
0x1e: {  	[sflag:s5] =	ssyncset.done $0x0;
	s15 =	sand.u32 $0x4000, s15;
	s13 =	sor.u32 $0x200, s14  }
0x1f: {  	s14 =	sor.u32 $0x8080, s14;
	[sflag:s5] =	ssyncadd.s32 $0xFFFFC000;
	s15 =	sor.u32 $0x8000, s15  }
.LBB1_3:
0x20: {  	v0 =	vld [tilespmem:s13+$0xFFFFFE70]  }
0x21: {  	v1 =	vld [tilespmem:s13+$0x70]  }
0x22: {  	v2 =	vld [tilespmem:s13+$0x0]  }
0x23: {  	v3 =	vld [tilespmem:s13+$0xFFFFFE10]  }
0x24: {  	v4 =	vld [tilespmem:s13+$0x10]  }
0x25: {  	v5 =	vld [tilespmem:s13+$0xFFFFFE20]  }
0x26: {  	v7 =	vld [tilespmem:s13+$0x20]  }
0x27: {  	v11 =	vld [tilespmem:s13+$0x30];
	v6 =	vunpack.i.l.s16.s32 v0;
	v8 =	vunpack.i.u.s16.s32 v0;
	v9 =	vunpack.i.u.s16.s32 v1  }
0x28: {  	v10 =	vunpack.i.l.s16.s32 v1;
	v0 =	vunpack.i.u.s16.s32 v2;
	v1 =	vunpack.i.l.s16.s32 v2;
	v2 =	vld [tilespmem:s13+$0xFFFFFE30]  }
0x29: {  	v8 =	vpack.i.b32.b16 v9, v8;
	v9 =	vunpack.i.u.s16.s32 v3;
	v3 =	vunpack.i.l.s16.s32 v3  }
0x2a: {  	v12 =	vld [tilespmem:s13+$0xFFFFFE40];
	v6 =	vpack.i.b32.b16 v10, v6;
	[tilespmem:s14+$0x70] =	vst v8;
	v8 =	vunpack.i.u.s16.s32 v4;
	v4 =	vunpack.i.l.s16.s32 v4  }
0x2b: {  	v13 =	vld [tilespmem:s13+$0x40];
	v10 =	vunpack.i.u.s16.s32 v5;
	v5 =	vunpack.i.l.s16.s32 v5;
	[tilespmem:s14+$0xFFFFFFF0] =	vst v6;
	v3 =	vpack.i.b32.b16 v4, v3  }
0x2c: {  	v6 =	vunpack.i.l.s16.s32 v7;
	v4 =	vld [tilespmem:s13+$0xFFFFFE50];
	[tilespmem:s14+$0xFFFFFF90] =	vst v3;
	v3 =	vpack.i.b32.b16 v8, v9;
	v8 =	vunpack.i.u.s16.s32 v7  }
0x2d: {  	v7 =	vunpack.i.l.s16.s32 v11;
	[tilespmem:s14+$0x10] =	vst v3;
	v3 =	vpack.i.b32.b16 v6, v5;
	v9 =	vunpack.i.u.s16.s32 v2;
	v6 =	vld [tilespmem:s13+$0x50]  }
0x2e: {  	v5 =	vunpack.i.l.s16.s32 v2;
	v2 =	vld [tilespmem:s13+$0xFFFFFE60];
	[tilespmem:s14+$0xFFFFFFA0] =	vst v3;
	v3 =	vpack.i.b32.b16 v8, v10;
	v10 =	vunpack.i.u.s16.s32 v11  }
0x2f: {  	s19 =	simm.s32 $0x0;
	v11 =	vpack.i.b32.b16 v7, v5;
	v7 =	vunpack.i.u.s16.s32 v12;
	v8 =	vunpack.i.l.s16.s32 v12;
	[tilespmem:s14+$0x20] =	vst v3;
	v3 =	vld [tilespmem:s13+$0x60]  }
0x30: {  	s20 =	sadd.s32 $0x80, s13;
	s18 =	smov.u32 s14;
	s17 =	smov.u32 s14;
	v5 =	vld [tilespmem:s13+$0xFFFFFE00];
	[tilespmem:s14+$0xFFFFFFB0] =	vst v11;
	v10 =	vpack.i.b32.b16 v10, v9;
	v9 =	vunpack.i.u.s16.s32 v13;
	v11 =	vunpack.i.l.s16.s32 v13  }
.LBB1_4:
0x31: {  	v12 =	vld [tilespmem:s20+$0xFFFFFE70];
	[tilespmem:s18+$0x30] =	vst v10;
	v8 =	vpack.i.b32.b16 v11, v8;
	v10 =	vunpack.i.u.s16.s32 v4;
	v4 =	vunpack.i.l.s16.s32 v4  }
0x32: {  	s19 =	sadd.s32 $0x2, s19;
	v7 =	vpack.i.b32.b16 v9, v7;
	v11 =	vld [tilespmem:s20+$0x70];
	[tilespmem:s18+$0xFFFFFFC0] =	vst v8;
	v8 =	vunpack.i.u.s16.s32 v6;
	v6 =	vunpack.i.l.s16.s32 v6  }
0x33: {  	p0 =	slt.u32 s19, $0x6;
	v9 =	vld [tilespmem:s20+$0x0];
	[tilespmem:s18+$0x40] =	vst v7;
	v4 =	vpack.i.b32.b16 v6, v4;
	v6 =	vunpack.i.u.s16.s32 v2;
	v2 =	vunpack.i.l.s16.s32 v2  }
0x34: {  	v7 =	vld [tilespmem:s20+$0xFFFFFE10];
	[tilespmem:s18+$0xFFFFFFD0] =	vst v4;
	v4 =	vpack.i.b32.b16 v8, v10;
	v8 =	vunpack.i.u.s16.s32 v3;
	v3 =	vunpack.i.l.s16.s32 v3  }
0x35: {  	v10 =	vld [tilespmem:s20+$0x10];
	v13 =	vunpack.i.u.s16.s32 v5;
	v5 =	vunpack.i.l.s16.s32 v5;
	[tilespmem:s18+$0x50] =	vst v4;
	v2 =	vpack.i.b32.b16 v3, v2  }
0x36: {  	v3 =	vld [tilespmem:s20+$0xFFFFFE20];
	v4 =	vunpack.i.l.s16.s32 v12;
	v1 =	vpack.i.b32.b16 v1, v5;
	v5 =	vpack.i.b32.b16 v0, v13;
	[tilespmem:s18+$0xFFFFFFE0] =	vst v2  }
0x37: {  	v12 =	vunpack.i.u.s16.s32 v12;
	v2 =	vld [tilespmem:s20+$0x20];
	v13 =	vunpack.i.u.s16.s32 v11;
	v11 =	vunpack.i.l.s16.s32 v11;
	[tilespmem:s18+$0xFFFFFF80] =	vst v1  }
0x38: {  	s18 =	sadd.s32 $0x100, s18;
	v0 =	vunpack.i.u.s16.s32 v9;
	v1 =	vunpack.i.l.s16.s32 v9;
	v9 =	vld [tilespmem:s20+$0xFFFFFE30];
	v12 =	vpack.i.b32.b16 v13, v12;
	[tilespmem:s17+$0x0] =	vst v5  }
0x39: {  	v6 =	vpack.i.b32.b16 v8, v6;
	v5 =	vunpack.i.u.s16.s32 v7;
	v7 =	vunpack.i.l.s16.s32 v7;
	v13 =	vld [tilespmem:s20+$0x30];
	[tilespmem:s18+$0x70] =	vst v12  }
0x3a: {  	v4 =	vpack.i.b32.b16 v11, v4;
	v8 =	vunpack.i.u.s16.s32 v10;
	v10 =	vunpack.i.l.s16.s32 v10;
	v12 =	vld [tilespmem:s20+$0xFFFFFE40];
	[tilespmem:s17+$0x60] =	vst v6;
	s17 =	smov.u32 s18  }
0x3b: {  	v6 =	vpack.i.b32.b16 v10, v7;
	v7 =	vunpack.i.u.s16.s32 v3;
	v3 =	vunpack.i.l.s16.s32 v3;
	v11 =	vld [tilespmem:s20+$0x40];
	[tilespmem:s18+$0xFFFFFFF0] =	vst v4  }
.Ltmp3:
0x3c: {  	v5 =	vpack.i.b32.b16 v8, v5;
	[tilespmem:s18+$0xFFFFFF90] =	vst v6;
	v8 =	vunpack.i.u.s16.s32 v2;
	v2 =	vunpack.i.l.s16.s32 v2;
	v4 =	vld [tilespmem:s20+$0xFFFFFE50];
	(pc) =	sbr.rel @p0 .LBB1_4-.Ltmp3, $4  }
0x3d: {  	[tilespmem:s18+$0x10] =	vst v5;
	v2 =	vpack.i.b32.b16 v2, v3;
	v10 =	vunpack.i.u.s16.s32 v9;
	v3 =	vunpack.i.l.s16.s32 v9;
	v6 =	vld [tilespmem:s20+$0x50]  }
0x3e: {  	v5 =	vpack.i.b32.b16 v8, v7;
	[tilespmem:s18+$0xFFFFFFA0] =	vst v2;
	v9 =	vunpack.i.u.s16.s32 v13;
	v7 =	vunpack.i.l.s16.s32 v13;
	v2 =	vld [tilespmem:s20+$0xFFFFFE60]  }
0x3f: {  	[tilespmem:s18+$0x20] =	vst v5;
	v13 =	vpack.i.b32.b16 v7, v3;
	v7 =	vunpack.i.u.s16.s32 v12;
	v8 =	vunpack.i.l.s16.s32 v12;
	v3 =	vld [tilespmem:s20+$0x60]  }
0x40: {  	v10 =	vpack.i.b32.b16 v9, v10;
	v5 =	vld [tilespmem:s20+$0xFFFFFE00];
	[tilespmem:s18+$0xFFFFFFB0] =	vst v13;
	v9 =	vunpack.i.u.s16.s32 v11;
	v11 =	vunpack.i.l.s16.s32 v11;
	s20 =	sadd.s32 $0x80, s20  }
0x41: {  	[tilespmem:s18+$0x30] =	vst v10;
	v8 =	vpack.i.b32.b16 v11, v8  }
0x42: {  	v51 =	vunpack.i.l.s16.s32 v4;
	v7 =	vpack.i.b32.b16 v9, v7;
	[tilespmem:s18+$0xFFFFFFC0] =	vst v8;
	v52 =	vunpack.i.l.s16.s32 v6  }
0x43: {  	v53 =	vunpack.i.u.s16.s32 v4;
	s16 =	sadd.s32 $0x1, s16;
	v54 =	vunpack.i.u.s16.s32 v6;
	[tilespmem:s18+$0x40] =	vst v7;
	v55 =	vpack.i.b32.b16 v52, v51  }
0x44: {  	p0 =	sne.s32 s16, $0x10;
	v56 =	vunpack.i.l.s16.s32 v2;
	v4 =	vpack.i.b32.b16 v54, v53;
	[tilespmem:s18+$0xFFFFFFD0] =	vst v55;
	v57 =	vunpack.i.l.s16.s32 v3  }
.Ltmp4:
0x45: {  	[tilespmem:s18+$0x50] =	vst v4;
	v58 =	vunpack.i.l.s16.s32 v5;
	v59 =	vpack.i.b32.b16 v57, v56;
	(pc) =	sbr.rel @p0 .LBB1_3-.Ltmp4, $4  }
0x46: {  	v61 =	vunpack.i.u.s16.s32 v2;
	v62 =	vunpack.i.u.s16.s32 v3;
	v1 =	vpack.i.b32.b16 v1, v58;
	[tilespmem:s18+$0xFFFFFFE0] =	vst v59  }
0x47: {  	v60 =	vunpack.i.u.s16.s32 v5;
	v63 =	vpack.i.b32.b16 v62, v61;
	[tilespmem:s18+$0xFFFFFF80] =	vst v1  }
0x48: {  	v0 =	vpack.i.b32.b16 v0, v60;
	[tilespmem:s17+$0x60] =	vst v63  }
0x49: {  	s13 =	sadd.s32 $0x400, s13;
	s14 =	sadd.s32 $0x400, s14;
	[tilespmem:s17+$0x0] =	vst v0  }
.Ltmp5:
0x4a: {  	(pc) =	sbr.rel .LBB1_7-.Ltmp5, $4  }
0x4b: {  	_ = 	snop  }
0x4c: {  	s12 =	sshll.u32 s12, $0x7  }
0x4d: {  	s12 =	sadd.s32 s4, s12  }
0x4e: {  	[hbm4b:s12+s8] =	stream.linear.scatter [tilespmem:s15], [sflag:$0x2], $0x4000, $0x38;
	[tilespmem:$0x10000] =	vst v63  }
.LBB1_8:
0x4f: {  	_ =	sfence.sel $0x180000  }
0x50: {  	s2 =	simm.s32 $0x1;
	[bflag:$0x0] =	sbarrier.arrive $0xFFFF  }
0x51: {  	s31 =	simm.s32 $0x2;
	[sflag:s2] =	ssyncpa.u1 $0x1  }
0x52: {  	[sflag:s31] =	ssyncpa.u1 $0x1  }
0x53: {  	p0 =	sne.s32 s0, $0x0;
	_ =	strace $0x90000047  }
0x54: {  	s0 =	sadd.s32 @!p0 $0x100000, s1;
	[bflag:$0x2] =	sbarrier.arrive $0xFFFF  }
0x55: {  	[sflag:s0] =	ssyncadd.tile.s32 @!p0 $0x1;
	_ =	shalt  }
.Lfunc_end1:
_tile_overlayer_lowered:
.L_overlay_start_2:
0x56: {  	(tag) =	ssettag $0x2  }
0x57: {  	s0 =	rddreg [dreg:$0x0];
	s2 =	stileid.u32  }
0x58: {  	s1 =	rddreg [dreg:$0x1];
	p0 =	sne.s32 s2, $0x0  }
0x59: {  	s3 =	rddreg [dreg:$0x2];
	[bflag:$0x3] =	sbarrier.arrive $0xFFFF;
	s2 =	simm.s32 @!p0 $0x1C01  }
0x5a: {  	[timem:s3], [sflag:s2] =	dma.local @!p0 [hbm:s0], s1  }
0x5b: {  	s0 =	simm.s32 @!p0 $0x1  }
0x5c: {  	_ =	swait.ge @!p0 [sflag:s0], s1  }
0x5d: {  	s1 =	ssub.s32 @!p0 $0x0, s1;
	[sflag:s0] =	ssyncset.done @!p0 $0x0  }
0x5e: {  	[sflag:s0] =	ssyncadd.s32 @!p0 s1  }
0x5f: {  	[bflag:$0x3] =	sbarrier.arrive $0xFFFF  }
0x60: {  	_ =	shalt  }

</sc_bundles>
